<compile_context>
chip_gen: v7x
topology: tpu7x:2x2x1
jax: 0.10.2.dev20260603
libtpu: 0.0.44.dev20260713+nightly
codegen_flags: <defaults>
</compile_context>

<pallas_src>
import functools

import jax
import jax.numpy as jnp
from jax import lax
from jax.experimental import pallas as pl
from jax.experimental.pallas import tpu as pltpu
from jax.experimental.pallas import tpu_sc as plsc

N = 10000
E = 320000
D = 128
H = 128
G = 64

NP = 10240
EP = 327680
NTILES = 32
EPT = EP // NTILES
CH = 128
NCH = EPT // CH
ROWS_PT = NP // 16
BR = 1024
GP = 72


def _zero_fill(buf):
    zvec = jnp.zeros((16,), jnp.float32)

    def zbody(r, carry):
        for c in range(D // 16):
            buf[r, pl.ds(c * 16, 16)] = zvec
        return carry

    lax.fori_loop(0, CH, zbody, 0)


@functools.cache
def _sc_degree_kernel():
    return functools.partial(
        pl.kernel,
        out_type=jax.ShapeDtypeStruct((2, NP, D), jnp.float32),
        mesh=plsc.VectorSubcoreMesh(core_axis_name="c", subcore_axis_name="s"),
        scratch_types=[
            pltpu.VMEM((NCH, CH), jnp.int32),
            pltpu.VMEM((CH, D), jnp.float32),
            pltpu.VMEM((CH, D), jnp.float32),
            pltpu.VMEM_SHARED((NP, D), jnp.float32),
            pltpu.SemaphoreType.DMA,
        ],
    )(_sc_degree_body)


def _sc_degree_body(dst_hbm, out_hbm, dsts_v, ones_v, zrow_v, hist_sh, dsem):
    cid = lax.axis_index("c")
    sid = lax.axis_index("s")
    wid = cid * 16 + sid
    row0 = sid * ROWS_PT

    ovec = jnp.ones((16,), jnp.float32)

    def fbody(r, carry):
        for c in range(D // 16):
            ones_v[r, pl.ds(c * 16, 16)] = ovec
        return carry

    lax.fori_loop(0, CH, fbody, 0)
    _zero_fill(zrow_v)
    for k in range(ROWS_PT // CH):
        pltpu.sync_copy(zrow_v, hist_sh.at[pl.ds(row0 + k * CH, CH)])
    pltpu.sync_copy(dst_hbm.at[wid], dsts_v)
    plsc.subcore_barrier()

    K = 8

    def round_body(r, carry):
        for j in range(K):
            pltpu.async_copy(ones_v, hist_sh.at[dsts_v.at[r * K + j]], dsem,
                             add=True)
        for j in range(K):
            pltpu.make_async_copy(ones_v, hist_sh.at[dsts_v.at[0]], dsem).wait()
        return carry

    lax.fori_loop(0, NCH // K, round_body, 0)
    plsc.subcore_barrier()
    pltpu.sync_copy(hist_sh.at[pl.ds(row0, ROWS_PT)],
                    out_hbm.at[cid, pl.ds(row0, ROWS_PT)])


CH7 = 80
NCH7 = EPT // CH7


@functools.cache
def _sc_scatter_kernel():
    return functools.partial(
        pl.kernel,
        out_type=jax.ShapeDtypeStruct((2, NP, D), jnp.float32),
        mesh=plsc.VectorSubcoreMesh(core_axis_name="c", subcore_axis_name="s"),
        scratch_types=(
            [pltpu.VMEM((CH7,), jnp.int32) for _ in range(8)]
            + [pltpu.VMEM((CH7, D), jnp.float32) for _ in range(4)]
            + [pltpu.VMEM_SHARED((NP, D), jnp.float32)]
            + [pltpu.SemaphoreType.DMA for _ in range(4)]
        ),
    )(_sc_scatter_body)


def _sc_scatter_body(hwp_hbm, src_hbm, dst_hbm, out_hbm,
                     sv0, sv1, sv2, sv3, dv0, dv1, dv2, dv3,
                     r0, r1, r2, r3, acc_sh, g0, g1, g2, g3):
    cid = lax.axis_index("c")
    sid = lax.axis_index("s")
    wid = cid * 16 + sid
    row0 = sid * ROWS_PT
    svs = (sv0, sv1, sv2, sv3)
    dvs = (dv0, dv1, dv2, dv3)
    rows = (r0, r1, r2, r3)
    gs = (g0, g1, g2, g3)

    zvec = jnp.zeros((16,), jnp.float32)

    def zbody(r, carry):
        for c in range(D // 16):
            r0[r, pl.ds(c * 16, 16)] = zvec
        return carry

    lax.fori_loop(0, CH7, zbody, 0)
    for k in range(ROWS_PT // CH7):
        pltpu.sync_copy(r0, acc_sh.at[pl.ds(row0 + k * CH7, CH7)])
    plsc.subcore_barrier()

    base = wid * EPT

    def fire(c, b):
        off = base + c * CH7
        pltpu.sync_copy(src_hbm.at[pl.ds(off, CH7)], svs[b])
        pltpu.sync_copy(dst_hbm.at[pl.ds(off, CH7)], dvs[b])
        pltpu.async_copy(hwp_hbm.at[svs[b]], rows[b], gs[b])

    for b in range(3):
        fire(b, b)

    def body(p, carry):
        for b in range(4):
            c = 4 * p + b
            pltpu.make_async_copy(hwp_hbm.at[svs[b]], rows[b], gs[b]).wait()
            nb = (b + 3) % 4
            fire(jnp.where(c + 3 < NCH7, c + 3, 0), nb)
            pltpu.sync_copy(rows[b], acc_sh.at[dvs[b]], add=True)
        return carry

    lax.fori_loop(0, NCH7 // 4, body, 0)
    for b in range(3):
        pltpu.make_async_copy(hwp_hbm.at[svs[b]], rows[b], gs[b]).wait()
    plsc.subcore_barrier()
    pltpu.sync_copy(acc_sh.at[pl.ds(row0, ROWS_PT)],
                    out_hbm.at[cid, pl.ds(row0, ROWS_PT)])


def _tc_first(xp, deg, W1):
    def body(x_ref, d_ref, w_ref, o_ref, dv_ref):
        degv = d_ref[0, :, 0:1] + d_ref[1, :, 0:1] + 1.0
        dinv = lax.rsqrt(degv)
        dv_ref[...] = dinv * jnp.ones((1, 16), jnp.float32)
        hw = jnp.dot(x_ref[...], w_ref[...], preferred_element_type=jnp.float32)
        o_ref[...] = dinv * hw

    return pl.pallas_call(
        body,
        grid=(NP // BR,),
        in_specs=[
            pl.BlockSpec((BR, D), lambda i: (i, 0)),
            pl.BlockSpec((2, BR, D), lambda i: (0, i, 0)),
            pl.BlockSpec((D, H), lambda i: (0, 0)),
        ],
        out_specs=[
            pl.BlockSpec((BR, H), lambda i: (i, 0)),
            pl.BlockSpec((BR, 16), lambda i: (i, 0)),
        ],
        out_shape=[
            jax.ShapeDtypeStruct((NP, H), jnp.float32),
            jax.ShapeDtypeStruct((NP, 16), jnp.float32),
        ],
    )(xp, deg, W1)


def _tc_mid(acc, hwp, dinv16, b_prev, W_next):
    def body(p_ref, hw_ref, d_ref, b_ref, w_ref, o_ref):
        dinv = d_ref[:, 0:1]
        a = p_ref[0] + p_ref[1] + hw_ref[...]
        h = jnp.maximum(dinv * a + b_ref[...], 0.0)
        hw = jnp.dot(h, w_ref[...], preferred_element_type=jnp.float32)
        o_ref[...] = dinv * hw

    return pl.pallas_call(
        body,
        grid=(NP // BR,),
        in_specs=[
            pl.BlockSpec((2, BR, H), lambda i: (0, i, 0)),
            pl.BlockSpec((BR, H), lambda i: (i, 0)),
            pl.BlockSpec((BR, 16), lambda i: (i, 0)),
            pl.BlockSpec((1, H), lambda i: (0, 0)),
            pl.BlockSpec((H, H), lambda i: (0, 0)),
        ],
        out_specs=pl.BlockSpec((BR, H), lambda i: (i, 0)),
        out_shape=jax.ShapeDtypeStruct((NP, H), jnp.float32),
    )(acc, hwp, dinv16, b_prev, W_next)


def _tc_pool_mlp(acc, hwp, dinv16, b_prev, batch2, LW1, Lb1, LW2, Lb2, LW3, Lb3):
    nblocks = NP // BR

    def body(p_ref, hw_ref, d_ref, b_ref, bat_ref, lw1, lb1, lw2, lb2, lw3, lb3,
             o_ref, pa, pm, pc):
        i = pl.program_id(0)

        @pl.when(i == 0)
        def _():
            pa[...] = jnp.zeros_like(pa)
            pc[...] = jnp.zeros_like(pc)
            pm[...] = jnp.full_like(pm, -jnp.inf)

        dinv = d_ref[:, 0:1]
        a = p_ref[0] + p_ref[1] + hw_ref[...]
        h = jnp.maximum(dinv * a + b_ref[...], 0.0)

        bat = bat_ref[...]
        gids = lax.broadcasted_iota(jnp.int32, (1, GP), 1)
        mask = (bat == gids).astype(jnp.float32)
        pa[...] += lax.dot_general(mask, h, (((0,), (0,)), ((), ())),
                                   preferred_element_type=jnp.float32)
        pc[...] += lax.dot_general(mask, jnp.ones((BR, H), jnp.float32),
                                   (((0,), (0,)), ((), ())),
                                   preferred_element_type=jnp.float32)

        bmin = bat_ref[0, 0]
        bmax = bat_ref[BR - 1, 0]

        def mbody(g, carry):
            rowmask = bat == g
            vals = jnp.where(rowmask, h, -jnp.inf)
            m = jnp.max(vals, axis=0, keepdims=True)
            pm[pl.ds(g, 1), :] = jnp.maximum(pm[pl.ds(g, 1), :], m)
            return carry

        lax.fori_loop(bmin, bmax + 1, mbody, 0)

        @pl.when(i == nblocks - 1)
        def _():
            cnt = pc[0:G, :]
            padd = pa[0:G, :]
            mean = padd / jnp.maximum(cnt, 1.0)
            mx = jnp.where(cnt > 0.0, pm[0:G, :], 0.0)
            hcat = jnp.concatenate([mean, mx, padd], axis=1)
            y = jnp.dot(hcat, lw1[...], preferred_element_type=jnp.float32)
            y = jnp.maximum(y + lb1[...], 0.0)
            y = jnp.dot(y, lw2[...], preferred_element_type=jnp.float32)
            y = jnp.maximum(y + lb2[...], 0.0)
            y = jnp.dot(y, lw3[...], preferred_element_type=jnp.float32)
            y = y + lb3[...]
            o_ref[...] = 1.0 / (1.0 + jnp.exp(-y))

    return pl.pallas_call(
        body,
        grid=(nblocks,),
        in_specs=[
            pl.BlockSpec((2, BR, H), lambda i: (0, i, 0)),
            pl.BlockSpec((BR, H), lambda i: (i, 0)),
            pl.BlockSpec((BR, 16), lambda i: (i, 0)),
            pl.BlockSpec((1, H), lambda i: (0, 0)),
            pl.BlockSpec((BR, 1), lambda i: (i, 0)),
            pl.BlockSpec((3 * H, 3 * H), lambda i: (0, 0)),
            pl.BlockSpec((1, 3 * H), lambda i: (0, 0)),
            pl.BlockSpec((3 * H, H), lambda i: (0, 0)),
            pl.BlockSpec((1, H), lambda i: (0, 0)),
            pl.BlockSpec((H, 1), lambda i: (0, 0)),
            pl.BlockSpec((1, 1), lambda i: (0, 0)),
        ],
        out_specs=pl.BlockSpec((G, 1), lambda i: (0, 0)),
        out_shape=jax.ShapeDtypeStruct((G, 1), jnp.float32),
        scratch_shapes=[
            pltpu.VMEM((GP, H), jnp.float32),
            pltpu.VMEM((GP, H), jnp.float32),
            pltpu.VMEM((GP, H), jnp.float32),
        ],
    )(acc, hwp, dinv16, b_prev, batch2, LW1, Lb1, LW2, Lb2, LW3, Lb3)


def kernel(x, edge_index, batch, W1, b1, W2, b2, LW1, Lb1, LW2, Lb2, LW3, Lb3):
    src = edge_index[0]
    dst = edge_index[1]
    pad_e = EP - E
    src_p = jnp.concatenate([src, jnp.zeros((pad_e,), jnp.int32)])
    dst_p = jnp.concatenate(
        [dst, N + (jnp.arange(pad_e, dtype=jnp.int32) % (NP - N))])
    src_p3 = src_p.reshape(NTILES, NCH, CH)
    dst_p3 = dst_p.reshape(NTILES, NCH, CH)
    xp = jnp.pad(x, ((0, NP - N), (0, 0)))
    batch2 = jnp.pad(batch, (0, NP - N), constant_values=G).reshape(NP, 1)

    deg = _sc_degree_kernel()(dst_p3)

    hw1, dinv16 = _tc_first(xp, deg, W1)
    a1 = _sc_scatter_kernel()(hw1, src_p, dst_p)
    hw2 = _tc_mid(a1, hw1, dinv16, b1.reshape(1, H), W2)
    a2 = _sc_scatter_kernel()(hw2, src_p, dst_p)
    hw3 = _tc_mid(a2, hw2, dinv16, b2.reshape(1, H), W2)
    a3 = _sc_scatter_kernel()(hw3, src_p, dst_p)

    return _tc_pool_mlp(a3, hw3, dinv16, b2.reshape(1, H), batch2,
                        LW1, Lb1.reshape(1, 3 * H), LW2, Lb2.reshape(1, H),
                        LW3, Lb3.reshape(1, 1))

# --- scband reference (transcript-rebuilt; emitter-appended) ---
"""Pipeline reference for scband-graph-convolutional-network-68255620268813 (READ-ONLY COPY).

The authoritative reference and input builder live on the scoring server;
editing this copy changes nothing except your own understanding.
"""

import jax, jax.numpy as jnp
import numpy as np

N = 10000
E = 320000
D = 128
H = 128
G = 64


def setup_inputs(seed: int = 0) -> dict:
    key = jax.random.key(seed)
    ks = jax.random.split(key, 16)
    x = jax.random.normal(ks[0], (N, D), dtype=jnp.float32)
    edge_index = jax.random.randint(ks[1], (2, E), 0, N, dtype=jnp.int32)
    batch = jnp.sort(jax.random.randint(ks[2], (N,), 0, G, dtype=jnp.int32))
    s = 0.05
    W1 = jax.random.normal(ks[3], (D, H), dtype=jnp.float32) * s
    b1 = jnp.zeros((H,), dtype=jnp.float32)
    W2 = jax.random.normal(ks[4], (H, H), dtype=jnp.float32) * s  # shared by layers 2 and 3 (ModuleList repetition shares the module)
    b2 = jnp.zeros((H,), dtype=jnp.float32)
    LW1 = jax.random.normal(ks[5], (3 * H, 3 * H), dtype=jnp.float32) * s
    Lb1 = jnp.zeros((3 * H,), dtype=jnp.float32)
    LW2 = jax.random.normal(ks[6], (3 * H, H), dtype=jnp.float32) * s
    Lb2 = jnp.zeros((H,), dtype=jnp.float32)
    LW3 = jax.random.normal(ks[7], (H, 1), dtype=jnp.float32) * s
    Lb3 = jnp.zeros((1,), dtype=jnp.float32)
    return {"x": x, "edge_index": edge_index, "batch": batch, "W1": W1, "b1": b1, "W2": W2, "b2": b2, "LW1": LW1, "Lb1": Lb1, "LW2": LW2, "Lb2": Lb2, "LW3": LW3, "Lb3": Lb3}


def _gcn_conv(h, src, dst, W, b):
    # GCNConv: add self-loops, symmetric normalization D^-1/2 (A+I) D^-1/2, then X W + b
    n = h.shape[0]
    loop = jnp.arange(n, dtype=src.dtype)
    s = jnp.concatenate([src, loop])
    d = jnp.concatenate([dst, loop])
    deg = jax.ops.segment_sum(jnp.ones(s.shape[0], dtype=h.dtype), d, num_segments=n)
    dinv = jnp.where(deg > 0, deg ** -0.5, 0.0)
    norm = dinv[s] * dinv[d]
    hw = h @ W
    msg = hw[s] * norm[:, None]
    out = jax.ops.segment_sum(msg, d, num_segments=n)
    return out + b


def reference(x, edge_index, batch, W1, b1, W2, b2, LW1, Lb1, LW2, Lb2, LW3, Lb3):
    src, dst = edge_index[0], edge_index[1]
    h = jax.nn.relu(_gcn_conv(x, src, dst, W1, b1))
    h = jax.nn.relu(_gcn_conv(h, src, dst, W2, b2))  # layer 2
    act = _gcn_conv(h, src, dst, W2, b2)             # layer 3 (shared params)
    h = jax.nn.relu(act)
    cnt = jax.ops.segment_sum(jnp.ones((N,), dtype=h.dtype), batch, num_segments=G)
    pool_add = jax.ops.segment_sum(h, batch, num_segments=G)
    pool_mean = pool_add / jnp.maximum(cnt, 1.0)[:, None]
    pool_max = jax.ops.segment_max(h, batch, num_segments=G)
    pool_max = jnp.where(cnt[:, None] > 0, pool_max, 0.0)
    hcat = jnp.concatenate([pool_mean, pool_max, pool_add], axis=1)
    y = jax.nn.relu(hcat @ LW1 + Lb1)
    y = jax.nn.relu(y @ LW2 + Lb2)
    y = y @ LW3 + Lb3
    return jax.nn.sigmoid(y)

if __name__ == "__main__":
    import jax
    _d = setup_inputs()
    print(jax.jit(kernel)(*tuple(_d.values())))

</pallas_src>

<mosaic_0001>
#map = affine_map<(d0, d1) -> (0, 0, 0)>
module attributes {stable_mosaic.version = 14 : i64} {
  func.func @_sc_degree_body(%arg0: i32, %arg1: i32, %arg2: memref<32x80x128xi32, #tpu.memory_space<hbm>>, %arg3: memref<2x10240x128xf32, #tpu.memory_space<hbm>>, %arg4: memref<80x128xi32, #tpu.memory_space<vmem>>, %arg5: memref<128x128xf32, #tpu.memory_space<vmem>>, %arg6: memref<128x128xf32, #tpu.memory_space<vmem>>, %arg7: memref<10240x128xf32, #tpu.memory_space<vmem_shared>>, %arg8: memref<!tpu.dma_semaphore, #tpu.memory_space<semaphore_mem>>) attributes {dimension_semantics = [#tpu.dimension_semantics<core_parallel>, #tpu.dimension_semantics<subcore_parallel>], iteration_bounds = array<i64: 2, 16>, scalar_prefetch = 0 : i64, scratch_operands = 5 : i64, tpu.core_type = #tpu.core_type<sc_vector_subcore>, window_params = [{transform_indices = #map}, {transform_indices = #map}]} {
    %mul3A = arith.constant 16 : i32
    %mul3A_0 = arith.muli %arg0, %mul3A : i32
    %add3A = arith.addi %mul3A_0, %arg1 : i32
    %mul3A_1 = arith.constant 640 : i32
    %mul3A_2 = arith.muli %arg1, %mul3A_1 : i32
    %broadcast_in_dim3A = arith.constant 1.000000e+00 : f32
    %broadcast_in_dim3A_3 = vector.broadcast %broadcast_in_dim3A : f32 to vector<16xf32>
    %scan3A = arith.constant 0 : i32
    %scan3A_4 = arith.constant 0 : i32
    %scan3A_5 = arith.constant 128 : i32
    %scan3A_6 = arith.addi %scan3A_4, %scan3A_5 : i32
    %scan3A_7 = arith.constant 1 : i32
    scf.for %scan3A_34 = %scan3A_4 to %scan3A_6 step %scan3A_7  : i32 {
      %swap3A = arith.index_cast %scan3A_34 : i32 to index
      %swap3A_35 = arith.constant 0 : index
      %swap3A_36 = tpu.vector_load %arg5[%swap3A, %swap3A_35] {strides = array<i32>} : memref<128x128xf32, #tpu.memory_space<vmem>>, vector<1x16xf32>,
      %swap3A_37 = vector.shape_cast %swap3A_36 : vector<1x16xf32> to vector<16xf32>
      %swap3A_38 = vector.shape_cast %broadcast_in_dim3A_3 : vector<16xf32> to vector<1x16xf32>
      tpu.vector_store %arg5[%swap3A, %swap3A_35], %swap3A_38 {strides = array<i32>} : memref<128x128xf32, #tpu.memory_space<vmem>>, vector<1x16xf32>,
      %swap3A_39 = arith.index_cast %scan3A_34 : i32 to index
      %swap3A_40 = arith.constant 16 : index
      %swap3A_41 = tpu.vector_load %arg5[%swap3A_39, %swap3A_40] {strides = array<i32>} : memref<128x128xf32, #tpu.memory_space<vmem>>, vector<1x16xf32>,
      %swap3A_42 = vector.shape_cast %swap3A_41 : vector<1x16xf32> to vector<16xf32>
      %swap3A_43 = vector.shape_cast %broadcast_in_dim3A_3 : vector<16xf32> to vector<1x16xf32>
      tpu.vector_store %arg5[%swap3A_39, %swap3A_40], %swap3A_43 {strides = array<i32>} : memref<128x128xf32, #tpu.memory_space<vmem>>, vector<1x16xf32>,
      %swap3A_44 = arith.index_cast %scan3A_34 : i32 to index
      %swap3A_45 = arith.constant 32 : index
      %swap3A_46 = tpu.vector_load %arg5[%swap3A_44, %swap3A_45] {strides = array<i32>} : memref<128x128xf32, #tpu.memory_space<vmem>>, vector<1x16xf32>,
      %swap3A_47 = vector.shape_cast %swap3A_46 : vector<1x16xf32> to vector<16xf32>
      %swap3A_48 = vector.shape_cast %broadcast_in_dim3A_3 : vector<16xf32> to vector<1x16xf32>
      tpu.vector_store %arg5[%swap3A_44, %swap3A_45], %swap3A_48 {strides = array<i32>} : memref<128x128xf32, #tpu.memory_space<vmem>>, vector<1x16xf32>,
      %swap3A_49 = arith.index_cast %scan3A_34 : i32 to index
      %swap3A_50 = arith.constant 48 : index
      %swap3A_51 = tpu.vector_load %arg5[%swap3A_49, %swap3A_50] {strides = array<i32>} : memref<128x128xf32, #tpu.memory_space<vmem>>, vector<1x16xf32>,
      %swap3A_52 = vector.shape_cast %swap3A_51 : vector<1x16xf32> to vector<16xf32>
      %swap3A_53 = vector.shape_cast %broadcast_in_dim3A_3 : vector<16xf32> to vector<1x16xf32>
      tpu.vector_store %arg5[%swap3A_49, %swap3A_50], %swap3A_53 {strides = array<i32>} : memref<128x128xf32, #tpu.memory_space<vmem>>, vector<1x16xf32>,
      %swap3A_54 = arith.index_cast %scan3A_34 : i32 to index
      %swap3A_55 = arith.constant 64 : index
      %swap3A_56 = tpu.vector_load %arg5[%swap3A_54, %swap3A_55] {strides = array<i32>} : memref<128x128xf32, #tpu.memory_space<vmem>>, vector<1x16xf32>,
      %swap3A_57 = vector.shape_cast %swap3A_56 : vector<1x16xf32> to vector<16xf32>
      %swap3A_58 = vector.shape_cast %broadcast_in_dim3A_3 : vector<16xf32> to vector<1x16xf32>
      tpu.vector_store %arg5[%swap3A_54, %swap3A_55], %swap3A_58 {strides = array<i32>} : memref<128x128xf32, #tpu.memory_space<vmem>>, vector<1x16xf32>,
      %swap3A_59 = arith.index_cast %scan3A_34 : i32 to index
      %swap3A_60 = arith.constant 80 : index
      %swap3A_61 = tpu.vector_load %arg5[%swap3A_59, %swap3A_60] {strides = array<i32>} : memref<128x128xf32, #tpu.memory_space<vmem>>, vector<1x16xf32>,
      %swap3A_62 = vector.shape_cast %swap3A_61 : vector<1x16xf32> to vector<16xf32>
      %swap3A_63 = vector.shape_cast %broadcast_in_dim3A_3 : vector<16xf32> to vector<1x16xf32>
      tpu.vector_store %arg5[%swap3A_59, %swap3A_60], %swap3A_63 {strides = array<i32>} : memref<128x128xf32, #tpu.memory_space<vmem>>, vector<1x16xf32>,
      %swap3A_64 = arith.index_cast %scan3A_34 : i32 to index
      %swap3A_65 = arith.constant 96 : index
      %swap3A_66 = tpu.vector_load %arg5[%swap3A_64, %swap3A_65] {strides = array<i32>} : memref<128x128xf32, #tpu.memory_space<vmem>>, vector<1x16xf32>,
      %swap3A_67 = vector.shape_cast %swap3A_66 : vector<1x16xf32> to vector<16xf32>
      %swap3A_68 = vector.shape_cast %broadcast_in_dim3A_3 : vector<16xf32> to vector<1x16xf32>
      tpu.vector_store %arg5[%swap3A_64, %swap3A_65], %swap3A_68 {strides = array<i32>} : memref<128x128xf32, #tpu.memory_space<vmem>>, vector<1x16xf32>,
      %swap3A_69 = arith.index_cast %scan3A_34 : i32 to index
      %swap3A_70 = arith.constant 112 : index
      %swap3A_71 = tpu.vector_load %arg5[%swap3A_69, %swap3A_70] {strides = array<i32>} : memref<128x128xf32, #tpu.memory_space<vmem>>, vector<1x16xf32>,
      %swap3A_72 = vector.shape_cast %swap3A_71 : vector<1x16xf32> to vector<16xf32>
      %swap3A_73 = vector.shape_cast %broadcast_in_dim3A_3 : vector<16xf32> to vector<1x16xf32>
      tpu.vector_store %arg5[%swap3A_69, %swap3A_70], %swap3A_73 {strides = array<i32>} : memref<128x128xf32, #tpu.memory_space<vmem>>, vector<1x16xf32>,
    }
    %scan3A_8 = arith.constant 128 : i32
    %broadcast_in_dim3A_9 = arith.constant 0.000000e+00 : f32
    %broadcast_in_dim3A_10 = vector.broadcast %broadcast_in_dim3A_9 : f32 to vector<16xf32>
    %scan3A_11 = arith.constant 0 : i32
    %scan3A_12 = arith.constant 0 : i32
    %scan3A_13 = arith.constant 128 : i32
    %scan3A_14 = arith.addi %scan3A_12, %scan3A_13 : i32
    %scan3A_15 = arith.constant 1 : i32
    scf.for %scan3A_34 = %scan3A_12 to %scan3A_14 step %scan3A_15  : i32 {
      %swap3A = arith.index_cast %scan3A_34 : i32 to index
      %swap3A_35 = arith.constant 0 : index
      %swap3A_36 = tpu.vector_load %arg6[%swap3A, %swap3A_35] {strides = array<i32>} : memref<128x128xf32, #tpu.memory_space<vmem>>, vector<1x16xf32>,
      %swap3A_37 = vector.shape_cast %swap3A_36 : vector<1x16xf32> to vector<16xf32>
      %swap3A_38 = vector.shape_cast %broadcast_in_dim3A_10 : vector<16xf32> to vector<1x16xf32>
      tpu.vector_store %arg6[%swap3A, %swap3A_35], %swap3A_38 {strides = array<i32>} : memref<128x128xf32, #tpu.memory_space<vmem>>, vector<1x16xf32>,
      %swap3A_39 = arith.index_cast %scan3A_34 : i32 to index
      %swap3A_40 = arith.constant 16 : index
      %swap3A_41 = tpu.vector_load %arg6[%swap3A_39, %swap3A_40] {strides = array<i32>} : memref<128x128xf32, #tpu.memory_space<vmem>>, vector<1x16xf32>,
      %swap3A_42 = vector.shape_cast %swap3A_41 : vector<1x16xf32> to vector<16xf32>
      %swap3A_43 = vector.shape_cast %broadcast_in_dim3A_10 : vector<16xf32> to vector<1x16xf32>
      tpu.vector_store %arg6[%swap3A_39, %swap3A_40], %swap3A_43 {strides = array<i32>} : memref<128x128xf32, #tpu.memory_space<vmem>>, vector<1x16xf32>,
      %swap3A_44 = arith.index_cast %scan3A_34 : i32 to index
      %swap3A_45 = arith.constant 32 : index
      %swap3A_46 = tpu.vector_load %arg6[%swap3A_44, %swap3A_45] {strides = array<i32>} : memref<128x128xf32, #tpu.memory_space<vmem>>, vector<1x16xf32>,
      %swap3A_47 = vector.shape_cast %swap3A_46 : vector<1x16xf32> to vector<16xf32>
      %swap3A_48 = vector.shape_cast %broadcast_in_dim3A_10 : vector<16xf32> to vector<1x16xf32>
      tpu.vector_store %arg6[%swap3A_44, %swap3A_45], %swap3A_48 {strides = array<i32>} : memref<128x128xf32, #tpu.memory_space<vmem>>, vector<1x16xf32>,
      %swap3A_49 = arith.index_cast %scan3A_34 : i32 to index
      %swap3A_50 = arith.constant 48 : index
      %swap3A_51 = tpu.vector_load %arg6[%swap3A_49, %swap3A_50] {strides = array<i32>} : memref<128x128xf32, #tpu.memory_space<vmem>>, vector<1x16xf32>,
      %swap3A_52 = vector.shape_cast %swap3A_51 : vector<1x16xf32> to vector<16xf32>
      %swap3A_53 = vector.shape_cast %broadcast_in_dim3A_10 : vector<16xf32> to vector<1x16xf32>
      tpu.vector_store %arg6[%swap3A_49, %swap3A_50], %swap3A_53 {strides = array<i32>} : memref<128x128xf32, #tpu.memory_space<vmem>>, vector<1x16xf32>,
      %swap3A_54 = arith.index_cast %scan3A_34 : i32 to index
      %swap3A_55 = arith.constant 64 : index
      %swap3A_56 = tpu.vector_load %arg6[%swap3A_54, %swap3A_55] {strides = array<i32>} : memref<128x128xf32, #tpu.memory_space<vmem>>, vector<1x16xf32>,
      %swap3A_57 = vector.shape_cast %swap3A_56 : vector<1x16xf32> to vector<16xf32>
      %swap3A_58 = vector.shape_cast %broadcast_in_dim3A_10 : vector<16xf32> to vector<1x16xf32>
      tpu.vector_store %arg6[%swap3A_54, %swap3A_55], %swap3A_58 {strides = array<i32>} : memref<128x128xf32, #tpu.memory_space<vmem>>, vector<1x16xf32>,
      %swap3A_59 = arith.index_cast %scan3A_34 : i32 to index
      %swap3A_60 = arith.constant 80 : index
      %swap3A_61 = tpu.vector_load %arg6[%swap3A_59, %swap3A_60] {strides = array<i32>} : memref<128x128xf32, #tpu.memory_space<vmem>>, vector<1x16xf32>,
      %swap3A_62 = vector.shape_cast %swap3A_61 : vector<1x16xf32> to vector<16xf32>
      %swap3A_63 = vector.shape_cast %broadcast_in_dim3A_10 : vector<16xf32> to vector<1x16xf32>
      tpu.vector_store %arg6[%swap3A_59, %swap3A_60], %swap3A_63 {strides = array<i32>} : memref<128x128xf32, #tpu.memory_space<vmem>>, vector<1x16xf32>,
      %swap3A_64 = arith.index_cast %scan3A_34 : i32 to index
      %swap3A_65 = arith.constant 96 : index
      %swap3A_66 = tpu.vector_load %arg6[%swap3A_64, %swap3A_65] {strides = array<i32>} : memref<128x128xf32, #tpu.memory_space<vmem>>, vector<1x16xf32>,
      %swap3A_67 = vector.shape_cast %swap3A_66 : vector<1x16xf32> to vector<16xf32>
      %swap3A_68 = vector.shape_cast %broadcast_in_dim3A_10 : vector<16xf32> to vector<1x16xf32>
      tpu.vector_store %arg6[%swap3A_64, %swap3A_65], %swap3A_68 {strides = array<i32>} : memref<128x128xf32, #tpu.memory_space<vmem>>, vector<1x16xf32>,
      %swap3A_69 = arith.index_cast %scan3A_34 : i32 to index
      %swap3A_70 = arith.constant 112 : index
      %swap3A_71 = tpu.vector_load %arg6[%swap3A_69, %swap3A_70] {strides = array<i32>} : memref<128x128xf32, #tpu.memory_space<vmem>>, vector<1x16xf32>,
      %swap3A_72 = vector.shape_cast %swap3A_71 : vector<1x16xf32> to vector<16xf32>
      %swap3A_73 = vector.shape_cast %broadcast_in_dim3A_10 : vector<16xf32> to vector<1x16xf32>
      tpu.vector_store %arg6[%swap3A_69, %swap3A_70], %swap3A_73 {strides = array<i32>} : memref<128x128xf32, #tpu.memory_space<vmem>>, vector<1x16xf32>,
    }
    %scan3A_16 = arith.constant 128 : i32
    %add3A_17 = arith.constant 0 : i32
    %add3A_18 = arith.addi %mul3A_2, %add3A_17 : i32
    "tpu.region"() ({
      %run_scoped3A = tpu.sem_alloc : memref<!tpu.dma_semaphore, #tpu.memory_space<semaphore_mem>>
      %dma_start3A = arith.constant 0 : i32
      %dma_start3A_34 = tpu.memref_slice %arg7[%add3A_18, %dma_start3A] : memref<10240x128xf32, #tpu.memory_space<vmem_shared>> -> memref<128x128xf32, #tpu.memory_space<vmem_shared>>
      %dma_start3A_35 = arith.constant 0 : i32
      %dma_start3A_36 = tpu.memref_slice %arg7[%add3A_18, %dma_start3A_35] : memref<10240x128xf32, #tpu.memory_space<vmem_shared>> -> memref<128x128xf32, #tpu.memory_space<vmem_shared>>
      tpu.enqueue_dma source(%arg6 : memref<128x128xf32, #tpu.memory_space<vmem>>) target(%dma_start3A_36 : memref<128x128xf32, #tpu.memory_space<vmem_shared>>) target_semaphore(%run_scoped3A : memref<!tpu.dma_semaphore, #tpu.memory_space<semaphore_mem>>)
      %dma_wait3A = arith.constant 0 : i32
      %dma_wait3A_37 = tpu.memref_slice %arg7[%add3A_18, %dma_wait3A] : memref<10240x128xf32, #tpu.memory_space<vmem_shared>> -> memref<128x128xf32, #tpu.memory_space<vmem_shared>>
      %dma_wait3A_38 = arith.constant 0 : i32
      %dma_wait3A_39 = tpu.memref_slice %arg7[%add3A_18, %dma_wait3A_38] : memref<10240x128xf32, #tpu.memory_space<vmem_shared>> -> memref<128x128xf32, #tpu.memory_space<vmem_shared>>
      tpu.wait_dma2 semaphore(%run_scoped3A : memref<!tpu.dma_semaphore, #tpu.memory_space<semaphore_mem>>) src(%arg6 : memref<128x128xf32, #tpu.memory_space<vmem>>) dst(%dma_wait3A_39 : memref<128x128xf32, #tpu.memory_space<vmem_shared>>)
      tpu.yield
    }) : () -> ()
    %add3A_19 = arith.constant 128 : i32
    %add3A_20 = arith.addi %mul3A_2, %add3A_19 : i32
    "tpu.region"() ({
      %run_scoped3A = tpu.sem_alloc : memref<!tpu.dma_semaphore, #tpu.memory_space<semaphore_mem>>
      %dma_start3A = arith.constant 0 : i32
      %dma_start3A_34 = tpu.memref_slice %arg7[%add3A_20, %dma_start3A] : memref<10240x128xf32, #tpu.memory_space<vmem_shared>> -> memref<128x128xf32, #tpu.memory_space<vmem_shared>>
      %dma_start3A_35 = arith.constant 0 : i32
      %dma_start3A_36 = tpu.memref_slice %arg7[%add3A_20, %dma_start3A_35] : memref<10240x128xf32, #tpu.memory_space<vmem_shared>> -> memref<128x128xf32, #tpu.memory_space<vmem_shared>>
      tpu.enqueue_dma source(%arg6 : memref<128x128xf32, #tpu.memory_space<vmem>>) target(%dma_start3A_36 : memref<128x128xf32, #tpu.memory_space<vmem_shared>>) target_semaphore(%run_scoped3A : memref<!tpu.dma_semaphore, #tpu.memory_space<semaphore_mem>>)
      %dma_wait3A = arith.constant 0 : i32
      %dma_wait3A_37 = tpu.memref_slice %arg7[%add3A_20, %dma_wait3A] : memref<10240x128xf32, #tpu.memory_space<vmem_shared>> -> memref<128x128xf32, #tpu.memory_space<vmem_shared>>
      %dma_wait3A_38 = arith.constant 0 : i32
      %dma_wait3A_39 = tpu.memref_slice %arg7[%add3A_20, %dma_wait3A_38] : memref<10240x128xf32, #tpu.memory_space<vmem_shared>> -> memref<128x128xf32, #tpu.memory_space<vmem_shared>>
      tpu.wait_dma2 semaphore(%run_scoped3A : memref<!tpu.dma_semaphore, #tpu.memory_space<semaphore_mem>>) src(%arg6 : memref<128x128xf32, #tpu.memory_space<vmem>>) dst(%dma_wait3A_39 : memref<128x128xf32, #tpu.memory_space<vmem_shared>>)
      tpu.yield
    }) : () -> ()
    %add3A_21 = arith.constant 256 : i32
    %add3A_22 = arith.addi %mul3A_2, %add3A_21 : i32
    "tpu.region"() ({
      %run_scoped3A = tpu.sem_alloc : memref<!tpu.dma_semaphore, #tpu.memory_space<semaphore_mem>>
      %dma_start3A = arith.constant 0 : i32
      %dma_start3A_34 = tpu.memref_slice %arg7[%add3A_22, %dma_start3A] : memref<10240x128xf32, #tpu.memory_space<vmem_shared>> -> memref<128x128xf32, #tpu.memory_space<vmem_shared>>
      %dma_start3A_35 = arith.constant 0 : i32
      %dma_start3A_36 = tpu.memref_slice %arg7[%add3A_22, %dma_start3A_35] : memref<10240x128xf32, #tpu.memory_space<vmem_shared>> -> memref<128x128xf32, #tpu.memory_space<vmem_shared>>
      tpu.enqueue_dma source(%arg6 : memref<128x128xf32, #tpu.memory_space<vmem>>) target(%dma_start3A_36 : memref<128x128xf32, #tpu.memory_space<vmem_shared>>) target_semaphore(%run_scoped3A : memref<!tpu.dma_semaphore, #tpu.memory_space<semaphore_mem>>)
      %dma_wait3A = arith.constant 0 : i32
      %dma_wait3A_37 = tpu.memref_slice %arg7[%add3A_22, %dma_wait3A] : memref<10240x128xf32, #tpu.memory_space<vmem_shared>> -> memref<128x128xf32, #tpu.memory_space<vmem_shared>>
      %dma_wait3A_38 = arith.constant 0 : i32
      %dma_wait3A_39 = tpu.memref_slice %arg7[%add3A_22, %dma_wait3A_38] : memref<10240x128xf32, #tpu.memory_space<vmem_shared>> -> memref<128x128xf32, #tpu.memory_space<vmem_shared>>
      tpu.wait_dma2 semaphore(%run_scoped3A : memref<!tpu.dma_semaphore, #tpu.memory_space<semaphore_mem>>) src(%arg6 : memref<128x128xf32, #tpu.memory_space<vmem>>) dst(%dma_wait3A_39 : memref<128x128xf32, #tpu.memory_space<vmem_shared>>)
      tpu.yield
    }) : () -> ()
    %add3A_23 = arith.constant 384 : i32
    %add3A_24 = arith.addi %mul3A_2, %add3A_23 : i32
    "tpu.region"() ({
      %run_scoped3A = tpu.sem_alloc : memref<!tpu.dma_semaphore, #tpu.memory_space<semaphore_mem>>
      %dma_start3A = arith.constant 0 : i32
      %dma_start3A_34 = tpu.memref_slice %arg7[%add3A_24, %dma_start3A] : memref<10240x128xf32, #tpu.memory_space<vmem_shared>> -> memref<128x128xf32, #tpu.memory_space<vmem_shared>>
      %dma_start3A_35 = arith.constant 0 : i32
      %dma_start3A_36 = tpu.memref_slice %arg7[%add3A_24, %dma_start3A_35] : memref<10240x128xf32, #tpu.memory_space<vmem_shared>> -> memref<128x128xf32, #tpu.memory_space<vmem_shared>>
      tpu.enqueue_dma source(%arg6 : memref<128x128xf32, #tpu.memory_space<vmem>>) target(%dma_start3A_36 : memref<128x128xf32, #tpu.memory_space<vmem_shared>>) target_semaphore(%run_scoped3A : memref<!tpu.dma_semaphore, #tpu.memory_space<semaphore_mem>>)
      %dma_wait3A = arith.constant 0 : i32
      %dma_wait3A_37 = tpu.memref_slice %arg7[%add3A_24, %dma_wait3A] : memref<10240x128xf32, #tpu.memory_space<vmem_shared>> -> memref<128x128xf32, #tpu.memory_space<vmem_shared>>
      %dma_wait3A_38 = arith.constant 0 : i32
      %dma_wait3A_39 = tpu.memref_slice %arg7[%add3A_24, %dma_wait3A_38] : memref<10240x128xf32, #tpu.memory_space<vmem_shared>> -> memref<128x128xf32, #tpu.memory_space<vmem_shared>>
      tpu.wait_dma2 semaphore(%run_scoped3A : memref<!tpu.dma_semaphore, #tpu.memory_space<semaphore_mem>>) src(%arg6 : memref<128x128xf32, #tpu.memory_space<vmem>>) dst(%dma_wait3A_39 : memref<128x128xf32, #tpu.memory_space<vmem_shared>>)
      tpu.yield
    }) : () -> ()
    %add3A_25 = arith.constant 512 : i32
    %add3A_26 = arith.addi %mul3A_2, %add3A_25 : i32
    "tpu.region"() ({
      %run_scoped3A = tpu.sem_alloc : memref<!tpu.dma_semaphore, #tpu.memory_space<semaphore_mem>>
      %dma_start3A = arith.constant 0 : i32
      %dma_start3A_34 = tpu.memref_slice %arg7[%add3A_26, %dma_start3A] : memref<10240x128xf32, #tpu.memory_space<vmem_shared>> -> memref<128x128xf32, #tpu.memory_space<vmem_shared>>
      %dma_start3A_35 = arith.constant 0 : i32
      %dma_start3A_36 = tpu.memref_slice %arg7[%add3A_26, %dma_start3A_35] : memref<10240x128xf32, #tpu.memory_space<vmem_shared>> -> memref<128x128xf32, #tpu.memory_space<vmem_shared>>
      tpu.enqueue_dma source(%arg6 : memref<128x128xf32, #tpu.memory_space<vmem>>) target(%dma_start3A_36 : memref<128x128xf32, #tpu.memory_space<vmem_shared>>) target_semaphore(%run_scoped3A : memref<!tpu.dma_semaphore, #tpu.memory_space<semaphore_mem>>)
      %dma_wait3A = arith.constant 0 : i32
      %dma_wait3A_37 = tpu.memref_slice %arg7[%add3A_26, %dma_wait3A] : memref<10240x128xf32, #tpu.memory_space<vmem_shared>> -> memref<128x128xf32, #tpu.memory_space<vmem_shared>>
      %dma_wait3A_38 = arith.constant 0 : i32
      %dma_wait3A_39 = tpu.memref_slice %arg7[%add3A_26, %dma_wait3A_38] : memref<10240x128xf32, #tpu.memory_space<vmem_shared>> -> memref<128x128xf32, #tpu.memory_space<vmem_shared>>
      tpu.wait_dma2 semaphore(%run_scoped3A : memref<!tpu.dma_semaphore, #tpu.memory_space<semaphore_mem>>) src(%arg6 : memref<128x128xf32, #tpu.memory_space<vmem>>) dst(%dma_wait3A_39 : memref<128x128xf32, #tpu.memory_space<vmem_shared>>)
      tpu.yield
    }) : () -> ()
    "tpu.region"() ({
      %run_scoped3A = tpu.sem_alloc : memref<!tpu.dma_semaphore, #tpu.memory_space<semaphore_mem>>
      %dma_start3A = arith.constant 0 : i32
      %dma_start3A_34 = arith.constant 0 : i32
      %dma_start3A_35 = tpu.memref_slice %arg2[%add3A, %dma_start3A, %dma_start3A_34] : memref<32x80x128xi32, #tpu.memory_space<hbm>> -> memref<1x80x128xi32, #tpu.memory_space<hbm>>
      %dma_start3A_36 = tpu.memref_squeeze %dma_start3A_35 : memref<1x80x128xi32, #tpu.memory_space<hbm>> -> memref<80x128xi32, #tpu.memory_space<hbm>>
      %dma_start3A_37 = arith.constant 0 : i32
      %dma_start3A_38 = arith.constant 0 : i32
      %dma_start3A_39 = tpu.memref_slice %arg2[%add3A, %dma_start3A_37, %dma_start3A_38] : memref<32x80x128xi32, #tpu.memory_space<hbm>> -> memref<1x80x128xi32, #tpu.memory_space<hbm>>
      %dma_start3A_40 = tpu.memref_squeeze %dma_start3A_39 : memref<1x80x128xi32, #tpu.memory_space<hbm>> -> memref<80x128xi32, #tpu.memory_space<hbm>>
      tpu.enqueue_dma source(%dma_start3A_40 : memref<80x128xi32, #tpu.memory_space<hbm>>) target(%arg4 : memref<80x128xi32, #tpu.memory_space<vmem>>) target_semaphore(%run_scoped3A : memref<!tpu.dma_semaphore, #tpu.memory_space<semaphore_mem>>)
      %dma_wait3A = arith.constant 0 : i32
      %dma_wait3A_41 = arith.constant 0 : i32
      %dma_wait3A_42 = tpu.memref_slice %arg2[%add3A, %dma_wait3A, %dma_wait3A_41] : memref<32x80x128xi32, #tpu.memory_space<hbm>> -> memref<1x80x128xi32, #tpu.memory_space<hbm>>
      %dma_wait3A_43 = tpu.memref_squeeze %dma_wait3A_42 : memref<1x80x128xi32, #tpu.memory_space<hbm>> -> memref<80x128xi32, #tpu.memory_space<hbm>>
      %dma_wait3A_44 = arith.constant 0 : i32
      %dma_wait3A_45 = arith.constant 0 : i32
      %dma_wait3A_46 = tpu.memref_slice %arg2[%add3A, %dma_wait3A_44, %dma_wait3A_45] : memref<32x80x128xi32, #tpu.memory_space<hbm>> -> memref<1x80x128xi32, #tpu.memory_space<hbm>>
      %dma_wait3A_47 = tpu.memref_squeeze %dma_wait3A_46 : memref<1x80x128xi32, #tpu.memory_space<hbm>> -> memref<80x128xi32, #tpu.memory_space<hbm>>
      tpu.wait_dma2 semaphore(%run_scoped3A : memref<!tpu.dma_semaphore, #tpu.memory_space<semaphore_mem>>) src(%dma_wait3A_47 : memref<80x128xi32, #tpu.memory_space<hbm>>) dst(%arg4 : memref<80x128xi32, #tpu.memory_space<vmem>>)
      tpu.yield
    }) : () -> ()
    %barrier3A = arith.constant 0 : index
    tpu.barrier barrier_id(%barrier3A)
    %scan3A_27 = arith.constant 0 : i32
    %scan3A_28 = arith.constant 0 : i32
    %scan3A_29 = arith.constant 10 : i32
    %scan3A_30 = arith.addi %scan3A_28, %scan3A_29 : i32
    %scan3A_31 = arith.constant 1 : i32
    scf.for %scan3A_34 = %scan3A_28 to %scan3A_30 step %scan3A_31  : i32 {
      %mul3A_35 = arith.constant 8 : i32
      %mul3A_36 = arith.muli %scan3A_34, %mul3A_35 : i32
      %add3A_37 = arith.constant 0 : i32
      %add3A_38 = arith.addi %mul3A_36, %add3A_37 : i32
      %dma_start3A = arith.constant 0 : i32
      %dma_start3A_39 = tpu.memref_slice %arg4[%add3A_38, %dma_start3A] : memref<80x128xi32, #tpu.memory_space<vmem>> -> memref<1x128xi32, #tpu.memory_space<vmem>>
      %dma_start3A_40 = tpu.memref_squeeze %dma_start3A_39 : memref<1x128xi32, #tpu.memory_space<vmem>> -> memref<128xi32, #tpu.memory_space<vmem>>
      %dma_start3A_41 = arith.constant 0 : i32
      %dma_start3A_42 = arith.constant 0 : i32
      %dma_start3A_43 = tpu.memref_slice %arg7[%dma_start3A_41, %dma_start3A_42] : memref<10240x128xf32, #tpu.memory_space<vmem_shared>> -> memref<10240x128xf32, #tpu.memory_space<vmem_shared>>
      tpu.enqueue_indirect_dma source(%arg5 : memref<128x128xf32, #tpu.memory_space<vmem>>) target(%dma_start3A_43 : memref<10240x128xf32, #tpu.memory_space<vmem_shared>>) offsets(%dma_start3A_40 : memref<128xi32, #tpu.memory_space<vmem>>) semaphore(%arg8 : memref<!tpu.dma_semaphore, #tpu.memory_space<semaphore_mem>>) {add = true}
      %mul3A_44 = arith.constant 8 : i32
      %mul3A_45 = arith.muli %scan3A_34, %mul3A_44 : i32
      %add3A_46 = arith.constant 1 : i32
      %add3A_47 = arith.addi %mul3A_45, %add3A_46 : i32
      %dma_start3A_48 = arith.constant 0 : i32
      %dma_start3A_49 = tpu.memref_slice %arg4[%add3A_47, %dma_start3A_48] : memref<80x128xi32, #tpu.memory_space<vmem>> -> memref<1x128xi32, #tpu.memory_space<vmem>>
      %dma_start3A_50 = tpu.memref_squeeze %dma_start3A_49 : memref<1x128xi32, #tpu.memory_space<vmem>> -> memref<128xi32, #tpu.memory_space<vmem>>
      %dma_start3A_51 = arith.constant 0 : i32
      %dma_start3A_52 = arith.constant 0 : i32
      %dma_start3A_53 = tpu.memref_slice %arg7[%dma_start3A_51, %dma_start3A_52] : memref<10240x128xf32, #tpu.memory_space<vmem_shared>> -> memref<10240x128xf32, #tpu.memory_space<vmem_shared>>
      tpu.enqueue_indirect_dma source(%arg5 : memref<128x128xf32, #tpu.memory_space<vmem>>) target(%dma_start3A_53 : memref<10240x128xf32, #tpu.memory_space<vmem_shared>>) offsets(%dma_start3A_50 : memref<128xi32, #tpu.memory_space<vmem>>) semaphore(%arg8 : memref<!tpu.dma_semaphore, #tpu.memory_space<semaphore_mem>>) {add = true}
      %mul3A_54 = arith.constant 8 : i32
      %mul3A_55 = arith.muli %scan3A_34, %mul3A_54 : i32
      %add3A_56 = arith.constant 2 : i32
      %add3A_57 = arith.addi %mul3A_55, %add3A_56 : i32
      %dma_start3A_58 = arith.constant 0 : i32
      %dma_start3A_59 = tpu.memref_slice %arg4[%add3A_57, %dma_start3A_58] : memref<80x128xi32, #tpu.memory_space<vmem>> -> memref<1x128xi32, #tpu.memory_space<vmem>>
      %dma_start3A_60 = tpu.memref_squeeze %dma_start3A_59 : memref<1x128xi32, #tpu.memory_space<vmem>> -> memref<128xi32, #tpu.memory_space<vmem>>
      %dma_start3A_61 = arith.constant 0 : i32
      %dma_start3A_62 = arith.constant 0 : i32
      %dma_start3A_63 = tpu.memref_slice %arg7[%dma_start3A_61, %dma_start3A_62] : memref<10240x128xf32, #tpu.memory_space<vmem_shared>> -> memref<10240x128xf32, #tpu.memory_space<vmem_shared>>
      tpu.enqueue_indirect_dma source(%arg5 : memref<128x128xf32, #tpu.memory_space<vmem>>) target(%dma_start3A_63 : memref<10240x128xf32, #tpu.memory_space<vmem_shared>>) offsets(%dma_start3A_60 : memref<128xi32, #tpu.memory_space<vmem>>) semaphore(%arg8 : memref<!tpu.dma_semaphore, #tpu.memory_space<semaphore_mem>>) {add = true}
      %mul3A_64 = arith.constant 8 : i32
      %mul3A_65 = arith.muli %scan3A_34, %mul3A_64 : i32
      %add3A_66 = arith.constant 3 : i32
      %add3A_67 = arith.addi %mul3A_65, %add3A_66 : i32
      %dma_start3A_68 = arith.constant 0 : i32
      %dma_start3A_69 = tpu.memref_slice %arg4[%add3A_67, %dma_start3A_68] : memref<80x128xi32, #tpu.memory_space<vmem>> -> memref<1x128xi32, #tpu.memory_space<vmem>>
      %dma_start3A_70 = tpu.memref_squeeze %dma_start3A_69 : memref<1x128xi32, #tpu.memory_space<vmem>> -> memref<128xi32, #tpu.memory_space<vmem>>
      %dma_start3A_71 = arith.constant 0 : i32
      %dma_start3A_72 = arith.constant 0 : i32
      %dma_start3A_73 = tpu.memref_slice %arg7[%dma_start3A_71, %dma_start3A_72] : memref<10240x128xf32, #tpu.memory_space<vmem_shared>> -> memref<10240x128xf32, #tpu.memory_space<vmem_shared>>
      tpu.enqueue_indirect_dma source(%arg5 : memref<128x128xf32, #tpu.memory_space<vmem>>) target(%dma_start3A_73 : memref<10240x128xf32, #tpu.memory_space<vmem_shared>>) offsets(%dma_start3A_70 : memref<128xi32, #tpu.memory_space<vmem>>) semaphore(%arg8 : memref<!tpu.dma_semaphore, #tpu.memory_space<semaphore_mem>>) {add = true}
      %mul3A_74 = arith.constant 8 : i32
      %mul3A_75 = arith.muli %scan3A_34, %mul3A_74 : i32
      %add3A_76 = arith.constant 4 : i32
      %add3A_77 = arith.addi %mul3A_75, %add3A_76 : i32
      %dma_start3A_78 = arith.constant 0 : i32
      %dma_start3A_79 = tpu.memref_slice %arg4[%add3A_77, %dma_start3A_78] : memref<80x128xi32, #tpu.memory_space<vmem>> -> memref<1x128xi32, #tpu.memory_space<vmem>>
      %dma_start3A_80 = tpu.memref_squeeze %dma_start3A_79 : memref<1x128xi32, #tpu.memory_space<vmem>> -> memref<128xi32, #tpu.memory_space<vmem>>
      %dma_start3A_81 = arith.constant 0 : i32
      %dma_start3A_82 = arith.constant 0 : i32
      %dma_start3A_83 = tpu.memref_slice %arg7[%dma_start3A_81, %dma_start3A_82] : memref<10240x128xf32, #tpu.memory_space<vmem_shared>> -> memref<10240x128xf32, #tpu.memory_space<vmem_shared>>
      tpu.enqueue_indirect_dma source(%arg5 : memref<128x128xf32, #tpu.memory_space<vmem>>) target(%dma_start3A_83 : memref<10240x128xf32, #tpu.memory_space<vmem_shared>>) offsets(%dma_start3A_80 : memref<128xi32, #tpu.memory_space<vmem>>) semaphore(%arg8 : memref<!tpu.dma_semaphore, #tpu.memory_space<semaphore_mem>>) {add = true}
      %mul3A_84 = arith.constant 8 : i32
      %mul3A_85 = arith.muli %scan3A_34, %mul3A_84 : i32
      %add3A_86 = arith.constant 5 : i32
      %add3A_87 = arith.addi %mul3A_85, %add3A_86 : i32
      %dma_start3A_88 = arith.constant 0 : i32
      %dma_start3A_89 = tpu.memref_slice %arg4[%add3A_87, %dma_start3A_88] : memref<80x128xi32, #tpu.memory_space<vmem>> -> memref<1x128xi32, #tpu.memory_space<vmem>>
      %dma_start3A_90 = tpu.memref_squeeze %dma_start3A_89 : memref<1x128xi32, #tpu.memory_space<vmem>> -> memref<128xi32, #tpu.memory_space<vmem>>
      %dma_start3A_91 = arith.constant 0 : i32
      %dma_start3A_92 = arith.constant 0 : i32
      %dma_start3A_93 = tpu.memref_slice %arg7[%dma_start3A_91, %dma_start3A_92] : memref<10240x128xf32, #tpu.memory_space<vmem_shared>> -> memref<10240x128xf32, #tpu.memory_space<vmem_shared>>
      tpu.enqueue_indirect_dma source(%arg5 : memref<128x128xf32, #tpu.memory_space<vmem>>) target(%dma_start3A_93 : memref<10240x128xf32, #tpu.memory_space<vmem_shared>>) offsets(%dma_start3A_90 : memref<128xi32, #tpu.memory_space<vmem>>) semaphore(%arg8 : memref<!tpu.dma_semaphore, #tpu.memory_space<semaphore_mem>>) {add = true}
      %mul3A_94 = arith.constant 8 : i32
      %mul3A_95 = arith.muli %scan3A_34, %mul3A_94 : i32
      %add3A_96 = arith.constant 6 : i32
      %add3A_97 = arith.addi %mul3A_95, %add3A_96 : i32
      %dma_start3A_98 = arith.constant 0 : i32
      %dma_start3A_99 = tpu.memref_slice %arg4[%add3A_97, %dma_start3A_98] : memref<80x128xi32, #tpu.memory_space<vmem>> -> memref<1x128xi32, #tpu.memory_space<vmem>>
      %dma_start3A_100 = tpu.memref_squeeze %dma_start3A_99 : memref<1x128xi32, #tpu.memory_space<vmem>> -> memref<128xi32, #tpu.memory_space<vmem>>
      %dma_start3A_101 = arith.constant 0 : i32
      %dma_start3A_102 = arith.constant 0 : i32
      %dma_start3A_103 = tpu.memref_slice %arg7[%dma_start3A_101, %dma_start3A_102] : memref<10240x128xf32, #tpu.memory_space<vmem_shared>> -> memref<10240x128xf32, #tpu.memory_space<vmem_shared>>
      tpu.enqueue_indirect_dma source(%arg5 : memref<128x128xf32, #tpu.memory_space<vmem>>) target(%dma_start3A_103 : memref<10240x128xf32, #tpu.memory_space<vmem_shared>>) offsets(%dma_start3A_100 : memref<128xi32, #tpu.memory_space<vmem>>) semaphore(%arg8 : memref<!tpu.dma_semaphore, #tpu.memory_space<semaphore_mem>>) {add = true}
      %mul3A_104 = arith.constant 8 : i32
      %mul3A_105 = arith.muli %scan3A_34, %mul3A_104 : i32
      %add3A_106 = arith.constant 7 : i32
      %add3A_107 = arith.addi %mul3A_105, %add3A_106 : i32
      %dma_start3A_108 = arith.constant 0 : i32
      %dma_start3A_109 = tpu.memref_slice %arg4[%add3A_107, %dma_start3A_108] : memref<80x128xi32, #tpu.memory_space<vmem>> -> memref<1x128xi32, #tpu.memory_space<vmem>>
      %dma_start3A_110 = tpu.memref_squeeze %dma_start3A_109 : memref<1x128xi32, #tpu.memory_space<vmem>> -> memref<128xi32, #tpu.memory_space<vmem>>
      %dma_start3A_111 = arith.constant 0 : i32
      %dma_start3A_112 = arith.constant 0 : i32
      %dma_start3A_113 = tpu.memref_slice %arg7[%dma_start3A_111, %dma_start3A_112] : memref<10240x128xf32, #tpu.memory_space<vmem_shared>> -> memref<10240x128xf32, #tpu.memory_space<vmem_shared>>
      tpu.enqueue_indirect_dma source(%arg5 : memref<128x128xf32, #tpu.memory_space<vmem>>) target(%dma_start3A_113 : memref<10240x128xf32, #tpu.memory_space<vmem_shared>>) offsets(%dma_start3A_110 : memref<128xi32, #tpu.memory_space<vmem>>) semaphore(%arg8 : memref<!tpu.dma_semaphore, #tpu.memory_space<semaphore_mem>>) {add = true}
      %dma_wait3A = arith.constant 0 : i32
      %dma_wait3A_114 = arith.constant 0 : i32
      %dma_wait3A_115 = tpu.memref_slice %arg4[%dma_wait3A, %dma_wait3A_114] : memref<80x128xi32, #tpu.memory_space<vmem>> -> memref<1x128xi32, #tpu.memory_space<vmem>>
      %dma_wait3A_116 = tpu.memref_squeeze %dma_wait3A_115 : memref<1x128xi32, #tpu.memory_space<vmem>> -> memref<128xi32, #tpu.memory_space<vmem>>
      %dma_wait3A_117 = arith.constant 0 : i32
      %dma_wait3A_118 = arith.constant 0 : i32
      %dma_wait3A_119 = tpu.memref_slice %arg7[%dma_wait3A_117, %dma_wait3A_118] : memref<10240x128xf32, #tpu.memory_space<vmem_shared>> -> memref<10240x128xf32, #tpu.memory_space<vmem_shared>>
      tpu.wait_indirect_dma semaphore(%arg8 : memref<!tpu.dma_semaphore, #tpu.memory_space<semaphore_mem>>) src(%arg5 : memref<128x128xf32, #tpu.memory_space<vmem>>) dst(%dma_wait3A_119 : memref<10240x128xf32, #tpu.memory_space<vmem_shared>>)
      %dma_wait3A_120 = arith.constant 0 : i32
      %dma_wait3A_121 = arith.constant 0 : i32
      %dma_wait3A_122 = tpu.memref_slice %arg4[%dma_wait3A_120, %dma_wait3A_121] : memref<80x128xi32, #tpu.memory_space<vmem>> -> memref<1x128xi32, #tpu.memory_space<vmem>>
      %dma_wait3A_123 = tpu.memref_squeeze %dma_wait3A_122 : memref<1x128xi32, #tpu.memory_space<vmem>> -> memref<128xi32, #tpu.memory_space<vmem>>
      %dma_wait3A_124 = arith.constant 0 : i32
      %dma_wait3A_125 = arith.constant 0 : i32
      %dma_wait3A_126 = tpu.memref_slice %arg7[%dma_wait3A_124, %dma_wait3A_125] : memref<10240x128xf32, #tpu.memory_space<vmem_shared>> -> memref<10240x128xf32, #tpu.memory_space<vmem_shared>>
      tpu.wait_indirect_dma semaphore(%arg8 : memref<!tpu.dma_semaphore, #tpu.memory_space<semaphore_mem>>) src(%arg5 : memref<128x128xf32, #tpu.memory_space<vmem>>) dst(%dma_wait3A_126 : memref<10240x128xf32, #tpu.memory_space<vmem_shared>>)
      %dma_wait3A_127 = arith.constant 0 : i32
      %dma_wait3A_128 = arith.constant 0 : i32
      %dma_wait3A_129 = tpu.memref_slice %arg4[%dma_wait3A_127, %dma_wait3A_128] : memref<80x128xi32, #tpu.memory_space<vmem>> -> memref<1x128xi32, #tpu.memory_space<vmem>>
      %dma_wait3A_130 = tpu.memref_squeeze %dma_wait3A_129 : memref<1x128xi32, #tpu.memory_space<vmem>> -> memref<128xi32, #tpu.memory_space<vmem>>
      %dma_wait3A_131 = arith.constant 0 : i32
      %dma_wait3A_132 = arith.constant 0 : i32
      %dma_wait3A_133 = tpu.memref_slice %arg7[%dma_wait3A_131, %dma_wait3A_132] : memref<10240x128xf32, #tpu.memory_space<vmem_shared>> -> memref<10240x128xf32, #tpu.memory_space<vmem_shared>>
      tpu.wait_indirect_dma semaphore(%arg8 : memref<!tpu.dma_semaphore, #tpu.memory_space<semaphore_mem>>) src(%arg5 : memref<128x128xf32, #tpu.memory_space<vmem>>) dst(%dma_wait3A_133 : memref<10240x128xf32, #tpu.memory_space<vmem_shared>>)
      %dma_wait3A_134 = arith.constant 0 : i32
      %dma_wait3A_135 = arith.constant 0 : i32
      %dma_wait3A_136 = tpu.memref_slice %arg4[%dma_wait3A_134, %dma_wait3A_135] : memref<80x128xi32, #tpu.memory_space<vmem>> -> memref<1x128xi32, #tpu.memory_space<vmem>>
      %dma_wait3A_137 = tpu.memref_squeeze %dma_wait3A_136 : memref<1x128xi32, #tpu.memory_space<vmem>> -> memref<128xi32, #tpu.memory_space<vmem>>
      %dma_wait3A_138 = arith.constant 0 : i32
      %dma_wait3A_139 = arith.constant 0 : i32
      %dma_wait3A_140 = tpu.memref_slice %arg7[%dma_wait3A_138, %dma_wait3A_139] : memref<10240x128xf32, #tpu.memory_space<vmem_shared>> -> memref<10240x128xf32, #tpu.memory_space<vmem_shared>>
      tpu.wait_indirect_dma semaphore(%arg8 : memref<!tpu.dma_semaphore, #tpu.memory_space<semaphore_mem>>) src(%arg5 : memref<128x128xf32, #tpu.memory_space<vmem>>) dst(%dma_wait3A_140 : memref<10240x128xf32, #tpu.memory_space<vmem_shared>>)
      %dma_wait3A_141 = arith.constant 0 : i32
      %dma_wait3A_142 = arith.constant 0 : i32
      %dma_wait3A_143 = tpu.memref_slice %arg4[%dma_wait3A_141, %dma_wait3A_142] : memref<80x128xi32, #tpu.memory_space<vmem>> -> memref<1x128xi32, #tpu.memory_space<vmem>>
      %dma_wait3A_144 = tpu.memref_squeeze %dma_wait3A_143 : memref<1x128xi32, #tpu.memory_space<vmem>> -> memref<128xi32, #tpu.memory_space<vmem>>
      %dma_wait3A_145 = arith.constant 0 : i32
      %dma_wait3A_146 = arith.constant 0 : i32
      %dma_wait3A_147 = tpu.memref_slice %arg7[%dma_wait3A_145, %dma_wait3A_146] : memref<10240x128xf32, #tpu.memory_space<vmem_shared>> -> memref<10240x128xf32, #tpu.memory_space<vmem_shared>>
      tpu.wait_indirect_dma semaphore(%arg8 : memref<!tpu.dma_semaphore, #tpu.memory_space<semaphore_mem>>) src(%arg5 : memref<128x128xf32, #tpu.memory_space<vmem>>) dst(%dma_wait3A_147 : memref<10240x128xf32, #tpu.memory_space<vmem_shared>>)
      %dma_wait3A_148 = arith.constant 0 : i32
      %dma_wait3A_149 = arith.constant 0 : i32
      %dma_wait3A_150 = tpu.memref_slice %arg4[%dma_wait3A_148, %dma_wait3A_149] : memref<80x128xi32, #tpu.memory_space<vmem>> -> memref<1x128xi32, #tpu.memory_space<vmem>>
      %dma_wait3A_151 = tpu.memref_squeeze %dma_wait3A_150 : memref<1x128xi32, #tpu.memory_space<vmem>> -> memref<128xi32, #tpu.memory_space<vmem>>
      %dma_wait3A_152 = arith.constant 0 : i32
      %dma_wait3A_153 = arith.constant 0 : i32
      %dma_wait3A_154 = tpu.memref_slice %arg7[%dma_wait3A_152, %dma_wait3A_153] : memref<10240x128xf32, #tpu.memory_space<vmem_shared>> -> memref<10240x128xf32, #tpu.memory_space<vmem_shared>>
      tpu.wait_indirect_dma semaphore(%arg8 : memref<!tpu.dma_semaphore, #tpu.memory_space<semaphore_mem>>) src(%arg5 : memref<128x128xf32, #tpu.memory_space<vmem>>) dst(%dma_wait3A_154 : memref<10240x128xf32, #tpu.memory_space<vmem_shared>>)
      %dma_wait3A_155 = arith.constant 0 : i32
      %dma_wait3A_156 = arith.constant 0 : i32
      %dma_wait3A_157 = tpu.memref_slice %arg4[%dma_wait3A_155, %dma_wait3A_156] : memref<80x128xi32, #tpu.memory_space<vmem>> -> memref<1x128xi32, #tpu.memory_space<vmem>>
      %dma_wait3A_158 = tpu.memref_squeeze %dma_wait3A_157 : memref<1x128xi32, #tpu.memory_space<vmem>> -> memref<128xi32, #tpu.memory_space<vmem>>
      %dma_wait3A_159 = arith.constant 0 : i32
      %dma_wait3A_160 = arith.constant 0 : i32
      %dma_wait3A_161 = tpu.memref_slice %arg7[%dma_wait3A_159, %dma_wait3A_160] : memref<10240x128xf32, #tpu.memory_space<vmem_shared>> -> memref<10240x128xf32, #tpu.memory_space<vmem_shared>>
      tpu.wait_indirect_dma semaphore(%arg8 : memref<!tpu.dma_semaphore, #tpu.memory_space<semaphore_mem>>) src(%arg5 : memref<128x128xf32, #tpu.memory_space<vmem>>) dst(%dma_wait3A_161 : memref<10240x128xf32, #tpu.memory_space<vmem_shared>>)
      %dma_wait3A_162 = arith.constant 0 : i32
      %dma_wait3A_163 = arith.constant 0 : i32
      %dma_wait3A_164 = tpu.memref_slice %arg4[%dma_wait3A_162, %dma_wait3A_163] : memref<80x128xi32, #tpu.memory_space<vmem>> -> memref<1x128xi32, #tpu.memory_space<vmem>>
      %dma_wait3A_165 = tpu.memref_squeeze %dma_wait3A_164 : memref<1x128xi32, #tpu.memory_space<vmem>> -> memref<128xi32, #tpu.memory_space<vmem>>
      %dma_wait3A_166 = arith.constant 0 : i32
      %dma_wait3A_167 = arith.constant 0 : i32
      %dma_wait3A_168 = tpu.memref_slice %arg7[%dma_wait3A_166, %dma_wait3A_167] : memref<10240x128xf32, #tpu.memory_space<vmem_shared>> -> memref<10240x128xf32, #tpu.memory_space<vmem_shared>>
      tpu.wait_indirect_dma semaphore(%arg8 : memref<!tpu.dma_semaphore, #tpu.memory_space<semaphore_mem>>) src(%arg5 : memref<128x128xf32, #tpu.memory_space<vmem>>) dst(%dma_wait3A_168 : memref<10240x128xf32, #tpu.memory_space<vmem_shared>>)
    }
    %scan3A_32 = arith.constant 10 : i32
    %barrier3A_33 = arith.constant 0 : index
    tpu.barrier barrier_id(%barrier3A_33)
    "tpu.region"() ({
      %run_scoped3A = tpu.sem_alloc : memref<!tpu.dma_semaphore, #tpu.memory_space<semaphore_mem>>
      %dma_start3A = arith.constant 0 : i32
      %dma_start3A_34 = tpu.memref_slice %arg3[%arg0, %mul3A_2, %dma_start3A] : memref<2x10240x128xf32, #tpu.memory_space<hbm>> -> memref<1x640x128xf32, #tpu.memory_space<hbm>>
      %dma_start3A_35 = tpu.memref_squeeze %dma_start3A_34 : memref<1x640x128xf32, #tpu.memory_space<hbm>> -> memref<640x128xf32, #tpu.memory_space<hbm>>
      %dma_start3A_36 = arith.constant 0 : i32
      %dma_start3A_37 = tpu.memref_slice %arg7[%mul3A_2, %dma_start3A_36] : memref<10240x128xf32, #tpu.memory_space<vmem_shared>> -> memref<640x128xf32, #tpu.memory_space<vmem_shared>>
      tpu.enqueue_dma source(%dma_start3A_37 : memref<640x128xf32, #tpu.memory_space<vmem_shared>>) target(%dma_start3A_35 : memref<640x128xf32, #tpu.memory_space<hbm>>) target_semaphore(%run_scoped3A : memref<!tpu.dma_semaphore, #tpu.memory_space<semaphore_mem>>)
      %dma_wait3A = arith.constant 0 : i32
      %dma_wait3A_38 = tpu.memref_slice %arg3[%arg0, %mul3A_2, %dma_wait3A] : memref<2x10240x128xf32, #tpu.memory_space<hbm>> -> memref<1x640x128xf32, #tpu.memory_space<hbm>>
      %dma_wait3A_39 = tpu.memref_squeeze %dma_wait3A_38 : memref<1x640x128xf32, #tpu.memory_space<hbm>> -> memref<640x128xf32, #tpu.memory_space<hbm>>
      %dma_wait3A_40 = arith.constant 0 : i32
      %dma_wait3A_41 = tpu.memref_slice %arg7[%mul3A_2, %dma_wait3A_40] : memref<10240x128xf32, #tpu.memory_space<vmem_shared>> -> memref<640x128xf32, #tpu.memory_space<vmem_shared>>
      tpu.wait_dma2 semaphore(%run_scoped3A : memref<!tpu.dma_semaphore, #tpu.memory_space<semaphore_mem>>) src(%dma_wait3A_41 : memref<640x128xf32, #tpu.memory_space<vmem_shared>>) dst(%dma_wait3A_39 : memref<640x128xf32, #tpu.memory_space<hbm>>)
      tpu.yield
    }) : () -> ()
    return
  }
}

#map = affine_map<(d0, d1) -> (0, 0)>
#map1 = affine_map<(d0, d1) -> (0)>
#map2 = affine_map<(d0, d1) -> (0, 0, 0)>
module attributes {stable_mosaic.version = 14 : i64} {
  func.func @_sc_scatter_body(%arg0: i32, %arg1: i32, %arg2: memref<10240x128xf32, #tpu.memory_space<hbm>>, %arg3: memref<327680xi32, #tpu.memory_space<hbm>>, %arg4: memref<327680xi32, #tpu.memory_space<hbm>>, %arg5: memref<2x10240x128xf32, #tpu.memory_space<hbm>>, %arg6: memref<80xi32, #tpu.memory_space<vmem>>, %arg7: memref<80xi32, #tpu.memory_space<vmem>>, %arg8: memref<80xi32, #tpu.memory_space<vmem>>, %arg9: memref<80xi32, #tpu.memory_space<vmem>>, %arg10: memref<80xi32, #tpu.memory_space<vmem>>, %arg11: memref<80xi32, #tpu.memory_space<vmem>>, %arg12: memref<80xi32, #tpu.memory_space<vmem>>, %arg13: memref<80xi32, #tpu.memory_space<vmem>>, %arg14: memref<80x128xf32, #tpu.memory_space<vmem>>, %arg15: memref<80x128xf32, #tpu.memory_space<vmem>>, %arg16: memref<80x128xf32, #tpu.memory_space<vmem>>, %arg17: memref<80x128xf32, #tpu.memory_space<vmem>>, %arg18: memref<10240x128xf32, #tpu.memory_space<vmem_shared>>, %arg19: memref<!tpu.dma_semaphore, #tpu.memory_space<semaphore_mem>>, %arg20: memref<!tpu.dma_semaphore, #tpu.memory_space<semaphore_mem>>, %arg21: memref<!tpu.dma_semaphore, #tpu.memory_space<semaphore_mem>>, %arg22: memref<!tpu.dma_semaphore, #tpu.memory_space<semaphore_mem>>) attributes {dimension_semantics = [#tpu.dimension_semantics<core_parallel>, #tpu.dimension_semantics<subcore_parallel>], iteration_bounds = array<i64: 2, 16>, scalar_prefetch = 0 : i64, scratch_operands = 17 : i64, tpu.core_type = #tpu.core_type<sc_vector_subcore>, window_params = [{transform_indices = #map}, {transform_indices = #map1}, {transform_indices = #map1}, {transform_indices = #map2}]} {
    %mul3A = arith.constant 16 : i32
    %mul3A_0 = arith.muli %arg0, %mul3A : i32
    %add3A = arith.addi %mul3A_0, %arg1 : i32
    %mul3A_1 = arith.constant 640 : i32
    %mul3A_2 = arith.muli %arg1, %mul3A_1 : i32
    %broadcast_in_dim3A = arith.constant 0.000000e+00 : f32
    %broadcast_in_dim3A_3 = vector.broadcast %broadcast_in_dim3A : f32 to vector<16xf32>
    %scan3A = arith.constant 0 : i32
    %scan3A_4 = arith.constant 0 : i32
    %scan3A_5 = arith.constant 80 : i32
    %scan3A_6 = arith.addi %scan3A_4, %scan3A_5 : i32
    %scan3A_7 = arith.constant 1 : i32
    scf.for %scan3A_56 = %scan3A_4 to %scan3A_6 step %scan3A_7  : i32 {
      %swap3A = arith.index_cast %scan3A_56 : i32 to index
      %swap3A_57 = arith.constant 0 : index
      %swap3A_58 = tpu.vector_load %arg14[%swap3A, %swap3A_57] {strides = array<i32>} : memref<80x128xf32, #tpu.memory_space<vmem>>, vector<1x16xf32>,
      %swap3A_59 = vector.shape_cast %swap3A_58 : vector<1x16xf32> to vector<16xf32>
      %swap3A_60 = vector.shape_cast %broadcast_in_dim3A_3 : vector<16xf32> to vector<1x16xf32>
      tpu.vector_store %arg14[%swap3A, %swap3A_57], %swap3A_60 {strides = array<i32>} : memref<80x128xf32, #tpu.memory_space<vmem>>, vector<1x16xf32>,
      %swap3A_61 = arith.index_cast %scan3A_56 : i32 to index
      %swap3A_62 = arith.constant 16 : index
      %swap3A_63 = tpu.vector_load %arg14[%swap3A_61, %swap3A_62] {strides = array<i32>} : memref<80x128xf32, #tpu.memory_space<vmem>>, vector<1x16xf32>,
      %swap3A_64 = vector.shape_cast %swap3A_63 : vector<1x16xf32> to vector<16xf32>
      %swap3A_65 = vector.shape_cast %broadcast_in_dim3A_3 : vector<16xf32> to vector<1x16xf32>
      tpu.vector_store %arg14[%swap3A_61, %swap3A_62], %swap3A_65 {strides = array<i32>} : memref<80x128xf32, #tpu.memory_space<vmem>>, vector<1x16xf32>,
      %swap3A_66 = arith.index_cast %scan3A_56 : i32 to index
      %swap3A_67 = arith.constant 32 : index
      %swap3A_68 = tpu.vector_load %arg14[%swap3A_66, %swap3A_67] {strides = array<i32>} : memref<80x128xf32, #tpu.memory_space<vmem>>, vector<1x16xf32>,
      %swap3A_69 = vector.shape_cast %swap3A_68 : vector<1x16xf32> to vector<16xf32>
      %swap3A_70 = vector.shape_cast %broadcast_in_dim3A_3 : vector<16xf32> to vector<1x16xf32>
      tpu.vector_store %arg14[%swap3A_66, %swap3A_67], %swap3A_70 {strides = array<i32>} : memref<80x128xf32, #tpu.memory_space<vmem>>, vector<1x16xf32>,
      %swap3A_71 = arith.index_cast %scan3A_56 : i32 to index
      %swap3A_72 = arith.constant 48 : index
      %swap3A_73 = tpu.vector_load %arg14[%swap3A_71, %swap3A_72] {strides = array<i32>} : memref<80x128xf32, #tpu.memory_space<vmem>>, vector<1x16xf32>,
      %swap3A_74 = vector.shape_cast %swap3A_73 : vector<1x16xf32> to vector<16xf32>
      %swap3A_75 = vector.shape_cast %broadcast_in_dim3A_3 : vector<16xf32> to vector<1x16xf32>
      tpu.vector_store %arg14[%swap3A_71, %swap3A_72], %swap3A_75 {strides = array<i32>} : memref<80x128xf32, #tpu.memory_space<vmem>>, vector<1x16xf32>,
      %swap3A_76 = arith.index_cast %scan3A_56 : i32 to index
      %swap3A_77 = arith.constant 64 : index
      %swap3A_78 = tpu.vector_load %arg14[%swap3A_76, %swap3A_77] {strides = array<i32>} : memref<80x128xf32, #tpu.memory_space<vmem>>, vector<1x16xf32>,
      %swap3A_79 = vector.shape_cast %swap3A_78 : vector<1x16xf32> to vector<16xf32>
      %swap3A_80 = vector.shape_cast %broadcast_in_dim3A_3 : vector<16xf32> to vector<1x16xf32>
      tpu.vector_store %arg14[%swap3A_76, %swap3A_77], %swap3A_80 {strides = array<i32>} : memref<80x128xf32, #tpu.memory_space<vmem>>, vector<1x16xf32>,
      %swap3A_81 = arith.index_cast %scan3A_56 : i32 to index
      %swap3A_82 = arith.constant 80 : index
      %swap3A_83 = tpu.vector_load %arg14[%swap3A_81, %swap3A_82] {strides = array<i32>} : memref<80x128xf32, #tpu.memory_space<vmem>>, vector<1x16xf32>,
      %swap3A_84 = vector.shape_cast %swap3A_83 : vector<1x16xf32> to vector<16xf32>
      %swap3A_85 = vector.shape_cast %broadcast_in_dim3A_3 : vector<16xf32> to vector<1x16xf32>
      tpu.vector_store %arg14[%swap3A_81, %swap3A_82], %swap3A_85 {strides = array<i32>} : memref<80x128xf32, #tpu.memory_space<vmem>>, vector<1x16xf32>,
      %swap3A_86 = arith.index_cast %scan3A_56 : i32 to index
      %swap3A_87 = arith.constant 96 : index
      %swap3A_88 = tpu.vector_load %arg14[%swap3A_86, %swap3A_87] {strides = array<i32>} : memref<80x128xf32, #tpu.memory_space<vmem>>, vector<1x16xf32>,
      %swap3A_89 = vector.shape_cast %swap3A_88 : vector<1x16xf32> to vector<16xf32>
      %swap3A_90 = vector.shape_cast %broadcast_in_dim3A_3 : vector<16xf32> to vector<1x16xf32>
      tpu.vector_store %arg14[%swap3A_86, %swap3A_87], %swap3A_90 {strides = array<i32>} : memref<80x128xf32, #tpu.memory_space<vmem>>, vector<1x16xf32>,
      %swap3A_91 = arith.index_cast %scan3A_56 : i32 to index
      %swap3A_92 = arith.constant 112 : index
      %swap3A_93 = tpu.vector_load %arg14[%swap3A_91, %swap3A_92] {strides = array<i32>} : memref<80x128xf32, #tpu.memory_space<vmem>>, vector<1x16xf32>,
      %swap3A_94 = vector.shape_cast %swap3A_93 : vector<1x16xf32> to vector<16xf32>
      %swap3A_95 = vector.shape_cast %broadcast_in_dim3A_3 : vector<16xf32> to vector<1x16xf32>
      tpu.vector_store %arg14[%swap3A_91, %swap3A_92], %swap3A_95 {strides = array<i32>} : memref<80x128xf32, #tpu.memory_space<vmem>>, vector<1x16xf32>,
    }
    %scan3A_8 = arith.constant 80 : i32
    %add3A_9 = arith.constant 0 : i32
    %add3A_10 = arith.addi %mul3A_2, %add3A_9 : i32
    "tpu.region"() ({
      %run_scoped3A = tpu.sem_alloc : memref<!tpu.dma_semaphore, #tpu.memory_space<semaphore_mem>>
      %dma_start3A_56 = arith.constant 0 : i32
      %dma_start3A_57 = tpu.memref_slice %arg18[%add3A_10, %dma_start3A_56] : memref<10240x128xf32, #tpu.memory_space<vmem_shared>> -> memref<80x128xf32, #tpu.memory_space<vmem_shared>>
      %dma_start3A_58 = arith.constant 0 : i32
      %dma_start3A_59 = tpu.memref_slice %arg18[%add3A_10, %dma_start3A_58] : memref<10240x128xf32, #tpu.memory_space<vmem_shared>> -> memref<80x128xf32, #tpu.memory_space<vmem_shared>>
      tpu.enqueue_dma source(%arg14 : memref<80x128xf32, #tpu.memory_space<vmem>>) target(%dma_start3A_59 : memref<80x128xf32, #tpu.memory_space<vmem_shared>>) target_semaphore(%run_scoped3A : memref<!tpu.dma_semaphore, #tpu.memory_space<semaphore_mem>>)
      %dma_wait3A_60 = arith.constant 0 : i32
      %dma_wait3A_61 = tpu.memref_slice %arg18[%add3A_10, %dma_wait3A_60] : memref<10240x128xf32, #tpu.memory_space<vmem_shared>> -> memref<80x128xf32, #tpu.memory_space<vmem_shared>>
      %dma_wait3A_62 = arith.constant 0 : i32
      %dma_wait3A_63 = tpu.memref_slice %arg18[%add3A_10, %dma_wait3A_62] : memref<10240x128xf32, #tpu.memory_space<vmem_shared>> -> memref<80x128xf32, #tpu.memory_space<vmem_shared>>
      tpu.wait_dma2 semaphore(%run_scoped3A : memref<!tpu.dma_semaphore, #tpu.memory_space<semaphore_mem>>) src(%arg14 : memref<80x128xf32, #tpu.memory_space<vmem>>) dst(%dma_wait3A_63 : memref<80x128xf32, #tpu.memory_space<vmem_shared>>)
      tpu.yield
    }) : () -> ()
    %add3A_11 = arith.constant 80 : i32
    %add3A_12 = arith.addi %mul3A_2, %add3A_11 : i32
    "tpu.region"() ({
      %run_scoped3A = tpu.sem_alloc : memref<!tpu.dma_semaphore, #tpu.memory_space<semaphore_mem>>
      %dma_start3A_56 = arith.constant 0 : i32
      %dma_start3A_57 = tpu.memref_slice %arg18[%add3A_12, %dma_start3A_56] : memref<10240x128xf32, #tpu.memory_space<vmem_shared>> -> memref<80x128xf32, #tpu.memory_space<vmem_shared>>
      %dma_start3A_58 = arith.constant 0 : i32
      %dma_start3A_59 = tpu.memref_slice %arg18[%add3A_12, %dma_start3A_58] : memref<10240x128xf32, #tpu.memory_space<vmem_shared>> -> memref<80x128xf32, #tpu.memory_space<vmem_shared>>
      tpu.enqueue_dma source(%arg14 : memref<80x128xf32, #tpu.memory_space<vmem>>) target(%dma_start3A_59 : memref<80x128xf32, #tpu.memory_space<vmem_shared>>) target_semaphore(%run_scoped3A : memref<!tpu.dma_semaphore, #tpu.memory_space<semaphore_mem>>)
      %dma_wait3A_60 = arith.constant 0 : i32
      %dma_wait3A_61 = tpu.memref_slice %arg18[%add3A_12, %dma_wait3A_60] : memref<10240x128xf32, #tpu.memory_space<vmem_shared>> -> memref<80x128xf32, #tpu.memory_space<vmem_shared>>
      %dma_wait3A_62 = arith.constant 0 : i32
      %dma_wait3A_63 = tpu.memref_slice %arg18[%add3A_12, %dma_wait3A_62] : memref<10240x128xf32, #tpu.memory_space<vmem_shared>> -> memref<80x128xf32, #tpu.memory_space<vmem_shared>>
      tpu.wait_dma2 semaphore(%run_scoped3A : memref<!tpu.dma_semaphore, #tpu.memory_space<semaphore_mem>>) src(%arg14 : memref<80x128xf32, #tpu.memory_space<vmem>>) dst(%dma_wait3A_63 : memref<80x128xf32, #tpu.memory_space<vmem_shared>>)
      tpu.yield
    }) : () -> ()
    %add3A_13 = arith.constant 160 : i32
    %add3A_14 = arith.addi %mul3A_2, %add3A_13 : i32
    "tpu.region"() ({
      %run_scoped3A = tpu.sem_alloc : memref<!tpu.dma_semaphore, #tpu.memory_space<semaphore_mem>>
      %dma_start3A_56 = arith.constant 0 : i32
      %dma_start3A_57 = tpu.memref_slice %arg18[%add3A_14, %dma_start3A_56] : memref<10240x128xf32, #tpu.memory_space<vmem_shared>> -> memref<80x128xf32, #tpu.memory_space<vmem_shared>>
      %dma_start3A_58 = arith.constant 0 : i32
      %dma_start3A_59 = tpu.memref_slice %arg18[%add3A_14, %dma_start3A_58] : memref<10240x128xf32, #tpu.memory_space<vmem_shared>> -> memref<80x128xf32, #tpu.memory_space<vmem_shared>>
      tpu.enqueue_dma source(%arg14 : memref<80x128xf32, #tpu.memory_space<vmem>>) target(%dma_start3A_59 : memref<80x128xf32, #tpu.memory_space<vmem_shared>>) target_semaphore(%run_scoped3A : memref<!tpu.dma_semaphore, #tpu.memory_space<semaphore_mem>>)
      %dma_wait3A_60 = arith.constant 0 : i32
      %dma_wait3A_61 = tpu.memref_slice %arg18[%add3A_14, %dma_wait3A_60] : memref<10240x128xf32, #tpu.memory_space<vmem_shared>> -> memref<80x128xf32, #tpu.memory_space<vmem_shared>>
      %dma_wait3A_62 = arith.constant 0 : i32
      %dma_wait3A_63 = tpu.memref_slice %arg18[%add3A_14, %dma_wait3A_62] : memref<10240x128xf32, #tpu.memory_space<vmem_shared>> -> memref<80x128xf32, #tpu.memory_space<vmem_shared>>
      tpu.wait_dma2 semaphore(%run_scoped3A : memref<!tpu.dma_semaphore, #tpu.memory_space<semaphore_mem>>) src(%arg14 : memref<80x128xf32, #tpu.memory_space<vmem>>) dst(%dma_wait3A_63 : memref<80x128xf32, #tpu.memory_space<vmem_shared>>)
      tpu.yield
    }) : () -> ()
    %add3A_15 = arith.constant 240 : i32
    %add3A_16 = arith.addi %mul3A_2, %add3A_15 : i32
    "tpu.region"() ({
      %run_scoped3A = tpu.sem_alloc : memref<!tpu.dma_semaphore, #tpu.memory_space<semaphore_mem>>
      %dma_start3A_56 = arith.constant 0 : i32
      %dma_start3A_57 = tpu.memref_slice %arg18[%add3A_16, %dma_start3A_56] : memref<10240x128xf32, #tpu.memory_space<vmem_shared>> -> memref<80x128xf32, #tpu.memory_space<vmem_shared>>
      %dma_start3A_58 = arith.constant 0 : i32
      %dma_start3A_59 = tpu.memref_slice %arg18[%add3A_16, %dma_start3A_58] : memref<10240x128xf32, #tpu.memory_space<vmem_shared>> -> memref<80x128xf32, #tpu.memory_space<vmem_shared>>
      tpu.enqueue_dma source(%arg14 : memref<80x128xf32, #tpu.memory_space<vmem>>) target(%dma_start3A_59 : memref<80x128xf32, #tpu.memory_space<vmem_shared>>) target_semaphore(%run_scoped3A : memref<!tpu.dma_semaphore, #tpu.memory_space<semaphore_mem>>)
      %dma_wait3A_60 = arith.constant 0 : i32
      %dma_wait3A_61 = tpu.memref_slice %arg18[%add3A_16, %dma_wait3A_60] : memref<10240x128xf32, #tpu.memory_space<vmem_shared>> -> memref<80x128xf32, #tpu.memory_space<vmem_shared>>
      %dma_wait3A_62 = arith.constant 0 : i32
      %dma_wait3A_63 = tpu.memref_slice %arg18[%add3A_16, %dma_wait3A_62] : memref<10240x128xf32, #tpu.memory_space<vmem_shared>> -> memref<80x128xf32, #tpu.memory_space<vmem_shared>>
      tpu.wait_dma2 semaphore(%run_scoped3A : memref<!tpu.dma_semaphore, #tpu.memory_space<semaphore_mem>>) src(%arg14 : memref<80x128xf32, #tpu.memory_space<vmem>>) dst(%dma_wait3A_63 : memref<80x128xf32, #tpu.memory_space<vmem_shared>>)
      tpu.yield
    }) : () -> ()
    %add3A_17 = arith.constant 320 : i32
    %add3A_18 = arith.addi %mul3A_2, %add3A_17 : i32
    "tpu.region"() ({
      %run_scoped3A = tpu.sem_alloc : memref<!tpu.dma_semaphore, #tpu.memory_space<semaphore_mem>>
      %dma_start3A_56 = arith.constant 0 : i32
      %dma_start3A_57 = tpu.memref_slice %arg18[%add3A_18, %dma_start3A_56] : memref<10240x128xf32, #tpu.memory_space<vmem_shared>> -> memref<80x128xf32, #tpu.memory_space<vmem_shared>>
      %dma_start3A_58 = arith.constant 0 : i32
      %dma_start3A_59 = tpu.memref_slice %arg18[%add3A_18, %dma_start3A_58] : memref<10240x128xf32, #tpu.memory_space<vmem_shared>> -> memref<80x128xf32, #tpu.memory_space<vmem_shared>>
      tpu.enqueue_dma source(%arg14 : memref<80x128xf32, #tpu.memory_space<vmem>>) target(%dma_start3A_59 : memref<80x128xf32, #tpu.memory_space<vmem_shared>>) target_semaphore(%run_scoped3A : memref<!tpu.dma_semaphore, #tpu.memory_space<semaphore_mem>>)
      %dma_wait3A_60 = arith.constant 0 : i32
      %dma_wait3A_61 = tpu.memref_slice %arg18[%add3A_18, %dma_wait3A_60] : memref<10240x128xf32, #tpu.memory_space<vmem_shared>> -> memref<80x128xf32, #tpu.memory_space<vmem_shared>>
      %dma_wait3A_62 = arith.constant 0 : i32
      %dma_wait3A_63 = tpu.memref_slice %arg18[%add3A_18, %dma_wait3A_62] : memref<10240x128xf32, #tpu.memory_space<vmem_shared>> -> memref<80x128xf32, #tpu.memory_space<vmem_shared>>
      tpu.wait_dma2 semaphore(%run_scoped3A : memref<!tpu.dma_semaphore, #tpu.memory_space<semaphore_mem>>) src(%arg14 : memref<80x128xf32, #tpu.memory_space<vmem>>) dst(%dma_wait3A_63 : memref<80x128xf32, #tpu.memory_space<vmem_shared>>)
      tpu.yield
    }) : () -> ()
    %add3A_19 = arith.constant 400 : i32
    %add3A_20 = arith.addi %mul3A_2, %add3A_19 : i32
    "tpu.region"() ({
      %run_scoped3A = tpu.sem_alloc : memref<!tpu.dma_semaphore, #tpu.memory_space<semaphore_mem>>
      %dma_start3A_56 = arith.constant 0 : i32
      %dma_start3A_57 = tpu.memref_slice %arg18[%add3A_20, %dma_start3A_56] : memref<10240x128xf32, #tpu.memory_space<vmem_shared>> -> memref<80x128xf32, #tpu.memory_space<vmem_shared>>
      %dma_start3A_58 = arith.constant 0 : i32
      %dma_start3A_59 = tpu.memref_slice %arg18[%add3A_20, %dma_start3A_58] : memref<10240x128xf32, #tpu.memory_space<vmem_shared>> -> memref<80x128xf32, #tpu.memory_space<vmem_shared>>
      tpu.enqueue_dma source(%arg14 : memref<80x128xf32, #tpu.memory_space<vmem>>) target(%dma_start3A_59 : memref<80x128xf32, #tpu.memory_space<vmem_shared>>) target_semaphore(%run_scoped3A : memref<!tpu.dma_semaphore, #tpu.memory_space<semaphore_mem>>)
      %dma_wait3A_60 = arith.constant 0 : i32
      %dma_wait3A_61 = tpu.memref_slice %arg18[%add3A_20, %dma_wait3A_60] : memref<10240x128xf32, #tpu.memory_space<vmem_shared>> -> memref<80x128xf32, #tpu.memory_space<vmem_shared>>
      %dma_wait3A_62 = arith.constant 0 : i32
      %dma_wait3A_63 = tpu.memref_slice %arg18[%add3A_20, %dma_wait3A_62] : memref<10240x128xf32, #tpu.memory_space<vmem_shared>> -> memref<80x128xf32, #tpu.memory_space<vmem_shared>>
      tpu.wait_dma2 semaphore(%run_scoped3A : memref<!tpu.dma_semaphore, #tpu.memory_space<semaphore_mem>>) src(%arg14 : memref<80x128xf32, #tpu.memory_space<vmem>>) dst(%dma_wait3A_63 : memref<80x128xf32, #tpu.memory_space<vmem_shared>>)
      tpu.yield
    }) : () -> ()
    %add3A_21 = arith.constant 480 : i32
    %add3A_22 = arith.addi %mul3A_2, %add3A_21 : i32
    "tpu.region"() ({
      %run_scoped3A = tpu.sem_alloc : memref<!tpu.dma_semaphore, #tpu.memory_space<semaphore_mem>>
      %dma_start3A_56 = arith.constant 0 : i32
      %dma_start3A_57 = tpu.memref_slice %arg18[%add3A_22, %dma_start3A_56] : memref<10240x128xf32, #tpu.memory_space<vmem_shared>> -> memref<80x128xf32, #tpu.memory_space<vmem_shared>>
      %dma_start3A_58 = arith.constant 0 : i32
      %dma_start3A_59 = tpu.memref_slice %arg18[%add3A_22, %dma_start3A_58] : memref<10240x128xf32, #tpu.memory_space<vmem_shared>> -> memref<80x128xf32, #tpu.memory_space<vmem_shared>>
      tpu.enqueue_dma source(%arg14 : memref<80x128xf32, #tpu.memory_space<vmem>>) target(%dma_start3A_59 : memref<80x128xf32, #tpu.memory_space<vmem_shared>>) target_semaphore(%run_scoped3A : memref<!tpu.dma_semaphore, #tpu.memory_space<semaphore_mem>>)
      %dma_wait3A_60 = arith.constant 0 : i32
      %dma_wait3A_61 = tpu.memref_slice %arg18[%add3A_22, %dma_wait3A_60] : memref<10240x128xf32, #tpu.memory_space<vmem_shared>> -> memref<80x128xf32, #tpu.memory_space<vmem_shared>>
      %dma_wait3A_62 = arith.constant 0 : i32
      %dma_wait3A_63 = tpu.memref_slice %arg18[%add3A_22, %dma_wait3A_62] : memref<10240x128xf32, #tpu.memory_space<vmem_shared>> -> memref<80x128xf32, #tpu.memory_space<vmem_shared>>
      tpu.wait_dma2 semaphore(%run_scoped3A : memref<!tpu.dma_semaphore, #tpu.memory_space<semaphore_mem>>) src(%arg14 : memref<80x128xf32, #tpu.memory_space<vmem>>) dst(%dma_wait3A_63 : memref<80x128xf32, #tpu.memory_space<vmem_shared>>)
      tpu.yield
    }) : () -> ()
    %add3A_23 = arith.constant 560 : i32
    %add3A_24 = arith.addi %mul3A_2, %add3A_23 : i32
    "tpu.region"() ({
      %run_scoped3A = tpu.sem_alloc : memref<!tpu.dma_semaphore, #tpu.memory_space<semaphore_mem>>
      %dma_start3A_56 = arith.constant 0 : i32
      %dma_start3A_57 = tpu.memref_slice %arg18[%add3A_24, %dma_start3A_56] : memref<10240x128xf32, #tpu.memory_space<vmem_shared>> -> memref<80x128xf32, #tpu.memory_space<vmem_shared>>
      %dma_start3A_58 = arith.constant 0 : i32
      %dma_start3A_59 = tpu.memref_slice %arg18[%add3A_24, %dma_start3A_58] : memref<10240x128xf32, #tpu.memory_space<vmem_shared>> -> memref<80x128xf32, #tpu.memory_space<vmem_shared>>
      tpu.enqueue_dma source(%arg14 : memref<80x128xf32, #tpu.memory_space<vmem>>) target(%dma_start3A_59 : memref<80x128xf32, #tpu.memory_space<vmem_shared>>) target_semaphore(%run_scoped3A : memref<!tpu.dma_semaphore, #tpu.memory_space<semaphore_mem>>)
      %dma_wait3A_60 = arith.constant 0 : i32
      %dma_wait3A_61 = tpu.memref_slice %arg18[%add3A_24, %dma_wait3A_60] : memref<10240x128xf32, #tpu.memory_space<vmem_shared>> -> memref<80x128xf32, #tpu.memory_space<vmem_shared>>
      %dma_wait3A_62 = arith.constant 0 : i32
      %dma_wait3A_63 = tpu.memref_slice %arg18[%add3A_24, %dma_wait3A_62] : memref<10240x128xf32, #tpu.memory_space<vmem_shared>> -> memref<80x128xf32, #tpu.memory_space<vmem_shared>>
      tpu.wait_dma2 semaphore(%run_scoped3A : memref<!tpu.dma_semaphore, #tpu.memory_space<semaphore_mem>>) src(%arg14 : memref<80x128xf32, #tpu.memory_space<vmem>>) dst(%dma_wait3A_63 : memref<80x128xf32, #tpu.memory_space<vmem_shared>>)
      tpu.yield
    }) : () -> ()
    %barrier3A = arith.constant 0 : index
    tpu.barrier barrier_id(%barrier3A)
    %mul3A_25 = arith.constant 10240 : i32
    %mul3A_26 = arith.muli %add3A, %mul3A_25 : i32
    %add3A_27 = arith.constant 0 : i32
    %add3A_28 = arith.addi %mul3A_26, %add3A_27 : i32
    "tpu.region"() ({
      %run_scoped3A = tpu.sem_alloc : memref<!tpu.dma_semaphore, #tpu.memory_space<semaphore_mem>>
      %dma_start3A_56 = tpu.memref_slice %arg3[%add3A_28] : memref<327680xi32, #tpu.memory_space<hbm>> -> memref<80xi32, #tpu.memory_space<hbm>>
      %dma_start3A_57 = tpu.memref_slice %arg3[%add3A_28] : memref<327680xi32, #tpu.memory_space<hbm>> -> memref<80xi32, #tpu.memory_space<hbm>>
      tpu.enqueue_dma source(%dma_start3A_57 : memref<80xi32, #tpu.memory_space<hbm>>) target(%arg6 : memref<80xi32, #tpu.memory_space<vmem>>) target_semaphore(%run_scoped3A : memref<!tpu.dma_semaphore, #tpu.memory_space<semaphore_mem>>)
      %dma_wait3A_58 = tpu.memref_slice %arg3[%add3A_28] : memref<327680xi32, #tpu.memory_space<hbm>> -> memref<80xi32, #tpu.memory_space<hbm>>
      %dma_wait3A_59 = tpu.memref_slice %arg3[%add3A_28] : memref<327680xi32, #tpu.memory_space<hbm>> -> memref<80xi32, #tpu.memory_space<hbm>>
      tpu.wait_dma2 semaphore(%run_scoped3A : memref<!tpu.dma_semaphore, #tpu.memory_space<semaphore_mem>>) src(%dma_wait3A_59 : memref<80xi32, #tpu.memory_space<hbm>>) dst(%arg6 : memref<80xi32, #tpu.memory_space<vmem>>)
      tpu.yield
    }) : () -> ()
    "tpu.region"() ({
      %run_scoped3A = tpu.sem_alloc : memref<!tpu.dma_semaphore, #tpu.memory_space<semaphore_mem>>
      %dma_start3A_56 = tpu.memref_slice %arg4[%add3A_28] : memref<327680xi32, #tpu.memory_space<hbm>> -> memref<80xi32, #tpu.memory_space<hbm>>
      %dma_start3A_57 = tpu.memref_slice %arg4[%add3A_28] : memref<327680xi32, #tpu.memory_space<hbm>> -> memref<80xi32, #tpu.memory_space<hbm>>
      tpu.enqueue_dma source(%dma_start3A_57 : memref<80xi32, #tpu.memory_space<hbm>>) target(%arg10 : memref<80xi32, #tpu.memory_space<vmem>>) target_semaphore(%run_scoped3A : memref<!tpu.dma_semaphore, #tpu.memory_space<semaphore_mem>>)
      %dma_wait3A_58 = tpu.memref_slice %arg4[%add3A_28] : memref<327680xi32, #tpu.memory_space<hbm>> -> memref<80xi32, #tpu.memory_space<hbm>>
      %dma_wait3A_59 = tpu.memref_slice %arg4[%add3A_28] : memref<327680xi32, #tpu.memory_space<hbm>> -> memref<80xi32, #tpu.memory_space<hbm>>
      tpu.wait_dma2 semaphore(%run_scoped3A : memref<!tpu.dma_semaphore, #tpu.memory_space<semaphore_mem>>) src(%dma_wait3A_59 : memref<80xi32, #tpu.memory_space<hbm>>) dst(%arg10 : memref<80xi32, #tpu.memory_space<vmem>>)
      tpu.yield
    }) : () -> ()
    %dma_start3A = arith.constant 0 : i32
    %dma_start3A_29 = arith.constant 0 : i32
    %dma_start3A_30 = tpu.memref_slice %arg2[%dma_start3A, %dma_start3A_29] : memref<10240x128xf32, #tpu.memory_space<hbm>> -> memref<10240x128xf32, #tpu.memory_space<hbm>>
    tpu.enqueue_indirect_dma source(%dma_start3A_30 : memref<10240x128xf32, #tpu.memory_space<hbm>>) target(%arg14 : memref<80x128xf32, #tpu.memory_space<vmem>>) offsets(%arg6 : memref<80xi32, #tpu.memory_space<vmem>>) semaphore(%arg19 : memref<!tpu.dma_semaphore, #tpu.memory_space<semaphore_mem>>)
    %add3A_31 = arith.constant 80 : i32
    %add3A_32 = arith.addi %mul3A_26, %add3A_31 : i32
    "tpu.region"() ({
      %run_scoped3A = tpu.sem_alloc : memref<!tpu.dma_semaphore, #tpu.memory_space<semaphore_mem>>
      %dma_start3A_56 = tpu.memref_slice %arg3[%add3A_32] : memref<327680xi32, #tpu.memory_space<hbm>> -> memref<80xi32, #tpu.memory_space<hbm>>
      %dma_start3A_57 = tpu.memref_slice %arg3[%add3A_32] : memref<327680xi32, #tpu.memory_space<hbm>> -> memref<80xi32, #tpu.memory_space<hbm>>
      tpu.enqueue_dma source(%dma_start3A_57 : memref<80xi32, #tpu.memory_space<hbm>>) target(%arg7 : memref<80xi32, #tpu.memory_space<vmem>>) target_semaphore(%run_scoped3A : memref<!tpu.dma_semaphore, #tpu.memory_space<semaphore_mem>>)
      %dma_wait3A_58 = tpu.memref_slice %arg3[%add3A_32] : memref<327680xi32, #tpu.memory_space<hbm>> -> memref<80xi32, #tpu.memory_space<hbm>>
      %dma_wait3A_59 = tpu.memref_slice %arg3[%add3A_32] : memref<327680xi32, #tpu.memory_space<hbm>> -> memref<80xi32, #tpu.memory_space<hbm>>
      tpu.wait_dma2 semaphore(%run_scoped3A : memref<!tpu.dma_semaphore, #tpu.memory_space<semaphore_mem>>) src(%dma_wait3A_59 : memref<80xi32, #tpu.memory_space<hbm>>) dst(%arg7 : memref<80xi32, #tpu.memory_space<vmem>>)
      tpu.yield
    }) : () -> ()
    "tpu.region"() ({
      %run_scoped3A = tpu.sem_alloc : memref<!tpu.dma_semaphore, #tpu.memory_space<semaphore_mem>>
      %dma_start3A_56 = tpu.memref_slice %arg4[%add3A_32] : memref<327680xi32, #tpu.memory_space<hbm>> -> memref<80xi32, #tpu.memory_space<hbm>>
      %dma_start3A_57 = tpu.memref_slice %arg4[%add3A_32] : memref<327680xi32, #tpu.memory_space<hbm>> -> memref<80xi32, #tpu.memory_space<hbm>>
      tpu.enqueue_dma source(%dma_start3A_57 : memref<80xi32, #tpu.memory_space<hbm>>) target(%arg11 : memref<80xi32, #tpu.memory_space<vmem>>) target_semaphore(%run_scoped3A : memref<!tpu.dma_semaphore, #tpu.memory_space<semaphore_mem>>)
      %dma_wait3A_58 = tpu.memref_slice %arg4[%add3A_32] : memref<327680xi32, #tpu.memory_space<hbm>> -> memref<80xi32, #tpu.memory_space<hbm>>
      %dma_wait3A_59 = tpu.memref_slice %arg4[%add3A_32] : memref<327680xi32, #tpu.memory_space<hbm>> -> memref<80xi32, #tpu.memory_space<hbm>>
      tpu.wait_dma2 semaphore(%run_scoped3A : memref<!tpu.dma_semaphore, #tpu.memory_space<semaphore_mem>>) src(%dma_wait3A_59 : memref<80xi32, #tpu.memory_space<hbm>>) dst(%arg11 : memref<80xi32, #tpu.memory_space<vmem>>)
      tpu.yield
    }) : () -> ()
    %dma_start3A_33 = arith.constant 0 : i32
    %dma_start3A_34 = arith.constant 0 : i32
    %dma_start3A_35 = tpu.memref_slice %arg2[%dma_start3A_33, %dma_start3A_34] : memref<10240x128xf32, #tpu.memory_space<hbm>> -> memref<10240x128xf32, #tpu.memory_space<hbm>>
    tpu.enqueue_indirect_dma source(%dma_start3A_35 : memref<10240x128xf32, #tpu.memory_space<hbm>>) target(%arg15 : memref<80x128xf32, #tpu.memory_space<vmem>>) offsets(%arg7 : memref<80xi32, #tpu.memory_space<vmem>>) semaphore(%arg20 : memref<!tpu.dma_semaphore, #tpu.memory_space<semaphore_mem>>)
    %add3A_36 = arith.constant 160 : i32
    %add3A_37 = arith.addi %mul3A_26, %add3A_36 : i32
    "tpu.region"() ({
      %run_scoped3A = tpu.sem_alloc : memref<!tpu.dma_semaphore, #tpu.memory_space<semaphore_mem>>
      %dma_start3A_56 = tpu.memref_slice %arg3[%add3A_37] : memref<327680xi32, #tpu.memory_space<hbm>> -> memref<80xi32, #tpu.memory_space<hbm>>
      %dma_start3A_57 = tpu.memref_slice %arg3[%add3A_37] : memref<327680xi32, #tpu.memory_space<hbm>> -> memref<80xi32, #tpu.memory_space<hbm>>
      tpu.enqueue_dma source(%dma_start3A_57 : memref<80xi32, #tpu.memory_space<hbm>>) target(%arg8 : memref<80xi32, #tpu.memory_space<vmem>>) target_semaphore(%run_scoped3A : memref<!tpu.dma_semaphore, #tpu.memory_space<semaphore_mem>>)
      %dma_wait3A_58 = tpu.memref_slice %arg3[%add3A_37] : memref<327680xi32, #tpu.memory_space<hbm>> -> memref<80xi32, #tpu.memory_space<hbm>>
      %dma_wait3A_59 = tpu.memref_slice %arg3[%add3A_37] : memref<327680xi32, #tpu.memory_space<hbm>> -> memref<80xi32, #tpu.memory_space<hbm>>
      tpu.wait_dma2 semaphore(%run_scoped3A : memref<!tpu.dma_semaphore, #tpu.memory_space<semaphore_mem>>) src(%dma_wait3A_59 : memref<80xi32, #tpu.memory_space<hbm>>) dst(%arg8 : memref<80xi32, #tpu.memory_space<vmem>>)
      tpu.yield
    }) : () -> ()
    "tpu.region"() ({
      %run_scoped3A = tpu.sem_alloc : memref<!tpu.dma_semaphore, #tpu.memory_space<semaphore_mem>>
      %dma_start3A_56 = tpu.memref_slice %arg4[%add3A_37] : memref<327680xi32, #tpu.memory_space<hbm>> -> memref<80xi32, #tpu.memory_space<hbm>>
      %dma_start3A_57 = tpu.memref_slice %arg4[%add3A_37] : memref<327680xi32, #tpu.memory_space<hbm>> -> memref<80xi32, #tpu.memory_space<hbm>>
      tpu.enqueue_dma source(%dma_start3A_57 : memref<80xi32, #tpu.memory_space<hbm>>) target(%arg12 : memref<80xi32, #tpu.memory_space<vmem>>) target_semaphore(%run_scoped3A : memref<!tpu.dma_semaphore, #tpu.memory_space<semaphore_mem>>)
      %dma_wait3A_58 = tpu.memref_slice %arg4[%add3A_37] : memref<327680xi32, #tpu.memory_space<hbm>> -> memref<80xi32, #tpu.memory_space<hbm>>
      %dma_wait3A_59 = tpu.memref_slice %arg4[%add3A_37] : memref<327680xi32, #tpu.memory_space<hbm>> -> memref<80xi32, #tpu.memory_space<hbm>>
      tpu.wait_dma2 semaphore(%run_scoped3A : memref<!tpu.dma_semaphore, #tpu.memory_space<semaphore_mem>>) src(%dma_wait3A_59 : memref<80xi32, #tpu.memory_space<hbm>>) dst(%arg12 : memref<80xi32, #tpu.memory_space<vmem>>)
      tpu.yield
    }) : () -> ()
    %dma_start3A_38 = arith.constant 0 : i32
    %dma_start3A_39 = arith.constant 0 : i32
    %dma_start3A_40 = tpu.memref_slice %arg2[%dma_start3A_38, %dma_start3A_39] : memref<10240x128xf32, #tpu.memory_space<hbm>> -> memref<10240x128xf32, #tpu.memory_space<hbm>>
    tpu.enqueue_indirect_dma source(%dma_start3A_40 : memref<10240x128xf32, #tpu.memory_space<hbm>>) target(%arg16 : memref<80x128xf32, #tpu.memory_space<vmem>>) offsets(%arg8 : memref<80xi32, #tpu.memory_space<vmem>>) semaphore(%arg21 : memref<!tpu.dma_semaphore, #tpu.memory_space<semaphore_mem>>)
    %scan3A_41 = arith.constant 0 : i32
    %scan3A_42 = arith.constant 0 : i32
    %scan3A_43 = arith.constant 32 : i32
    %scan3A_44 = arith.addi %scan3A_42, %scan3A_43 : i32
    %scan3A_45 = arith.constant 1 : i32
    scf.for %scan3A_56 = %scan3A_42 to %scan3A_44 step %scan3A_45  : i32 {
      %mul3A_57 = arith.constant 4 : i32
      %mul3A_58 = arith.muli %mul3A_57, %scan3A_56 : i32
      %add3A_59 = arith.constant 0 : i32
      %add3A_60 = arith.addi %mul3A_58, %add3A_59 : i32
      %dma_wait3A_61 = arith.constant 0 : i32
      %dma_wait3A_62 = arith.constant 0 : i32
      %dma_wait3A_63 = tpu.memref_slice %arg2[%dma_wait3A_61, %dma_wait3A_62] : memref<10240x128xf32, #tpu.memory_space<hbm>> -> memref<10240x128xf32, #tpu.memory_space<hbm>>
      tpu.wait_indirect_dma semaphore(%arg19 : memref<!tpu.dma_semaphore, #tpu.memory_space<semaphore_mem>>) src(%dma_wait3A_63 : memref<10240x128xf32, #tpu.memory_space<hbm>>) dst(%arg14 : memref<80x128xf32, #tpu.memory_space<vmem>>)
      %add3A_64 = arith.constant 3 : i32
      %add3A_65 = arith.addi %add3A_60, %add3A_64 : i32
      %lt3A = arith.constant 128 : i32
      %lt3A_66 = arith.cmpi slt, %add3A_65, %lt3A : i32
      %add3A_67 = arith.constant 3 : i32
      %add3A_68 = arith.addi %add3A_60, %add3A_67 : i32
      %jit3A = arith.constant 0 : i32
      %select_n3A = arith.select %lt3A_66, %add3A_68, %jit3A : i32
      %mul3A_69 = arith.constant 80 : i32
      %mul3A_70 = arith.muli %select_n3A, %mul3A_69 : i32
      %add3A_71 = arith.addi %mul3A_26, %mul3A_70 : i32
      "tpu.region"() ({
        %run_scoped3A = tpu.sem_alloc : memref<!tpu.dma_semaphore, #tpu.memory_space<semaphore_mem>>
        %dma_start3A_138 = tpu.memref_slice %arg3[%add3A_71] : memref<327680xi32, #tpu.memory_space<hbm>> -> memref<80xi32, #tpu.memory_space<hbm>>
        %dma_start3A_139 = tpu.memref_slice %arg3[%add3A_71] : memref<327680xi32, #tpu.memory_space<hbm>> -> memref<80xi32, #tpu.memory_space<hbm>>
        tpu.enqueue_dma source(%dma_start3A_139 : memref<80xi32, #tpu.memory_space<hbm>>) target(%arg9 : memref<80xi32, #tpu.memory_space<vmem>>) target_semaphore(%run_scoped3A : memref<!tpu.dma_semaphore, #tpu.memory_space<semaphore_mem>>)
        %dma_wait3A_140 = tpu.memref_slice %arg3[%add3A_71] : memref<327680xi32, #tpu.memory_space<hbm>> -> memref<80xi32, #tpu.memory_space<hbm>>
        %dma_wait3A_141 = tpu.memref_slice %arg3[%add3A_71] : memref<327680xi32, #tpu.memory_space<hbm>> -> memref<80xi32, #tpu.memory_space<hbm>>
        tpu.wait_dma2 semaphore(%run_scoped3A : memref<!tpu.dma_semaphore, #tpu.memory_space<semaphore_mem>>) src(%dma_wait3A_141 : memref<80xi32, #tpu.memory_space<hbm>>) dst(%arg9 : memref<80xi32, #tpu.memory_space<vmem>>)
        tpu.yield
      }) : () -> ()
      "tpu.region"() ({
        %run_scoped3A = tpu.sem_alloc : memref<!tpu.dma_semaphore, #tpu.memory_space<semaphore_mem>>
        %dma_start3A_138 = tpu.memref_slice %arg4[%add3A_71] : memref<327680xi32, #tpu.memory_space<hbm>> -> memref<80xi32, #tpu.memory_space<hbm>>
        %dma_start3A_139 = tpu.memref_slice %arg4[%add3A_71] : memref<327680xi32, #tpu.memory_space<hbm>> -> memref<80xi32, #tpu.memory_space<hbm>>
        tpu.enqueue_dma source(%dma_start3A_139 : memref<80xi32, #tpu.memory_space<hbm>>) target(%arg13 : memref<80xi32, #tpu.memory_space<vmem>>) target_semaphore(%run_scoped3A : memref<!tpu.dma_semaphore, #tpu.memory_space<semaphore_mem>>)
        %dma_wait3A_140 = tpu.memref_slice %arg4[%add3A_71] : memref<327680xi32, #tpu.memory_space<hbm>> -> memref<80xi32, #tpu.memory_space<hbm>>
        %dma_wait3A_141 = tpu.memref_slice %arg4[%add3A_71] : memref<327680xi32, #tpu.memory_space<hbm>> -> memref<80xi32, #tpu.memory_space<hbm>>
        tpu.wait_dma2 semaphore(%run_scoped3A : memref<!tpu.dma_semaphore, #tpu.memory_space<semaphore_mem>>) src(%dma_wait3A_141 : memref<80xi32, #tpu.memory_space<hbm>>) dst(%arg13 : memref<80xi32, #tpu.memory_space<vmem>>)
        tpu.yield
      }) : () -> ()
      %dma_start3A_72 = arith.constant 0 : i32
      %dma_start3A_73 = arith.constant 0 : i32
      %dma_start3A_74 = tpu.memref_slice %arg2[%dma_start3A_72, %dma_start3A_73] : memref<10240x128xf32, #tpu.memory_space<hbm>> -> memref<10240x128xf32, #tpu.memory_space<hbm>>
      tpu.enqueue_indirect_dma source(%dma_start3A_74 : memref<10240x128xf32, #tpu.memory_space<hbm>>) target(%arg17 : memref<80x128xf32, #tpu.memory_space<vmem>>) offsets(%arg9 : memref<80xi32, #tpu.memory_space<vmem>>) semaphore(%arg22 : memref<!tpu.dma_semaphore, #tpu.memory_space<semaphore_mem>>)
      "tpu.region"() ({
        %run_scoped3A = tpu.sem_alloc : memref<!tpu.dma_semaphore, #tpu.memory_space<semaphore_mem>>
        %dma_start3A_138 = arith.constant 0 : i32
        %dma_start3A_139 = arith.constant 0 : i32
        %dma_start3A_140 = tpu.memref_slice %arg18[%dma_start3A_138, %dma_start3A_139] : memref<10240x128xf32, #tpu.memory_space<vmem_shared>> -> memref<10240x128xf32, #tpu.memory_space<vmem_shared>>
        tpu.enqueue_indirect_dma source(%arg14 : memref<80x128xf32, #tpu.memory_space<vmem>>) target(%dma_start3A_140 : memref<10240x128xf32, #tpu.memory_space<vmem_shared>>) offsets(%arg10 : memref<80xi32, #tpu.memory_space<vmem>>) semaphore(%run_scoped3A : memref<!tpu.dma_semaphore, #tpu.memory_space<semaphore_mem>>) {add = true}
        %dma_wait3A_141 = arith.constant 0 : i32
        %dma_wait3A_142 = arith.constant 0 : i32
        %dma_wait3A_143 = tpu.memref_slice %arg18[%dma_wait3A_141, %dma_wait3A_142] : memref<10240x128xf32, #tpu.memory_space<vmem_shared>> -> memref<10240x128xf32, #tpu.memory_space<vmem_shared>>
        tpu.wait_indirect_dma semaphore(%run_scoped3A : memref<!tpu.dma_semaphore, #tpu.memory_space<semaphore_mem>>) src(%arg14 : memref<80x128xf32, #tpu.memory_space<vmem>>) dst(%dma_wait3A_143 : memref<10240x128xf32, #tpu.memory_space<vmem_shared>>)
        tpu.yield
      }) : () -> ()
      %mul3A_75 = arith.constant 4 : i32
      %mul3A_76 = arith.muli %mul3A_75, %scan3A_56 : i32
      %add3A_77 = arith.constant 1 : i32
      %add3A_78 = arith.addi %mul3A_76, %add3A_77 : i32
      %dma_wait3A_79 = arith.constant 0 : i32
      %dma_wait3A_80 = arith.constant 0 : i32
      %dma_wait3A_81 = tpu.memref_slice %arg2[%dma_wait3A_79, %dma_wait3A_80] : memref<10240x128xf32, #tpu.memory_space<hbm>> -> memref<10240x128xf32, #tpu.memory_space<hbm>>
      tpu.wait_indirect_dma semaphore(%arg20 : memref<!tpu.dma_semaphore, #tpu.memory_space<semaphore_mem>>) src(%dma_wait3A_81 : memref<10240x128xf32, #tpu.memory_space<hbm>>) dst(%arg15 : memref<80x128xf32, #tpu.memory_space<vmem>>)
      %add3A_82 = arith.constant 3 : i32
      %add3A_83 = arith.addi %add3A_78, %add3A_82 : i32
      %lt3A_84 = arith.constant 128 : i32
      %lt3A_85 = arith.cmpi slt, %add3A_83, %lt3A_84 : i32
      %add3A_86 = arith.constant 3 : i32
      %add3A_87 = arith.addi %add3A_78, %add3A_86 : i32
      %jit3A_88 = arith.constant 0 : i32
      %select_n3A_89 = arith.select %lt3A_85, %add3A_87, %jit3A_88 : i32
      %mul3A_90 = arith.constant 80 : i32
      %mul3A_91 = arith.muli %select_n3A_89, %mul3A_90 : i32
      %add3A_92 = arith.addi %mul3A_26, %mul3A_91 : i32
      "tpu.region"() ({
        %run_scoped3A = tpu.sem_alloc : memref<!tpu.dma_semaphore, #tpu.memory_space<semaphore_mem>>
        %dma_start3A_138 = tpu.memref_slice %arg3[%add3A_92] : memref<327680xi32, #tpu.memory_space<hbm>> -> memref<80xi32, #tpu.memory_space<hbm>>
        %dma_start3A_139 = tpu.memref_slice %arg3[%add3A_92] : memref<327680xi32, #tpu.memory_space<hbm>> -> memref<80xi32, #tpu.memory_space<hbm>>
        tpu.enqueue_dma source(%dma_start3A_139 : memref<80xi32, #tpu.memory_space<hbm>>) target(%arg6 : memref<80xi32, #tpu.memory_space<vmem>>) target_semaphore(%run_scoped3A : memref<!tpu.dma_semaphore, #tpu.memory_space<semaphore_mem>>)
        %dma_wait3A_140 = tpu.memref_slice %arg3[%add3A_92] : memref<327680xi32, #tpu.memory_space<hbm>> -> memref<80xi32, #tpu.memory_space<hbm>>
        %dma_wait3A_141 = tpu.memref_slice %arg3[%add3A_92] : memref<327680xi32, #tpu.memory_space<hbm>> -> memref<80xi32, #tpu.memory_space<hbm>>
        tpu.wait_dma2 semaphore(%run_scoped3A : memref<!tpu.dma_semaphore, #tpu.memory_space<semaphore_mem>>) src(%dma_wait3A_141 : memref<80xi32, #tpu.memory_space<hbm>>) dst(%arg6 : memref<80xi32, #tpu.memory_space<vmem>>)
        tpu.yield
      }) : () -> ()
      "tpu.region"() ({
        %run_scoped3A = tpu.sem_alloc : memref<!tpu.dma_semaphore, #tpu.memory_space<semaphore_mem>>
        %dma_start3A_138 = tpu.memref_slice %arg4[%add3A_92] : memref<327680xi32, #tpu.memory_space<hbm>> -> memref<80xi32, #tpu.memory_space<hbm>>
        %dma_start3A_139 = tpu.memref_slice %arg4[%add3A_92] : memref<327680xi32, #tpu.memory_space<hbm>> -> memref<80xi32, #tpu.memory_space<hbm>>
        tpu.enqueue_dma source(%dma_start3A_139 : memref<80xi32, #tpu.memory_space<hbm>>) target(%arg10 : memref<80xi32, #tpu.memory_space<vmem>>) target_semaphore(%run_scoped3A : memref<!tpu.dma_semaphore, #tpu.memory_space<semaphore_mem>>)
        %dma_wait3A_140 = tpu.memref_slice %arg4[%add3A_92] : memref<327680xi32, #tpu.memory_space<hbm>> -> memref<80xi32, #tpu.memory_space<hbm>>
        %dma_wait3A_141 = tpu.memref_slice %arg4[%add3A_92] : memref<327680xi32, #tpu.memory_space<hbm>> -> memref<80xi32, #tpu.memory_space<hbm>>
        tpu.wait_dma2 semaphore(%run_scoped3A : memref<!tpu.dma_semaphore, #tpu.memory_space<semaphore_mem>>) src(%dma_wait3A_141 : memref<80xi32, #tpu.memory_space<hbm>>) dst(%arg10 : memref<80xi32, #tpu.memory_space<vmem>>)
        tpu.yield
      }) : () -> ()
      %dma_start3A_93 = arith.constant 0 : i32
      %dma_start3A_94 = arith.constant 0 : i32
      %dma_start3A_95 = tpu.memref_slice %arg2[%dma_start3A_93, %dma_start3A_94] : memref<10240x128xf32, #tpu.memory_space<hbm>> -> memref<10240x128xf32, #tpu.memory_space<hbm>>
      tpu.enqueue_indirect_dma source(%dma_start3A_95 : memref<10240x128xf32, #tpu.memory_space<hbm>>) target(%arg14 : memref<80x128xf32, #tpu.memory_space<vmem>>) offsets(%arg6 : memref<80xi32, #tpu.memory_space<vmem>>) semaphore(%arg19 : memref<!tpu.dma_semaphore, #tpu.memory_space<semaphore_mem>>)
      "tpu.region"() ({
        %run_scoped3A = tpu.sem_alloc : memref<!tpu.dma_semaphore, #tpu.memory_space<semaphore_mem>>
        %dma_start3A_138 = arith.constant 0 : i32
        %dma_start3A_139 = arith.constant 0 : i32
        %dma_start3A_140 = tpu.memref_slice %arg18[%dma_start3A_138, %dma_start3A_139] : memref<10240x128xf32, #tpu.memory_space<vmem_shared>> -> memref<10240x128xf32, #tpu.memory_space<vmem_shared>>
        tpu.enqueue_indirect_dma source(%arg15 : memref<80x128xf32, #tpu.memory_space<vmem>>) target(%dma_start3A_140 : memref<10240x128xf32, #tpu.memory_space<vmem_shared>>) offsets(%arg11 : memref<80xi32, #tpu.memory_space<vmem>>) semaphore(%run_scoped3A : memref<!tpu.dma_semaphore, #tpu.memory_space<semaphore_mem>>) {add = true}
        %dma_wait3A_141 = arith.constant 0 : i32
        %dma_wait3A_142 = arith.constant 0 : i32
        %dma_wait3A_143 = tpu.memref_slice %arg18[%dma_wait3A_141, %dma_wait3A_142] : memref<10240x128xf32, #tpu.memory_space<vmem_shared>> -> memref<10240x128xf32, #tpu.memory_space<vmem_shared>>
        tpu.wait_indirect_dma semaphore(%run_scoped3A : memref<!tpu.dma_semaphore, #tpu.memory_space<semaphore_mem>>) src(%arg15 : memref<80x128xf32, #tpu.memory_space<vmem>>) dst(%dma_wait3A_143 : memref<10240x128xf32, #tpu.memory_space<vmem_shared>>)
        tpu.yield
      }) : () -> ()
      %mul3A_96 = arith.constant 4 : i32
      %mul3A_97 = arith.muli %mul3A_96, %scan3A_56 : i32
      %add3A_98 = arith.constant 2 : i32
      %add3A_99 = arith.addi %mul3A_97, %add3A_98 : i32
      %dma_wait3A_100 = arith.constant 0 : i32
      %dma_wait3A_101 = arith.constant 0 : i32
      %dma_wait3A_102 = tpu.memref_slice %arg2[%dma_wait3A_100, %dma_wait3A_101] : memref<10240x128xf32, #tpu.memory_space<hbm>> -> memref<10240x128xf32, #tpu.memory_space<hbm>>
      tpu.wait_indirect_dma semaphore(%arg21 : memref<!tpu.dma_semaphore, #tpu.memory_space<semaphore_mem>>) src(%dma_wait3A_102 : memref<10240x128xf32, #tpu.memory_space<hbm>>) dst(%arg16 : memref<80x128xf32, #tpu.memory_space<vmem>>)
      %add3A_103 = arith.constant 3 : i32
      %add3A_104 = arith.addi %add3A_99, %add3A_103 : i32
      %lt3A_105 = arith.constant 128 : i32
      %lt3A_106 = arith.cmpi slt, %add3A_104, %lt3A_105 : i32
      %add3A_107 = arith.constant 3 : i32
      %add3A_108 = arith.addi %add3A_99, %add3A_107 : i32
      %jit3A_109 = arith.constant 0 : i32
      %select_n3A_110 = arith.select %lt3A_106, %add3A_108, %jit3A_109 : i32
      %mul3A_111 = arith.constant 80 : i32
      %mul3A_112 = arith.muli %select_n3A_110, %mul3A_111 : i32
      %add3A_113 = arith.addi %mul3A_26, %mul3A_112 : i32
      "tpu.region"() ({
        %run_scoped3A = tpu.sem_alloc : memref<!tpu.dma_semaphore, #tpu.memory_space<semaphore_mem>>
        %dma_start3A_138 = tpu.memref_slice %arg3[%add3A_113] : memref<327680xi32, #tpu.memory_space<hbm>> -> memref<80xi32, #tpu.memory_space<hbm>>
        %dma_start3A_139 = tpu.memref_slice %arg3[%add3A_113] : memref<327680xi32, #tpu.memory_space<hbm>> -> memref<80xi32, #tpu.memory_space<hbm>>
        tpu.enqueue_dma source(%dma_start3A_139 : memref<80xi32, #tpu.memory_space<hbm>>) target(%arg7 : memref<80xi32, #tpu.memory_space<vmem>>) target_semaphore(%run_scoped3A : memref<!tpu.dma_semaphore, #tpu.memory_space<semaphore_mem>>)
        %dma_wait3A_140 = tpu.memref_slice %arg3[%add3A_113] : memref<327680xi32, #tpu.memory_space<hbm>> -> memref<80xi32, #tpu.memory_space<hbm>>
        %dma_wait3A_141 = tpu.memref_slice %arg3[%add3A_113] : memref<327680xi32, #tpu.memory_space<hbm>> -> memref<80xi32, #tpu.memory_space<hbm>>
        tpu.wait_dma2 semaphore(%run_scoped3A : memref<!tpu.dma_semaphore, #tpu.memory_space<semaphore_mem>>) src(%dma_wait3A_141 : memref<80xi32, #tpu.memory_space<hbm>>) dst(%arg7 : memref<80xi32, #tpu.memory_space<vmem>>)
        tpu.yield
      }) : () -> ()
      "tpu.region"() ({
        %run_scoped3A = tpu.sem_alloc : memref<!tpu.dma_semaphore, #tpu.memory_space<semaphore_mem>>
        %dma_start3A_138 = tpu.memref_slice %arg4[%add3A_113] : memref<327680xi32, #tpu.memory_space<hbm>> -> memref<80xi32, #tpu.memory_space<hbm>>
        %dma_start3A_139 = tpu.memref_slice %arg4[%add3A_113] : memref<327680xi32, #tpu.memory_space<hbm>> -> memref<80xi32, #tpu.memory_space<hbm>>
        tpu.enqueue_dma source(%dma_start3A_139 : memref<80xi32, #tpu.memory_space<hbm>>) target(%arg11 : memref<80xi32, #tpu.memory_space<vmem>>) target_semaphore(%run_scoped3A : memref<!tpu.dma_semaphore, #tpu.memory_space<semaphore_mem>>)
        %dma_wait3A_140 = tpu.memref_slice %arg4[%add3A_113] : memref<327680xi32, #tpu.memory_space<hbm>> -> memref<80xi32, #tpu.memory_space<hbm>>
        %dma_wait3A_141 = tpu.memref_slice %arg4[%add3A_113] : memref<327680xi32, #tpu.memory_space<hbm>> -> memref<80xi32, #tpu.memory_space<hbm>>
        tpu.wait_dma2 semaphore(%run_scoped3A : memref<!tpu.dma_semaphore, #tpu.memory_space<semaphore_mem>>) src(%dma_wait3A_141 : memref<80xi32, #tpu.memory_space<hbm>>) dst(%arg11 : memref<80xi32, #tpu.memory_space<vmem>>)
        tpu.yield
      }) : () -> ()
      %dma_start3A_114 = arith.constant 0 : i32
      %dma_start3A_115 = arith.constant 0 : i32
      %dma_start3A_116 = tpu.memref_slice %arg2[%dma_start3A_114, %dma_start3A_115] : memref<10240x128xf32, #tpu.memory_space<hbm>> -> memref<10240x128xf32, #tpu.memory_space<hbm>>
      tpu.enqueue_indirect_dma source(%dma_start3A_116 : memref<10240x128xf32, #tpu.memory_space<hbm>>) target(%arg15 : memref<80x128xf32, #tpu.memory_space<vmem>>) offsets(%arg7 : memref<80xi32, #tpu.memory_space<vmem>>) semaphore(%arg20 : memref<!tpu.dma_semaphore, #tpu.memory_space<semaphore_mem>>)
      "tpu.region"() ({
        %run_scoped3A = tpu.sem_alloc : memref<!tpu.dma_semaphore, #tpu.memory_space<semaphore_mem>>
        %dma_start3A_138 = arith.constant 0 : i32
        %dma_start3A_139 = arith.constant 0 : i32
        %dma_start3A_140 = tpu.memref_slice %arg18[%dma_start3A_138, %dma_start3A_139] : memref<10240x128xf32, #tpu.memory_space<vmem_shared>> -> memref<10240x128xf32, #tpu.memory_space<vmem_shared>>
        tpu.enqueue_indirect_dma source(%arg16 : memref<80x128xf32, #tpu.memory_space<vmem>>) target(%dma_start3A_140 : memref<10240x128xf32, #tpu.memory_space<vmem_shared>>) offsets(%arg12 : memref<80xi32, #tpu.memory_space<vmem>>) semaphore(%run_scoped3A : memref<!tpu.dma_semaphore, #tpu.memory_space<semaphore_mem>>) {add = true}
        %dma_wait3A_141 = arith.constant 0 : i32
        %dma_wait3A_142 = arith.constant 0 : i32
        %dma_wait3A_143 = tpu.memref_slice %arg18[%dma_wait3A_141, %dma_wait3A_142] : memref<10240x128xf32, #tpu.memory_space<vmem_shared>> -> memref<10240x128xf32, #tpu.memory_space<vmem_shared>>
        tpu.wait_indirect_dma semaphore(%run_scoped3A : memref<!tpu.dma_semaphore, #tpu.memory_space<semaphore_mem>>) src(%arg16 : memref<80x128xf32, #tpu.memory_space<vmem>>) dst(%dma_wait3A_143 : memref<10240x128xf32, #tpu.memory_space<vmem_shared>>)
        tpu.yield
      }) : () -> ()
      %mul3A_117 = arith.constant 4 : i32
      %mul3A_118 = arith.muli %mul3A_117, %scan3A_56 : i32
      %add3A_119 = arith.constant 3 : i32
      %add3A_120 = arith.addi %mul3A_118, %add3A_119 : i32
      %dma_wait3A_121 = arith.constant 0 : i32
      %dma_wait3A_122 = arith.constant 0 : i32
      %dma_wait3A_123 = tpu.memref_slice %arg2[%dma_wait3A_121, %dma_wait3A_122] : memref<10240x128xf32, #tpu.memory_space<hbm>> -> memref<10240x128xf32, #tpu.memory_space<hbm>>
      tpu.wait_indirect_dma semaphore(%arg22 : memref<!tpu.dma_semaphore, #tpu.memory_space<semaphore_mem>>) src(%dma_wait3A_123 : memref<10240x128xf32, #tpu.memory_space<hbm>>) dst(%arg17 : memref<80x128xf32, #tpu.memory_space<vmem>>)
      %add3A_124 = arith.constant 3 : i32
      %add3A_125 = arith.addi %add3A_120, %add3A_124 : i32
      %lt3A_126 = arith.constant 128 : i32
      %lt3A_127 = arith.cmpi slt, %add3A_125, %lt3A_126 : i32
      %add3A_128 = arith.constant 3 : i32
      %add3A_129 = arith.addi %add3A_120, %add3A_128 : i32
      %jit3A_130 = arith.constant 0 : i32
      %select_n3A_131 = arith.select %lt3A_127, %add3A_129, %jit3A_130 : i32
      %mul3A_132 = arith.constant 80 : i32
      %mul3A_133 = arith.muli %select_n3A_131, %mul3A_132 : i32
      %add3A_134 = arith.addi %mul3A_26, %mul3A_133 : i32
      "tpu.region"() ({
        %run_scoped3A = tpu.sem_alloc : memref<!tpu.dma_semaphore, #tpu.memory_space<semaphore_mem>>
        %dma_start3A_138 = tpu.memref_slice %arg3[%add3A_134] : memref<327680xi32, #tpu.memory_space<hbm>> -> memref<80xi32, #tpu.memory_space<hbm>>
        %dma_start3A_139 = tpu.memref_slice %arg3[%add3A_134] : memref<327680xi32, #tpu.memory_space<hbm>> -> memref<80xi32, #tpu.memory_space<hbm>>
        tpu.enqueue_dma source(%dma_start3A_139 : memref<80xi32, #tpu.memory_space<hbm>>) target(%arg8 : memref<80xi32, #tpu.memory_space<vmem>>) target_semaphore(%run_scoped3A : memref<!tpu.dma_semaphore, #tpu.memory_space<semaphore_mem>>)
        %dma_wait3A_140 = tpu.memref_slice %arg3[%add3A_134] : memref<327680xi32, #tpu.memory_space<hbm>> -> memref<80xi32, #tpu.memory_space<hbm>>
        %dma_wait3A_141 = tpu.memref_slice %arg3[%add3A_134] : memref<327680xi32, #tpu.memory_space<hbm>> -> memref<80xi32, #tpu.memory_space<hbm>>
        tpu.wait_dma2 semaphore(%run_scoped3A : memref<!tpu.dma_semaphore, #tpu.memory_space<semaphore_mem>>) src(%dma_wait3A_141 : memref<80xi32, #tpu.memory_space<hbm>>) dst(%arg8 : memref<80xi32, #tpu.memory_space<vmem>>)
        tpu.yield
      }) : () -> ()
      "tpu.region"() ({
        %run_scoped3A = tpu.sem_alloc : memref<!tpu.dma_semaphore, #tpu.memory_space<semaphore_mem>>
        %dma_start3A_138 = tpu.memref_slice %arg4[%add3A_134] : memref<327680xi32, #tpu.memory_space<hbm>> -> memref<80xi32, #tpu.memory_space<hbm>>
        %dma_start3A_139 = tpu.memref_slice %arg4[%add3A_134] : memref<327680xi32, #tpu.memory_space<hbm>> -> memref<80xi32, #tpu.memory_space<hbm>>
        tpu.enqueue_dma source(%dma_start3A_139 : memref<80xi32, #tpu.memory_space<hbm>>) target(%arg12 : memref<80xi32, #tpu.memory_space<vmem>>) target_semaphore(%run_scoped3A : memref<!tpu.dma_semaphore, #tpu.memory_space<semaphore_mem>>)
        %dma_wait3A_140 = tpu.memref_slice %arg4[%add3A_134] : memref<327680xi32, #tpu.memory_space<hbm>> -> memref<80xi32, #tpu.memory_space<hbm>>
        %dma_wait3A_141 = tpu.memref_slice %arg4[%add3A_134] : memref<327680xi32, #tpu.memory_space<hbm>> -> memref<80xi32, #tpu.memory_space<hbm>>
        tpu.wait_dma2 semaphore(%run_scoped3A : memref<!tpu.dma_semaphore, #tpu.memory_space<semaphore_mem>>) src(%dma_wait3A_141 : memref<80xi32, #tpu.memory_space<hbm>>) dst(%arg12 : memref<80xi32, #tpu.memory_space<vmem>>)
        tpu.yield
      }) : () -> ()
      %dma_start3A_135 = arith.constant 0 : i32
      %dma_start3A_136 = arith.constant 0 : i32
      %dma_start3A_137 = tpu.memref_slice %arg2[%dma_start3A_135, %dma_start3A_136] : memref<10240x128xf32, #tpu.memory_space<hbm>> -> memref<10240x128xf32, #tpu.memory_space<hbm>>
      tpu.enqueue_indirect_dma source(%dma_start3A_137 : memref<10240x128xf32, #tpu.memory_space<hbm>>) target(%arg16 : memref<80x128xf32, #tpu.memory_space<vmem>>) offsets(%arg8 : memref<80xi32, #tpu.memory_space<vmem>>) semaphore(%arg21 : memref<!tpu.dma_semaphore, #tpu.memory_space<semaphore_mem>>)
      "tpu.region"() ({
        %run_scoped3A = tpu.sem_alloc : memref<!tpu.dma_semaphore, #tpu.memory_space<semaphore_mem>>
        %dma_start3A_138 = arith.constant 0 : i32
        %dma_start3A_139 = arith.constant 0 : i32
        %dma_start3A_140 = tpu.memref_slice %arg18[%dma_start3A_138, %dma_start3A_139] : memref<10240x128xf32, #tpu.memory_space<vmem_shared>> -> memref<10240x128xf32, #tpu.memory_space<vmem_shared>>
        tpu.enqueue_indirect_dma source(%arg17 : memref<80x128xf32, #tpu.memory_space<vmem>>) target(%dma_start3A_140 : memref<10240x128xf32, #tpu.memory_space<vmem_shared>>) offsets(%arg13 : memref<80xi32, #tpu.memory_space<vmem>>) semaphore(%run_scoped3A : memref<!tpu.dma_semaphore, #tpu.memory_space<semaphore_mem>>) {add = true}
        %dma_wait3A_141 = arith.constant 0 : i32
        %dma_wait3A_142 = arith.constant 0 : i32
        %dma_wait3A_143 = tpu.memref_slice %arg18[%dma_wait3A_141, %dma_wait3A_142] : memref<10240x128xf32, #tpu.memory_space<vmem_shared>> -> memref<10240x128xf32, #tpu.memory_space<vmem_shared>>
        tpu.wait_indirect_dma semaphore(%run_scoped3A : memref<!tpu.dma_semaphore, #tpu.memory_space<semaphore_mem>>) src(%arg17 : memref<80x128xf32, #tpu.memory_space<vmem>>) dst(%dma_wait3A_143 : memref<10240x128xf32, #tpu.memory_space<vmem_shared>>)
        tpu.yield
      }) : () -> ()
    }
    %scan3A_46 = arith.constant 32 : i32
    %dma_wait3A = arith.constant 0 : i32
    %dma_wait3A_47 = arith.constant 0 : i32
    %dma_wait3A_48 = tpu.memref_slice %arg2[%dma_wait3A, %dma_wait3A_47] : memref<10240x128xf32, #tpu.memory_space<hbm>> -> memref<10240x128xf32, #tpu.memory_space<hbm>>
    tpu.wait_indirect_dma semaphore(%arg19 : memref<!tpu.dma_semaphore, #tpu.memory_space<semaphore_mem>>) src(%dma_wait3A_48 : memref<10240x128xf32, #tpu.memory_space<hbm>>) dst(%arg14 : memref<80x128xf32, #tpu.memory_space<vmem>>)
    %dma_wait3A_49 = arith.constant 0 : i32
    %dma_wait3A_50 = arith.constant 0 : i32
    %dma_wait3A_51 = tpu.memref_slice %arg2[%dma_wait3A_49, %dma_wait3A_50] : memref<10240x128xf32, #tpu.memory_space<hbm>> -> memref<10240x128xf32, #tpu.memory_space<hbm>>
    tpu.wait_indirect_dma semaphore(%arg20 : memref<!tpu.dma_semaphore, #tpu.memory_space<semaphore_mem>>) src(%dma_wait3A_51 : memref<10240x128xf32, #tpu.memory_space<hbm>>) dst(%arg15 : memref<80x128xf32, #tpu.memory_space<vmem>>)
    %dma_wait3A_52 = arith.constant 0 : i32
    %dma_wait3A_53 = arith.constant 0 : i32
    %dma_wait3A_54 = tpu.memref_slice %arg2[%dma_wait3A_52, %dma_wait3A_53] : memref<10240x128xf32, #tpu.memory_space<hbm>> -> memref<10240x128xf32, #tpu.memory_space<hbm>>
    tpu.wait_indirect_dma semaphore(%arg21 : memref<!tpu.dma_semaphore, #tpu.memory_space<semaphore_mem>>) src(%dma_wait3A_54 : memref<10240x128xf32, #tpu.memory_space<hbm>>) dst(%arg16 : memref<80x128xf32, #tpu.memory_space<vmem>>)
    %barrier3A_55 = arith.constant 0 : index
    tpu.barrier barrier_id(%barrier3A_55)
    "tpu.region"() ({
      %run_scoped3A = tpu.sem_alloc : memref<!tpu.dma_semaphore, #tpu.memory_space<semaphore_mem>>
      %dma_start3A_56 = arith.constant 0 : i32
      %dma_start3A_57 = tpu.memref_slice %arg5[%arg0, %mul3A_2, %dma_start3A_56] : memref<2x10240x128xf32, #tpu.memory_space<hbm>> -> memref<1x640x128xf32, #tpu.memory_space<hbm>>
      %dma_start3A_58 = tpu.memref_squeeze %dma_start3A_57 : memref<1x640x128xf32, #tpu.memory_space<hbm>> -> memref<640x128xf32, #tpu.memory_space<hbm>>
      %dma_start3A_59 = arith.constant 0 : i32
      %dma_start3A_60 = tpu.memref_slice %arg18[%mul3A_2, %dma_start3A_59] : memref<10240x128xf32, #tpu.memory_space<vmem_shared>> -> memref<640x128xf32, #tpu.memory_space<vmem_shared>>
      tpu.enqueue_dma source(%dma_start3A_60 : memref<640x128xf32, #tpu.memory_space<vmem_shared>>) target(%dma_start3A_58 : memref<640x128xf32, #tpu.memory_space<hbm>>) target_semaphore(%run_scoped3A : memref<!tpu.dma_semaphore, #tpu.memory_space<semaphore_mem>>)
      %dma_wait3A_61 = arith.constant 0 : i32
      %dma_wait3A_62 = tpu.memref_slice %arg5[%arg0, %mul3A_2, %dma_wait3A_61] : memref<2x10240x128xf32, #tpu.memory_space<hbm>> -> memref<1x640x128xf32, #tpu.memory_space<hbm>>
      %dma_wait3A_63 = tpu.memref_squeeze %dma_wait3A_62 : memref<1x640x128xf32, #tpu.memory_space<hbm>> -> memref<640x128xf32, #tpu.memory_space<hbm>>
      %dma_wait3A_64 = arith.constant 0 : i32
      %dma_wait3A_65 = tpu.memref_slice %arg18[%mul3A_2, %dma_wait3A_64] : memref<10240x128xf32, #tpu.memory_space<vmem_shared>> -> memref<640x128xf32, #tpu.memory_space<vmem_shared>>
      tpu.wait_dma2 semaphore(%run_scoped3A : memref<!tpu.dma_semaphore, #tpu.memory_space<semaphore_mem>>) src(%dma_wait3A_65 : memref<640x128xf32, #tpu.memory_space<vmem_shared>>) dst(%dma_wait3A_63 : memref<640x128xf32, #tpu.memory_space<hbm>>)
      tpu.yield
    }) : () -> ()
    return
  }
}

#map = affine_map<(d0, d1) -> (0, 0)>
#map1 = affine_map<(d0, d1) -> (0)>
#map2 = affine_map<(d0, d1) -> (0, 0, 0)>
module attributes {stable_mosaic.version = 14 : i64} {
  func.func @_sc_scatter_body(%arg0: i32, %arg1: i32, %arg2: memref<10240x128xf32, #tpu.memory_space<hbm>>, %arg3: memref<327680xi32, #tpu.memory_space<hbm>>, %arg4: memref<327680xi32, #tpu.memory_space<hbm>>, %arg5: memref<2x10240x128xf32, #tpu.memory_space<hbm>>, %arg6: memref<80xi32, #tpu.memory_space<vmem>>, %arg7: memref<80xi32, #tpu.memory_space<vmem>>, %arg8: memref<80xi32, #tpu.memory_space<vmem>>, %arg9: memref<80xi32, #tpu.memory_space<vmem>>, %arg10: memref<80xi32, #tpu.memory_space<vmem>>, %arg11: memref<80xi32, #tpu.memory_space<vmem>>, %arg12: memref<80xi32, #tpu.memory_space<vmem>>, %arg13: memref<80xi32, #tpu.memory_space<vmem>>, %arg14: memref<80x128xf32, #tpu.memory_space<vmem>>, %arg15: memref<80x128xf32, #tpu.memory_space<vmem>>, %arg16: memref<80x128xf32, #tpu.memory_space<vmem>>, %arg17: memref<80x128xf32, #tpu.memory_space<vmem>>, %arg18: memref<10240x128xf32, #tpu.memory_space<vmem_shared>>, %arg19: memref<!tpu.dma_semaphore, #tpu.memory_space<semaphore_mem>>, %arg20: memref<!tpu.dma_semaphore, #tpu.memory_space<semaphore_mem>>, %arg21: memref<!tpu.dma_semaphore, #tpu.memory_space<semaphore_mem>>, %arg22: memref<!tpu.dma_semaphore, #tpu.memory_space<semaphore_mem>>) attributes {dimension_semantics = [#tpu.dimension_semantics<core_parallel>, #tpu.dimension_semantics<subcore_parallel>], iteration_bounds = array<i64: 2, 16>, scalar_prefetch = 0 : i64, scratch_operands = 17 : i64, tpu.core_type = #tpu.core_type<sc_vector_subcore>, window_params = [{transform_indices = #map}, {transform_indices = #map1}, {transform_indices = #map1}, {transform_indices = #map2}]} {
    %mul3A = arith.constant 16 : i32
    %mul3A_0 = arith.muli %arg0, %mul3A : i32
    %add3A = arith.addi %mul3A_0, %arg1 : i32
    %mul3A_1 = arith.constant 640 : i32
    %mul3A_2 = arith.muli %arg1, %mul3A_1 : i32
    %broadcast_in_dim3A = arith.constant 0.000000e+00 : f32
    %broadcast_in_dim3A_3 = vector.broadcast %broadcast_in_dim3A : f32 to vector<16xf32>
    %scan3A = arith.constant 0 : i32
    %scan3A_4 = arith.constant 0 : i32
    %scan3A_5 = arith.constant 80 : i32
    %scan3A_6 = arith.addi %scan3A_4, %scan3A_5 : i32
    %scan3A_7 = arith.constant 1 : i32
    scf.for %scan3A_56 = %scan3A_4 to %scan3A_6 step %scan3A_7  : i32 {
      %swap3A = arith.index_cast %scan3A_56 : i32 to index
      %swap3A_57 = arith.constant 0 : index
      %swap3A_58 = tpu.vector_load %arg14[%swap3A, %swap3A_57] {strides = array<i32>} : memref<80x128xf32, #tpu.memory_space<vmem>>, vector<1x16xf32>,
      %swap3A_59 = vector.shape_cast %swap3A_58 : vector<1x16xf32> to vector<16xf32>
      %swap3A_60 = vector.shape_cast %broadcast_in_dim3A_3 : vector<16xf32> to vector<1x16xf32>
      tpu.vector_store %arg14[%swap3A, %swap3A_57], %swap3A_60 {strides = array<i32>} : memref<80x128xf32, #tpu.memory_space<vmem>>, vector<1x16xf32>,
      %swap3A_61 = arith.index_cast %scan3A_56 : i32 to index
      %swap3A_62 = arith.constant 16 : index
      %swap3A_63 = tpu.vector_load %arg14[%swap3A_61, %swap3A_62] {strides = array<i32>} : memref<80x128xf32, #tpu.memory_space<vmem>>, vector<1x16xf32>,
      %swap3A_64 = vector.shape_cast %swap3A_63 : vector<1x16xf32> to vector<16xf32>
      %swap3A_65 = vector.shape_cast %broadcast_in_dim3A_3 : vector<16xf32> to vector<1x16xf32>
      tpu.vector_store %arg14[%swap3A_61, %swap3A_62], %swap3A_65 {strides = array<i32>} : memref<80x128xf32, #tpu.memory_space<vmem>>, vector<1x16xf32>,
      %swap3A_66 = arith.index_cast %scan3A_56 : i32 to index
      %swap3A_67 = arith.constant 32 : index
      %swap3A_68 = tpu.vector_load %arg14[%swap3A_66, %swap3A_67] {strides = array<i32>} : memref<80x128xf32, #tpu.memory_space<vmem>>, vector<1x16xf32>,
      %swap3A_69 = vector.shape_cast %swap3A_68 : vector<1x16xf32> to vector<16xf32>
      %swap3A_70 = vector.shape_cast %broadcast_in_dim3A_3 : vector<16xf32> to vector<1x16xf32>
      tpu.vector_store %arg14[%swap3A_66, %swap3A_67], %swap3A_70 {strides = array<i32>} : memref<80x128xf32, #tpu.memory_space<vmem>>, vector<1x16xf32>,
      %swap3A_71 = arith.index_cast %scan3A_56 : i32 to index
      %swap3A_72 = arith.constant 48 : index
      %swap3A_73 = tpu.vector_load %arg14[%swap3A_71, %swap3A_72] {strides = array<i32>} : memref<80x128xf32, #tpu.memory_space<vmem>>, vector<1x16xf32>,
      %swap3A_74 = vector.shape_cast %swap3A_73 : vector<1x16xf32> to vector<16xf32>
      %swap3A_75 = vector.shape_cast %broadcast_in_dim3A_3 : vector<16xf32> to vector<1x16xf32>
      tpu.vector_store %arg14[%swap3A_71, %swap3A_72], %swap3A_75 {strides = array<i32>} : memref<80x128xf32, #tpu.memory_space<vmem>>, vector<1x16xf32>,
      %swap3A_76 = arith.index_cast %scan3A_56 : i32 to index
      %swap3A_77 = arith.constant 64 : index
      %swap3A_78 = tpu.vector_load %arg14[%swap3A_76, %swap3A_77] {strides = array<i32>} : memref<80x128xf32, #tpu.memory_space<vmem>>, vector<1x16xf32>,
      %swap3A_79 = vector.shape_cast %swap3A_78 : vector<1x16xf32> to vector<16xf32>
      %swap3A_80 = vector.shape_cast %broadcast_in_dim3A_3 : vector<16xf32> to vector<1x16xf32>
      tpu.vector_store %arg14[%swap3A_76, %swap3A_77], %swap3A_80 {strides = array<i32>} : memref<80x128xf32, #tpu.memory_space<vmem>>, vector<1x16xf32>,
      %swap3A_81 = arith.index_cast %scan3A_56 : i32 to index
      %swap3A_82 = arith.constant 80 : index
      %swap3A_83 = tpu.vector_load %arg14[%swap3A_81, %swap3A_82] {strides = array<i32>} : memref<80x128xf32, #tpu.memory_space<vmem>>, vector<1x16xf32>,
      %swap3A_84 = vector.shape_cast %swap3A_83 : vector<1x16xf32> to vector<16xf32>
      %swap3A_85 = vector.shape_cast %broadcast_in_dim3A_3 : vector<16xf32> to vector<1x16xf32>
      tpu.vector_store %arg14[%swap3A_81, %swap3A_82], %swap3A_85 {strides = array<i32>} : memref<80x128xf32, #tpu.memory_space<vmem>>, vector<1x16xf32>,
      %swap3A_86 = arith.index_cast %scan3A_56 : i32 to index
      %swap3A_87 = arith.constant 96 : index
      %swap3A_88 = tpu.vector_load %arg14[%swap3A_86, %swap3A_87] {strides = array<i32>} : memref<80x128xf32, #tpu.memory_space<vmem>>, vector<1x16xf32>,
      %swap3A_89 = vector.shape_cast %swap3A_88 : vector<1x16xf32> to vector<16xf32>
      %swap3A_90 = vector.shape_cast %broadcast_in_dim3A_3 : vector<16xf32> to vector<1x16xf32>
      tpu.vector_store %arg14[%swap3A_86, %swap3A_87], %swap3A_90 {strides = array<i32>} : memref<80x128xf32, #tpu.memory_space<vmem>>, vector<1x16xf32>,
      %swap3A_91 = arith.index_cast %scan3A_56 : i32 to index
      %swap3A_92 = arith.constant 112 : index
      %swap3A_93 = tpu.vector_load %arg14[%swap3A_91, %swap3A_92] {strides = array<i32>} : memref<80x128xf32, #tpu.memory_space<vmem>>, vector<1x16xf32>,
      %swap3A_94 = vector.shape_cast %swap3A_93 : vector<1x16xf32> to vector<16xf32>
      %swap3A_95 = vector.shape_cast %broadcast_in_dim3A_3 : vector<16xf32> to vector<1x16xf32>
      tpu.vector_store %arg14[%swap3A_91, %swap3A_92], %swap3A_95 {strides = array<i32>} : memref<80x128xf32, #tpu.memory_space<vmem>>, vector<1x16xf32>,
    }
    %scan3A_8 = arith.constant 80 : i32
    %add3A_9 = arith.constant 0 : i32
    %add3A_10 = arith.addi %mul3A_2, %add3A_9 : i32
    "tpu.region"() ({
      %run_scoped3A = tpu.sem_alloc : memref<!tpu.dma_semaphore, #tpu.memory_space<semaphore_mem>>
      %dma_start3A_56 = arith.constant 0 : i32
      %dma_start3A_57 = tpu.memref_slice %arg18[%add3A_10, %dma_start3A_56] : memref<10240x128xf32, #tpu.memory_space<vmem_shared>> -> memref<80x128xf32, #tpu.memory_space<vmem_shared>>
      %dma_start3A_58 = arith.constant 0 : i32
      %dma_start3A_59 = tpu.memref_slice %arg18[%add3A_10, %dma_start3A_58] : memref<10240x128xf32, #tpu.memory_space<vmem_shared>> -> memref<80x128xf32, #tpu.memory_space<vmem_shared>>
      tpu.enqueue_dma source(%arg14 : memref<80x128xf32, #tpu.memory_space<vmem>>) target(%dma_start3A_59 : memref<80x128xf32, #tpu.memory_space<vmem_shared>>) target_semaphore(%run_scoped3A : memref<!tpu.dma_semaphore, #tpu.memory_space<semaphore_mem>>)
      %dma_wait3A_60 = arith.constant 0 : i32
      %dma_wait3A_61 = tpu.memref_slice %arg18[%add3A_10, %dma_wait3A_60] : memref<10240x128xf32, #tpu.memory_space<vmem_shared>> -> memref<80x128xf32, #tpu.memory_space<vmem_shared>>
      %dma_wait3A_62 = arith.constant 0 : i32
      %dma_wait3A_63 = tpu.memref_slice %arg18[%add3A_10, %dma_wait3A_62] : memref<10240x128xf32, #tpu.memory_space<vmem_shared>> -> memref<80x128xf32, #tpu.memory_space<vmem_shared>>
      tpu.wait_dma2 semaphore(%run_scoped3A : memref<!tpu.dma_semaphore, #tpu.memory_space<semaphore_mem>>) src(%arg14 : memref<80x128xf32, #tpu.memory_space<vmem>>) dst(%dma_wait3A_63 : memref<80x128xf32, #tpu.memory_space<vmem_shared>>)
      tpu.yield
    }) : () -> ()
    %add3A_11 = arith.constant 80 : i32
    %add3A_12 = arith.addi %mul3A_2, %add3A_11 : i32
    "tpu.region"() ({
      %run_scoped3A = tpu.sem_alloc : memref<!tpu.dma_semaphore, #tpu.memory_space<semaphore_mem>>
      %dma_start3A_56 = arith.constant 0 : i32
      %dma_start3A_57 = tpu.memref_slice %arg18[%add3A_12, %dma_start3A_56] : memref<10240x128xf32, #tpu.memory_space<vmem_shared>> -> memref<80x128xf32, #tpu.memory_space<vmem_shared>>
      %dma_start3A_58 = arith.constant 0 : i32
      %dma_start3A_59 = tpu.memref_slice %arg18[%add3A_12, %dma_start3A_58] : memref<10240x128xf32, #tpu.memory_space<vmem_shared>> -> memref<80x128xf32, #tpu.memory_space<vmem_shared>>
      tpu.enqueue_dma source(%arg14 : memref<80x128xf32, #tpu.memory_space<vmem>>) target(%dma_start3A_59 : memref<80x128xf32, #tpu.memory_space<vmem_shared>>) target_semaphore(%run_scoped3A : memref<!tpu.dma_semaphore, #tpu.memory_space<semaphore_mem>>)
      %dma_wait3A_60 = arith.constant 0 : i32
      %dma_wait3A_61 = tpu.memref_slice %arg18[%add3A_12, %dma_wait3A_60] : memref<10240x128xf32, #tpu.memory_space<vmem_shared>> -> memref<80x128xf32, #tpu.memory_space<vmem_shared>>
      %dma_wait3A_62 = arith.constant 0 : i32
      %dma_wait3A_63 = tpu.memref_slice %arg18[%add3A_12, %dma_wait3A_62] : memref<10240x128xf32, #tpu.memory_space<vmem_shared>> -> memref<80x128xf32, #tpu.memory_space<vmem_shared>>
      tpu.wait_dma2 semaphore(%run_scoped3A : memref<!tpu.dma_semaphore, #tpu.memory_space<semaphore_mem>>) src(%arg14 : memref<80x128xf32, #tpu.memory_space<vmem>>) dst(%dma_wait3A_63 : memref<80x128xf32, #tpu.memory_space<vmem_shared>>)
      tpu.yield
    }) : () -> ()
    %add3A_13 = arith.constant 160 : i32
    %add3A_14 = arith.addi %mul3A_2, %add3A_13 : i32
    "tpu.region"() ({
      %run_scoped3A = tpu.sem_alloc : memref<!tpu.dma_semaphore, #tpu.memory_space<semaphore_mem>>
      %dma_start3A_56 = arith.constant 0 : i32
      %dma_start3A_57 = tpu.memref_slice %arg18[%add3A_14, %dma_start3A_56] : memref<10240x128xf32, #tpu.memory_space<vmem_shared>> -> memref<80x128xf32, #tpu.memory_space<vmem_shared>>
      %dma_start3A_58 = arith.constant 0 : i32
      %dma_start3A_59 = tpu.memref_slice %arg18[%add3A_14, %dma_start3A_58] : memref<10240x128xf32, #tpu.memory_space<vmem_shared>> -> memref<80x128xf32, #tpu.memory_space<vmem_shared>>
      tpu.enqueue_dma source(%arg14 : memref<80x128xf32, #tpu.memory_space<vmem>>) target(%dma_start3A_59 : memref<80x128xf32, #tpu.memory_space<vmem_shared>>) target_semaphore(%run_scoped3A : memref<!tpu.dma_semaphore, #tpu.memory_space<semaphore_mem>>)
      %dma_wait3A_60 = arith.constant 0 : i32
      %dma_wait3A_61 = tpu.memref_slice %arg18[%add3A_14, %dma_wait3A_60] : memref<10240x128xf32, #tpu.memory_space<vmem_shared>> -> memref<80x128xf32, #tpu.memory_space<vmem_shared>>
      %dma_wait3A_62 = arith.constant 0 : i32
      %dma_wait3A_63 = tpu.memref_slice %arg18[%add3A_14, %dma_wait3A_62] : memref<10240x128xf32, #tpu.memory_space<vmem_shared>> -> memref<80x128xf32, #tpu.memory_space<vmem_shared>>
      tpu.wait_dma2 semaphore(%run_scoped3A : memref<!tpu.dma_semaphore, #tpu.memory_space<semaphore_mem>>) src(%arg14 : memref<80x128xf32, #tpu.memory_space<vmem>>) dst(%dma_wait3A_63 : memref<80x128xf32, #tpu.memory_space<vmem_shared>>)
      tpu.yield
    }) : () -> ()
    %add3A_15 = arith.constant 240 : i32
    %add3A_16 = arith.addi %mul3A_2, %add3A_15 : i32
    "tpu.region"() ({
      %run_scoped3A = tpu.sem_alloc : memref<!tpu.dma_semaphore, #tpu.memory_space<semaphore_mem>>
      %dma_start3A_56 = arith.constant 0 : i32
      %dma_start3A_57 = tpu.memref_slice %arg18[%add3A_16, %dma_start3A_56] : memref<10240x128xf32, #tpu.memory_space<vmem_shared>> -> memref<80x128xf32, #tpu.memory_space<vmem_shared>>
      %dma_start3A_58 = arith.constant 0 : i32
      %dma_start3A_59 = tpu.memref_slice %arg18[%add3A_16, %dma_start3A_58] : memref<10240x128xf32, #tpu.memory_space<vmem_shared>> -> memref<80x128xf32, #tpu.memory_space<vmem_shared>>
      tpu.enqueue_dma source(%arg14 : memref<80x128xf32, #tpu.memory_space<vmem>>) target(%dma_start3A_59 : memref<80x128xf32, #tpu.memory_space<vmem_shared>>) target_semaphore(%run_scoped3A : memref<!tpu.dma_semaphore, #tpu.memory_space<semaphore_mem>>)
      %dma_wait3A_60 = arith.constant 0 : i32
      %dma_wait3A_61 = tpu.memref_slice %arg18[%add3A_16, %dma_wait3A_60] : memref<10240x128xf32, #tpu.memory_space<vmem_shared>> -> memref<80x128xf32, #tpu.memory_space<vmem_shared>>
      %dma_wait3A_62 = arith.constant 0 : i32
      %dma_wait3A_63 = tpu.memref_slice %arg18[%add3A_16, %dma_wait3A_62] : memref<10240x128xf32, #tpu.memory_space<vmem_shared>> -> memref<80x128xf32, #tpu.memory_space<vmem_shared>>
      tpu.wait_dma2 semaphore(%run_scoped3A : memref<!tpu.dma_semaphore, #tpu.memory_space<semaphore_mem>>) src(%arg14 : memref<80x128xf32, #tpu.memory_space<vmem>>) dst(%dma_wait3A_63 : memref<80x128xf32, #tpu.memory_space<vmem_shared>>)
      tpu.yield
    }) : () -> ()
    %add3A_17 = arith.constant 320 : i32
    %add3A_18 = arith.addi %mul3A_2, %add3A_17 : i32
    "tpu.region"() ({
      %run_scoped3A = tpu.sem_alloc : memref<!tpu.dma_semaphore, #tpu.memory_space<semaphore_mem>>
      %dma_start3A_56 = arith.constant 0 : i32
      %dma_start3A_57 = tpu.memref_slice %arg18[%add3A_18, %dma_start3A_56] : memref<10240x128xf32, #tpu.memory_space<vmem_shared>> -> memref<80x128xf32, #tpu.memory_space<vmem_shared>>
      %dma_start3A_58 = arith.constant 0 : i32
      %dma_start3A_59 = tpu.memref_slice %arg18[%add3A_18, %dma_start3A_58] : memref<10240x128xf32, #tpu.memory_space<vmem_shared>> -> memref<80x128xf32, #tpu.memory_space<vmem_shared>>
      tpu.enqueue_dma source(%arg14 : memref<80x128xf32, #tpu.memory_space<vmem>>) target(%dma_start3A_59 : memref<80x128xf32, #tpu.memory_space<vmem_shared>>) target_semaphore(%run_scoped3A : memref<!tpu.dma_semaphore, #tpu.memory_space<semaphore_mem>>)
      %dma_wait3A_60 = arith.constant 0 : i32
      %dma_wait3A_61 = tpu.memref_slice %arg18[%add3A_18, %dma_wait3A_60] : memref<10240x128xf32, #tpu.memory_space<vmem_shared>> -> memref<80x128xf32, #tpu.memory_space<vmem_shared>>
      %dma_wait3A_62 = arith.constant 0 : i32
      %dma_wait3A_63 = tpu.memref_slice %arg18[%add3A_18, %dma_wait3A_62] : memref<10240x128xf32, #tpu.memory_space<vmem_shared>> -> memref<80x128xf32, #tpu.memory_space<vmem_shared>>
      tpu.wait_dma2 semaphore(%run_scoped3A : memref<!tpu.dma_semaphore, #tpu.memory_space<semaphore_mem>>) src(%arg14 : memref<80x128xf32, #tpu.memory_space<vmem>>) dst(%dma_wait3A_63 : memref<80x128xf32, #tpu.memory_space<vmem_shared>>)
      tpu.yield
    }) : () -> ()
    %add3A_19 = arith.constant 400 : i32
    %add3A_20 = arith.addi %mul3A_2, %add3A_19 : i32
    "tpu.region"() ({
      %run_scoped3A = tpu.sem_alloc : memref<!tpu.dma_semaphore, #tpu.memory_space<semaphore_mem>>
      %dma_start3A_56 = arith.constant 0 : i32
      %dma_start3A_57 = tpu.memref_slice %arg18[%add3A_20, %dma_start3A_56] : memref<10240x128xf32, #tpu.memory_space<vmem_shared>> -> memref<80x128xf32, #tpu.memory_space<vmem_shared>>
      %dma_start3A_58 = arith.constant 0 : i32
      %dma_start3A_59 = tpu.memref_slice %arg18[%add3A_20, %dma_start3A_58] : memref<10240x128xf32, #tpu.memory_space<vmem_shared>> -> memref<80x128xf32, #tpu.memory_space<vmem_shared>>
      tpu.enqueue_dma source(%arg14 : memref<80x128xf32, #tpu.memory_space<vmem>>) target(%dma_start3A_59 : memref<80x128xf32, #tpu.memory_space<vmem_shared>>) target_semaphore(%run_scoped3A : memref<!tpu.dma_semaphore, #tpu.memory_space<semaphore_mem>>)
      %dma_wait3A_60 = arith.constant 0 : i32
      %dma_wait3A_61 = tpu.memref_slice %arg18[%add3A_20, %dma_wait3A_60] : memref<10240x128xf32, #tpu.memory_space<vmem_shared>> -> memref<80x128xf32, #tpu.memory_space<vmem_shared>>
      %dma_wait3A_62 = arith.constant 0 : i32
      %dma_wait3A_63 = tpu.memref_slice %arg18[%add3A_20, %dma_wait3A_62] : memref<10240x128xf32, #tpu.memory_space<vmem_shared>> -> memref<80x128xf32, #tpu.memory_space<vmem_shared>>
      tpu.wait_dma2 semaphore(%run_scoped3A : memref<!tpu.dma_semaphore, #tpu.memory_space<semaphore_mem>>) src(%arg14 : memref<80x128xf32, #tpu.memory_space<vmem>>) dst(%dma_wait3A_63 : memref<80x128xf32, #tpu.memory_space<vmem_shared>>)
      tpu.yield
    }) : () -> ()
    %add3A_21 = arith.constant 480 : i32
    %add3A_22 = arith.addi %mul3A_2, %add3A_21 : i32
    "tpu.region"() ({
      %run_scoped3A = tpu.sem_alloc : memref<!tpu.dma_semaphore, #tpu.memory_space<semaphore_mem>>
      %dma_start3A_56 = arith.constant 0 : i32
      %dma_start3A_57 = tpu.memref_slice %arg18[%add3A_22, %dma_start3A_56] : memref<10240x128xf32, #tpu.memory_space<vmem_shared>> -> memref<80x128xf32, #tpu.memory_space<vmem_shared>>
      %dma_start3A_58 = arith.constant 0 : i32
      %dma_start3A_59 = tpu.memref_slice %arg18[%add3A_22, %dma_start3A_58] : memref<10240x128xf32, #tpu.memory_space<vmem_shared>> -> memref<80x128xf32, #tpu.memory_space<vmem_shared>>
      tpu.enqueue_dma source(%arg14 : memref<80x128xf32, #tpu.memory_space<vmem>>) target(%dma_start3A_59 : memref<80x128xf32, #tpu.memory_space<vmem_shared>>) target_semaphore(%run_scoped3A : memref<!tpu.dma_semaphore, #tpu.memory_space<semaphore_mem>>)
      %dma_wait3A_60 = arith.constant 0 : i32
      %dma_wait3A_61 = tpu.memref_slice %arg18[%add3A_22, %dma_wait3A_60] : memref<10240x128xf32, #tpu.memory_space<vmem_shared>> -> memref<80x128xf32, #tpu.memory_space<vmem_shared>>
      %dma_wait3A_62 = arith.constant 0 : i32
      %dma_wait3A_63 = tpu.memref_slice %arg18[%add3A_22, %dma_wait3A_62] : memref<10240x128xf32, #tpu.memory_space<vmem_shared>> -> memref<80x128xf32, #tpu.memory_space<vmem_shared>>
      tpu.wait_dma2 semaphore(%run_scoped3A : memref<!tpu.dma_semaphore, #tpu.memory_space<semaphore_mem>>) src(%arg14 : memref<80x128xf32, #tpu.memory_space<vmem>>) dst(%dma_wait3A_63 : memref<80x128xf32, #tpu.memory_space<vmem_shared>>)
      tpu.yield
    }) : () -> ()
    %add3A_23 = arith.constant 560 : i32
    %add3A_24 = arith.addi %mul3A_2, %add3A_23 : i32
    "tpu.region"() ({
      %run_scoped3A = tpu.sem_alloc : memref<!tpu.dma_semaphore, #tpu.memory_space<semaphore_mem>>
      %dma_start3A_56 = arith.constant 0 : i32
      %dma_start3A_57 = tpu.memref_slice %arg18[%add3A_24, %dma_start3A_56] : memref<10240x128xf32, #tpu.memory_space<vmem_shared>> -> memref<80x128xf32, #tpu.memory_space<vmem_shared>>
      %dma_start3A_58 = arith.constant 0 : i32
      %dma_start3A_59 = tpu.memref_slice %arg18[%add3A_24, %dma_start3A_58] : memref<10240x128xf32, #tpu.memory_space<vmem_shared>> -> memref<80x128xf32, #tpu.memory_space<vmem_shared>>
      tpu.enqueue_dma source(%arg14 : memref<80x128xf32, #tpu.memory_space<vmem>>) target(%dma_start3A_59 : memref<80x128xf32, #tpu.memory_space<vmem_shared>>) target_semaphore(%run_scoped3A : memref<!tpu.dma_semaphore, #tpu.memory_space<semaphore_mem>>)
      %dma_wait3A_60 = arith.constant 0 : i32
      %dma_wait3A_61 = tpu.memref_slice %arg18[%add3A_24, %dma_wait3A_60] : memref<10240x128xf32, #tpu.memory_space<vmem_shared>> -> memref<80x128xf32, #tpu.memory_space<vmem_shared>>
      %dma_wait3A_62 = arith.constant 0 : i32
      %dma_wait3A_63 = tpu.memref_slice %arg18[%add3A_24, %dma_wait3A_62] : memref<10240x128xf32, #tpu.memory_space<vmem_shared>> -> memref<80x128xf32, #tpu.memory_space<vmem_shared>>
      tpu.wait_dma2 semaphore(%run_scoped3A : memref<!tpu.dma_semaphore, #tpu.memory_space<semaphore_mem>>) src(%arg14 : memref<80x128xf32, #tpu.memory_space<vmem>>) dst(%dma_wait3A_63 : memref<80x128xf32, #tpu.memory_space<vmem_shared>>)
      tpu.yield
    }) : () -> ()
    %barrier3A = arith.constant 0 : index
    tpu.barrier barrier_id(%barrier3A)
    %mul3A_25 = arith.constant 10240 : i32
    %mul3A_26 = arith.muli %add3A, %mul3A_25 : i32
    %add3A_27 = arith.constant 0 : i32
    %add3A_28 = arith.addi %mul3A_26, %add3A_27 : i32
    "tpu.region"() ({
      %run_scoped3A = tpu.sem_alloc : memref<!tpu.dma_semaphore, #tpu.memory_space<semaphore_mem>>
      %dma_start3A_56 = tpu.memref_slice %arg3[%add3A_28] : memref<327680xi32, #tpu.memory_space<hbm>> -> memref<80xi32, #tpu.memory_space<hbm>>
      %dma_start3A_57 = tpu.memref_slice %arg3[%add3A_28] : memref<327680xi32, #tpu.memory_space<hbm>> -> memref<80xi32, #tpu.memory_space<hbm>>
      tpu.enqueue_dma source(%dma_start3A_57 : memref<80xi32, #tpu.memory_space<hbm>>) target(%arg6 : memref<80xi32, #tpu.memory_space<vmem>>) target_semaphore(%run_scoped3A : memref<!tpu.dma_semaphore, #tpu.memory_space<semaphore_mem>>)
      %dma_wait3A_58 = tpu.memref_slice %arg3[%add3A_28] : memref<327680xi32, #tpu.memory_space<hbm>> -> memref<80xi32, #tpu.memory_space<hbm>>
      %dma_wait3A_59 = tpu.memref_slice %arg3[%add3A_28] : memref<327680xi32, #tpu.memory_space<hbm>> -> memref<80xi32, #tpu.memory_space<hbm>>
      tpu.wait_dma2 semaphore(%run_scoped3A : memref<!tpu.dma_semaphore, #tpu.memory_space<semaphore_mem>>) src(%dma_wait3A_59 : memref<80xi32, #tpu.memory_space<hbm>>) dst(%arg6 : memref<80xi32, #tpu.memory_space<vmem>>)
      tpu.yield
    }) : () -> ()
    "tpu.region"() ({
      %run_scoped3A = tpu.sem_alloc : memref<!tpu.dma_semaphore, #tpu.memory_space<semaphore_mem>>
      %dma_start3A_56 = tpu.memref_slice %arg4[%add3A_28] : memref<327680xi32, #tpu.memory_space<hbm>> -> memref<80xi32, #tpu.memory_space<hbm>>
      %dma_start3A_57 = tpu.memref_slice %arg4[%add3A_28] : memref<327680xi32, #tpu.memory_space<hbm>> -> memref<80xi32, #tpu.memory_space<hbm>>
      tpu.enqueue_dma source(%dma_start3A_57 : memref<80xi32, #tpu.memory_space<hbm>>) target(%arg10 : memref<80xi32, #tpu.memory_space<vmem>>) target_semaphore(%run_scoped3A : memref<!tpu.dma_semaphore, #tpu.memory_space<semaphore_mem>>)
      %dma_wait3A_58 = tpu.memref_slice %arg4[%add3A_28] : memref<327680xi32, #tpu.memory_space<hbm>> -> memref<80xi32, #tpu.memory_space<hbm>>
      %dma_wait3A_59 = tpu.memref_slice %arg4[%add3A_28] : memref<327680xi32, #tpu.memory_space<hbm>> -> memref<80xi32, #tpu.memory_space<hbm>>
      tpu.wait_dma2 semaphore(%run_scoped3A : memref<!tpu.dma_semaphore, #tpu.memory_space<semaphore_mem>>) src(%dma_wait3A_59 : memref<80xi32, #tpu.memory_space<hbm>>) dst(%arg10 : memref<80xi32, #tpu.memory_space<vmem>>)
      tpu.yield
    }) : () -> ()
    %dma_start3A = arith.constant 0 : i32
    %dma_start3A_29 = arith.constant 0 : i32
    %dma_start3A_30 = tpu.memref_slice %arg2[%dma_start3A, %dma_start3A_29] : memref<10240x128xf32, #tpu.memory_space<hbm>> -> memref<10240x128xf32, #tpu.memory_space<hbm>>
    tpu.enqueue_indirect_dma source(%dma_start3A_30 : memref<10240x128xf32, #tpu.memory_space<hbm>>) target(%arg14 : memref<80x128xf32, #tpu.memory_space<vmem>>) offsets(%arg6 : memref<80xi32, #tpu.memory_space<vmem>>) semaphore(%arg19 : memref<!tpu.dma_semaphore, #tpu.memory_space<semaphore_mem>>)
    %add3A_31 = arith.constant 80 : i32
    %add3A_32 = arith.addi %mul3A_26, %add3A_31 : i32
    "tpu.region"() ({
      %run_scoped3A = tpu.sem_alloc : memref<!tpu.dma_semaphore, #tpu.memory_space<semaphore_mem>>
      %dma_start3A_56 = tpu.memref_slice %arg3[%add3A_32] : memref<327680xi32, #tpu.memory_space<hbm>> -> memref<80xi32, #tpu.memory_space<hbm>>
      %dma_start3A_57 = tpu.memref_slice %arg3[%add3A_32] : memref<327680xi32, #tpu.memory_space<hbm>> -> memref<80xi32, #tpu.memory_space<hbm>>
      tpu.enqueue_dma source(%dma_start3A_57 : memref<80xi32, #tpu.memory_space<hbm>>) target(%arg7 : memref<80xi32, #tpu.memory_space<vmem>>) target_semaphore(%run_scoped3A : memref<!tpu.dma_semaphore, #tpu.memory_space<semaphore_mem>>)
      %dma_wait3A_58 = tpu.memref_slice %arg3[%add3A_32] : memref<327680xi32, #tpu.memory_space<hbm>> -> memref<80xi32, #tpu.memory_space<hbm>>
      %dma_wait3A_59 = tpu.memref_slice %arg3[%add3A_32] : memref<327680xi32, #tpu.memory_space<hbm>> -> memref<80xi32, #tpu.memory_space<hbm>>
      tpu.wait_dma2 semaphore(%run_scoped3A : memref<!tpu.dma_semaphore, #tpu.memory_space<semaphore_mem>>) src(%dma_wait3A_59 : memref<80xi32, #tpu.memory_space<hbm>>) dst(%arg7 : memref<80xi32, #tpu.memory_space<vmem>>)
      tpu.yield
    }) : () -> ()
    "tpu.region"() ({
      %run_scoped3A = tpu.sem_alloc : memref<!tpu.dma_semaphore, #tpu.memory_space<semaphore_mem>>
      %dma_start3A_56 = tpu.memref_slice %arg4[%add3A_32] : memref<327680xi32, #tpu.memory_space<hbm>> -> memref<80xi32, #tpu.memory_space<hbm>>
      %dma_start3A_57 = tpu.memref_slice %arg4[%add3A_32] : memref<327680xi32, #tpu.memory_space<hbm>> -> memref<80xi32, #tpu.memory_space<hbm>>
      tpu.enqueue_dma source(%dma_start3A_57 : memref<80xi32, #tpu.memory_space<hbm>>) target(%arg11 : memref<80xi32, #tpu.memory_space<vmem>>) target_semaphore(%run_scoped3A : memref<!tpu.dma_semaphore, #tpu.memory_space<semaphore_mem>>)
      %dma_wait3A_58 = tpu.memref_slice %arg4[%add3A_32] : memref<327680xi32, #tpu.memory_space<hbm>> -> memref<80xi32, #tpu.memory_space<hbm>>
      %dma_wait3A_59 = tpu.memref_slice %arg4[%add3A_32] : memref<327680xi32, #tpu.memory_space<hbm>> -> memref<80xi32, #tpu.memory_space<hbm>>
      tpu.wait_dma2 semaphore(%run_scoped3A : memref<!tpu.dma_semaphore, #tpu.memory_space<semaphore_mem>>) src(%dma_wait3A_59 : memref<80xi32, #tpu.memory_space<hbm>>) dst(%arg11 : memref<80xi32, #tpu.memory_space<vmem>>)
      tpu.yield
    }) : () -> ()
    %dma_start3A_33 = arith.constant 0 : i32
    %dma_start3A_34 = arith.constant 0 : i32
    %dma_start3A_35 = tpu.memref_slice %arg2[%dma_start3A_33, %dma_start3A_34] : memref<10240x128xf32, #tpu.memory_space<hbm>> -> memref<10240x128xf32, #tpu.memory_space<hbm>>
    tpu.enqueue_indirect_dma source(%dma_start3A_35 : memref<10240x128xf32, #tpu.memory_space<hbm>>) target(%arg15 : memref<80x128xf32, #tpu.memory_space<vmem>>) offsets(%arg7 : memref<80xi32, #tpu.memory_space<vmem>>) semaphore(%arg20 : memref<!tpu.dma_semaphore, #tpu.memory_space<semaphore_mem>>)
    %add3A_36 = arith.constant 160 : i32
    %add3A_37 = arith.addi %mul3A_26, %add3A_36 : i32
    "tpu.region"() ({
      %run_scoped3A = tpu.sem_alloc : memref<!tpu.dma_semaphore, #tpu.memory_space<semaphore_mem>>
      %dma_start3A_56 = tpu.memref_slice %arg3[%add3A_37] : memref<327680xi32, #tpu.memory_space<hbm>> -> memref<80xi32, #tpu.memory_space<hbm>>
      %dma_start3A_57 = tpu.memref_slice %arg3[%add3A_37] : memref<327680xi32, #tpu.memory_space<hbm>> -> memref<80xi32, #tpu.memory_space<hbm>>
      tpu.enqueue_dma source(%dma_start3A_57 : memref<80xi32, #tpu.memory_space<hbm>>) target(%arg8 : memref<80xi32, #tpu.memory_space<vmem>>) target_semaphore(%run_scoped3A : memref<!tpu.dma_semaphore, #tpu.memory_space<semaphore_mem>>)
      %dma_wait3A_58 = tpu.memref_slice %arg3[%add3A_37] : memref<327680xi32, #tpu.memory_space<hbm>> -> memref<80xi32, #tpu.memory_space<hbm>>
      %dma_wait3A_59 = tpu.memref_slice %arg3[%add3A_37] : memref<327680xi32, #tpu.memory_space<hbm>> -> memref<80xi32, #tpu.memory_space<hbm>>
      tpu.wait_dma2 semaphore(%run_scoped3A : memref<!tpu.dma_semaphore, #tpu.memory_space<semaphore_mem>>) src(%dma_wait3A_59 : memref<80xi32, #tpu.memory_space<hbm>>) dst(%arg8 : memref<80xi32, #tpu.memory_space<vmem>>)
      tpu.yield
    }) : () -> ()
    "tpu.region"() ({
      %run_scoped3A = tpu.sem_alloc : memref<!tpu.dma_semaphore, #tpu.memory_space<semaphore_mem>>
      %dma_start3A_56 = tpu.memref_slice %arg4[%add3A_37] : memref<327680xi32, #tpu.memory_space<hbm>> -> memref<80xi32, #tpu.memory_space<hbm>>
      %dma_start3A_57 = tpu.memref_slice %arg4[%add3A_37] : memref<327680xi32, #tpu.memory_space<hbm>> -> memref<80xi32, #tpu.memory_space<hbm>>
      tpu.enqueue_dma source(%dma_start3A_57 : memref<80xi32, #tpu.memory_space<hbm>>) target(%arg12 : memref<80xi32, #tpu.memory_space<vmem>>) target_semaphore(%run_scoped3A : memref<!tpu.dma_semaphore, #tpu.memory_space<semaphore_mem>>)
      %dma_wait3A_58 = tpu.memref_slice %arg4[%add3A_37] : memref<327680xi32, #tpu.memory_space<hbm>> -> memref<80xi32, #tpu.memory_space<hbm>>
      %dma_wait3A_59 = tpu.memref_slice %arg4[%add3A_37] : memref<327680xi32, #tpu.memory_space<hbm>> -> memref<80xi32, #tpu.memory_space<hbm>>
      tpu.wait_dma2 semaphore(%run_scoped3A : memref<!tpu.dma_semaphore, #tpu.memory_space<semaphore_mem>>) src(%dma_wait3A_59 : memref<80xi32, #tpu.memory_space<hbm>>) dst(%arg12 : memref<80xi32, #tpu.memory_space<vmem>>)
      tpu.yield
    }) : () -> ()
    %dma_start3A_38 = arith.constant 0 : i32
    %dma_start3A_39 = arith.constant 0 : i32
    %dma_start3A_40 = tpu.memref_slice %arg2[%dma_start3A_38, %dma_start3A_39] : memref<10240x128xf32, #tpu.memory_space<hbm>> -> memref<10240x128xf32, #tpu.memory_space<hbm>>
    tpu.enqueue_indirect_dma source(%dma_start3A_40 : memref<10240x128xf32, #tpu.memory_space<hbm>>) target(%arg16 : memref<80x128xf32, #tpu.memory_space<vmem>>) offsets(%arg8 : memref<80xi32, #tpu.memory_space<vmem>>) semaphore(%arg21 : memref<!tpu.dma_semaphore, #tpu.memory_space<semaphore_mem>>)
    %scan3A_41 = arith.constant 0 : i32
    %scan3A_42 = arith.constant 0 : i32
    %scan3A_43 = arith.constant 32 : i32
    %scan3A_44 = arith.addi %scan3A_42, %scan3A_43 : i32
    %scan3A_45 = arith.constant 1 : i32
    scf.for %scan3A_56 = %scan3A_42 to %scan3A_44 step %scan3A_45  : i32 {
      %mul3A_57 = arith.constant 4 : i32
      %mul3A_58 = arith.muli %mul3A_57, %scan3A_56 : i32
      %add3A_59 = arith.constant 0 : i32
      %add3A_60 = arith.addi %mul3A_58, %add3A_59 : i32
      %dma_wait3A_61 = arith.constant 0 : i32
      %dma_wait3A_62 = arith.constant 0 : i32
      %dma_wait3A_63 = tpu.memref_slice %arg2[%dma_wait3A_61, %dma_wait3A_62] : memref<10240x128xf32, #tpu.memory_space<hbm>> -> memref<10240x128xf32, #tpu.memory_space<hbm>>
      tpu.wait_indirect_dma semaphore(%arg19 : memref<!tpu.dma_semaphore, #tpu.memory_space<semaphore_mem>>) src(%dma_wait3A_63 : memref<10240x128xf32, #tpu.memory_space<hbm>>) dst(%arg14 : memref<80x128xf32, #tpu.memory_space<vmem>>)
      %add3A_64 = arith.constant 3 : i32
      %add3A_65 = arith.addi %add3A_60, %add3A_64 : i32
      %lt3A = arith.constant 128 : i32
      %lt3A_66 = arith.cmpi slt, %add3A_65, %lt3A : i32
      %add3A_67 = arith.constant 3 : i32
      %add3A_68 = arith.addi %add3A_60, %add3A_67 : i32
      %jit3A = arith.constant 0 : i32
      %select_n3A = arith.select %lt3A_66, %add3A_68, %jit3A : i32
      %mul3A_69 = arith.constant 80 : i32
      %mul3A_70 = arith.muli %select_n3A, %mul3A_69 : i32
      %add3A_71 = arith.addi %mul3A_26, %mul3A_70 : i32
      "tpu.region"() ({
        %run_scoped3A = tpu.sem_alloc : memref<!tpu.dma_semaphore, #tpu.memory_space<semaphore_mem>>
        %dma_start3A_138 = tpu.memref_slice %arg3[%add3A_71] : memref<327680xi32, #tpu.memory_space<hbm>> -> memref<80xi32, #tpu.memory_space<hbm>>
        %dma_start3A_139 = tpu.memref_slice %arg3[%add3A_71] : memref<327680xi32, #tpu.memory_space<hbm>> -> memref<80xi32, #tpu.memory_space<hbm>>
        tpu.enqueue_dma source(%dma_start3A_139 : memref<80xi32, #tpu.memory_space<hbm>>) target(%arg9 : memref<80xi32, #tpu.memory_space<vmem>>) target_semaphore(%run_scoped3A : memref<!tpu.dma_semaphore, #tpu.memory_space<semaphore_mem>>)
        %dma_wait3A_140 = tpu.memref_slice %arg3[%add3A_71] : memref<327680xi32, #tpu.memory_space<hbm>> -> memref<80xi32, #tpu.memory_space<hbm>>
        %dma_wait3A_141 = tpu.memref_slice %arg3[%add3A_71] : memref<327680xi32, #tpu.memory_space<hbm>> -> memref<80xi32, #tpu.memory_space<hbm>>
        tpu.wait_dma2 semaphore(%run_scoped3A : memref<!tpu.dma_semaphore, #tpu.memory_space<semaphore_mem>>) src(%dma_wait3A_141 : memref<80xi32, #tpu.memory_space<hbm>>) dst(%arg9 : memref<80xi32, #tpu.memory_space<vmem>>)
        tpu.yield
      }) : () -> ()
      "tpu.region"() ({
        %run_scoped3A = tpu.sem_alloc : memref<!tpu.dma_semaphore, #tpu.memory_space<semaphore_mem>>
        %dma_start3A_138 = tpu.memref_slice %arg4[%add3A_71] : memref<327680xi32, #tpu.memory_space<hbm>> -> memref<80xi32, #tpu.memory_space<hbm>>
        %dma_start3A_139 = tpu.memref_slice %arg4[%add3A_71] : memref<327680xi32, #tpu.memory_space<hbm>> -> memref<80xi32, #tpu.memory_space<hbm>>
        tpu.enqueue_dma source(%dma_start3A_139 : memref<80xi32, #tpu.memory_space<hbm>>) target(%arg13 : memref<80xi32, #tpu.memory_space<vmem>>) target_semaphore(%run_scoped3A : memref<!tpu.dma_semaphore, #tpu.memory_space<semaphore_mem>>)
        %dma_wait3A_140 = tpu.memref_slice %arg4[%add3A_71] : memref<327680xi32, #tpu.memory_space<hbm>> -> memref<80xi32, #tpu.memory_space<hbm>>
        %dma_wait3A_141 = tpu.memref_slice %arg4[%add3A_71] : memref<327680xi32, #tpu.memory_space<hbm>> -> memref<80xi32, #tpu.memory_space<hbm>>
        tpu.wait_dma2 semaphore(%run_scoped3A : memref<!tpu.dma_semaphore, #tpu.memory_space<semaphore_mem>>) src(%dma_wait3A_141 : memref<80xi32, #tpu.memory_space<hbm>>) dst(%arg13 : memref<80xi32, #tpu.memory_space<vmem>>)
        tpu.yield
      }) : () -> ()
      %dma_start3A_72 = arith.constant 0 : i32
      %dma_start3A_73 = arith.constant 0 : i32
      %dma_start3A_74 = tpu.memref_slice %arg2[%dma_start3A_72, %dma_start3A_73] : memref<10240x128xf32, #tpu.memory_space<hbm>> -> memref<10240x128xf32, #tpu.memory_space<hbm>>
      tpu.enqueue_indirect_dma source(%dma_start3A_74 : memref<10240x128xf32, #tpu.memory_space<hbm>>) target(%arg17 : memref<80x128xf32, #tpu.memory_space<vmem>>) offsets(%arg9 : memref<80xi32, #tpu.memory_space<vmem>>) semaphore(%arg22 : memref<!tpu.dma_semaphore, #tpu.memory_space<semaphore_mem>>)
      "tpu.region"() ({
        %run_scoped3A = tpu.sem_alloc : memref<!tpu.dma_semaphore, #tpu.memory_space<semaphore_mem>>
        %dma_start3A_138 = arith.constant 0 : i32
        %dma_start3A_139 = arith.constant 0 : i32
        %dma_start3A_140 = tpu.memref_slice %arg18[%dma_start3A_138, %dma_start3A_139] : memref<10240x128xf32, #tpu.memory_space<vmem_shared>> -> memref<10240x128xf32, #tpu.memory_space<vmem_shared>>
        tpu.enqueue_indirect_dma source(%arg14 : memref<80x128xf32, #tpu.memory_space<vmem>>) target(%dma_start3A_140 : memref<10240x128xf32, #tpu.memory_space<vmem_shared>>) offsets(%arg10 : memref<80xi32, #tpu.memory_space<vmem>>) semaphore(%run_scoped3A : memref<!tpu.dma_semaphore, #tpu.memory_space<semaphore_mem>>) {add = true}
        %dma_wait3A_141 = arith.constant 0 : i32
        %dma_wait3A_142 = arith.constant 0 : i32
        %dma_wait3A_143 = tpu.memref_slice %arg18[%dma_wait3A_141, %dma_wait3A_142] : memref<10240x128xf32, #tpu.memory_space<vmem_shared>> -> memref<10240x128xf32, #tpu.memory_space<vmem_shared>>
        tpu.wait_indirect_dma semaphore(%run_scoped3A : memref<!tpu.dma_semaphore, #tpu.memory_space<semaphore_mem>>) src(%arg14 : memref<80x128xf32, #tpu.memory_space<vmem>>) dst(%dma_wait3A_143 : memref<10240x128xf32, #tpu.memory_space<vmem_shared>>)
        tpu.yield
      }) : () -> ()
      %mul3A_75 = arith.constant 4 : i32
      %mul3A_76 = arith.muli %mul3A_75, %scan3A_56 : i32
      %add3A_77 = arith.constant 1 : i32
      %add3A_78 = arith.addi %mul3A_76, %add3A_77 : i32
      %dma_wait3A_79 = arith.constant 0 : i32
      %dma_wait3A_80 = arith.constant 0 : i32
      %dma_wait3A_81 = tpu.memref_slice %arg2[%dma_wait3A_79, %dma_wait3A_80] : memref<10240x128xf32, #tpu.memory_space<hbm>> -> memref<10240x128xf32, #tpu.memory_space<hbm>>
      tpu.wait_indirect_dma semaphore(%arg20 : memref<!tpu.dma_semaphore, #tpu.memory_space<semaphore_mem>>) src(%dma_wait3A_81 : memref<10240x128xf32, #tpu.memory_space<hbm>>) dst(%arg15 : memref<80x128xf32, #tpu.memory_space<vmem>>)
      %add3A_82 = arith.constant 3 : i32
      %add3A_83 = arith.addi %add3A_78, %add3A_82 : i32
      %lt3A_84 = arith.constant 128 : i32
      %lt3A_85 = arith.cmpi slt, %add3A_83, %lt3A_84 : i32
      %add3A_86 = arith.constant 3 : i32
      %add3A_87 = arith.addi %add3A_78, %add3A_86 : i32
      %jit3A_88 = arith.constant 0 : i32
      %select_n3A_89 = arith.select %lt3A_85, %add3A_87, %jit3A_88 : i32
      %mul3A_90 = arith.constant 80 : i32
      %mul3A_91 = arith.muli %select_n3A_89, %mul3A_90 : i32
      %add3A_92 = arith.addi %mul3A_26, %mul3A_91 : i32
      "tpu.region"() ({
        %run_scoped3A = tpu.sem_alloc : memref<!tpu.dma_semaphore, #tpu.memory_space<semaphore_mem>>
        %dma_start3A_138 = tpu.memref_slice %arg3[%add3A_92] : memref<327680xi32, #tpu.memory_space<hbm>> -> memref<80xi32, #tpu.memory_space<hbm>>
        %dma_start3A_139 = tpu.memref_slice %arg3[%add3A_92] : memref<327680xi32, #tpu.memory_space<hbm>> -> memref<80xi32, #tpu.memory_space<hbm>>
        tpu.enqueue_dma source(%dma_start3A_139 : memref<80xi32, #tpu.memory_space<hbm>>) target(%arg6 : memref<80xi32, #tpu.memory_space<vmem>>) target_semaphore(%run_scoped3A : memref<!tpu.dma_semaphore, #tpu.memory_space<semaphore_mem>>)
        %dma_wait3A_140 = tpu.memref_slice %arg3[%add3A_92] : memref<327680xi32, #tpu.memory_space<hbm>> -> memref<80xi32, #tpu.memory_space<hbm>>
        %dma_wait3A_141 = tpu.memref_slice %arg3[%add3A_92] : memref<327680xi32, #tpu.memory_space<hbm>> -> memref<80xi32, #tpu.memory_space<hbm>>
        tpu.wait_dma2 semaphore(%run_scoped3A : memref<!tpu.dma_semaphore, #tpu.memory_space<semaphore_mem>>) src(%dma_wait3A_141 : memref<80xi32, #tpu.memory_space<hbm>>) dst(%arg6 : memref<80xi32, #tpu.memory_space<vmem>>)
        tpu.yield
      }) : () -> ()
      "tpu.region"() ({
        %run_scoped3A = tpu.sem_alloc : memref<!tpu.dma_semaphore, #tpu.memory_space<semaphore_mem>>
        %dma_start3A_138 = tpu.memref_slice %arg4[%add3A_92] : memref<327680xi32, #tpu.memory_space<hbm>> -> memref<80xi32, #tpu.memory_space<hbm>>
        %dma_start3A_139 = tpu.memref_slice %arg4[%add3A_92] : memref<327680xi32, #tpu.memory_space<hbm>> -> memref<80xi32, #tpu.memory_space<hbm>>
        tpu.enqueue_dma source(%dma_start3A_139 : memref<80xi32, #tpu.memory_space<hbm>>) target(%arg10 : memref<80xi32, #tpu.memory_space<vmem>>) target_semaphore(%run_scoped3A : memref<!tpu.dma_semaphore, #tpu.memory_space<semaphore_mem>>)
        %dma_wait3A_140 = tpu.memref_slice %arg4[%add3A_92] : memref<327680xi32, #tpu.memory_space<hbm>> -> memref<80xi32, #tpu.memory_space<hbm>>
        %dma_wait3A_141 = tpu.memref_slice %arg4[%add3A_92] : memref<327680xi32, #tpu.memory_space<hbm>> -> memref<80xi32, #tpu.memory_space<hbm>>
        tpu.wait_dma2 semaphore(%run_scoped3A : memref<!tpu.dma_semaphore, #tpu.memory_space<semaphore_mem>>) src(%dma_wait3A_141 : memref<80xi32, #tpu.memory_space<hbm>>) dst(%arg10 : memref<80xi32, #tpu.memory_space<vmem>>)
        tpu.yield
      }) : () -> ()
      %dma_start3A_93 = arith.constant 0 : i32
      %dma_start3A_94 = arith.constant 0 : i32
      %dma_start3A_95 = tpu.memref_slice %arg2[%dma_start3A_93, %dma_start3A_94] : memref<10240x128xf32, #tpu.memory_space<hbm>> -> memref<10240x128xf32, #tpu.memory_space<hbm>>
      tpu.enqueue_indirect_dma source(%dma_start3A_95 : memref<10240x128xf32, #tpu.memory_space<hbm>>) target(%arg14 : memref<80x128xf32, #tpu.memory_space<vmem>>) offsets(%arg6 : memref<80xi32, #tpu.memory_space<vmem>>) semaphore(%arg19 : memref<!tpu.dma_semaphore, #tpu.memory_space<semaphore_mem>>)
      "tpu.region"() ({
        %run_scoped3A = tpu.sem_alloc : memref<!tpu.dma_semaphore, #tpu.memory_space<semaphore_mem>>
        %dma_start3A_138 = arith.constant 0 : i32
        %dma_start3A_139 = arith.constant 0 : i32
        %dma_start3A_140 = tpu.memref_slice %arg18[%dma_start3A_138, %dma_start3A_139] : memref<10240x128xf32, #tpu.memory_space<vmem_shared>> -> memref<10240x128xf32, #tpu.memory_space<vmem_shared>>
        tpu.enqueue_indirect_dma source(%arg15 : memref<80x128xf32, #tpu.memory_space<vmem>>) target(%dma_start3A_140 : memref<10240x128xf32, #tpu.memory_space<vmem_shared>>) offsets(%arg11 : memref<80xi32, #tpu.memory_space<vmem>>) semaphore(%run_scoped3A : memref<!tpu.dma_semaphore, #tpu.memory_space<semaphore_mem>>) {add = true}
        %dma_wait3A_141 = arith.constant 0 : i32
        %dma_wait3A_142 = arith.constant 0 : i32
        %dma_wait3A_143 = tpu.memref_slice %arg18[%dma_wait3A_141, %dma_wait3A_142] : memref<10240x128xf32, #tpu.memory_space<vmem_shared>> -> memref<10240x128xf32, #tpu.memory_space<vmem_shared>>
        tpu.wait_indirect_dma semaphore(%run_scoped3A : memref<!tpu.dma_semaphore, #tpu.memory_space<semaphore_mem>>) src(%arg15 : memref<80x128xf32, #tpu.memory_space<vmem>>) dst(%dma_wait3A_143 : memref<10240x128xf32, #tpu.memory_space<vmem_shared>>)
        tpu.yield
      }) : () -> ()
      %mul3A_96 = arith.constant 4 : i32
      %mul3A_97 = arith.muli %mul3A_96, %scan3A_56 : i32
      %add3A_98 = arith.constant 2 : i32
      %add3A_99 = arith.addi %mul3A_97, %add3A_98 : i32
      %dma_wait3A_100 = arith.constant 0 : i32
      %dma_wait3A_101 = arith.constant 0 : i32
      %dma_wait3A_102 = tpu.memref_slice %arg2[%dma_wait3A_100, %dma_wait3A_101] : memref<10240x128xf32, #tpu.memory_space<hbm>> -> memref<10240x128xf32, #tpu.memory_space<hbm>>
      tpu.wait_indirect_dma semaphore(%arg21 : memref<!tpu.dma_semaphore, #tpu.memory_space<semaphore_mem>>) src(%dma_wait3A_102 : memref<10240x128xf32, #tpu.memory_space<hbm>>) dst(%arg16 : memref<80x128xf32, #tpu.memory_space<vmem>>)
      %add3A_103 = arith.constant 3 : i32
      %add3A_104 = arith.addi %add3A_99, %add3A_103 : i32
      %lt3A_105 = arith.constant 128 : i32
      %lt3A_106 = arith.cmpi slt, %add3A_104, %lt3A_105 : i32
      %add3A_107 = arith.constant 3 : i32
      %add3A_108 = arith.addi %add3A_99, %add3A_107 : i32
      %jit3A_109 = arith.constant 0 : i32
      %select_n3A_110 = arith.select %lt3A_106, %add3A_108, %jit3A_109 : i32
      %mul3A_111 = arith.constant 80 : i32
      %mul3A_112 = arith.muli %select_n3A_110, %mul3A_111 : i32
      %add3A_113 = arith.addi %mul3A_26, %mul3A_112 : i32
      "tpu.region"() ({
        %run_scoped3A = tpu.sem_alloc : memref<!tpu.dma_semaphore, #tpu.memory_space<semaphore_mem>>
        %dma_start3A_138 = tpu.memref_slice %arg3[%add3A_113] : memref<327680xi32, #tpu.memory_space<hbm>> -> memref<80xi32, #tpu.memory_space<hbm>>
        %dma_start3A_139 = tpu.memref_slice %arg3[%add3A_113] : memref<327680xi32, #tpu.memory_space<hbm>> -> memref<80xi32, #tpu.memory_space<hbm>>
        tpu.enqueue_dma source(%dma_start3A_139 : memref<80xi32, #tpu.memory_space<hbm>>) target(%arg7 : memref<80xi32, #tpu.memory_space<vmem>>) target_semaphore(%run_scoped3A : memref<!tpu.dma_semaphore, #tpu.memory_space<semaphore_mem>>)
        %dma_wait3A_140 = tpu.memref_slice %arg3[%add3A_113] : memref<327680xi32, #tpu.memory_space<hbm>> -> memref<80xi32, #tpu.memory_space<hbm>>
        %dma_wait3A_141 = tpu.memref_slice %arg3[%add3A_113] : memref<327680xi32, #tpu.memory_space<hbm>> -> memref<80xi32, #tpu.memory_space<hbm>>
        tpu.wait_dma2 semaphore(%run_scoped3A : memref<!tpu.dma_semaphore, #tpu.memory_space<semaphore_mem>>) src(%dma_wait3A_141 : memref<80xi32, #tpu.memory_space<hbm>>) dst(%arg7 : memref<80xi32, #tpu.memory_space<vmem>>)
        tpu.yield
      }) : () -> ()
      "tpu.region"() ({
        %run_scoped3A = tpu.sem_alloc : memref<!tpu.dma_semaphore, #tpu.memory_space<semaphore_mem>>
        %dma_start3A_138 = tpu.memref_slice %arg4[%add3A_113] : memref<327680xi32, #tpu.memory_space<hbm>> -> memref<80xi32, #tpu.memory_space<hbm>>
        %dma_start3A_139 = tpu.memref_slice %arg4[%add3A_113] : memref<327680xi32, #tpu.memory_space<hbm>> -> memref<80xi32, #tpu.memory_space<hbm>>
        tpu.enqueue_dma source(%dma_start3A_139 : memref<80xi32, #tpu.memory_space<hbm>>) target(%arg11 : memref<80xi32, #tpu.memory_space<vmem>>) target_semaphore(%run_scoped3A : memref<!tpu.dma_semaphore, #tpu.memory_space<semaphore_mem>>)
        %dma_wait3A_140 = tpu.memref_slice %arg4[%add3A_113] : memref<327680xi32, #tpu.memory_space<hbm>> -> memref<80xi32, #tpu.memory_space<hbm>>
        %dma_wait3A_141 = tpu.memref_slice %arg4[%add3A_113] : memref<327680xi32, #tpu.memory_space<hbm>> -> memref<80xi32, #tpu.memory_space<hbm>>
        tpu.wait_dma2 semaphore(%run_scoped3A : memref<!tpu.dma_semaphore, #tpu.memory_space<semaphore_mem>>) src(%dma_wait3A_141 : memref<80xi32, #tpu.memory_space<hbm>>) dst(%arg11 : memref<80xi32, #tpu.memory_space<vmem>>)
        tpu.yield
      }) : () -> ()
      %dma_start3A_114 = arith.constant 0 : i32
      %dma_start3A_115 = arith.constant 0 : i32
      %dma_start3A_116 = tpu.memref_slice %arg2[%dma_start3A_114, %dma_start3A_115] : memref<10240x128xf32, #tpu.memory_space<hbm>> -> memref<10240x128xf32, #tpu.memory_space<hbm>>
      tpu.enqueue_indirect_dma source(%dma_start3A_116 : memref<10240x128xf32, #tpu.memory_space<hbm>>) target(%arg15 : memref<80x128xf32, #tpu.memory_space<vmem>>) offsets(%arg7 : memref<80xi32, #tpu.memory_space<vmem>>) semaphore(%arg20 : memref<!tpu.dma_semaphore, #tpu.memory_space<semaphore_mem>>)
      "tpu.region"() ({
        %run_scoped3A = tpu.sem_alloc : memref<!tpu.dma_semaphore, #tpu.memory_space<semaphore_mem>>
        %dma_start3A_138 = arith.constant 0 : i32
        %dma_start3A_139 = arith.constant 0 : i32
        %dma_start3A_140 = tpu.memref_slice %arg18[%dma_start3A_138, %dma_start3A_139] : memref<10240x128xf32, #tpu.memory_space<vmem_shared>> -> memref<10240x128xf32, #tpu.memory_space<vmem_shared>>
        tpu.enqueue_indirect_dma source(%arg16 : memref<80x128xf32, #tpu.memory_space<vmem>>) target(%dma_start3A_140 : memref<10240x128xf32, #tpu.memory_space<vmem_shared>>) offsets(%arg12 : memref<80xi32, #tpu.memory_space<vmem>>) semaphore(%run_scoped3A : memref<!tpu.dma_semaphore, #tpu.memory_space<semaphore_mem>>) {add = true}
        %dma_wait3A_141 = arith.constant 0 : i32
        %dma_wait3A_142 = arith.constant 0 : i32
        %dma_wait3A_143 = tpu.memref_slice %arg18[%dma_wait3A_141, %dma_wait3A_142] : memref<10240x128xf32, #tpu.memory_space<vmem_shared>> -> memref<10240x128xf32, #tpu.memory_space<vmem_shared>>
        tpu.wait_indirect_dma semaphore(%run_scoped3A : memref<!tpu.dma_semaphore, #tpu.memory_space<semaphore_mem>>) src(%arg16 : memref<80x128xf32, #tpu.memory_space<vmem>>) dst(%dma_wait3A_143 : memref<10240x128xf32, #tpu.memory_space<vmem_shared>>)
        tpu.yield
      }) : () -> ()
      %mul3A_117 = arith.constant 4 : i32
      %mul3A_118 = arith.muli %mul3A_117, %scan3A_56 : i32
      %add3A_119 = arith.constant 3 : i32
      %add3A_120 = arith.addi %mul3A_118, %add3A_119 : i32
      %dma_wait3A_121 = arith.constant 0 : i32
      %dma_wait3A_122 = arith.constant 0 : i32
      %dma_wait3A_123 = tpu.memref_slice %arg2[%dma_wait3A_121, %dma_wait3A_122] : memref<10240x128xf32, #tpu.memory_space<hbm>> -> memref<10240x128xf32, #tpu.memory_space<hbm>>
      tpu.wait_indirect_dma semaphore(%arg22 : memref<!tpu.dma_semaphore, #tpu.memory_space<semaphore_mem>>) src(%dma_wait3A_123 : memref<10240x128xf32, #tpu.memory_space<hbm>>) dst(%arg17 : memref<80x128xf32, #tpu.memory_space<vmem>>)
      %add3A_124 = arith.constant 3 : i32
      %add3A_125 = arith.addi %add3A_120, %add3A_124 : i32
      %lt3A_126 = arith.constant 128 : i32
      %lt3A_127 = arith.cmpi slt, %add3A_125, %lt3A_126 : i32
      %add3A_128 = arith.constant 3 : i32
      %add3A_129 = arith.addi %add3A_120, %add3A_128 : i32
      %jit3A_130 = arith.constant 0 : i32
      %select_n3A_131 = arith.select %lt3A_127, %add3A_129, %jit3A_130 : i32
      %mul3A_132 = arith.constant 80 : i32
      %mul3A_133 = arith.muli %select_n3A_131, %mul3A_132 : i32
      %add3A_134 = arith.addi %mul3A_26, %mul3A_133 : i32
      "tpu.region"() ({
        %run_scoped3A = tpu.sem_alloc : memref<!tpu.dma_semaphore, #tpu.memory_space<semaphore_mem>>
        %dma_start3A_138 = tpu.memref_slice %arg3[%add3A_134] : memref<327680xi32, #tpu.memory_space<hbm>> -> memref<80xi32, #tpu.memory_space<hbm>>
        %dma_start3A_139 = tpu.memref_slice %arg3[%add3A_134] : memref<327680xi32, #tpu.memory_space<hbm>> -> memref<80xi32, #tpu.memory_space<hbm>>
        tpu.enqueue_dma source(%dma_start3A_139 : memref<80xi32, #tpu.memory_space<hbm>>) target(%arg8 : memref<80xi32, #tpu.memory_space<vmem>>) target_semaphore(%run_scoped3A : memref<!tpu.dma_semaphore, #tpu.memory_space<semaphore_mem>>)
        %dma_wait3A_140 = tpu.memref_slice %arg3[%add3A_134] : memref<327680xi32, #tpu.memory_space<hbm>> -> memref<80xi32, #tpu.memory_space<hbm>>
        %dma_wait3A_141 = tpu.memref_slice %arg3[%add3A_134] : memref<327680xi32, #tpu.memory_space<hbm>> -> memref<80xi32, #tpu.memory_space<hbm>>
        tpu.wait_dma2 semaphore(%run_scoped3A : memref<!tpu.dma_semaphore, #tpu.memory_space<semaphore_mem>>) src(%dma_wait3A_141 : memref<80xi32, #tpu.memory_space<hbm>>) dst(%arg8 : memref<80xi32, #tpu.memory_space<vmem>>)
        tpu.yield
      }) : () -> ()
      "tpu.region"() ({
        %run_scoped3A = tpu.sem_alloc : memref<!tpu.dma_semaphore, #tpu.memory_space<semaphore_mem>>
        %dma_start3A_138 = tpu.memref_slice %arg4[%add3A_134] : memref<327680xi32, #tpu.memory_space<hbm>> -> memref<80xi32, #tpu.memory_space<hbm>>
        %dma_start3A_139 = tpu.memref_slice %arg4[%add3A_134] : memref<327680xi32, #tpu.memory_space<hbm>> -> memref<80xi32, #tpu.memory_space<hbm>>
        tpu.enqueue_dma source(%dma_start3A_139 : memref<80xi32, #tpu.memory_space<hbm>>) target(%arg12 : memref<80xi32, #tpu.memory_space<vmem>>) target_semaphore(%run_scoped3A : memref<!tpu.dma_semaphore, #tpu.memory_space<semaphore_mem>>)
        %dma_wait3A_140 = tpu.memref_slice %arg4[%add3A_134] : memref<327680xi32, #tpu.memory_space<hbm>> -> memref<80xi32, #tpu.memory_space<hbm>>
        %dma_wait3A_141 = tpu.memref_slice %arg4[%add3A_134] : memref<327680xi32, #tpu.memory_space<hbm>> -> memref<80xi32, #tpu.memory_space<hbm>>
        tpu.wait_dma2 semaphore(%run_scoped3A : memref<!tpu.dma_semaphore, #tpu.memory_space<semaphore_mem>>) src(%dma_wait3A_141 : memref<80xi32, #tpu.memory_space<hbm>>) dst(%arg12 : memref<80xi32, #tpu.memory_space<vmem>>)
        tpu.yield
      }) : () -> ()
      %dma_start3A_135 = arith.constant 0 : i32
      %dma_start3A_136 = arith.constant 0 : i32
      %dma_start3A_137 = tpu.memref_slice %arg2[%dma_start3A_135, %dma_start3A_136] : memref<10240x128xf32, #tpu.memory_space<hbm>> -> memref<10240x128xf32, #tpu.memory_space<hbm>>
      tpu.enqueue_indirect_dma source(%dma_start3A_137 : memref<10240x128xf32, #tpu.memory_space<hbm>>) target(%arg16 : memref<80x128xf32, #tpu.memory_space<vmem>>) offsets(%arg8 : memref<80xi32, #tpu.memory_space<vmem>>) semaphore(%arg21 : memref<!tpu.dma_semaphore, #tpu.memory_space<semaphore_mem>>)
      "tpu.region"() ({
        %run_scoped3A = tpu.sem_alloc : memref<!tpu.dma_semaphore, #tpu.memory_space<semaphore_mem>>
        %dma_start3A_138 = arith.constant 0 : i32
        %dma_start3A_139 = arith.constant 0 : i32
        %dma_start3A_140 = tpu.memref_slice %arg18[%dma_start3A_138, %dma_start3A_139] : memref<10240x128xf32, #tpu.memory_space<vmem_shared>> -> memref<10240x128xf32, #tpu.memory_space<vmem_shared>>
        tpu.enqueue_indirect_dma source(%arg17 : memref<80x128xf32, #tpu.memory_space<vmem>>) target(%dma_start3A_140 : memref<10240x128xf32, #tpu.memory_space<vmem_shared>>) offsets(%arg13 : memref<80xi32, #tpu.memory_space<vmem>>) semaphore(%run_scoped3A : memref<!tpu.dma_semaphore, #tpu.memory_space<semaphore_mem>>) {add = true}
        %dma_wait3A_141 = arith.constant 0 : i32
        %dma_wait3A_142 = arith.constant 0 : i32
        %dma_wait3A_143 = tpu.memref_slice %arg18[%dma_wait3A_141, %dma_wait3A_142] : memref<10240x128xf32, #tpu.memory_space<vmem_shared>> -> memref<10240x128xf32, #tpu.memory_space<vmem_shared>>
        tpu.wait_indirect_dma semaphore(%run_scoped3A : memref<!tpu.dma_semaphore, #tpu.memory_space<semaphore_mem>>) src(%arg17 : memref<80x128xf32, #tpu.memory_space<vmem>>) dst(%dma_wait3A_143 : memref<10240x128xf32, #tpu.memory_space<vmem_shared>>)
        tpu.yield
      }) : () -> ()
    }
    %scan3A_46 = arith.constant 32 : i32
    %dma_wait3A = arith.constant 0 : i32
    %dma_wait3A_47 = arith.constant 0 : i32
    %dma_wait3A_48 = tpu.memref_slice %arg2[%dma_wait3A, %dma_wait3A_47] : memref<10240x128xf32, #tpu.memory_space<hbm>> -> memref<10240x128xf32, #tpu.memory_space<hbm>>
    tpu.wait_indirect_dma semaphore(%arg19 : memref<!tpu.dma_semaphore, #tpu.memory_space<semaphore_mem>>) src(%dma_wait3A_48 : memref<10240x128xf32, #tpu.memory_space<hbm>>) dst(%arg14 : memref<80x128xf32, #tpu.memory_space<vmem>>)
    %dma_wait3A_49 = arith.constant 0 : i32
    %dma_wait3A_50 = arith.constant 0 : i32
    %dma_wait3A_51 = tpu.memref_slice %arg2[%dma_wait3A_49, %dma_wait3A_50] : memref<10240x128xf32, #tpu.memory_space<hbm>> -> memref<10240x128xf32, #tpu.memory_space<hbm>>
    tpu.wait_indirect_dma semaphore(%arg20 : memref<!tpu.dma_semaphore, #tpu.memory_space<semaphore_mem>>) src(%dma_wait3A_51 : memref<10240x128xf32, #tpu.memory_space<hbm>>) dst(%arg15 : memref<80x128xf32, #tpu.memory_space<vmem>>)
    %dma_wait3A_52 = arith.constant 0 : i32
    %dma_wait3A_53 = arith.constant 0 : i32
    %dma_wait3A_54 = tpu.memref_slice %arg2[%dma_wait3A_52, %dma_wait3A_53] : memref<10240x128xf32, #tpu.memory_space<hbm>> -> memref<10240x128xf32, #tpu.memory_space<hbm>>
    tpu.wait_indirect_dma semaphore(%arg21 : memref<!tpu.dma_semaphore, #tpu.memory_space<semaphore_mem>>) src(%dma_wait3A_54 : memref<10240x128xf32, #tpu.memory_space<hbm>>) dst(%arg16 : memref<80x128xf32, #tpu.memory_space<vmem>>)
    %barrier3A_55 = arith.constant 0 : index
    tpu.barrier barrier_id(%barrier3A_55)
    "tpu.region"() ({
      %run_scoped3A = tpu.sem_alloc : memref<!tpu.dma_semaphore, #tpu.memory_space<semaphore_mem>>
      %dma_start3A_56 = arith.constant 0 : i32
      %dma_start3A_57 = tpu.memref_slice %arg5[%arg0, %mul3A_2, %dma_start3A_56] : memref<2x10240x128xf32, #tpu.memory_space<hbm>> -> memref<1x640x128xf32, #tpu.memory_space<hbm>>
      %dma_start3A_58 = tpu.memref_squeeze %dma_start3A_57 : memref<1x640x128xf32, #tpu.memory_space<hbm>> -> memref<640x128xf32, #tpu.memory_space<hbm>>
      %dma_start3A_59 = arith.constant 0 : i32
      %dma_start3A_60 = tpu.memref_slice %arg18[%mul3A_2, %dma_start3A_59] : memref<10240x128xf32, #tpu.memory_space<vmem_shared>> -> memref<640x128xf32, #tpu.memory_space<vmem_shared>>
      tpu.enqueue_dma source(%dma_start3A_60 : memref<640x128xf32, #tpu.memory_space<vmem_shared>>) target(%dma_start3A_58 : memref<640x128xf32, #tpu.memory_space<hbm>>) target_semaphore(%run_scoped3A : memref<!tpu.dma_semaphore, #tpu.memory_space<semaphore_mem>>)
      %dma_wait3A_61 = arith.constant 0 : i32
      %dma_wait3A_62 = tpu.memref_slice %arg5[%arg0, %mul3A_2, %dma_wait3A_61] : memref<2x10240x128xf32, #tpu.memory_space<hbm>> -> memref<1x640x128xf32, #tpu.memory_space<hbm>>
      %dma_wait3A_63 = tpu.memref_squeeze %dma_wait3A_62 : memref<1x640x128xf32, #tpu.memory_space<hbm>> -> memref<640x128xf32, #tpu.memory_space<hbm>>
      %dma_wait3A_64 = arith.constant 0 : i32
      %dma_wait3A_65 = tpu.memref_slice %arg18[%mul3A_2, %dma_wait3A_64] : memref<10240x128xf32, #tpu.memory_space<vmem_shared>> -> memref<640x128xf32, #tpu.memory_space<vmem_shared>>
      tpu.wait_dma2 semaphore(%run_scoped3A : memref<!tpu.dma_semaphore, #tpu.memory_space<semaphore_mem>>) src(%dma_wait3A_65 : memref<640x128xf32, #tpu.memory_space<vmem_shared>>) dst(%dma_wait3A_63 : memref<640x128xf32, #tpu.memory_space<hbm>>)
      tpu.yield
    }) : () -> ()
    return
  }
}

#map = affine_map<(d0, d1) -> (0, 0)>
#map1 = affine_map<(d0, d1) -> (0)>
#map2 = affine_map<(d0, d1) -> (0, 0, 0)>
module attributes {stable_mosaic.version = 14 : i64} {
  func.func @_sc_scatter_body(%arg0: i32, %arg1: i32, %arg2: memref<10240x128xf32, #tpu.memory_space<hbm>>, %arg3: memref<327680xi32, #tpu.memory_space<hbm>>, %arg4: memref<327680xi32, #tpu.memory_space<hbm>>, %arg5: memref<2x10240x128xf32, #tpu.memory_space<hbm>>, %arg6: memref<80xi32, #tpu.memory_space<vmem>>, %arg7: memref<80xi32, #tpu.memory_space<vmem>>, %arg8: memref<80xi32, #tpu.memory_space<vmem>>, %arg9: memref<80xi32, #tpu.memory_space<vmem>>, %arg10: memref<80xi32, #tpu.memory_space<vmem>>, %arg11: memref<80xi32, #tpu.memory_space<vmem>>, %arg12: memref<80xi32, #tpu.memory_space<vmem>>, %arg13: memref<80xi32, #tpu.memory_space<vmem>>, %arg14: memref<80x128xf32, #tpu.memory_space<vmem>>, %arg15: memref<80x128xf32, #tpu.memory_space<vmem>>, %arg16: memref<80x128xf32, #tpu.memory_space<vmem>>, %arg17: memref<80x128xf32, #tpu.memory_space<vmem>>, %arg18: memref<10240x128xf32, #tpu.memory_space<vmem_shared>>, %arg19: memref<!tpu.dma_semaphore, #tpu.memory_space<semaphore_mem>>, %arg20: memref<!tpu.dma_semaphore, #tpu.memory_space<semaphore_mem>>, %arg21: memref<!tpu.dma_semaphore, #tpu.memory_space<semaphore_mem>>, %arg22: memref<!tpu.dma_semaphore, #tpu.memory_space<semaphore_mem>>) attributes {dimension_semantics = [#tpu.dimension_semantics<core_parallel>, #tpu.dimension_semantics<subcore_parallel>], iteration_bounds = array<i64: 2, 16>, scalar_prefetch = 0 : i64, scratch_operands = 17 : i64, tpu.core_type = #tpu.core_type<sc_vector_subcore>, window_params = [{transform_indices = #map}, {transform_indices = #map1}, {transform_indices = #map1}, {transform_indices = #map2}]} {
    %mul3A = arith.constant 16 : i32
    %mul3A_0 = arith.muli %arg0, %mul3A : i32
    %add3A = arith.addi %mul3A_0, %arg1 : i32
    %mul3A_1 = arith.constant 640 : i32
    %mul3A_2 = arith.muli %arg1, %mul3A_1 : i32
    %broadcast_in_dim3A = arith.constant 0.000000e+00 : f32
    %broadcast_in_dim3A_3 = vector.broadcast %broadcast_in_dim3A : f32 to vector<16xf32>
    %scan3A = arith.constant 0 : i32
    %scan3A_4 = arith.constant 0 : i32
    %scan3A_5 = arith.constant 80 : i32
    %scan3A_6 = arith.addi %scan3A_4, %scan3A_5 : i32
    %scan3A_7 = arith.constant 1 : i32
    scf.for %scan3A_56 = %scan3A_4 to %scan3A_6 step %scan3A_7  : i32 {
      %swap3A = arith.index_cast %scan3A_56 : i32 to index
      %swap3A_57 = arith.constant 0 : index
      %swap3A_58 = tpu.vector_load %arg14[%swap3A, %swap3A_57] {strides = array<i32>} : memref<80x128xf32, #tpu.memory_space<vmem>>, vector<1x16xf32>,
      %swap3A_59 = vector.shape_cast %swap3A_58 : vector<1x16xf32> to vector<16xf32>
      %swap3A_60 = vector.shape_cast %broadcast_in_dim3A_3 : vector<16xf32> to vector<1x16xf32>
      tpu.vector_store %arg14[%swap3A, %swap3A_57], %swap3A_60 {strides = array<i32>} : memref<80x128xf32, #tpu.memory_space<vmem>>, vector<1x16xf32>,
      %swap3A_61 = arith.index_cast %scan3A_56 : i32 to index
      %swap3A_62 = arith.constant 16 : index
      %swap3A_63 = tpu.vector_load %arg14[%swap3A_61, %swap3A_62] {strides = array<i32>} : memref<80x128xf32, #tpu.memory_space<vmem>>, vector<1x16xf32>,
      %swap3A_64 = vector.shape_cast %swap3A_63 : vector<1x16xf32> to vector<16xf32>
      %swap3A_65 = vector.shape_cast %broadcast_in_dim3A_3 : vector<16xf32> to vector<1x16xf32>
      tpu.vector_store %arg14[%swap3A_61, %swap3A_62], %swap3A_65 {strides = array<i32>} : memref<80x128xf32, #tpu.memory_space<vmem>>, vector<1x16xf32>,
      %swap3A_66 = arith.index_cast %scan3A_56 : i32 to index
      %swap3A_67 = arith.constant 32 : index
      %swap3A_68 = tpu.vector_load %arg14[%swap3A_66, %swap3A_67] {strides = array<i32>} : memref<80x128xf32, #tpu.memory_space<vmem>>, vector<1x16xf32>,
      %swap3A_69 = vector.shape_cast %swap3A_68 : vector<1x16xf32> to vector<16xf32>
      %swap3A_70 = vector.shape_cast %broadcast_in_dim3A_3 : vector<16xf32> to vector<1x16xf32>
      tpu.vector_store %arg14[%swap3A_66, %swap3A_67], %swap3A_70 {strides = array<i32>} : memref<80x128xf32, #tpu.memory_space<vmem>>, vector<1x16xf32>,
      %swap3A_71 = arith.index_cast %scan3A_56 : i32 to index
      %swap3A_72 = arith.constant 48 : index
      %swap3A_73 = tpu.vector_load %arg14[%swap3A_71, %swap3A_72] {strides = array<i32>} : memref<80x128xf32, #tpu.memory_space<vmem>>, vector<1x16xf32>,
      %swap3A_74 = vector.shape_cast %swap3A_73 : vector<1x16xf32> to vector<16xf32>
      %swap3A_75 = vector.shape_cast %broadcast_in_dim3A_3 : vector<16xf32> to vector<1x16xf32>
      tpu.vector_store %arg14[%swap3A_71, %swap3A_72], %swap3A_75 {strides = array<i32>} : memref<80x128xf32, #tpu.memory_space<vmem>>, vector<1x16xf32>,
      %swap3A_76 = arith.index_cast %scan3A_56 : i32 to index
      %swap3A_77 = arith.constant 64 : index
      %swap3A_78 = tpu.vector_load %arg14[%swap3A_76, %swap3A_77] {strides = array<i32>} : memref<80x128xf32, #tpu.memory_space<vmem>>, vector<1x16xf32>,
      %swap3A_79 = vector.shape_cast %swap3A_78 : vector<1x16xf32> to vector<16xf32>
      %swap3A_80 = vector.shape_cast %broadcast_in_dim3A_3 : vector<16xf32> to vector<1x16xf32>
      tpu.vector_store %arg14[%swap3A_76, %swap3A_77], %swap3A_80 {strides = array<i32>} : memref<80x128xf32, #tpu.memory_space<vmem>>, vector<1x16xf32>,
      %swap3A_81 = arith.index_cast %scan3A_56 : i32 to index
      %swap3A_82 = arith.constant 80 : index
      %swap3A_83 = tpu.vector_load %arg14[%swap3A_81, %swap3A_82] {strides = array<i32>} : memref<80x128xf32, #tpu.memory_space<vmem>>, vector<1x16xf32>,
      %swap3A_84 = vector.shape_cast %swap3A_83 : vector<1x16xf32> to vector<16xf32>
      %swap3A_85 = vector.shape_cast %broadcast_in_dim3A_3 : vector<16xf32> to vector<1x16xf32>
      tpu.vector_store %arg14[%swap3A_81, %swap3A_82], %swap3A_85 {strides = array<i32>} : memref<80x128xf32, #tpu.memory_space<vmem>>, vector<1x16xf32>,
      %swap3A_86 = arith.index_cast %scan3A_56 : i32 to index
      %swap3A_87 = arith.constant 96 : index
      %swap3A_88 = tpu.vector_load %arg14[%swap3A_86, %swap3A_87] {strides = array<i32>} : memref<80x128xf32, #tpu.memory_space<vmem>>, vector<1x16xf32>,
      %swap3A_89 = vector.shape_cast %swap3A_88 : vector<1x16xf32> to vector<16xf32>
      %swap3A_90 = vector.shape_cast %broadcast_in_dim3A_3 : vector<16xf32> to vector<1x16xf32>
      tpu.vector_store %arg14[%swap3A_86, %swap3A_87], %swap3A_90 {strides = array<i32>} : memref<80x128xf32, #tpu.memory_space<vmem>>, vector<1x16xf32>,
      %swap3A_91 = arith.index_cast %scan3A_56 : i32 to index
      %swap3A_92 = arith.constant 112 : index
      %swap3A_93 = tpu.vector_load %arg14[%swap3A_91, %swap3A_92] {strides = array<i32>} : memref<80x128xf32, #tpu.memory_space<vmem>>, vector<1x16xf32>,
      %swap3A_94 = vector.shape_cast %swap3A_93 : vector<1x16xf32> to vector<16xf32>
      %swap3A_95 = vector.shape_cast %broadcast_in_dim3A_3 : vector<16xf32> to vector<1x16xf32>
      tpu.vector_store %arg14[%swap3A_91, %swap3A_92], %swap3A_95 {strides = array<i32>} : memref<80x128xf32, #tpu.memory_space<vmem>>, vector<1x16xf32>,
    }
    %scan3A_8 = arith.constant 80 : i32
    %add3A_9 = arith.constant 0 : i32
    %add3A_10 = arith.addi %mul3A_2, %add3A_9 : i32
    "tpu.region"() ({
      %run_scoped3A = tpu.sem_alloc : memref<!tpu.dma_semaphore, #tpu.memory_space<semaphore_mem>>
      %dma_start3A_56 = arith.constant 0 : i32
      %dma_start3A_57 = tpu.memref_slice %arg18[%add3A_10, %dma_start3A_56] : memref<10240x128xf32, #tpu.memory_space<vmem_shared>> -> memref<80x128xf32, #tpu.memory_space<vmem_shared>>
      %dma_start3A_58 = arith.constant 0 : i32
      %dma_start3A_59 = tpu.memref_slice %arg18[%add3A_10, %dma_start3A_58] : memref<10240x128xf32, #tpu.memory_space<vmem_shared>> -> memref<80x128xf32, #tpu.memory_space<vmem_shared>>
      tpu.enqueue_dma source(%arg14 : memref<80x128xf32, #tpu.memory_space<vmem>>) target(%dma_start3A_59 : memref<80x128xf32, #tpu.memory_space<vmem_shared>>) target_semaphore(%run_scoped3A : memref<!tpu.dma_semaphore, #tpu.memory_space<semaphore_mem>>)
      %dma_wait3A_60 = arith.constant 0 : i32
      %dma_wait3A_61 = tpu.memref_slice %arg18[%add3A_10, %dma_wait3A_60] : memref<10240x128xf32, #tpu.memory_space<vmem_shared>> -> memref<80x128xf32, #tpu.memory_space<vmem_shared>>
      %dma_wait3A_62 = arith.constant 0 : i32
      %dma_wait3A_63 = tpu.memref_slice %arg18[%add3A_10, %dma_wait3A_62] : memref<10240x128xf32, #tpu.memory_space<vmem_shared>> -> memref<80x128xf32, #tpu.memory_space<vmem_shared>>
      tpu.wait_dma2 semaphore(%run_scoped3A : memref<!tpu.dma_semaphore, #tpu.memory_space<semaphore_mem>>) src(%arg14 : memref<80x128xf32, #tpu.memory_space<vmem>>) dst(%dma_wait3A_63 : memref<80x128xf32, #tpu.memory_space<vmem_shared>>)
      tpu.yield
    }) : () -> ()
    %add3A_11 = arith.constant 80 : i32
    %add3A_12 = arith.addi %mul3A_2, %add3A_11 : i32
    "tpu.region"() ({
      %run_scoped3A = tpu.sem_alloc : memref<!tpu.dma_semaphore, #tpu.memory_space<semaphore_mem>>
      %dma_start3A_56 = arith.constant 0 : i32
      %dma_start3A_57 = tpu.memref_slice %arg18[%add3A_12, %dma_start3A_56] : memref<10240x128xf32, #tpu.memory_space<vmem_shared>> -> memref<80x128xf32, #tpu.memory_space<vmem_shared>>
      %dma_start3A_58 = arith.constant 0 : i32
      %dma_start3A_59 = tpu.memref_slice %arg18[%add3A_12, %dma_start3A_58] : memref<10240x128xf32, #tpu.memory_space<vmem_shared>> -> memref<80x128xf32, #tpu.memory_space<vmem_shared>>
      tpu.enqueue_dma source(%arg14 : memref<80x128xf32, #tpu.memory_space<vmem>>) target(%dma_start3A_59 : memref<80x128xf32, #tpu.memory_space<vmem_shared>>) target_semaphore(%run_scoped3A : memref<!tpu.dma_semaphore, #tpu.memory_space<semaphore_mem>>)
      %dma_wait3A_60 = arith.constant 0 : i32
      %dma_wait3A_61 = tpu.memref_slice %arg18[%add3A_12, %dma_wait3A_60] : memref<10240x128xf32, #tpu.memory_space<vmem_shared>> -> memref<80x128xf32, #tpu.memory_space<vmem_shared>>
      %dma_wait3A_62 = arith.constant 0 : i32
      %dma_wait3A_63 = tpu.memref_slice %arg18[%add3A_12, %dma_wait3A_62] : memref<10240x128xf32, #tpu.memory_space<vmem_shared>> -> memref<80x128xf32, #tpu.memory_space<vmem_shared>>
      tpu.wait_dma2 semaphore(%run_scoped3A : memref<!tpu.dma_semaphore, #tpu.memory_space<semaphore_mem>>) src(%arg14 : memref<80x128xf32, #tpu.memory_space<vmem>>) dst(%dma_wait3A_63 : memref<80x128xf32, #tpu.memory_space<vmem_shared>>)
      tpu.yield
    }) : () -> ()
    %add3A_13 = arith.constant 160 : i32
    %add3A_14 = arith.addi %mul3A_2, %add3A_13 : i32
    "tpu.region"() ({
      %run_scoped3A = tpu.sem_alloc : memref<!tpu.dma_semaphore, #tpu.memory_space<semaphore_mem>>
      %dma_start3A_56 = arith.constant 0 : i32
      %dma_start3A_57 = tpu.memref_slice %arg18[%add3A_14, %dma_start3A_56] : memref<10240x128xf32, #tpu.memory_space<vmem_shared>> -> memref<80x128xf32, #tpu.memory_space<vmem_shared>>
      %dma_start3A_58 = arith.constant 0 : i32
      %dma_start3A_59 = tpu.memref_slice %arg18[%add3A_14, %dma_start3A_58] : memref<10240x128xf32, #tpu.memory_space<vmem_shared>> -> memref<80x128xf32, #tpu.memory_space<vmem_shared>>
      tpu.enqueue_dma source(%arg14 : memref<80x128xf32, #tpu.memory_space<vmem>>) target(%dma_start3A_59 : memref<80x128xf32, #tpu.memory_space<vmem_shared>>) target_semaphore(%run_scoped3A : memref<!tpu.dma_semaphore, #tpu.memory_space<semaphore_mem>>)
      %dma_wait3A_60 = arith.constant 0 : i32
      %dma_wait3A_61 = tpu.memref_slice %arg18[%add3A_14, %dma_wait3A_60] : memref<10240x128xf32, #tpu.memory_space<vmem_shared>> -> memref<80x128xf32, #tpu.memory_space<vmem_shared>>
      %dma_wait3A_62 = arith.constant 0 : i32
      %dma_wait3A_63 = tpu.memref_slice %arg18[%add3A_14, %dma_wait3A_62] : memref<10240x128xf32, #tpu.memory_space<vmem_shared>> -> memref<80x128xf32, #tpu.memory_space<vmem_shared>>
      tpu.wait_dma2 semaphore(%run_scoped3A : memref<!tpu.dma_semaphore, #tpu.memory_space<semaphore_mem>>) src(%arg14 : memref<80x128xf32, #tpu.memory_space<vmem>>) dst(%dma_wait3A_63 : memref<80x128xf32, #tpu.memory_space<vmem_shared>>)
      tpu.yield
    }) : () -> ()
    %add3A_15 = arith.constant 240 : i32
    %add3A_16 = arith.addi %mul3A_2, %add3A_15 : i32
    "tpu.region"() ({
      %run_scoped3A = tpu.sem_alloc : memref<!tpu.dma_semaphore, #tpu.memory_space<semaphore_mem>>
      %dma_start3A_56 = arith.constant 0 : i32
      %dma_start3A_57 = tpu.memref_slice %arg18[%add3A_16, %dma_start3A_56] : memref<10240x128xf32, #tpu.memory_space<vmem_shared>> -> memref<80x128xf32, #tpu.memory_space<vmem_shared>>
      %dma_start3A_58 = arith.constant 0 : i32
      %dma_start3A_59 = tpu.memref_slice %arg18[%add3A_16, %dma_start3A_58] : memref<10240x128xf32, #tpu.memory_space<vmem_shared>> -> memref<80x128xf32, #tpu.memory_space<vmem_shared>>
      tpu.enqueue_dma source(%arg14 : memref<80x128xf32, #tpu.memory_space<vmem>>) target(%dma_start3A_59 : memref<80x128xf32, #tpu.memory_space<vmem_shared>>) target_semaphore(%run_scoped3A : memref<!tpu.dma_semaphore, #tpu.memory_space<semaphore_mem>>)
      %dma_wait3A_60 = arith.constant 0 : i32
      %dma_wait3A_61 = tpu.memref_slice %arg18[%add3A_16, %dma_wait3A_60] : memref<10240x128xf32, #tpu.memory_space<vmem_shared>> -> memref<80x128xf32, #tpu.memory_space<vmem_shared>>
      %dma_wait3A_62 = arith.constant 0 : i32
      %dma_wait3A_63 = tpu.memref_slice %arg18[%add3A_16, %dma_wait3A_62] : memref<10240x128xf32, #tpu.memory_space<vmem_shared>> -> memref<80x128xf32, #tpu.memory_space<vmem_shared>>
      tpu.wait_dma2 semaphore(%run_scoped3A : memref<!tpu.dma_semaphore, #tpu.memory_space<semaphore_mem>>) src(%arg14 : memref<80x128xf32, #tpu.memory_space<vmem>>) dst(%dma_wait3A_63 : memref<80x128xf32, #tpu.memory_space<vmem_shared>>)
      tpu.yield
    }) : () -> ()
    %add3A_17 = arith.constant 320 : i32
    %add3A_18 = arith.addi %mul3A_2, %add3A_17 : i32
    "tpu.region"() ({
      %run_scoped3A = tpu.sem_alloc : memref<!tpu.dma_semaphore, #tpu.memory_space<semaphore_mem>>
      %dma_start3A_56 = arith.constant 0 : i32
      %dma_start3A_57 = tpu.memref_slice %arg18[%add3A_18, %dma_start3A_56] : memref<10240x128xf32, #tpu.memory_space<vmem_shared>> -> memref<80x128xf32, #tpu.memory_space<vmem_shared>>
      %dma_start3A_58 = arith.constant 0 : i32
      %dma_start3A_59 = tpu.memref_slice %arg18[%add3A_18, %dma_start3A_58] : memref<10240x128xf32, #tpu.memory_space<vmem_shared>> -> memref<80x128xf32, #tpu.memory_space<vmem_shared>>
      tpu.enqueue_dma source(%arg14 : memref<80x128xf32, #tpu.memory_space<vmem>>) target(%dma_start3A_59 : memref<80x128xf32, #tpu.memory_space<vmem_shared>>) target_semaphore(%run_scoped3A : memref<!tpu.dma_semaphore, #tpu.memory_space<semaphore_mem>>)
      %dma_wait3A_60 = arith.constant 0 : i32
      %dma_wait3A_61 = tpu.memref_slice %arg18[%add3A_18, %dma_wait3A_60] : memref<10240x128xf32, #tpu.memory_space<vmem_shared>> -> memref<80x128xf32, #tpu.memory_space<vmem_shared>>
      %dma_wait3A_62 = arith.constant 0 : i32
      %dma_wait3A_63 = tpu.memref_slice %arg18[%add3A_18, %dma_wait3A_62] : memref<10240x128xf32, #tpu.memory_space<vmem_shared>> -> memref<80x128xf32, #tpu.memory_space<vmem_shared>>
      tpu.wait_dma2 semaphore(%run_scoped3A : memref<!tpu.dma_semaphore, #tpu.memory_space<semaphore_mem>>) src(%arg14 : memref<80x128xf32, #tpu.memory_space<vmem>>) dst(%dma_wait3A_63 : memref<80x128xf32, #tpu.memory_space<vmem_shared>>)
      tpu.yield
    }) : () -> ()
    %add3A_19 = arith.constant 400 : i32
    %add3A_20 = arith.addi %mul3A_2, %add3A_19 : i32
    "tpu.region"() ({
      %run_scoped3A = tpu.sem_alloc : memref<!tpu.dma_semaphore, #tpu.memory_space<semaphore_mem>>
      %dma_start3A_56 = arith.constant 0 : i32
      %dma_start3A_57 = tpu.memref_slice %arg18[%add3A_20, %dma_start3A_56] : memref<10240x128xf32, #tpu.memory_space<vmem_shared>> -> memref<80x128xf32, #tpu.memory_space<vmem_shared>>
      %dma_start3A_58 = arith.constant 0 : i32
      %dma_start3A_59 = tpu.memref_slice %arg18[%add3A_20, %dma_start3A_58] : memref<10240x128xf32, #tpu.memory_space<vmem_shared>> -> memref<80x128xf32, #tpu.memory_space<vmem_shared>>
      tpu.enqueue_dma source(%arg14 : memref<80x128xf32, #tpu.memory_space<vmem>>) target(%dma_start3A_59 : memref<80x128xf32, #tpu.memory_space<vmem_shared>>) target_semaphore(%run_scoped3A : memref<!tpu.dma_semaphore, #tpu.memory_space<semaphore_mem>>)
      %dma_wait3A_60 = arith.constant 0 : i32
      %dma_wait3A_61 = tpu.memref_slice %arg18[%add3A_20, %dma_wait3A_60] : memref<10240x128xf32, #tpu.memory_space<vmem_shared>> -> memref<80x128xf32, #tpu.memory_space<vmem_shared>>
      %dma_wait3A_62 = arith.constant 0 : i32
      %dma_wait3A_63 = tpu.memref_slice %arg18[%add3A_20, %dma_wait3A_62] : memref<10240x128xf32, #tpu.memory_space<vmem_shared>> -> memref<80x128xf32, #tpu.memory_space<vmem_shared>>
      tpu.wait_dma2 semaphore(%run_scoped3A : memref<!tpu.dma_semaphore, #tpu.memory_space<semaphore_mem>>) src(%arg14 : memref<80x128xf32, #tpu.memory_space<vmem>>) dst(%dma_wait3A_63 : memref<80x128xf32, #tpu.memory_space<vmem_shared>>)
      tpu.yield
    }) : () -> ()
    %add3A_21 = arith.constant 480 : i32
    %add3A_22 = arith.addi %mul3A_2, %add3A_21 : i32
    "tpu.region"() ({
      %run_scoped3A = tpu.sem_alloc : memref<!tpu.dma_semaphore, #tpu.memory_space<semaphore_mem>>
      %dma_start3A_56 = arith.constant 0 : i32
      %dma_start3A_57 = tpu.memref_slice %arg18[%add3A_22, %dma_start3A_56] : memref<10240x128xf32, #tpu.memory_space<vmem_shared>> -> memref<80x128xf32, #tpu.memory_space<vmem_shared>>
      %dma_start3A_58 = arith.constant 0 : i32
      %dma_start3A_59 = tpu.memref_slice %arg18[%add3A_22, %dma_start3A_58] : memref<10240x128xf32, #tpu.memory_space<vmem_shared>> -> memref<80x128xf32, #tpu.memory_space<vmem_shared>>
      tpu.enqueue_dma source(%arg14 : memref<80x128xf32, #tpu.memory_space<vmem>>) target(%dma_start3A_59 : memref<80x128xf32, #tpu.memory_space<vmem_shared>>) target_semaphore(%run_scoped3A : memref<!tpu.dma_semaphore, #tpu.memory_space<semaphore_mem>>)
      %dma_wait3A_60 = arith.constant 0 : i32
      %dma_wait3A_61 = tpu.memref_slice %arg18[%add3A_22, %dma_wait3A_60] : memref<10240x128xf32, #tpu.memory_space<vmem_shared>> -> memref<80x128xf32, #tpu.memory_space<vmem_shared>>
      %dma_wait3A_62 = arith.constant 0 : i32
      %dma_wait3A_63 = tpu.memref_slice %arg18[%add3A_22, %dma_wait3A_62] : memref<10240x128xf32, #tpu.memory_space<vmem_shared>> -> memref<80x128xf32, #tpu.memory_space<vmem_shared>>
      tpu.wait_dma2 semaphore(%run_scoped3A : memref<!tpu.dma_semaphore, #tpu.memory_space<semaphore_mem>>) src(%arg14 : memref<80x128xf32, #tpu.memory_space<vmem>>) dst(%dma_wait3A_63 : memref<80x128xf32, #tpu.memory_space<vmem_shared>>)
      tpu.yield
    }) : () -> ()
    %add3A_23 = arith.constant 560 : i32
    %add3A_24 = arith.addi %mul3A_2, %add3A_23 : i32
    "tpu.region"() ({
      %run_scoped3A = tpu.sem_alloc : memref<!tpu.dma_semaphore, #tpu.memory_space<semaphore_mem>>
      %dma_start3A_56 = arith.constant 0 : i32
      %dma_start3A_57 = tpu.memref_slice %arg18[%add3A_24, %dma_start3A_56] : memref<10240x128xf32, #tpu.memory_space<vmem_shared>> -> memref<80x128xf32, #tpu.memory_space<vmem_shared>>
      %dma_start3A_58 = arith.constant 0 : i32
      %dma_start3A_59 = tpu.memref_slice %arg18[%add3A_24, %dma_start3A_58] : memref<10240x128xf32, #tpu.memory_space<vmem_shared>> -> memref<80x128xf32, #tpu.memory_space<vmem_shared>>
      tpu.enqueue_dma source(%arg14 : memref<80x128xf32, #tpu.memory_space<vmem>>) target(%dma_start3A_59 : memref<80x128xf32, #tpu.memory_space<vmem_shared>>) target_semaphore(%run_scoped3A : memref<!tpu.dma_semaphore, #tpu.memory_space<semaphore_mem>>)
      %dma_wait3A_60 = arith.constant 0 : i32
      %dma_wait3A_61 = tpu.memref_slice %arg18[%add3A_24, %dma_wait3A_60] : memref<10240x128xf32, #tpu.memory_space<vmem_shared>> -> memref<80x128xf32, #tpu.memory_space<vmem_shared>>
      %dma_wait3A_62 = arith.constant 0 : i32
      %dma_wait3A_63 = tpu.memref_slice %arg18[%add3A_24, %dma_wait3A_62] : memref<10240x128xf32, #tpu.memory_space<vmem_shared>> -> memref<80x128xf32, #tpu.memory_space<vmem_shared>>
      tpu.wait_dma2 semaphore(%run_scoped3A : memref<!tpu.dma_semaphore, #tpu.memory_space<semaphore_mem>>) src(%arg14 : memref<80x128xf32, #tpu.memory_space<vmem>>) dst(%dma_wait3A_63 : memref<80x128xf32, #tpu.memory_space<vmem_shared>>)
      tpu.yield
    }) : () -> ()
    %barrier3A = arith.constant 0 : index
    tpu.barrier barrier_id(%barrier3A)
    %mul3A_25 = arith.constant 10240 : i32
    %mul3A_26 = arith.muli %add3A, %mul3A_25 : i32
    %add3A_27 = arith.constant 0 : i32
    %add3A_28 = arith.addi %mul3A_26, %add3A_27 : i32
    "tpu.region"() ({
      %run_scoped3A = tpu.sem_alloc : memref<!tpu.dma_semaphore, #tpu.memory_space<semaphore_mem>>
      %dma_start3A_56 = tpu.memref_slice %arg3[%add3A_28] : memref<327680xi32, #tpu.memory_space<hbm>> -> memref<80xi32, #tpu.memory_space<hbm>>
      %dma_start3A_57 = tpu.memref_slice %arg3[%add3A_28] : memref<327680xi32, #tpu.memory_space<hbm>> -> memref<80xi32, #tpu.memory_space<hbm>>
      tpu.enqueue_dma source(%dma_start3A_57 : memref<80xi32, #tpu.memory_space<hbm>>) target(%arg6 : memref<80xi32, #tpu.memory_space<vmem>>) target_semaphore(%run_scoped3A : memref<!tpu.dma_semaphore, #tpu.memory_space<semaphore_mem>>)
      %dma_wait3A_58 = tpu.memref_slice %arg3[%add3A_28] : memref<327680xi32, #tpu.memory_space<hbm>> -> memref<80xi32, #tpu.memory_space<hbm>>
      %dma_wait3A_59 = tpu.memref_slice %arg3[%add3A_28] : memref<327680xi32, #tpu.memory_space<hbm>> -> memref<80xi32, #tpu.memory_space<hbm>>
      tpu.wait_dma2 semaphore(%run_scoped3A : memref<!tpu.dma_semaphore, #tpu.memory_space<semaphore_mem>>) src(%dma_wait3A_59 : memref<80xi32, #tpu.memory_space<hbm>>) dst(%arg6 : memref<80xi32, #tpu.memory_space<vmem>>)
      tpu.yield
    }) : () -> ()
    "tpu.region"() ({
      %run_scoped3A = tpu.sem_alloc : memref<!tpu.dma_semaphore, #tpu.memory_space<semaphore_mem>>
      %dma_start3A_56 = tpu.memref_slice %arg4[%add3A_28] : memref<327680xi32, #tpu.memory_space<hbm>> -> memref<80xi32, #tpu.memory_space<hbm>>
      %dma_start3A_57 = tpu.memref_slice %arg4[%add3A_28] : memref<327680xi32, #tpu.memory_space<hbm>> -> memref<80xi32, #tpu.memory_space<hbm>>
      tpu.enqueue_dma source(%dma_start3A_57 : memref<80xi32, #tpu.memory_space<hbm>>) target(%arg10 : memref<80xi32, #tpu.memory_space<vmem>>) target_semaphore(%run_scoped3A : memref<!tpu.dma_semaphore, #tpu.memory_space<semaphore_mem>>)
      %dma_wait3A_58 = tpu.memref_slice %arg4[%add3A_28] : memref<327680xi32, #tpu.memory_space<hbm>> -> memref<80xi32, #tpu.memory_space<hbm>>
      %dma_wait3A_59 = tpu.memref_slice %arg4[%add3A_28] : memref<327680xi32, #tpu.memory_space<hbm>> -> memref<80xi32, #tpu.memory_space<hbm>>
      tpu.wait_dma2 semaphore(%run_scoped3A : memref<!tpu.dma_semaphore, #tpu.memory_space<semaphore_mem>>) src(%dma_wait3A_59 : memref<80xi32, #tpu.memory_space<hbm>>) dst(%arg10 : memref<80xi32, #tpu.memory_space<vmem>>)
      tpu.yield
    }) : () -> ()
    %dma_start3A = arith.constant 0 : i32
    %dma_start3A_29 = arith.constant 0 : i32
    %dma_start3A_30 = tpu.memref_slice %arg2[%dma_start3A, %dma_start3A_29] : memref<10240x128xf32, #tpu.memory_space<hbm>> -> memref<10240x128xf32, #tpu.memory_space<hbm>>
    tpu.enqueue_indirect_dma source(%dma_start3A_30 : memref<10240x128xf32, #tpu.memory_space<hbm>>) target(%arg14 : memref<80x128xf32, #tpu.memory_space<vmem>>) offsets(%arg6 : memref<80xi32, #tpu.memory_space<vmem>>) semaphore(%arg19 : memref<!tpu.dma_semaphore, #tpu.memory_space<semaphore_mem>>)
    %add3A_31 = arith.constant 80 : i32
    %add3A_32 = arith.addi %mul3A_26, %add3A_31 : i32
    "tpu.region"() ({
      %run_scoped3A = tpu.sem_alloc : memref<!tpu.dma_semaphore, #tpu.memory_space<semaphore_mem>>
      %dma_start3A_56 = tpu.memref_slice %arg3[%add3A_32] : memref<327680xi32, #tpu.memory_space<hbm>> -> memref<80xi32, #tpu.memory_space<hbm>>
      %dma_start3A_57 = tpu.memref_slice %arg3[%add3A_32] : memref<327680xi32, #tpu.memory_space<hbm>> -> memref<80xi32, #tpu.memory_space<hbm>>
      tpu.enqueue_dma source(%dma_start3A_57 : memref<80xi32, #tpu.memory_space<hbm>>) target(%arg7 : memref<80xi32, #tpu.memory_space<vmem>>) target_semaphore(%run_scoped3A : memref<!tpu.dma_semaphore, #tpu.memory_space<semaphore_mem>>)
      %dma_wait3A_58 = tpu.memref_slice %arg3[%add3A_32] : memref<327680xi32, #tpu.memory_space<hbm>> -> memref<80xi32, #tpu.memory_space<hbm>>
      %dma_wait3A_59 = tpu.memref_slice %arg3[%add3A_32] : memref<327680xi32, #tpu.memory_space<hbm>> -> memref<80xi32, #tpu.memory_space<hbm>>
      tpu.wait_dma2 semaphore(%run_scoped3A : memref<!tpu.dma_semaphore, #tpu.memory_space<semaphore_mem>>) src(%dma_wait3A_59 : memref<80xi32, #tpu.memory_space<hbm>>) dst(%arg7 : memref<80xi32, #tpu.memory_space<vmem>>)
      tpu.yield
    }) : () -> ()
    "tpu.region"() ({
      %run_scoped3A = tpu.sem_alloc : memref<!tpu.dma_semaphore, #tpu.memory_space<semaphore_mem>>
      %dma_start3A_56 = tpu.memref_slice %arg4[%add3A_32] : memref<327680xi32, #tpu.memory_space<hbm>> -> memref<80xi32, #tpu.memory_space<hbm>>
      %dma_start3A_57 = tpu.memref_slice %arg4[%add3A_32] : memref<327680xi32, #tpu.memory_space<hbm>> -> memref<80xi32, #tpu.memory_space<hbm>>
      tpu.enqueue_dma source(%dma_start3A_57 : memref<80xi32, #tpu.memory_space<hbm>>) target(%arg11 : memref<80xi32, #tpu.memory_space<vmem>>) target_semaphore(%run_scoped3A : memref<!tpu.dma_semaphore, #tpu.memory_space<semaphore_mem>>)
      %dma_wait3A_58 = tpu.memref_slice %arg4[%add3A_32] : memref<327680xi32, #tpu.memory_space<hbm>> -> memref<80xi32, #tpu.memory_space<hbm>>
      %dma_wait3A_59 = tpu.memref_slice %arg4[%add3A_32] : memref<327680xi32, #tpu.memory_space<hbm>> -> memref<80xi32, #tpu.memory_space<hbm>>
      tpu.wait_dma2 semaphore(%run_scoped3A : memref<!tpu.dma_semaphore, #tpu.memory_space<semaphore_mem>>) src(%dma_wait3A_59 : memref<80xi32, #tpu.memory_space<hbm>>) dst(%arg11 : memref<80xi32, #tpu.memory_space<vmem>>)
      tpu.yield
    }) : () -> ()
    %dma_start3A_33 = arith.constant 0 : i32
    %dma_start3A_34 = arith.constant 0 : i32
    %dma_start3A_35 = tpu.memref_slice %arg2[%dma_start3A_33, %dma_start3A_34] : memref<10240x128xf32, #tpu.memory_space<hbm>> -> memref<10240x128xf32, #tpu.memory_space<hbm>>
    tpu.enqueue_indirect_dma source(%dma_start3A_35 : memref<10240x128xf32, #tpu.memory_space<hbm>>) target(%arg15 : memref<80x128xf32, #tpu.memory_space<vmem>>) offsets(%arg7 : memref<80xi32, #tpu.memory_space<vmem>>) semaphore(%arg20 : memref<!tpu.dma_semaphore, #tpu.memory_space<semaphore_mem>>)
    %add3A_36 = arith.constant 160 : i32
    %add3A_37 = arith.addi %mul3A_26, %add3A_36 : i32
    "tpu.region"() ({
      %run_scoped3A = tpu.sem_alloc : memref<!tpu.dma_semaphore, #tpu.memory_space<semaphore_mem>>
      %dma_start3A_56 = tpu.memref_slice %arg3[%add3A_37] : memref<327680xi32, #tpu.memory_space<hbm>> -> memref<80xi32, #tpu.memory_space<hbm>>
      %dma_start3A_57 = tpu.memref_slice %arg3[%add3A_37] : memref<327680xi32, #tpu.memory_space<hbm>> -> memref<80xi32, #tpu.memory_space<hbm>>
      tpu.enqueue_dma source(%dma_start3A_57 : memref<80xi32, #tpu.memory_space<hbm>>) target(%arg8 : memref<80xi32, #tpu.memory_space<vmem>>) target_semaphore(%run_scoped3A : memref<!tpu.dma_semaphore, #tpu.memory_space<semaphore_mem>>)
      %dma_wait3A_58 = tpu.memref_slice %arg3[%add3A_37] : memref<327680xi32, #tpu.memory_space<hbm>> -> memref<80xi32, #tpu.memory_space<hbm>>
      %dma_wait3A_59 = tpu.memref_slice %arg3[%add3A_37] : memref<327680xi32, #tpu.memory_space<hbm>> -> memref<80xi32, #tpu.memory_space<hbm>>
      tpu.wait_dma2 semaphore(%run_scoped3A : memref<!tpu.dma_semaphore, #tpu.memory_space<semaphore_mem>>) src(%dma_wait3A_59 : memref<80xi32, #tpu.memory_space<hbm>>) dst(%arg8 : memref<80xi32, #tpu.memory_space<vmem>>)
      tpu.yield
    }) : () -> ()
    "tpu.region"() ({
      %run_scoped3A = tpu.sem_alloc : memref<!tpu.dma_semaphore, #tpu.memory_space<semaphore_mem>>
      %dma_start3A_56 = tpu.memref_slice %arg4[%add3A_37] : memref<327680xi32, #tpu.memory_space<hbm>> -> memref<80xi32, #tpu.memory_space<hbm>>
      %dma_start3A_57 = tpu.memref_slice %arg4[%add3A_37] : memref<327680xi32, #tpu.memory_space<hbm>> -> memref<80xi32, #tpu.memory_space<hbm>>
      tpu.enqueue_dma source(%dma_start3A_57 : memref<80xi32, #tpu.memory_space<hbm>>) target(%arg12 : memref<80xi32, #tpu.memory_space<vmem>>) target_semaphore(%run_scoped3A : memref<!tpu.dma_semaphore, #tpu.memory_space<semaphore_mem>>)
      %dma_wait3A_58 = tpu.memref_slice %arg4[%add3A_37] : memref<327680xi32, #tpu.memory_space<hbm>> -> memref<80xi32, #tpu.memory_space<hbm>>
      %dma_wait3A_59 = tpu.memref_slice %arg4[%add3A_37] : memref<327680xi32, #tpu.memory_space<hbm>> -> memref<80xi32, #tpu.memory_space<hbm>>
      tpu.wait_dma2 semaphore(%run_scoped3A : memref<!tpu.dma_semaphore, #tpu.memory_space<semaphore_mem>>) src(%dma_wait3A_59 : memref<80xi32, #tpu.memory_space<hbm>>) dst(%arg12 : memref<80xi32, #tpu.memory_space<vmem>>)
      tpu.yield
    }) : () -> ()
    %dma_start3A_38 = arith.constant 0 : i32
    %dma_start3A_39 = arith.constant 0 : i32
    %dma_start3A_40 = tpu.memref_slice %arg2[%dma_start3A_38, %dma_start3A_39] : memref<10240x128xf32, #tpu.memory_space<hbm>> -> memref<10240x128xf32, #tpu.memory_space<hbm>>
    tpu.enqueue_indirect_dma source(%dma_start3A_40 : memref<10240x128xf32, #tpu.memory_space<hbm>>) target(%arg16 : memref<80x128xf32, #tpu.memory_space<vmem>>) offsets(%arg8 : memref<80xi32, #tpu.memory_space<vmem>>) semaphore(%arg21 : memref<!tpu.dma_semaphore, #tpu.memory_space<semaphore_mem>>)
    %scan3A_41 = arith.constant 0 : i32
    %scan3A_42 = arith.constant 0 : i32
    %scan3A_43 = arith.constant 32 : i32
    %scan3A_44 = arith.addi %scan3A_42, %scan3A_43 : i32
    %scan3A_45 = arith.constant 1 : i32
    scf.for %scan3A_56 = %scan3A_42 to %scan3A_44 step %scan3A_45  : i32 {
      %mul3A_57 = arith.constant 4 : i32
      %mul3A_58 = arith.muli %mul3A_57, %scan3A_56 : i32
      %add3A_59 = arith.constant 0 : i32
      %add3A_60 = arith.addi %mul3A_58, %add3A_59 : i32
      %dma_wait3A_61 = arith.constant 0 : i32
      %dma_wait3A_62 = arith.constant 0 : i32
      %dma_wait3A_63 = tpu.memref_slice %arg2[%dma_wait3A_61, %dma_wait3A_62] : memref<10240x128xf32, #tpu.memory_space<hbm>> -> memref<10240x128xf32, #tpu.memory_space<hbm>>
      tpu.wait_indirect_dma semaphore(%arg19 : memref<!tpu.dma_semaphore, #tpu.memory_space<semaphore_mem>>) src(%dma_wait3A_63 : memref<10240x128xf32, #tpu.memory_space<hbm>>) dst(%arg14 : memref<80x128xf32, #tpu.memory_space<vmem>>)
      %add3A_64 = arith.constant 3 : i32
      %add3A_65 = arith.addi %add3A_60, %add3A_64 : i32
      %lt3A = arith.constant 128 : i32
      %lt3A_66 = arith.cmpi slt, %add3A_65, %lt3A : i32
      %add3A_67 = arith.constant 3 : i32
      %add3A_68 = arith.addi %add3A_60, %add3A_67 : i32
      %jit3A = arith.constant 0 : i32
      %select_n3A = arith.select %lt3A_66, %add3A_68, %jit3A : i32
      %mul3A_69 = arith.constant 80 : i32
      %mul3A_70 = arith.muli %select_n3A, %mul3A_69 : i32
      %add3A_71 = arith.addi %mul3A_26, %mul3A_70 : i32
      "tpu.region"() ({
        %run_scoped3A = tpu.sem_alloc : memref<!tpu.dma_semaphore, #tpu.memory_space<semaphore_mem>>
        %dma_start3A_138 = tpu.memref_slice %arg3[%add3A_71] : memref<327680xi32, #tpu.memory_space<hbm>> -> memref<80xi32, #tpu.memory_space<hbm>>
        %dma_start3A_139 = tpu.memref_slice %arg3[%add3A_71] : memref<327680xi32, #tpu.memory_space<hbm>> -> memref<80xi32, #tpu.memory_space<hbm>>
        tpu.enqueue_dma source(%dma_start3A_139 : memref<80xi32, #tpu.memory_space<hbm>>) target(%arg9 : memref<80xi32, #tpu.memory_space<vmem>>) target_semaphore(%run_scoped3A : memref<!tpu.dma_semaphore, #tpu.memory_space<semaphore_mem>>)
        %dma_wait3A_140 = tpu.memref_slice %arg3[%add3A_71] : memref<327680xi32, #tpu.memory_space<hbm>> -> memref<80xi32, #tpu.memory_space<hbm>>
        %dma_wait3A_141 = tpu.memref_slice %arg3[%add3A_71] : memref<327680xi32, #tpu.memory_space<hbm>> -> memref<80xi32, #tpu.memory_space<hbm>>
        tpu.wait_dma2 semaphore(%run_scoped3A : memref<!tpu.dma_semaphore, #tpu.memory_space<semaphore_mem>>) src(%dma_wait3A_141 : memref<80xi32, #tpu.memory_space<hbm>>) dst(%arg9 : memref<80xi32, #tpu.memory_space<vmem>>)
        tpu.yield
      }) : () -> ()
      "tpu.region"() ({
        %run_scoped3A = tpu.sem_alloc : memref<!tpu.dma_semaphore, #tpu.memory_space<semaphore_mem>>
        %dma_start3A_138 = tpu.memref_slice %arg4[%add3A_71] : memref<327680xi32, #tpu.memory_space<hbm>> -> memref<80xi32, #tpu.memory_space<hbm>>
        %dma_start3A_139 = tpu.memref_slice %arg4[%add3A_71] : memref<327680xi32, #tpu.memory_space<hbm>> -> memref<80xi32, #tpu.memory_space<hbm>>
        tpu.enqueue_dma source(%dma_start3A_139 : memref<80xi32, #tpu.memory_space<hbm>>) target(%arg13 : memref<80xi32, #tpu.memory_space<vmem>>) target_semaphore(%run_scoped3A : memref<!tpu.dma_semaphore, #tpu.memory_space<semaphore_mem>>)
        %dma_wait3A_140 = tpu.memref_slice %arg4[%add3A_71] : memref<327680xi32, #tpu.memory_space<hbm>> -> memref<80xi32, #tpu.memory_space<hbm>>
        %dma_wait3A_141 = tpu.memref_slice %arg4[%add3A_71] : memref<327680xi32, #tpu.memory_space<hbm>> -> memref<80xi32, #tpu.memory_space<hbm>>
        tpu.wait_dma2 semaphore(%run_scoped3A : memref<!tpu.dma_semaphore, #tpu.memory_space<semaphore_mem>>) src(%dma_wait3A_141 : memref<80xi32, #tpu.memory_space<hbm>>) dst(%arg13 : memref<80xi32, #tpu.memory_space<vmem>>)
        tpu.yield
      }) : () -> ()
      %dma_start3A_72 = arith.constant 0 : i32
      %dma_start3A_73 = arith.constant 0 : i32
      %dma_start3A_74 = tpu.memref_slice %arg2[%dma_start3A_72, %dma_start3A_73] : memref<10240x128xf32, #tpu.memory_space<hbm>> -> memref<10240x128xf32, #tpu.memory_space<hbm>>
      tpu.enqueue_indirect_dma source(%dma_start3A_74 : memref<10240x128xf32, #tpu.memory_space<hbm>>) target(%arg17 : memref<80x128xf32, #tpu.memory_space<vmem>>) offsets(%arg9 : memref<80xi32, #tpu.memory_space<vmem>>) semaphore(%arg22 : memref<!tpu.dma_semaphore, #tpu.memory_space<semaphore_mem>>)
      "tpu.region"() ({
        %run_scoped3A = tpu.sem_alloc : memref<!tpu.dma_semaphore, #tpu.memory_space<semaphore_mem>>
        %dma_start3A_138 = arith.constant 0 : i32
        %dma_start3A_139 = arith.constant 0 : i32
        %dma_start3A_140 = tpu.memref_slice %arg18[%dma_start3A_138, %dma_start3A_139] : memref<10240x128xf32, #tpu.memory_space<vmem_shared>> -> memref<10240x128xf32, #tpu.memory_space<vmem_shared>>
        tpu.enqueue_indirect_dma source(%arg14 : memref<80x128xf32, #tpu.memory_space<vmem>>) target(%dma_start3A_140 : memref<10240x128xf32, #tpu.memory_space<vmem_shared>>) offsets(%arg10 : memref<80xi32, #tpu.memory_space<vmem>>) semaphore(%run_scoped3A : memref<!tpu.dma_semaphore, #tpu.memory_space<semaphore_mem>>) {add = true}
        %dma_wait3A_141 = arith.constant 0 : i32
        %dma_wait3A_142 = arith.constant 0 : i32
        %dma_wait3A_143 = tpu.memref_slice %arg18[%dma_wait3A_141, %dma_wait3A_142] : memref<10240x128xf32, #tpu.memory_space<vmem_shared>> -> memref<10240x128xf32, #tpu.memory_space<vmem_shared>>
        tpu.wait_indirect_dma semaphore(%run_scoped3A : memref<!tpu.dma_semaphore, #tpu.memory_space<semaphore_mem>>) src(%arg14 : memref<80x128xf32, #tpu.memory_space<vmem>>) dst(%dma_wait3A_143 : memref<10240x128xf32, #tpu.memory_space<vmem_shared>>)
        tpu.yield
      }) : () -> ()
      %mul3A_75 = arith.constant 4 : i32
      %mul3A_76 = arith.muli %mul3A_75, %scan3A_56 : i32
      %add3A_77 = arith.constant 1 : i32
      %add3A_78 = arith.addi %mul3A_76, %add3A_77 : i32
      %dma_wait3A_79 = arith.constant 0 : i32
      %dma_wait3A_80 = arith.constant 0 : i32
      %dma_wait3A_81 = tpu.memref_slice %arg2[%dma_wait3A_79, %dma_wait3A_80] : memref<10240x128xf32, #tpu.memory_space<hbm>> -> memref<10240x128xf32, #tpu.memory_space<hbm>>
      tpu.wait_indirect_dma semaphore(%arg20 : memref<!tpu.dma_semaphore, #tpu.memory_space<semaphore_mem>>) src(%dma_wait3A_81 : memref<10240x128xf32, #tpu.memory_space<hbm>>) dst(%arg15 : memref<80x128xf32, #tpu.memory_space<vmem>>)
      %add3A_82 = arith.constant 3 : i32
      %add3A_83 = arith.addi %add3A_78, %add3A_82 : i32
      %lt3A_84 = arith.constant 128 : i32
      %lt3A_85 = arith.cmpi slt, %add3A_83, %lt3A_84 : i32
      %add3A_86 = arith.constant 3 : i32
      %add3A_87 = arith.addi %add3A_78, %add3A_86 : i32
      %jit3A_88 = arith.constant 0 : i32
      %select_n3A_89 = arith.select %lt3A_85, %add3A_87, %jit3A_88 : i32
      %mul3A_90 = arith.constant 80 : i32
      %mul3A_91 = arith.muli %select_n3A_89, %mul3A_90 : i32
      %add3A_92 = arith.addi %mul3A_26, %mul3A_91 : i32
      "tpu.region"() ({
        %run_scoped3A = tpu.sem_alloc : memref<!tpu.dma_semaphore, #tpu.memory_space<semaphore_mem>>
        %dma_start3A_138 = tpu.memref_slice %arg3[%add3A_92] : memref<327680xi32, #tpu.memory_space<hbm>> -> memref<80xi32, #tpu.memory_space<hbm>>
        %dma_start3A_139 = tpu.memref_slice %arg3[%add3A_92] : memref<327680xi32, #tpu.memory_space<hbm>> -> memref<80xi32, #tpu.memory_space<hbm>>
        tpu.enqueue_dma source(%dma_start3A_139 : memref<80xi32, #tpu.memory_space<hbm>>) target(%arg6 : memref<80xi32, #tpu.memory_space<vmem>>) target_semaphore(%run_scoped3A : memref<!tpu.dma_semaphore, #tpu.memory_space<semaphore_mem>>)
        %dma_wait3A_140 = tpu.memref_slice %arg3[%add3A_92] : memref<327680xi32, #tpu.memory_space<hbm>> -> memref<80xi32, #tpu.memory_space<hbm>>
        %dma_wait3A_141 = tpu.memref_slice %arg3[%add3A_92] : memref<327680xi32, #tpu.memory_space<hbm>> -> memref<80xi32, #tpu.memory_space<hbm>>
        tpu.wait_dma2 semaphore(%run_scoped3A : memref<!tpu.dma_semaphore, #tpu.memory_space<semaphore_mem>>) src(%dma_wait3A_141 : memref<80xi32, #tpu.memory_space<hbm>>) dst(%arg6 : memref<80xi32, #tpu.memory_space<vmem>>)
        tpu.yield
      }) : () -> ()
      "tpu.region"() ({
        %run_scoped3A = tpu.sem_alloc : memref<!tpu.dma_semaphore, #tpu.memory_space<semaphore_mem>>
        %dma_start3A_138 = tpu.memref_slice %arg4[%add3A_92] : memref<327680xi32, #tpu.memory_space<hbm>> -> memref<80xi32, #tpu.memory_space<hbm>>
        %dma_start3A_139 = tpu.memref_slice %arg4[%add3A_92] : memref<327680xi32, #tpu.memory_space<hbm>> -> memref<80xi32, #tpu.memory_space<hbm>>
        tpu.enqueue_dma source(%dma_start3A_139 : memref<80xi32, #tpu.memory_space<hbm>>) target(%arg10 : memref<80xi32, #tpu.memory_space<vmem>>) target_semaphore(%run_scoped3A : memref<!tpu.dma_semaphore, #tpu.memory_space<semaphore_mem>>)
        %dma_wait3A_140 = tpu.memref_slice %arg4[%add3A_92] : memref<327680xi32, #tpu.memory_space<hbm>> -> memref<80xi32, #tpu.memory_space<hbm>>
        %dma_wait3A_141 = tpu.memref_slice %arg4[%add3A_92] : memref<327680xi32, #tpu.memory_space<hbm>> -> memref<80xi32, #tpu.memory_space<hbm>>
        tpu.wait_dma2 semaphore(%run_scoped3A : memref<!tpu.dma_semaphore, #tpu.memory_space<semaphore_mem>>) src(%dma_wait3A_141 : memref<80xi32, #tpu.memory_space<hbm>>) dst(%arg10 : memref<80xi32, #tpu.memory_space<vmem>>)
        tpu.yield
      }) : () -> ()
      %dma_start3A_93 = arith.constant 0 : i32
      %dma_start3A_94 = arith.constant 0 : i32
      %dma_start3A_95 = tpu.memref_slice %arg2[%dma_start3A_93, %dma_start3A_94] : memref<10240x128xf32, #tpu.memory_space<hbm>> -> memref<10240x128xf32, #tpu.memory_space<hbm>>
      tpu.enqueue_indirect_dma source(%dma_start3A_95 : memref<10240x128xf32, #tpu.memory_space<hbm>>) target(%arg14 : memref<80x128xf32, #tpu.memory_space<vmem>>) offsets(%arg6 : memref<80xi32, #tpu.memory_space<vmem>>) semaphore(%arg19 : memref<!tpu.dma_semaphore, #tpu.memory_space<semaphore_mem>>)
      "tpu.region"() ({
        %run_scoped3A = tpu.sem_alloc : memref<!tpu.dma_semaphore, #tpu.memory_space<semaphore_mem>>
        %dma_start3A_138 = arith.constant 0 : i32
        %dma_start3A_139 = arith.constant 0 : i32
        %dma_start3A_140 = tpu.memref_slice %arg18[%dma_start3A_138, %dma_start3A_139] : memref<10240x128xf32, #tpu.memory_space<vmem_shared>> -> memref<10240x128xf32, #tpu.memory_space<vmem_shared>>
        tpu.enqueue_indirect_dma source(%arg15 : memref<80x128xf32, #tpu.memory_space<vmem>>) target(%dma_start3A_140 : memref<10240x128xf32, #tpu.memory_space<vmem_shared>>) offsets(%arg11 : memref<80xi32, #tpu.memory_space<vmem>>) semaphore(%run_scoped3A : memref<!tpu.dma_semaphore, #tpu.memory_space<semaphore_mem>>) {add = true}
        %dma_wait3A_141 = arith.constant 0 : i32
        %dma_wait3A_142 = arith.constant 0 : i32
        %dma_wait3A_143 = tpu.memref_slice %arg18[%dma_wait3A_141, %dma_wait3A_142] : memref<10240x128xf32, #tpu.memory_space<vmem_shared>> -> memref<10240x128xf32, #tpu.memory_space<vmem_shared>>
        tpu.wait_indirect_dma semaphore(%run_scoped3A : memref<!tpu.dma_semaphore, #tpu.memory_space<semaphore_mem>>) src(%arg15 : memref<80x128xf32, #tpu.memory_space<vmem>>) dst(%dma_wait3A_143 : memref<10240x128xf32, #tpu.memory_space<vmem_shared>>)
        tpu.yield
      }) : () -> ()
      %mul3A_96 = arith.constant 4 : i32
      %mul3A_97 = arith.muli %mul3A_96, %scan3A_56 : i32
      %add3A_98 = arith.constant 2 : i32
      %add3A_99 = arith.addi %mul3A_97, %add3A_98 : i32
      %dma_wait3A_100 = arith.constant 0 : i32
      %dma_wait3A_101 = arith.constant 0 : i32
      %dma_wait3A_102 = tpu.memref_slice %arg2[%dma_wait3A_100, %dma_wait3A_101] : memref<10240x128xf32, #tpu.memory_space<hbm>> -> memref<10240x128xf32, #tpu.memory_space<hbm>>
      tpu.wait_indirect_dma semaphore(%arg21 : memref<!tpu.dma_semaphore, #tpu.memory_space<semaphore_mem>>) src(%dma_wait3A_102 : memref<10240x128xf32, #tpu.memory_space<hbm>>) dst(%arg16 : memref<80x128xf32, #tpu.memory_space<vmem>>)
      %add3A_103 = arith.constant 3 : i32
      %add3A_104 = arith.addi %add3A_99, %add3A_103 : i32
      %lt3A_105 = arith.constant 128 : i32
      %lt3A_106 = arith.cmpi slt, %add3A_104, %lt3A_105 : i32
      %add3A_107 = arith.constant 3 : i32
      %add3A_108 = arith.addi %add3A_99, %add3A_107 : i32
      %jit3A_109 = arith.constant 0 : i32
      %select_n3A_110 = arith.select %lt3A_106, %add3A_108, %jit3A_109 : i32
      %mul3A_111 = arith.constant 80 : i32
      %mul3A_112 = arith.muli %select_n3A_110, %mul3A_111 : i32
      %add3A_113 = arith.addi %mul3A_26, %mul3A_112 : i32
      "tpu.region"() ({
        %run_scoped3A = tpu.sem_alloc : memref<!tpu.dma_semaphore, #tpu.memory_space<semaphore_mem>>
        %dma_start3A_138 = tpu.memref_slice %arg3[%add3A_113] : memref<327680xi32, #tpu.memory_space<hbm>> -> memref<80xi32, #tpu.memory_space<hbm>>
        %dma_start3A_139 = tpu.memref_slice %arg3[%add3A_113] : memref<327680xi32, #tpu.memory_space<hbm>> -> memref<80xi32, #tpu.memory_space<hbm>>
        tpu.enqueue_dma source(%dma_start3A_139 : memref<80xi32, #tpu.memory_space<hbm>>) target(%arg7 : memref<80xi32, #tpu.memory_space<vmem>>) target_semaphore(%run_scoped3A : memref<!tpu.dma_semaphore, #tpu.memory_space<semaphore_mem>>)
        %dma_wait3A_140 = tpu.memref_slice %arg3[%add3A_113] : memref<327680xi32, #tpu.memory_space<hbm>> -> memref<80xi32, #tpu.memory_space<hbm>>
        %dma_wait3A_141 = tpu.memref_slice %arg3[%add3A_113] : memref<327680xi32, #tpu.memory_space<hbm>> -> memref<80xi32, #tpu.memory_space<hbm>>
        tpu.wait_dma2 semaphore(%run_scoped3A : memref<!tpu.dma_semaphore, #tpu.memory_space<semaphore_mem>>) src(%dma_wait3A_141 : memref<80xi32, #tpu.memory_space<hbm>>) dst(%arg7 : memref<80xi32, #tpu.memory_space<vmem>>)
        tpu.yield
      }) : () -> ()
      "tpu.region"() ({
        %run_scoped3A = tpu.sem_alloc : memref<!tpu.dma_semaphore, #tpu.memory_space<semaphore_mem>>
        %dma_start3A_138 = tpu.memref_slice %arg4[%add3A_113] : memref<327680xi32, #tpu.memory_space<hbm>> -> memref<80xi32, #tpu.memory_space<hbm>>
        %dma_start3A_139 = tpu.memref_slice %arg4[%add3A_113] : memref<327680xi32, #tpu.memory_space<hbm>> -> memref<80xi32, #tpu.memory_space<hbm>>
        tpu.enqueue_dma source(%dma_start3A_139 : memref<80xi32, #tpu.memory_space<hbm>>) target(%arg11 : memref<80xi32, #tpu.memory_space<vmem>>) target_semaphore(%run_scoped3A : memref<!tpu.dma_semaphore, #tpu.memory_space<semaphore_mem>>)
        %dma_wait3A_140 = tpu.memref_slice %arg4[%add3A_113] : memref<327680xi32, #tpu.memory_space<hbm>> -> memref<80xi32, #tpu.memory_space<hbm>>
        %dma_wait3A_141 = tpu.memref_slice %arg4[%add3A_113] : memref<327680xi32, #tpu.memory_space<hbm>> -> memref<80xi32, #tpu.memory_space<hbm>>
        tpu.wait_dma2 semaphore(%run_scoped3A : memref<!tpu.dma_semaphore, #tpu.memory_space<semaphore_mem>>) src(%dma_wait3A_141 : memref<80xi32, #tpu.memory_space<hbm>>) dst(%arg11 : memref<80xi32, #tpu.memory_space<vmem>>)
        tpu.yield
      }) : () -> ()
      %dma_start3A_114 = arith.constant 0 : i32
      %dma_start3A_115 = arith.constant 0 : i32
      %dma_start3A_116 = tpu.memref_slice %arg2[%dma_start3A_114, %dma_start3A_115] : memref<10240x128xf32, #tpu.memory_space<hbm>> -> memref<10240x128xf32, #tpu.memory_space<hbm>>
      tpu.enqueue_indirect_dma source(%dma_start3A_116 : memref<10240x128xf32, #tpu.memory_space<hbm>>) target(%arg15 : memref<80x128xf32, #tpu.memory_space<vmem>>) offsets(%arg7 : memref<80xi32, #tpu.memory_space<vmem>>) semaphore(%arg20 : memref<!tpu.dma_semaphore, #tpu.memory_space<semaphore_mem>>)
      "tpu.region"() ({
        %run_scoped3A = tpu.sem_alloc : memref<!tpu.dma_semaphore, #tpu.memory_space<semaphore_mem>>
        %dma_start3A_138 = arith.constant 0 : i32
        %dma_start3A_139 = arith.constant 0 : i32
        %dma_start3A_140 = tpu.memref_slice %arg18[%dma_start3A_138, %dma_start3A_139] : memref<10240x128xf32, #tpu.memory_space<vmem_shared>> -> memref<10240x128xf32, #tpu.memory_space<vmem_shared>>
        tpu.enqueue_indirect_dma source(%arg16 : memref<80x128xf32, #tpu.memory_space<vmem>>) target(%dma_start3A_140 : memref<10240x128xf32, #tpu.memory_space<vmem_shared>>) offsets(%arg12 : memref<80xi32, #tpu.memory_space<vmem>>) semaphore(%run_scoped3A : memref<!tpu.dma_semaphore, #tpu.memory_space<semaphore_mem>>) {add = true}
        %dma_wait3A_141 = arith.constant 0 : i32
        %dma_wait3A_142 = arith.constant 0 : i32
        %dma_wait3A_143 = tpu.memref_slice %arg18[%dma_wait3A_141, %dma_wait3A_142] : memref<10240x128xf32, #tpu.memory_space<vmem_shared>> -> memref<10240x128xf32, #tpu.memory_space<vmem_shared>>
        tpu.wait_indirect_dma semaphore(%run_scoped3A : memref<!tpu.dma_semaphore, #tpu.memory_space<semaphore_mem>>) src(%arg16 : memref<80x128xf32, #tpu.memory_space<vmem>>) dst(%dma_wait3A_143 : memref<10240x128xf32, #tpu.memory_space<vmem_shared>>)
        tpu.yield
      }) : () -> ()
      %mul3A_117 = arith.constant 4 : i32
      %mul3A_118 = arith.muli %mul3A_117, %scan3A_56 : i32
      %add3A_119 = arith.constant 3 : i32
      %add3A_120 = arith.addi %mul3A_118, %add3A_119 : i32
      %dma_wait3A_121 = arith.constant 0 : i32
      %dma_wait3A_122 = arith.constant 0 : i32
      %dma_wait3A_123 = tpu.memref_slice %arg2[%dma_wait3A_121, %dma_wait3A_122] : memref<10240x128xf32, #tpu.memory_space<hbm>> -> memref<10240x128xf32, #tpu.memory_space<hbm>>
      tpu.wait_indirect_dma semaphore(%arg22 : memref<!tpu.dma_semaphore, #tpu.memory_space<semaphore_mem>>) src(%dma_wait3A_123 : memref<10240x128xf32, #tpu.memory_space<hbm>>) dst(%arg17 : memref<80x128xf32, #tpu.memory_space<vmem>>)
      %add3A_124 = arith.constant 3 : i32
      %add3A_125 = arith.addi %add3A_120, %add3A_124 : i32
      %lt3A_126 = arith.constant 128 : i32
      %lt3A_127 = arith.cmpi slt, %add3A_125, %lt3A_126 : i32
      %add3A_128 = arith.constant 3 : i32
      %add3A_129 = arith.addi %add3A_120, %add3A_128 : i32
      %jit3A_130 = arith.constant 0 : i32
      %select_n3A_131 = arith.select %lt3A_127, %add3A_129, %jit3A_130 : i32
      %mul3A_132 = arith.constant 80 : i32
      %mul3A_133 = arith.muli %select_n3A_131, %mul3A_132 : i32
      %add3A_134 = arith.addi %mul3A_26, %mul3A_133 : i32
      "tpu.region"() ({
        %run_scoped3A = tpu.sem_alloc : memref<!tpu.dma_semaphore, #tpu.memory_space<semaphore_mem>>
        %dma_start3A_138 = tpu.memref_slice %arg3[%add3A_134] : memref<327680xi32, #tpu.memory_space<hbm>> -> memref<80xi32, #tpu.memory_space<hbm>>
        %dma_start3A_139 = tpu.memref_slice %arg3[%add3A_134] : memref<327680xi32, #tpu.memory_space<hbm>> -> memref<80xi32, #tpu.memory_space<hbm>>
        tpu.enqueue_dma source(%dma_start3A_139 : memref<80xi32, #tpu.memory_space<hbm>>) target(%arg8 : memref<80xi32, #tpu.memory_space<vmem>>) target_semaphore(%run_scoped3A : memref<!tpu.dma_semaphore, #tpu.memory_space<semaphore_mem>>)
        %dma_wait3A_140 = tpu.memref_slice %arg3[%add3A_134] : memref<327680xi32, #tpu.memory_space<hbm>> -> memref<80xi32, #tpu.memory_space<hbm>>
        %dma_wait3A_141 = tpu.memref_slice %arg3[%add3A_134] : memref<327680xi32, #tpu.memory_space<hbm>> -> memref<80xi32, #tpu.memory_space<hbm>>
        tpu.wait_dma2 semaphore(%run_scoped3A : memref<!tpu.dma_semaphore, #tpu.memory_space<semaphore_mem>>) src(%dma_wait3A_141 : memref<80xi32, #tpu.memory_space<hbm>>) dst(%arg8 : memref<80xi32, #tpu.memory_space<vmem>>)
        tpu.yield
      }) : () -> ()
      "tpu.region"() ({
        %run_scoped3A = tpu.sem_alloc : memref<!tpu.dma_semaphore, #tpu.memory_space<semaphore_mem>>
        %dma_start3A_138 = tpu.memref_slice %arg4[%add3A_134] : memref<327680xi32, #tpu.memory_space<hbm>> -> memref<80xi32, #tpu.memory_space<hbm>>
        %dma_start3A_139 = tpu.memref_slice %arg4[%add3A_134] : memref<327680xi32, #tpu.memory_space<hbm>> -> memref<80xi32, #tpu.memory_space<hbm>>
        tpu.enqueue_dma source(%dma_start3A_139 : memref<80xi32, #tpu.memory_space<hbm>>) target(%arg12 : memref<80xi32, #tpu.memory_space<vmem>>) target_semaphore(%run_scoped3A : memref<!tpu.dma_semaphore, #tpu.memory_space<semaphore_mem>>)
        %dma_wait3A_140 = tpu.memref_slice %arg4[%add3A_134] : memref<327680xi32, #tpu.memory_space<hbm>> -> memref<80xi32, #tpu.memory_space<hbm>>
        %dma_wait3A_141 = tpu.memref_slice %arg4[%add3A_134] : memref<327680xi32, #tpu.memory_space<hbm>> -> memref<80xi32, #tpu.memory_space<hbm>>
        tpu.wait_dma2 semaphore(%run_scoped3A : memref<!tpu.dma_semaphore, #tpu.memory_space<semaphore_mem>>) src(%dma_wait3A_141 : memref<80xi32, #tpu.memory_space<hbm>>) dst(%arg12 : memref<80xi32, #tpu.memory_space<vmem>>)
        tpu.yield
      }) : () -> ()
      %dma_start3A_135 = arith.constant 0 : i32
      %dma_start3A_136 = arith.constant 0 : i32
      %dma_start3A_137 = tpu.memref_slice %arg2[%dma_start3A_135, %dma_start3A_136] : memref<10240x128xf32, #tpu.memory_space<hbm>> -> memref<10240x128xf32, #tpu.memory_space<hbm>>
      tpu.enqueue_indirect_dma source(%dma_start3A_137 : memref<10240x128xf32, #tpu.memory_space<hbm>>) target(%arg16 : memref<80x128xf32, #tpu.memory_space<vmem>>) offsets(%arg8 : memref<80xi32, #tpu.memory_space<vmem>>) semaphore(%arg21 : memref<!tpu.dma_semaphore, #tpu.memory_space<semaphore_mem>>)
      "tpu.region"() ({
        %run_scoped3A = tpu.sem_alloc : memref<!tpu.dma_semaphore, #tpu.memory_space<semaphore_mem>>
        %dma_start3A_138 = arith.constant 0 : i32
        %dma_start3A_139 = arith.constant 0 : i32
        %dma_start3A_140 = tpu.memref_slice %arg18[%dma_start3A_138, %dma_start3A_139] : memref<10240x128xf32, #tpu.memory_space<vmem_shared>> -> memref<10240x128xf32, #tpu.memory_space<vmem_shared>>
        tpu.enqueue_indirect_dma source(%arg17 : memref<80x128xf32, #tpu.memory_space<vmem>>) target(%dma_start3A_140 : memref<10240x128xf32, #tpu.memory_space<vmem_shared>>) offsets(%arg13 : memref<80xi32, #tpu.memory_space<vmem>>) semaphore(%run_scoped3A : memref<!tpu.dma_semaphore, #tpu.memory_space<semaphore_mem>>) {add = true}
        %dma_wait3A_141 = arith.constant 0 : i32
        %dma_wait3A_142 = arith.constant 0 : i32
        %dma_wait3A_143 = tpu.memref_slice %arg18[%dma_wait3A_141, %dma_wait3A_142] : memref<10240x128xf32, #tpu.memory_space<vmem_shared>> -> memref<10240x128xf32, #tpu.memory_space<vmem_shared>>
        tpu.wait_indirect_dma semaphore(%run_scoped3A : memref<!tpu.dma_semaphore, #tpu.memory_space<semaphore_mem>>) src(%arg17 : memref<80x128xf32, #tpu.memory_space<vmem>>) dst(%dma_wait3A_143 : memref<10240x128xf32, #tpu.memory_space<vmem_shared>>)
        tpu.yield
      }) : () -> ()
    }
    %scan3A_46 = arith.constant 32 : i32
    %dma_wait3A = arith.constant 0 : i32
    %dma_wait3A_47 = arith.constant 0 : i32
    %dma_wait3A_48 = tpu.memref_slice %arg2[%dma_wait3A, %dma_wait3A_47] : memref<10240x128xf32, #tpu.memory_space<hbm>> -> memref<10240x128xf32, #tpu.memory_space<hbm>>
    tpu.wait_indirect_dma semaphore(%arg19 : memref<!tpu.dma_semaphore, #tpu.memory_space<semaphore_mem>>) src(%dma_wait3A_48 : memref<10240x128xf32, #tpu.memory_space<hbm>>) dst(%arg14 : memref<80x128xf32, #tpu.memory_space<vmem>>)
    %dma_wait3A_49 = arith.constant 0 : i32
    %dma_wait3A_50 = arith.constant 0 : i32
    %dma_wait3A_51 = tpu.memref_slice %arg2[%dma_wait3A_49, %dma_wait3A_50] : memref<10240x128xf32, #tpu.memory_space<hbm>> -> memref<10240x128xf32, #tpu.memory_space<hbm>>
    tpu.wait_indirect_dma semaphore(%arg20 : memref<!tpu.dma_semaphore, #tpu.memory_space<semaphore_mem>>) src(%dma_wait3A_51 : memref<10240x128xf32, #tpu.memory_space<hbm>>) dst(%arg15 : memref<80x128xf32, #tpu.memory_space<vmem>>)
    %dma_wait3A_52 = arith.constant 0 : i32
    %dma_wait3A_53 = arith.constant 0 : i32
    %dma_wait3A_54 = tpu.memref_slice %arg2[%dma_wait3A_52, %dma_wait3A_53] : memref<10240x128xf32, #tpu.memory_space<hbm>> -> memref<10240x128xf32, #tpu.memory_space<hbm>>
    tpu.wait_indirect_dma semaphore(%arg21 : memref<!tpu.dma_semaphore, #tpu.memory_space<semaphore_mem>>) src(%dma_wait3A_54 : memref<10240x128xf32, #tpu.memory_space<hbm>>) dst(%arg16 : memref<80x128xf32, #tpu.memory_space<vmem>>)
    %barrier3A_55 = arith.constant 0 : index
    tpu.barrier barrier_id(%barrier3A_55)
    "tpu.region"() ({
      %run_scoped3A = tpu.sem_alloc : memref<!tpu.dma_semaphore, #tpu.memory_space<semaphore_mem>>
      %dma_start3A_56 = arith.constant 0 : i32
      %dma_start3A_57 = tpu.memref_slice %arg5[%arg0, %mul3A_2, %dma_start3A_56] : memref<2x10240x128xf32, #tpu.memory_space<hbm>> -> memref<1x640x128xf32, #tpu.memory_space<hbm>>
      %dma_start3A_58 = tpu.memref_squeeze %dma_start3A_57 : memref<1x640x128xf32, #tpu.memory_space<hbm>> -> memref<640x128xf32, #tpu.memory_space<hbm>>
      %dma_start3A_59 = arith.constant 0 : i32
      %dma_start3A_60 = tpu.memref_slice %arg18[%mul3A_2, %dma_start3A_59] : memref<10240x128xf32, #tpu.memory_space<vmem_shared>> -> memref<640x128xf32, #tpu.memory_space<vmem_shared>>
      tpu.enqueue_dma source(%dma_start3A_60 : memref<640x128xf32, #tpu.memory_space<vmem_shared>>) target(%dma_start3A_58 : memref<640x128xf32, #tpu.memory_space<hbm>>) target_semaphore(%run_scoped3A : memref<!tpu.dma_semaphore, #tpu.memory_space<semaphore_mem>>)
      %dma_wait3A_61 = arith.constant 0 : i32
      %dma_wait3A_62 = tpu.memref_slice %arg5[%arg0, %mul3A_2, %dma_wait3A_61] : memref<2x10240x128xf32, #tpu.memory_space<hbm>> -> memref<1x640x128xf32, #tpu.memory_space<hbm>>
      %dma_wait3A_63 = tpu.memref_squeeze %dma_wait3A_62 : memref<1x640x128xf32, #tpu.memory_space<hbm>> -> memref<640x128xf32, #tpu.memory_space<hbm>>
      %dma_wait3A_64 = arith.constant 0 : i32
      %dma_wait3A_65 = tpu.memref_slice %arg18[%mul3A_2, %dma_wait3A_64] : memref<10240x128xf32, #tpu.memory_space<vmem_shared>> -> memref<640x128xf32, #tpu.memory_space<vmem_shared>>
      tpu.wait_dma2 semaphore(%run_scoped3A : memref<!tpu.dma_semaphore, #tpu.memory_space<semaphore_mem>>) src(%dma_wait3A_65 : memref<640x128xf32, #tpu.memory_space<vmem_shared>>) dst(%dma_wait3A_63 : memref<640x128xf32, #tpu.memory_space<hbm>>)
      tpu.yield
    }) : () -> ()
    return
  }
}

module attributes {stable_mosaic.version = 14 : i64} {
  func.func @body(%arg0: i32, %arg1: memref<1024x128xf32, #tpu.memory_space<vmem>>, %arg2: memref<2x1024x128xf32, #tpu.memory_space<vmem>>, %arg3: memref<128x128xf32, #tpu.memory_space<vmem>>, %arg4: memref<1024x128xf32, #tpu.memory_space<vmem>>, %arg5: memref<1024x16xf32, #tpu.memory_space<vmem>>) attributes {dimension_semantics = [#tpu.dimension_semantics<arbitrary>], iteration_bounds = array<i64: 10>, scalar_prefetch = 0 : i64, scratch_operands = 0 : i64, tpu.core_type = #tpu.core_type<tc>, window_params = [{transform_indices = @transform_0, window_bounds = array<i64: 1024, 128>}, {transform_indices = @transform_1, window_bounds = array<i64: 2, 1024, 128>}, {pipeline_mode = #tpu.pipeline_mode<synchronous>, transform_indices = @transform_2, window_bounds = array<i64: 128, 128>}, {transform_indices = @transform_3, window_bounds = array<i64: 1024, 128>}, {transform_indices = @transform_4, window_bounds = array<i64: 1024, 16>}]} {
    %get3A = arith.constant 0 : index
    %get3A_0 = arith.constant 0 : index
    %get3A_1 = arith.constant 0 : index
    %get3A_2 = vector.load %arg2[%get3A, %get3A_0, %get3A_1] : memref<2x1024x128xf32, #tpu.memory_space<vmem>>, vector<1x1024x1xf32>
    %get3A_3 = vector.shape_cast %get3A_2 : vector<1x1024x1xf32> to vector<1024x1xf32>
    %get3A_4 = arith.constant 1 : index
    %get3A_5 = arith.constant 0 : index
    %get3A_6 = arith.constant 0 : index
    %get3A_7 = vector.load %arg2[%get3A_4, %get3A_5, %get3A_6] : memref<2x1024x128xf32, #tpu.memory_space<vmem>>, vector<1x1024x1xf32>
    %get3A_8 = vector.shape_cast %get3A_7 : vector<1x1024x1xf32> to vector<1024x1xf32>
    %add3A = arith.addf %get3A_3, %get3A_8 : vector<1024x1xf32>
    %add3A_9 = arith.constant 1.000000e+00 : f32
    %add3A_10 = vector.broadcast %add3A_9 : f32 to vector<1024x1xf32>
    %add3A_11 = arith.addf %add3A, %add3A_10 : vector<1024x1xf32>
    %rsqrt3A = math.rsqrt %add3A_11 : vector<1024x1xf32>
    %broadcast_in_dim3A = arith.constant 1.000000e+00 : f32
    %broadcast_in_dim3A_12 = vector.broadcast %broadcast_in_dim3A : f32 to vector<1x16xf32>
    %mul3A = vector.broadcast %rsqrt3A : vector<1024x1xf32> to vector<1024x16xf32>
    %mul3A_13 = vector.broadcast %broadcast_in_dim3A_12 : vector<1x16xf32> to vector<1024x16xf32>
    %mul3A_14 = arith.mulf %mul3A, %mul3A_13 : vector<1024x16xf32>
    %swap3A = arith.constant 0 : index
    %swap3A_15 = arith.constant 0 : index
    %swap3A_16 = vector.load %arg5[%swap3A, %swap3A_15] : memref<1024x16xf32, #tpu.memory_space<vmem>>, vector<1024x16xf32>
    tpu.vector_store %arg5[%swap3A, %swap3A_15], %mul3A_14 {strides = array<i32>} : memref<1024x16xf32, #tpu.memory_space<vmem>>, vector<1024x16xf32>,
    %get3A_17 = arith.constant 0 : index
    %get3A_18 = arith.constant 0 : index
    %get3A_19 = vector.load %arg1[%get3A_17, %get3A_18] : memref<1024x128xf32, #tpu.memory_space<vmem>>, vector<1024x128xf32>
    %get3A_20 = arith.constant 0 : index
    %get3A_21 = arith.constant 0 : index
    %get3A_22 = vector.load %arg3[%get3A_20, %get3A_21] : memref<128x128xf32, #tpu.memory_space<vmem>>, vector<128x128xf32>
    %dot_general3A = arith.constant dense<0.000000e+00> : vector<1024x128xf32>
    %dot_general3A_23 = tpu.matmul %get3A_19, %get3A_22, %dot_general3A {dimension_numbers = #tpu.dot_dimension_numbers<[1], [0], [0], [1], [0, 0, 1, 1], [], []>, transpose_lhs_hint = false} : vector<1024x128xf32>, vector<128x128xf32>, vector<1024x128xf32> -> vector<1024x128xf32>
    %mul3A_24 = vector.broadcast %rsqrt3A : vector<1024x1xf32> to vector<1024x128xf32>
    %mul3A_25 = arith.mulf %mul3A_24, %dot_general3A_23 : vector<1024x128xf32>
    %swap3A_26 = arith.constant 0 : index
    %swap3A_27 = arith.constant 0 : index
    %swap3A_28 = vector.load %arg4[%swap3A_26, %swap3A_27] : memref<1024x128xf32, #tpu.memory_space<vmem>>, vector<1024x128xf32>
    tpu.vector_store %arg4[%swap3A_26, %swap3A_27], %mul3A_25 {strides = array<i32>} : memref<1024x128xf32, #tpu.memory_space<vmem>>, vector<1024x128xf32>,
    return
  }
  func.func @transform_0(%arg0: i32) -> (i32, i32) {
    %c0_i32 = arith.constant 0 : i32
    %c0_i32_0 = arith.constant 0 : i32
    return %arg0, %c0_i32 : i32, i32
  }
  func.func @transform_1(%arg0: i32) -> (i32, i32, i32) {
    %c0_i32 = arith.constant 0 : i32
    %c0_i32_0 = arith.constant 0 : i32
    %c0_i32_1 = arith.constant 0 : i32
    return %c0_i32, %arg0, %c0_i32_0 : i32, i32, i32
  }
  func.func @transform_2(%arg0: i32) -> (i32, i32) {
    %c0_i32 = arith.constant 0 : i32
    %c0_i32_0 = arith.constant 0 : i32
    %c0_i32_1 = arith.constant 0 : i32
    return %c0_i32, %c0_i32_0 : i32, i32
  }
  func.func @transform_3(%arg0: i32) -> (i32, i32) {
    %c0_i32 = arith.constant 0 : i32
    %c0_i32_0 = arith.constant 0 : i32
    return %arg0, %c0_i32 : i32, i32
  }
  func.func @transform_4(%arg0: i32) -> (i32, i32) {
    %c0_i32 = arith.constant 0 : i32
    %c0_i32_0 = arith.constant 0 : i32
    return %arg0, %c0_i32 : i32, i32
  }
}

module attributes {stable_mosaic.version = 14 : i64} {
  func.func @body(%arg0: i32, %arg1: memref<2x1024x128xf32, #tpu.memory_space<vmem>>, %arg2: memref<1024x128xf32, #tpu.memory_space<vmem>>, %arg3: memref<1024x16xf32, #tpu.memory_space<vmem>>, %arg4: memref<1x128xf32, #tpu.memory_space<vmem>>, %arg5: memref<128x128xf32, #tpu.memory_space<vmem>>, %arg6: memref<1024x128xf32, #tpu.memory_space<vmem>>) attributes {dimension_semantics = [#tpu.dimension_semantics<arbitrary>], iteration_bounds = array<i64: 10>, scalar_prefetch = 0 : i64, scratch_operands = 0 : i64, tpu.core_type = #tpu.core_type<tc>, window_params = [{transform_indices = @transform_0, window_bounds = array<i64: 2, 1024, 128>}, {transform_indices = @transform_1, window_bounds = array<i64: 1024, 128>}, {transform_indices = @transform_2, window_bounds = array<i64: 1024, 16>}, {pipeline_mode = #tpu.pipeline_mode<synchronous>, transform_indices = @transform_3, window_bounds = array<i64: 1, 128>}, {pipeline_mode = #tpu.pipeline_mode<synchronous>, transform_indices = @transform_4, window_bounds = array<i64: 128, 128>}, {transform_indices = @transform_5, window_bounds = array<i64: 1024, 128>}]} {
    %get3A = arith.constant 0 : index
    %get3A_0 = arith.constant 0 : index
    %get3A_1 = vector.load %arg3[%get3A, %get3A_0] : memref<1024x16xf32, #tpu.memory_space<vmem>>, vector<1024x1xf32>
    %get3A_2 = arith.constant 0 : index
    %get3A_3 = arith.constant 0 : index
    %get3A_4 = arith.constant 0 : index
    %get3A_5 = vector.load %arg1[%get3A_2, %get3A_3, %get3A_4] : memref<2x1024x128xf32, #tpu.memory_space<vmem>>, vector<1x1024x128xf32>
    %get3A_6 = vector.shape_cast %get3A_5 : vector<1x1024x128xf32> to vector<1024x128xf32>
    %get3A_7 = arith.constant 1 : index
    %get3A_8 = arith.constant 0 : index
    %get3A_9 = arith.constant 0 : index
    %get3A_10 = vector.load %arg1[%get3A_7, %get3A_8, %get3A_9] : memref<2x1024x128xf32, #tpu.memory_space<vmem>>, vector<1x1024x128xf32>
    %get3A_11 = vector.shape_cast %get3A_10 : vector<1x1024x128xf32> to vector<1024x128xf32>
    %add3A = arith.addf %get3A_6, %get3A_11 : vector<1024x128xf32>
    %get3A_12 = arith.constant 0 : index
    %get3A_13 = arith.constant 0 : index
    %get3A_14 = vector.load %arg2[%get3A_12, %get3A_13] : memref<1024x128xf32, #tpu.memory_space<vmem>>, vector<1024x128xf32>
    %add3A_15 = arith.addf %add3A, %get3A_14 : vector<1024x128xf32>
    %mul3A = vector.broadcast %get3A_1 : vector<1024x1xf32> to vector<1024x128xf32>
    %mul3A_16 = arith.mulf %mul3A, %add3A_15 : vector<1024x128xf32>
    %get3A_17 = arith.constant 0 : index
    %get3A_18 = arith.constant 0 : index
    %get3A_19 = vector.load %arg4[%get3A_17, %get3A_18] : memref<1x128xf32, #tpu.memory_space<vmem>>, vector<1x128xf32>
    %add3A_20 = vector.broadcast %get3A_19 : vector<1x128xf32> to vector<1024x128xf32>
    %add3A_21 = arith.addf %mul3A_16, %add3A_20 : vector<1024x128xf32>
    %max3A = arith.constant 0.000000e+00 : f32
    %max3A_22 = vector.broadcast %max3A : f32 to vector<1024x128xf32>
    %max3A_23 = arith.maximumf %add3A_21, %max3A_22 : vector<1024x128xf32>
    %get3A_24 = arith.constant 0 : index
    %get3A_25 = arith.constant 0 : index
    %get3A_26 = vector.load %arg5[%get3A_24, %get3A_25] : memref<128x128xf32, #tpu.memory_space<vmem>>, vector<128x128xf32>
    %dot_general3A = arith.constant dense<0.000000e+00> : vector<1024x128xf32>
    %dot_general3A_27 = tpu.matmul %max3A_23, %get3A_26, %dot_general3A {dimension_numbers = #tpu.dot_dimension_numbers<[1], [0], [0], [1], [0, 0, 1, 1], [], []>, transpose_lhs_hint = false} : vector<1024x128xf32>, vector<128x128xf32>, vector<1024x128xf32> -> vector<1024x128xf32>
    %mul3A_28 = vector.broadcast %get3A_1 : vector<1024x1xf32> to vector<1024x128xf32>
    %mul3A_29 = arith.mulf %mul3A_28, %dot_general3A_27 : vector<1024x128xf32>
    %swap3A = arith.constant 0 : index
    %swap3A_30 = arith.constant 0 : index
    %swap3A_31 = vector.load %arg6[%swap3A, %swap3A_30] : memref<1024x128xf32, #tpu.memory_space<vmem>>, vector<1024x128xf32>
    tpu.vector_store %arg6[%swap3A, %swap3A_30], %mul3A_29 {strides = array<i32>} : memref<1024x128xf32, #tpu.memory_space<vmem>>, vector<1024x128xf32>,
    return
  }
  func.func @transform_0(%arg0: i32) -> (i32, i32, i32) {
    %c0_i32 = arith.constant 0 : i32
    %c0_i32_0 = arith.constant 0 : i32
    %c0_i32_1 = arith.constant 0 : i32
    return %c0_i32, %arg0, %c0_i32_0 : i32, i32, i32
  }
  func.func @transform_1(%arg0: i32) -> (i32, i32) {
    %c0_i32 = arith.constant 0 : i32
    %c0_i32_0 = arith.constant 0 : i32
    return %arg0, %c0_i32 : i32, i32
  }
  func.func @transform_2(%arg0: i32) -> (i32, i32) {
    %c0_i32 = arith.constant 0 : i32
    %c0_i32_0 = arith.constant 0 : i32
    return %arg0, %c0_i32 : i32, i32
  }
  func.func @transform_3(%arg0: i32) -> (i32, i32) {
    %c0_i32 = arith.constant 0 : i32
    %c0_i32_0 = arith.constant 0 : i32
    %c0_i32_1 = arith.constant 0 : i32
    return %c0_i32, %c0_i32_0 : i32, i32
  }
  func.func @transform_4(%arg0: i32) -> (i32, i32) {
    %c0_i32 = arith.constant 0 : i32
    %c0_i32_0 = arith.constant 0 : i32
    %c0_i32_1 = arith.constant 0 : i32
    return %c0_i32, %c0_i32_0 : i32, i32
  }
  func.func @transform_5(%arg0: i32) -> (i32, i32) {
    %c0_i32 = arith.constant 0 : i32
    %c0_i32_0 = arith.constant 0 : i32
    return %arg0, %c0_i32 : i32, i32
  }
}

module attributes {stable_mosaic.version = 14 : i64} {
  func.func @body(%arg0: i32, %arg1: memref<2x1024x128xf32, #tpu.memory_space<vmem>>, %arg2: memref<1024x128xf32, #tpu.memory_space<vmem>>, %arg3: memref<1024x16xf32, #tpu.memory_space<vmem>>, %arg4: memref<1x128xf32, #tpu.memory_space<vmem>>, %arg5: memref<1024x1xi32, #tpu.memory_space<vmem>>, %arg6: memref<384x384xf32, #tpu.memory_space<vmem>>, %arg7: memref<1x384xf32, #tpu.memory_space<vmem>>, %arg8: memref<384x128xf32, #tpu.memory_space<vmem>>, %arg9: memref<1x128xf32, #tpu.memory_space<vmem>>, %arg10: memref<128x1xf32, #tpu.memory_space<vmem>>, %arg11: memref<1x1xf32, #tpu.memory_space<vmem>>, %arg12: memref<64x1xf32, #tpu.memory_space<vmem>>, %arg13: memref<72x128xf32, #tpu.memory_space<vmem>>, %arg14: memref<72x128xf32, #tpu.memory_space<vmem>>, %arg15: memref<72x128xf32, #tpu.memory_space<vmem>>) attributes {dimension_semantics = [#tpu.dimension_semantics<arbitrary>], iteration_bounds = array<i64: 10>, scalar_prefetch = 0 : i64, scratch_operands = 3 : i64, tpu.core_type = #tpu.core_type<tc>, window_params = [{transform_indices = @transform_0, window_bounds = array<i64: 2, 1024, 128>}, {transform_indices = @transform_1, window_bounds = array<i64: 1024, 128>}, {transform_indices = @transform_2, window_bounds = array<i64: 1024, 16>}, {pipeline_mode = #tpu.pipeline_mode<synchronous>, transform_indices = @transform_3, window_bounds = array<i64: 1, 128>}, {transform_indices = @transform_4, window_bounds = array<i64: 1024, 1>}, {pipeline_mode = #tpu.pipeline_mode<synchronous>, transform_indices = @transform_5, window_bounds = array<i64: 384, 384>}, {pipeline_mode = #tpu.pipeline_mode<synchronous>, transform_indices = @transform_6, window_bounds = array<i64: 1, 384>}, {pipeline_mode = #tpu.pipeline_mode<synchronous>, transform_indices = @transform_7, window_bounds = array<i64: 384, 128>}, {pipeline_mode = #tpu.pipeline_mode<synchronous>, transform_indices = @transform_8, window_bounds = array<i64: 1, 128>}, {pipeline_mode = #tpu.pipeline_mode<synchronous>, transform_indices = @transform_9, window_bounds = array<i64: 128, 1>}, {pipeline_mode = #tpu.pipeline_mode<synchronous>, transform_indices = @transform_10, window_bounds = array<i64: 1, 1>}, {pipeline_mode = #tpu.pipeline_mode<synchronous>, transform_indices = @transform_11, window_bounds = array<i64: 64, 1>}]} {
    %eq3A = arith.constant 0 : i32
    %eq3A_0 = arith.cmpi eq, %arg0, %eq3A : i32
    %convert_element_type3A = arith.extui %eq3A_0 : i1 to i32
    %cond3A = arith.constant 0 : i32
    %cond3A_1 = arith.cmpi ne, %convert_element_type3A, %cond3A : i32
    scf.if %cond3A_1 {
      %broadcast_in_dim3A_74 = arith.constant 0.000000e+00 : f32
      %broadcast_in_dim3A_75 = vector.broadcast %broadcast_in_dim3A_74 : f32 to vector<72x128xf32>
      %swap3A_76 = arith.constant 0 : index
      %swap3A_77 = arith.constant 0 : index
      %swap3A_78 = vector.load %arg13[%swap3A_76, %swap3A_77] : memref<72x128xf32, #tpu.memory_space<vmem>>, vector<72x128xf32>
      tpu.vector_store %arg13[%swap3A_76, %swap3A_77], %broadcast_in_dim3A_75 {strides = array<i32>} : memref<72x128xf32, #tpu.memory_space<vmem>>, vector<72x128xf32>,
      %broadcast_in_dim3A_79 = arith.constant 0.000000e+00 : f32
      %broadcast_in_dim3A_80 = vector.broadcast %broadcast_in_dim3A_79 : f32 to vector<72x128xf32>
      %swap3A_81 = arith.constant 0 : index
      %swap3A_82 = arith.constant 0 : index
      %swap3A_83 = vector.load %arg15[%swap3A_81, %swap3A_82] : memref<72x128xf32, #tpu.memory_space<vmem>>, vector<72x128xf32>
      tpu.vector_store %arg15[%swap3A_81, %swap3A_82], %broadcast_in_dim3A_80 {strides = array<i32>} : memref<72x128xf32, #tpu.memory_space<vmem>>, vector<72x128xf32>,
      %broadcast_in_dim3A_84 = arith.constant 0xFF800000 : f32
      %broadcast_in_dim3A_85 = vector.broadcast %broadcast_in_dim3A_84 : f32 to vector<72x128xf32>
      %swap3A_86 = arith.constant 0 : index
      %swap3A_87 = arith.constant 0 : index
      %swap3A_88 = vector.load %arg14[%swap3A_86, %swap3A_87] : memref<72x128xf32, #tpu.memory_space<vmem>>, vector<72x128xf32>
      tpu.vector_store %arg14[%swap3A_86, %swap3A_87], %broadcast_in_dim3A_85 {strides = array<i32>} : memref<72x128xf32, #tpu.memory_space<vmem>>, vector<72x128xf32>,
    } else {
    }
    %get3A = arith.constant 0 : index
    %get3A_2 = arith.constant 0 : index
    %get3A_3 = vector.load %arg3[%get3A, %get3A_2] : memref<1024x16xf32, #tpu.memory_space<vmem>>, vector<1024x1xf32>
    %get3A_4 = arith.constant 0 : index
    %get3A_5 = arith.constant 0 : index
    %get3A_6 = arith.constant 0 : index
    %get3A_7 = vector.load %arg1[%get3A_4, %get3A_5, %get3A_6] : memref<2x1024x128xf32, #tpu.memory_space<vmem>>, vector<1x1024x128xf32>
    %get3A_8 = vector.shape_cast %get3A_7 : vector<1x1024x128xf32> to vector<1024x128xf32>
    %get3A_9 = arith.constant 1 : index
    %get3A_10 = arith.constant 0 : index
    %get3A_11 = arith.constant 0 : index
    %get3A_12 = vector.load %arg1[%get3A_9, %get3A_10, %get3A_11] : memref<2x1024x128xf32, #tpu.memory_space<vmem>>, vector<1x1024x128xf32>
    %get3A_13 = vector.shape_cast %get3A_12 : vector<1x1024x128xf32> to vector<1024x128xf32>
    %add3A = arith.addf %get3A_8, %get3A_13 : vector<1024x128xf32>
    %get3A_14 = arith.constant 0 : index
    %get3A_15 = arith.constant 0 : index
    %get3A_16 = vector.load %arg2[%get3A_14, %get3A_15] : memref<1024x128xf32, #tpu.memory_space<vmem>>, vector<1024x128xf32>
    %add3A_17 = arith.addf %add3A, %get3A_16 : vector<1024x128xf32>
    %mul3A = vector.broadcast %get3A_3 : vector<1024x1xf32> to vector<1024x128xf32>
    %mul3A_18 = arith.mulf %mul3A, %add3A_17 : vector<1024x128xf32>
    %get3A_19 = arith.constant 0 : index
    %get3A_20 = arith.constant 0 : index
    %get3A_21 = vector.load %arg4[%get3A_19, %get3A_20] : memref<1x128xf32, #tpu.memory_space<vmem>>, vector<1x128xf32>
    %add3A_22 = vector.broadcast %get3A_21 : vector<1x128xf32> to vector<1024x128xf32>
    %add3A_23 = arith.addf %mul3A_18, %add3A_22 : vector<1024x128xf32>
    %max3A = arith.constant 0.000000e+00 : f32
    %max3A_24 = vector.broadcast %max3A : f32 to vector<1024x128xf32>
    %max3A_25 = arith.maximumf %add3A_23, %max3A_24 : vector<1024x128xf32>
    %get3A_26 = arith.constant 0 : index
    %get3A_27 = arith.constant 0 : index
    %get3A_28 = vector.load %arg5[%get3A_26, %get3A_27] : memref<1024x1xi32, #tpu.memory_space<vmem>>, vector<1024x1xi32>
    %iota3A = tpu.iota {dimensions = array<i32: 1>} : vector<1x72xi32>
    %eq3A_29 = vector.broadcast %get3A_28 : vector<1024x1xi32> to vector<1024x72xi32>
    %eq3A_30 = vector.broadcast %iota3A : vector<1x72xi32> to vector<1024x72xi32>
    %eq3A_31 = arith.cmpi eq, %eq3A_29, %eq3A_30 : vector<1024x72xi32>
    %convert_element_type3A_32 = arith.extui %eq3A_31 : vector<1024x72xi1> to vector<1024x72xi32>
    %convert_element_type3A_33 = arith.sitofp %convert_element_type3A_32 : vector<1024x72xi32> to vector<1024x72xf32>
    %get3A_34 = arith.constant 0 : index
    %get3A_35 = arith.constant 0 : index
    %get3A_36 = vector.load %arg13[%get3A_34, %get3A_35] : memref<72x128xf32, #tpu.memory_space<vmem>>, vector<72x128xf32>
    %dot_general3A = arith.constant dense<0.000000e+00> : vector<72x128xf32>
    %dot_general3A_37 = tpu.matmul %convert_element_type3A_33, %max3A_25, %dot_general3A {dimension_numbers = #tpu.dot_dimension_numbers<[0], [0], [1], [1], [0, 1, 1, 1], [], []>, transpose_lhs_hint = false} : vector<1024x72xf32>, vector<1024x128xf32>, vector<72x128xf32> -> vector<72x128xf32>
    %add3A_38 = arith.addf %get3A_36, %dot_general3A_37 : vector<72x128xf32>
    %swap3A = arith.constant 0 : index
    %swap3A_39 = arith.constant 0 : index
    %swap3A_40 = vector.load %arg13[%swap3A, %swap3A_39] : memref<72x128xf32, #tpu.memory_space<vmem>>, vector<72x128xf32>
    tpu.vector_store %arg13[%swap3A, %swap3A_39], %add3A_38 {strides = array<i32>} : memref<72x128xf32, #tpu.memory_space<vmem>>, vector<72x128xf32>,
    %get3A_41 = arith.constant 0 : index
    %get3A_42 = arith.constant 0 : index
    %get3A_43 = vector.load %arg15[%get3A_41, %get3A_42] : memref<72x128xf32, #tpu.memory_space<vmem>>, vector<72x128xf32>
    %broadcast_in_dim3A = arith.constant 1.000000e+00 : f32
    %broadcast_in_dim3A_44 = vector.broadcast %broadcast_in_dim3A : f32 to vector<1024x128xf32>
    %dot_general3A_45 = arith.constant dense<0.000000e+00> : vector<72x128xf32>
    %dot_general3A_46 = tpu.matmul %convert_element_type3A_33, %broadcast_in_dim3A_44, %dot_general3A_45 {dimension_numbers = #tpu.dot_dimension_numbers<[0], [0], [1], [1], [0, 1, 1, 1], [], []>, transpose_lhs_hint = false} : vector<1024x72xf32>, vector<1024x128xf32>, vector<72x128xf32> -> vector<72x128xf32>
    %add3A_47 = arith.addf %get3A_43, %dot_general3A_46 : vector<72x128xf32>
    %swap3A_48 = arith.constant 0 : index
    %swap3A_49 = arith.constant 0 : index
    %swap3A_50 = vector.load %arg15[%swap3A_48, %swap3A_49] : memref<72x128xf32, #tpu.memory_space<vmem>>, vector<72x128xf32>
    tpu.vector_store %arg15[%swap3A_48, %swap3A_49], %add3A_47 {strides = array<i32>} : memref<72x128xf32, #tpu.memory_space<vmem>>, vector<72x128xf32>,
    %get3A_51 = arith.constant 0 : index
    %get3A_52 = arith.constant 0 : index
    %get3A_53 = vector.load %arg5[%get3A_51, %get3A_52] : memref<1024x1xi32, #tpu.memory_space<vmem>>, vector<1x1xi32>
    %get3A_54 = vector.extract %get3A_53[0, 0] : i32 from vector<1x1xi32>
    %get3A_55 = arith.constant 1023 : index
    %get3A_56 = arith.constant 0 : index
    %get3A_57 = vector.load %arg5[%get3A_55, %get3A_56] : memref<1024x1xi32, #tpu.memory_space<vmem>>, vector<1x1xi32>
    %get3A_58 = vector.extract %get3A_57[0, 0] : i32 from vector<1x1xi32>
    %add3A_59 = arith.constant 1 : i32
    %add3A_60 = arith.addi %get3A_58, %add3A_59 : i32
    %while3A = arith.constant 0 : i32
    %while3A_61 = arith.subi %add3A_60, %get3A_54 : i32
    %while3A_62 = arith.addi %get3A_54, %while3A_61 : i32
    %while3A_63 = arith.constant 1 : i32
    %while3A_64 = arith.divsi %while3A_61, %while3A_63 : i32
    %while3A_65 = arith.muli %while3A_64, %while3A_63 : i32
    %while3A_66 = arith.addi %get3A_54, %while3A_65 : i32
    %while3A_67 = arith.constant 1 : i32
    scf.for %while3A_74 = %get3A_54 to %while3A_66 step %while3A_67  : i32 {
      %eq3A_75 = vector.broadcast %while3A_74 : i32 to vector<1024x1xi32>
      %eq3A_76 = arith.cmpi eq, %get3A_28, %eq3A_75 : vector<1024x1xi32>
      %jit3A = arith.constant 0xFF800000 : f32
      %broadcast_in_dim3A_77 = vector.shape_cast %eq3A_76 : vector<1024x1xi1> to vector<1024x1xi1>
      %broadcast_in_dim3A_78 = vector.broadcast %broadcast_in_dim3A_77 : vector<1024x1xi1> to vector<1024x128xi1>
      %broadcast_in_dim3A_79 = vector.broadcast %jit3A : f32 to vector<1024x128xf32>
      %select_n3A = arith.select %broadcast_in_dim3A_78, %max3A_25, %broadcast_in_dim3A_79 : vector<1024x128xi1>, vector<1024x128xf32>
      %reduce_max3A = arith.constant dense<0xFF800000> : vector<128xf32>
      %reduce_max3A_80 = vector.multi_reduction <maximumf>, %select_n3A, %reduce_max3A [0] : vector<1024x128xf32> to vector<128xf32>
      %broadcast_in_dim3A_81 = vector.shape_cast %reduce_max3A_80 : vector<128xf32> to vector<1x128xf32>
      %get3A_82 = arith.index_cast %while3A_74 : i32 to index
      %get3A_83 = arith.constant 0 : index
      %get3A_84 = vector.load %arg14[%get3A_82, %get3A_83] : memref<72x128xf32, #tpu.memory_space<vmem>>, vector<1x128xf32>
      %max3A_85 = arith.maximumf %get3A_84, %broadcast_in_dim3A_81 : vector<1x128xf32>
      %swap3A_86 = arith.index_cast %while3A_74 : i32 to index
      %swap3A_87 = arith.constant 0 : index
      %swap3A_88 = vector.load %arg14[%swap3A_86, %swap3A_87] : memref<72x128xf32, #tpu.memory_space<vmem>>, vector<1x128xf32>
      tpu.vector_store %arg14[%swap3A_86, %swap3A_87], %max3A_85 {strides = array<i32>} : memref<72x128xf32, #tpu.memory_space<vmem>>, vector<1x128xf32>,
    }
    %while3A_68 = arith.constant 1 : i32
    scf.for %while3A_74 = %while3A_66 to %while3A_62 step %while3A_68  : i32 {
      %eq3A_75 = vector.broadcast %while3A_74 : i32 to vector<1024x1xi32>
      %eq3A_76 = arith.cmpi eq, %get3A_28, %eq3A_75 : vector<1024x1xi32>
      %jit3A = arith.constant 0xFF800000 : f32
      %broadcast_in_dim3A_77 = vector.shape_cast %eq3A_76 : vector<1024x1xi1> to vector<1024x1xi1>
      %broadcast_in_dim3A_78 = vector.broadcast %broadcast_in_dim3A_77 : vector<1024x1xi1> to vector<1024x128xi1>
      %broadcast_in_dim3A_79 = vector.broadcast %jit3A : f32 to vector<1024x128xf32>
      %select_n3A = arith.select %broadcast_in_dim3A_78, %max3A_25, %broadcast_in_dim3A_79 : vector<1024x128xi1>, vector<1024x128xf32>
      %reduce_max3A = arith.constant dense<0xFF800000> : vector<128xf32>
      %reduce_max3A_80 = vector.multi_reduction <maximumf>, %select_n3A, %reduce_max3A [0] : vector<1024x128xf32> to vector<128xf32>
      %broadcast_in_dim3A_81 = vector.shape_cast %reduce_max3A_80 : vector<128xf32> to vector<1x128xf32>
      %get3A_82 = arith.index_cast %while3A_74 : i32 to index
      %get3A_83 = arith.constant 0 : index
      %get3A_84 = vector.load %arg14[%get3A_82, %get3A_83] : memref<72x128xf32, #tpu.memory_space<vmem>>, vector<1x128xf32>
      %max3A_85 = arith.maximumf %get3A_84, %broadcast_in_dim3A_81 : vector<1x128xf32>
      %swap3A_86 = arith.index_cast %while3A_74 : i32 to index
      %swap3A_87 = arith.constant 0 : index
      %swap3A_88 = vector.load %arg14[%swap3A_86, %swap3A_87] : memref<72x128xf32, #tpu.memory_space<vmem>>, vector<1x128xf32>
      tpu.vector_store %arg14[%swap3A_86, %swap3A_87], %max3A_85 {strides = array<i32>} : memref<72x128xf32, #tpu.memory_space<vmem>>, vector<1x128xf32>,
    }
    %eq3A_69 = arith.constant 9 : i32
    %eq3A_70 = arith.cmpi eq, %arg0, %eq3A_69 : i32
    %convert_element_type3A_71 = arith.extui %eq3A_70 : i1 to i32
    %cond3A_72 = arith.constant 0 : i32
    %cond3A_73 = arith.cmpi ne, %convert_element_type3A_71, %cond3A_72 : i32
    scf.if %cond3A_73 {
      %get3A_74 = arith.constant 0 : index
      %get3A_75 = arith.constant 0 : index
      %get3A_76 = vector.load %arg15[%get3A_74, %get3A_75] : memref<72x128xf32, #tpu.memory_space<vmem>>, vector<64x128xf32>
      %get3A_77 = arith.constant 0 : index
      %get3A_78 = arith.constant 0 : index
      %get3A_79 = vector.load %arg13[%get3A_77, %get3A_78] : memref<72x128xf32, #tpu.memory_space<vmem>>, vector<64x128xf32>
      %max3A_80 = arith.constant 1.000000e+00 : f32
      %max3A_81 = vector.broadcast %max3A_80 : f32 to vector<64x128xf32>
      %max3A_82 = arith.maximumf %get3A_76, %max3A_81 : vector<64x128xf32>
      %div3A = arith.divf %get3A_79, %max3A_82 : vector<64x128xf32>
      %gt3A = arith.constant 0.000000e+00 : f32
      %gt3A_83 = vector.broadcast %gt3A : f32 to vector<64x128xf32>
      %gt3A_84 = arith.cmpf ogt, %get3A_76, %gt3A_83 : vector<64x128xf32>
      %get3A_85 = arith.constant 0 : index
      %get3A_86 = arith.constant 0 : index
      %get3A_87 = vector.load %arg14[%get3A_85, %get3A_86] : memref<72x128xf32, #tpu.memory_space<vmem>>, vector<64x128xf32>
      %jit3A = arith.constant 0.000000e+00 : f32
      %broadcast_in_dim3A_88 = vector.broadcast %jit3A : f32 to vector<64x128xf32>
      %select_n3A = arith.select %gt3A_84, %get3A_87, %broadcast_in_dim3A_88 : vector<64x128xi1>, vector<64x128xf32>
      %concatenate3A = tpu.concatenate %div3A, %select_n3A, %get3A_79 in 1 : vector<64x128xf32>, vector<64x128xf32>, vector<64x128xf32> -> vector<64x384xf32>
      %get3A_89 = arith.constant 0 : index
      %get3A_90 = arith.constant 0 : index
      %get3A_91 = vector.load %arg6[%get3A_89, %get3A_90] : memref<384x384xf32, #tpu.memory_space<vmem>>, vector<384x384xf32>
      %dot_general3A_92 = arith.constant dense<0.000000e+00> : vector<64x384xf32>
      %dot_general3A_93 = tpu.matmul %concatenate3A, %get3A_91, %dot_general3A_92 {dimension_numbers = #tpu.dot_dimension_numbers<[1], [0], [0], [1], [0, 0, 1, 1], [], []>, transpose_lhs_hint = false} : vector<64x384xf32>, vector<384x384xf32>, vector<64x384xf32> -> vector<64x384xf32>
      %get3A_94 = arith.constant 0 : index
      %get3A_95 = arith.constant 0 : index
      %get3A_96 = vector.load %arg7[%get3A_94, %get3A_95] : memref<1x384xf32, #tpu.memory_space<vmem>>, vector<1x384xf32>
      %add3A_97 = vector.broadcast %get3A_96 : vector<1x384xf32> to vector<64x384xf32>
      %add3A_98 = arith.addf %dot_general3A_93, %add3A_97 : vector<64x384xf32>
      %max3A_99 = arith.constant 0.000000e+00 : f32
      %max3A_100 = vector.broadcast %max3A_99 : f32 to vector<64x384xf32>
      %max3A_101 = arith.maximumf %add3A_98, %max3A_100 : vector<64x384xf32>
      %get3A_102 = arith.constant 0 : index
      %get3A_103 = arith.constant 0 : index
      %get3A_104 = vector.load %arg8[%get3A_102, %get3A_103] : memref<384x128xf32, #tpu.memory_space<vmem>>, vector<384x128xf32>
      %dot_general3A_105 = arith.constant dense<0.000000e+00> : vector<64x128xf32>
      %dot_general3A_106 = tpu.matmul %max3A_101, %get3A_104, %dot_general3A_105 {dimension_numbers = #tpu.dot_dimension_numbers<[1], [0], [0], [1], [0, 0, 1, 1], [], []>, transpose_lhs_hint = false} : vector<64x384xf32>, vector<384x128xf32>, vector<64x128xf32> -> vector<64x128xf32>
      %get3A_107 = arith.constant 0 : index
      %get3A_108 = arith.constant 0 : index
      %get3A_109 = vector.load %arg9[%get3A_107, %get3A_108] : memref<1x128xf32, #tpu.memory_space<vmem>>, vector<1x128xf32>
      %add3A_110 = vector.broadcast %get3A_109 : vector<1x128xf32> to vector<64x128xf32>
      %add3A_111 = arith.addf %dot_general3A_106, %add3A_110 : vector<64x128xf32>
      %max3A_112 = arith.constant 0.000000e+00 : f32
      %max3A_113 = vector.broadcast %max3A_112 : f32 to vector<64x128xf32>
      %max3A_114 = arith.maximumf %add3A_111, %max3A_113 : vector<64x128xf32>
      %get3A_115 = arith.constant 0 : index
      %get3A_116 = arith.constant 0 : index
      %get3A_117 = vector.load %arg10[%get3A_115, %get3A_116] : memref<128x1xf32, #tpu.memory_space<vmem>>, vector<128x1xf32>
      %dot_general3A_118 = arith.constant dense<0.000000e+00> : vector<64x1xf32>
      %dot_general3A_119 = tpu.matmul %max3A_114, %get3A_117, %dot_general3A_118 {dimension_numbers = #tpu.dot_dimension_numbers<[1], [0], [0], [1], [0, 0, 1, 1], [], []>, transpose_lhs_hint = false} : vector<64x128xf32>, vector<128x1xf32>, vector<64x1xf32> -> vector<64x1xf32>
      %get3A_120 = arith.constant 0 : index
      %get3A_121 = arith.constant 0 : index
      %get3A_122 = vector.load %arg11[%get3A_120, %get3A_121] : memref<1x1xf32, #tpu.memory_space<vmem>>, vector<1x1xf32>
      %add3A_123 = vector.broadcast %get3A_122 : vector<1x1xf32> to vector<64x1xf32>
      %add3A_124 = arith.addf %dot_general3A_119, %add3A_123 : vector<64x1xf32>
      %neg3A = arith.constant 0.000000e+00 : f32
      %neg3A_125 = vector.broadcast %neg3A : f32 to vector<64x1xf32>
      %neg3A_126 = arith.subf %neg3A_125, %add3A_124 : vector<64x1xf32>
      %exp3A = math.exp %neg3A_126 : vector<64x1xf32>
      %add3A_127 = arith.constant 1.000000e+00 : f32
      %add3A_128 = vector.broadcast %add3A_127 : f32 to vector<64x1xf32>
      %add3A_129 = arith.addf %add3A_128, %exp3A : vector<64x1xf32>
      %div3A_130 = arith.constant 1.000000e+00 : f32
      %div3A_131 = vector.broadcast %div3A_130 : f32 to vector<64x1xf32>
      %div3A_132 = arith.divf %div3A_131, %add3A_129 : vector<64x1xf32>
      %swap3A_133 = arith.constant 0 : index
      %swap3A_134 = arith.constant 0 : index
      %swap3A_135 = vector.load %arg12[%swap3A_133, %swap3A_134] : memref<64x1xf32, #tpu.memory_space<vmem>>, vector<64x1xf32>
      tpu.vector_store %arg12[%swap3A_133, %swap3A_134], %div3A_132 {strides = array<i32>} : memref<64x1xf32, #tpu.memory_space<vmem>>, vector<64x1xf32>,
    } else {
    }
    return
  }
  func.func @transform_0(%arg0: i32) -> (i32, i32, i32) {
    %c0_i32 = arith.constant 0 : i32
    %c0_i32_0 = arith.constant 0 : i32
    %c0_i32_1 = arith.constant 0 : i32
    return %c0_i32, %arg0, %c0_i32_0 : i32, i32, i32
  }
  func.func @transform_1(%arg0: i32) -> (i32, i32) {
    %c0_i32 = arith.constant 0 : i32
    %c0_i32_0 = arith.constant 0 : i32
    return %arg0, %c0_i32 : i32, i32
  }
  func.func @transform_2(%arg0: i32) -> (i32, i32) {
    %c0_i32 = arith.constant 0 : i32
    %c0_i32_0 = arith.constant 0 : i32
    return %arg0, %c0_i32 : i32, i32
  }
  func.func @transform_3(%arg0: i32) -> (i32, i32) {
    %c0_i32 = arith.constant 0 : i32
    %c0_i32_0 = arith.constant 0 : i32
    %c0_i32_1 = arith.constant 0 : i32
    return %c0_i32, %c0_i32_0 : i32, i32
  }
  func.func @transform_4(%arg0: i32) -> (i32, i32) {
    %c0_i32 = arith.constant 0 : i32
    %c0_i32_0 = arith.constant 0 : i32
    return %arg0, %c0_i32 : i32, i32
  }
  func.func @transform_5(%arg0: i32) -> (i32, i32) {
    %c0_i32 = arith.constant 0 : i32
    %c0_i32_0 = arith.constant 0 : i32
    %c0_i32_1 = arith.constant 0 : i32
    return %c0_i32, %c0_i32_0 : i32, i32
  }
  func.func @transform_6(%arg0: i32) -> (i32, i32) {
    %c0_i32 = arith.constant 0 : i32
    %c0_i32_0 = arith.constant 0 : i32
    %c0_i32_1 = arith.constant 0 : i32
    return %c0_i32, %c0_i32_0 : i32, i32
  }
  func.func @transform_7(%arg0: i32) -> (i32, i32) {
    %c0_i32 = arith.constant 0 : i32
    %c0_i32_0 = arith.constant 0 : i32
    %c0_i32_1 = arith.constant 0 : i32
    return %c0_i32, %c0_i32_0 : i32, i32
  }
  func.func @transform_8(%arg0: i32) -> (i32, i32) {
    %c0_i32 = arith.constant 0 : i32
    %c0_i32_0 = arith.constant 0 : i32
    %c0_i32_1 = arith.constant 0 : i32
    return %c0_i32, %c0_i32_0 : i32, i32
  }
  func.func @transform_9(%arg0: i32) -> (i32, i32) {
    %c0_i32 = arith.constant 0 : i32
    %c0_i32_0 = arith.constant 0 : i32
    %c0_i32_1 = arith.constant 0 : i32
    return %c0_i32, %c0_i32_0 : i32, i32
  }
  func.func @transform_10(%arg0: i32) -> (i32, i32) {
    %c0_i32 = arith.constant 0 : i32
    %c0_i32_0 = arith.constant 0 : i32
    %c0_i32_1 = arith.constant 0 : i32
    return %c0_i32, %c0_i32_0 : i32, i32
  }
  func.func @transform_11(%arg0: i32) -> (i32, i32) {
    %c0_i32 = arith.constant 0 : i32
    %c0_i32_0 = arith.constant 0 : i32
    %c0_i32_1 = arith.constant 0 : i32
    return %c0_i32, %c0_i32_0 : i32, i32
  }
}

</mosaic_0001>

<sc_bundles>
// kernel: kernel.10.cloned.1.call-start
scs
__scs_entry_jumppad:
0x0: {  	(pc) =	sbr.rel $0x88, $3  }
0x1: {  	(tag) =	ssettag $0x0;
	lr =	simm.s32 $0x1  }
0x2: {  	[smem:$0x3F94] =	sst lr;
	_ =	strace $0xD0000000  }
0x3: {  	_ = 	snop  }
0x4: {  	_ = 	snop  }
0x5: {  	_ = 	snop  }
0x6: {  	_ = 	snop  }
0x7: {  	_ = 	snop  }
__scs_overlays_trampoline_lowered:
0x8: {  	[smem:$0x3FA3] =	sst s0  }
0x9: {  	[smem:$0x3FA4] =	sst s1  }
0xa: {  	[smem:$0x3FA5] =	sst s2  }
0xb: {  	[smem:$0x3FA6] =	sst s3  }
0xc: {  	[smem:$0x3FA7] =	sst s4  }
0xd: {  	[smem:$0x3FA8] =	sst s5  }
0xe: {  	[smem:$0x3FA9] =	sst s6  }
0xf: {  	[smem:$0x3FAA] =	sst s7  }
0x10: {  	[smem:$0x3FAB] =	sst s8  }
0x11: {  	[smem:$0x3FAC] =	sst s9;
	s0 =	simm.s32 @!p0 $0x0  }
0x12: {  	s1 =	sld [smem:$0x3F92];
	s0 =	simm.s32 @p0 $0x1  }
0x13: {  	[smem:$0x3FAD] =	sst s0;
	s0 =	simm.s32 @!p1 $0x0  }
0x14: {  	s2 =	sld [smem:$0x3F91];
	s0 =	simm.s32 @p1 $0x1  }
0x15: {  	[smem:$0x3FAE] =	sst s0;
	s0 =	simm.s32 @!p2 $0x0  }
0x16: {  	s3 =	sld [smem:$0x3FDB];
	s0 =	simm.s32 @p2 $0x1  }
0x17: {  	s4 =	simm.s32 $0x1BF5;
	[smem:$0x3FB0] =	sst s0  }
0x18: {  	s0 =	sld [smem:$0x3F93];
	_ =	swait.ge [sflag:s4], $0x0  }
0x19: {  	s7 =	sld [smem:$0x3F94]  }
0x1a: {  	s8 =	sadd.s32 $0xFFFFE003, lr  }
0x1b: {  	s9 =	sadd.s32 $0xFFFFFEF7, lr;
	s5 =	simm.s32 $0xFFFFFFFF;
	p2 =	slt.u32 s8, $0xFFFFF086  }
0x1c: {  	p1 =	slt.u32 s9, $0xF7A;
	s5 =	simm.s32 @!p2 $0x0  }
0x1d: {  	s5 =	simm.s32 @p1 $0x1;
	p0 =	seq.s32 s7, s2  }
0x1e: {  	s7 =	smul.u32 @!p0 $0xF7A, s2;
	p2 =	seq.s32 @!p0 s5, $0x0  }
0x1f: {  	s9 =	smul.u32 $0xF7A, s1;
	s8 =	simm.s32 @!p0 $0x1BF5;
	p2 =	por !p2, p0  }
0x20: {  	[sflag:s8] =	ssyncset.s32 @!p0 $0xFFFFF086;
	s6 =	sadd.s32 @!p0 s3, s7;
	s7 =	simm.s32 @!p0 $0x108  }
0x21: {  	s3 =	sadd.s32 s3, s9;
	s6 =	sadd.s32 @!p0 $0x88, s6;
	s7 =	simm.s32 @p2 $0x1082  }
0x22: {  	[simem:s7], [sflag:s8] =	dma.local @!p0 [hbm:s6], $0xF7A  }
0x23: {  	s9 =	sor.u32 $0xD0000000, s2;
	s6 =	simm.s32 $0x108;
	_ =	swait.ge @!p0 [sflag:s8], $0x0  }
0x24: {  	s3 =	sadd.s32 $0x88, s3;
	s6 =	simm.s32 @!p1 $0x1082;
	[sflag:s4] =	ssyncset.s32 $0xFFFFF086  }
0x25: {  	[simem:s6], [sflag:s4] =	dma.local [hbm:s3], $0xF7A  }
0x26: {  	[smem:$0x3F94] =	sst s1;
	(tag) =	ssettag s2;
	_ =	strace s9  }
0x27: {  	s1 =	sld [smem:$0x3FA4]  }
0x28: {  	s2 =	sld [smem:$0x3FA5]  }
0x29: {  	s4 =	sld [smem:$0x3FA7]  }
0x2a: {  	p0 =	seq.s32 s5, $0x0;
	s5 =	sld [smem:$0x3FA8]  }
0x2b: {  	s6 =	sld [smem:$0x3FA9]  }
0x2c: {  	s7 =	sld [smem:$0x3FAA]  }
0x2d: {  	s3 =	simm.s32 $0x108;
	s8 =	sld [smem:$0x3FAB]  }
0x2e: {  	s3 =	simm.s32 @!p0 $0x1082;
	s9 =	sld [smem:$0x3FAC]  }
0x2f: {  	lr =	sadd.s32 s0, s3;
	s0 =	sld [smem:$0x3FA3]  }
0x30: {  	s3 =	sld [smem:$0x3FA6]  }
0x31: {  	[smem:$0x3FAF] =	sst s10  }
0x32: {  	s10 =	sld [smem:$0x3FAD];
	_ =	sdelay $0x3  }
0x33: {  	p0 =	seq.s32 s10, $0x1;
	s10 =	sld [smem:$0x3FAF];
	_ =	sdelay $0x3  }
0x34: {  	[smem:$0x3FAF] =	sst s10  }
0x35: {  	s10 =	sld [smem:$0x3FAE];
	_ =	sdelay $0x3  }
0x36: {  	p1 =	seq.s32 s10, $0x1;
	s10 =	sld [smem:$0x3FAF];
	_ =	sdelay $0x3  }
0x37: {  	[smem:$0x3FAF] =	sst s10  }
0x38: {  	s10 =	sld [smem:$0x3FB0]  }
0x39: {  	_ = 	snop;
	(pc) =	sbr.ind lr, $3  }
0x3a: {  	_ = 	snop  }
0x3b: {  	_ = 	snop  }
0x3c: {  	p2 =	seq.s32 s10, $0x1;
	s10 =	sld [smem:$0x3FAF]  }
0x3d: {  	_ =	shalt  }
0x3e: {  	_ =	shalt  }
0x3f: {  	_ =	shalt  }
0x40: {  	_ =	shalt  }
0x41: {  	_ =	shalt  }
0x42: {  	_ =	shalt  }
0x43: {  	_ =	shalt  }
0x44: {  	_ =	shalt  }
0x45: {  	_ =	shalt  }
0x46: {  	_ =	shalt  }
0x47: {  	_ =	shalt  }
0x48: {  	_ =	shalt  }
0x49: {  	_ =	shalt  }
0x4a: {  	_ =	shalt  }
0x4b: {  	_ =	shalt  }
0x4c: {  	_ =	shalt  }
0x4d: {  	_ =	shalt  }
0x4e: {  	_ =	shalt  }
0x4f: {  	_ =	shalt  }
0x50: {  	_ =	shalt  }
0x51: {  	_ =	shalt  }
0x52: {  	_ =	shalt  }
0x53: {  	_ =	shalt  }
0x54: {  	_ =	shalt  }
0x55: {  	_ =	shalt  }
0x56: {  	_ =	shalt  }
0x57: {  	_ =	shalt  }
0x58: {  	_ =	shalt  }
0x59: {  	_ =	shalt  }
0x5a: {  	_ =	shalt  }
0x5b: {  	_ =	shalt  }
0x5c: {  	_ =	shalt  }
0x5d: {  	_ =	shalt  }
0x5e: {  	_ =	shalt  }
0x5f: {  	_ =	shalt  }
0x60: {  	_ =	shalt  }
0x61: {  	_ =	shalt  }
0x62: {  	_ =	shalt  }
0x63: {  	_ =	shalt  }
0x64: {  	_ =	shalt  }
0x65: {  	_ =	shalt  }
0x66: {  	_ =	shalt  }
0x67: {  	_ =	shalt  }
0x68: {  	_ =	shalt  }
0x69: {  	_ =	shalt  }
0x6a: {  	_ =	shalt  }
0x6b: {  	_ =	shalt  }
0x6c: {  	_ =	shalt  }
0x6d: {  	_ =	shalt  }
0x6e: {  	_ =	shalt  }
0x6f: {  	_ =	shalt  }
0x70: {  	_ =	shalt  }
0x71: {  	_ =	shalt  }
0x72: {  	_ =	shalt  }
0x73: {  	_ =	shalt  }
0x74: {  	_ =	shalt  }
0x75: {  	_ =	shalt  }
0x76: {  	_ =	shalt  }
0x77: {  	_ =	shalt  }
0x78: {  	_ =	shalt  }
0x79: {  	_ =	shalt  }
0x7a: {  	_ =	shalt  }
0x7b: {  	_ =	shalt  }
0x7c: {  	_ =	shalt  }
0x7d: {  	_ =	shalt  }
0x7e: {  	_ =	shalt  }
0x7f: {  	_ =	shalt  }
0x80: {  	_ =	shalt  }
0x81: {  	_ =	shalt  }
0x82: {  	_ =	shalt  }
0x83: {  	_ =	shalt  }
0x84: {  	_ =	shalt  }
0x85: {  	_ =	shalt  }
0x86: {  	_ =	shalt  }
0x87: {  	_ =	shalt  }
.Lfunc_end0:
.L_simem_size_0:
called_computation_lowered:
.L_overlay_start_0:
0x88: {  	s2 =	sld [smem:$0x3FD9]  }
0x89: {  	s3 =	sld [smem:$0x3FFE];
	_ =	sdelay $0x1  }
0x8a: {  	s1 =	srdreg.scid  }
0x8b: {  	s0 =	sand.u32 $0x1, s1  }
0x8c: {  	s16 =	sshll.u32 s0, $0xA;
	s2 =	sadd.s32 s3, s2  }
0x8d: {  	s2 =	sadd.s32 s2, s16  }
0x8e: {  	[smem:$0x3FBB] =	sst s2  }
0x8f: {  	_ = 	snop  }
0x90: {  	(tm) =	ssettm $0x1  }
0x91: {  	s17 =	sld [smem:$0x3FFB];
	_ =	sdelay $0x3  }
0x92: {  	_ =	strace s17  }
0x93: {  	s2 =	sld [smem:$0x3FFC];
	_ =	sdelay $0x3  }
0x94: {  	_ =	strace s2  }
0x95: {  	s2 =	sld [smem:$0x3FFD];
	_ =	sdelay $0x3  }
0x96: {  	_ =	strace s2  }
0x97: {  	_ =	strace $0x8FFFFFFF  }
0x98: {  	s18 =	sld [smem:$0x3FDB];
	_ =	sdelay $0x1  }
0x99: {  	s19 =	simm.s32 $_scs_section_size  }
0x9a: {  	s4 =	simm.s32 $_size__tile_overlayer_lowered;
	s5 =	simm.s32 $_tile_overlayer_lowered  }
0x9b: {  	s22 =	simm.s32 $0x1BFF;
	s21 =	sshll.u32 s5, $0x1;
	s2 =	sadd.s32 s19, s18  }
0x9c: {  	s6 =	simm.s32 $0x0;
	s20 =	sshll.u32 s4, $0x1;
	s4 =	sadd.s32 s21, s2  }
0x9d: {  	[timem:s6], [sflag:s22] =	dma.local [hbm:s4], s20  }
0x9e: {  	_ =	swait.ge [sflag:s22], s20  }
0x9f: {  	s3 =	ssub.s32 $0x0, s20;
	[sflag:s22] =	ssyncset.done $0x0  }
0xa0: {  	[sflag:s22] =	ssyncadd.s32 s3;
	_ =	sdelay $0x1  }
0xa1: {  	s23 =	simm.s32 $0x1B8B  }
0xa2: {  	_ =	swait.ge [sflag:s23], $0x1  }
0xa3: {  	[sflag:s23] =	ssyncset.done $0x0  }
0xa4: {  	s25 =	simm.s32 $0x1B8E;
	s24 =	sld [smem:$0x3FFE];
	[sflag:s23] =	ssyncadd.s32 $0xFFFFFFFF  }
0xa5: {  	s26 =	simm.s32 $execute0_lowered;
	[smem:$0x3FD2] =	sst s25  }
0xa6: {  	s4 =	sshll.u32 s26, $0x1;
	_ =	strace $0x80000046;
	[dreg:$0x1] =	wrdreg $0xFFFFFFFF  }
0xa7: {  	s28 =	simm.s32 $_size_execute0_lowered;
	s2 =	sadd.s32 s2, s4;
	[dreg:$0x0] =	wrdreg $0x0  }
0xa8: {  	s4 =	sshll.u32 s28, $0x1;
	[dreg:$0x2] =	wrdreg s2  }
0xa9: {  	[dreg:$0x3] =	wrdreg s4  }
0xaa: {  	[dreg:$0x4] =	wrdreg $0xC0  }
0xab: {  	_ =	task [dreg:s6], $0x5FFFF  }
0xac: {  	[dreg:$0x1] =	wrdreg $0xFFFFFFFF  }
0xad: {  	[dreg:$0x0] =	wrdreg $0x60  }
0xae: {  	[dreg:$0x2] =	wrdreg s24  }
0xaf: {  	[dreg:$0x3] =	wrdreg $0xA8000  }
0xb0: {  	[dreg:$0x4] =	wrdreg $0x9  }
0xb1: {  	_ =	task.clear_ibuf [dreg:s6], $0x5FFFF;
	_ =	strace $0x90000046  }
0xb2: {  	s29 =	simm.s32 $0x9;
	_ =	strace $0x80000048  }
0xb3: {  	_ =	swait.ge [sflag:s29], $0x1  }
0xb4: {  	[sflag:s29] =	ssyncadd.s32 $0xFFFFFFFF  }
0xb5: {  	_ =	strace $0x90000048  }
0xb6: {  	_ =	sfence  }
0xb7: {  	s30 =	sld [smem:$0x0];
	_ =	sdelay $0x2  }
0xb8: {  	s31 =	sshll.u32 s1, $0xD;
	s1 =	sshrl.u32 s1, $0x2  }
0xb9: {  	s3 =	sand.u32 $0x4000, s31;
	s1 =	sadd.s32 s1, s30  }
0xba: {  	s0 =	sor.u32 s3, s0;
	s1 =	sshll.u32 s1, $0x11  }
0xbb: {  	s0 =	sor.u32 s1, s0  }
0xbc: {  	s0 =	sadd.s32 $0x8F2B, s0  }
0xbd: {  	[sflag:s0] =	ssyncadd.remote.s32 $0x1  }
0xbe: {  	_ =	sfence.sel $0xFFFF  }
0xbf: {  	[dreg:$0x0] =	wrdreg $0xFFFFFFFF;
	(pc) =	sbr.abs _section_cstart, $3  }
0xc0: {  	[dreg:$0x1] =	wrdreg $0xFFFFFFFF  }
0xc1: {  	_ =	task.clear_ibuf [dreg:s6], $0x2FFFF;
	_ =	strace $0x9FFFFFFF  }
0xc2: {  	(tm) =	ssettm $0x7FFFFFFF  }
0xc3: {  	_ =	shalt  }
tec
execute0_lowered:
.L_overlay_start_1:
0x0: {  	(tag) =	ssettag $0x1  }
0x1: {  	s5 =	rddreg [dreg:$0x0]  }
0x2: {  	s0 =	srdreg.scid;
	s2 =	rddreg [dreg:$0x1]  }
0x3: {  	s3 =	simm.s32 $0x0;
	s13 =	simm.s32 $0x2;
	s4 =	sand.u32 $0x1, s0  }
0x4: {  	s14 =	simm.s32 $0x80;
	s0 =	stileid.u32;
	s7 =	smul.u32 $0x140000, s4  }
0x5: {  	s15 =	simm.s32 $0x2800;
	s16 =	simm.s32 $0x1;
	s8 =	smul.u32 $0x14000, s0  }
0x6: {  	[smem:$0x7FF] =	sst s3;
	s1 =	sshll.u32 s4, $0x4;
	s9 =	smul.u32 $0x50000, s0  }
0x7: {  	s4 =	ssub.s32 $0x2, s4;
	s17 =	sshll.u32 s0, $0x6;
	s1 =	sor.u32 s0, s1  }
0x8: {  	s30 =	sshrl.u32 s4, $0x1;
	s17 =	sor.u32 $0x1C02, s17;
	s6 =	smul.u32 $0x500, s1  }
0x9: {  	s1 =	rddreg [dreg:$0x2];
	_ =	strace $0x80000047;
	s31 =	sshrl.u32 s9, $0x2  }
0xa: {  	s29 =	sadd.s32 s8, s7;
	s12 =	ssub.s32 s4, s30;
	s4 =	sadd.s32 s31, s2  }
0xb: {  	s10 =	sadd.s32 s6, s5;
	s6 =	sshrl.u32 s29, $0x3;
	s7 =	sadd.s32 $0xC000, s4  }
0xc: {  	s8 =	sadd.s32 $0x10000, s4;
	s18 =	sshrl.u32 s4, $0x3;
	s11 =	sadd.s32 s6, s5  }
0xd: {  	s5 =	sadd.s32 $0x4000, s4;
	s6 =	sadd.s32 $0x8000, s4;
	s9 =	sadd.s32 $0x3800, s10  }
0xe: {  	v0 =	vimm.f32 $1.000000000e+00;
	v1 =	vimm.f32 $0.0e+00;
	s10 =	sadd.s32 $0xD800, s11;
	s11 =	smax.u32 s12, $0x1;
	s12 =	simm.s32 $0x6800  }
.LBB2_1:
0xf: {  	s19 =	simm.s32 $0x0;
	s20 =	simm.s32 $0x200  }
.LBB2_2:
0x10: {  	p0 =	sne.s32 s20, $0xFE00;
	[tilespmem:s19+$0x2870] =	vst v0  }
0x11: {  	[tilespmem:s19+$0x2800] =	vst v0  }
0x12: {  	[tilespmem:s19+$0x2810] =	vst v0  }
.Ltmp0:
0x13: {  	[tilespmem:s19+$0x2820] =	vst v0;
	(pc) =	sbr.rel @p0 .LBB2_2-.Ltmp0, $4  }
0x14: {  	[tilespmem:s19+$0x2830] =	vst v0  }
0x15: {  	[tilespmem:s19+$0x2840] =	vst v0  }
0x16: {  	[tilespmem:s19+$0x2850] =	vst v0  }
0x17: {  	[tilespmem:s19+$0x2860] =	vst v0;
	s19 =	sshra.s32 s20, $0x2;
	s20 =	sadd.s32 $0x200, s20  }
0x18: {  	[tilespmem:s19+$0x2870] =	vst v0  }
0x19: {  	[tilespmem:s19+$0x2800] =	vst v0  }
0x1a: {  	[tilespmem:s19+$0x2810] =	vst v0  }
0x1b: {  	[tilespmem:s19+$0x2820] =	vst v0  }
0x1c: {  	[tilespmem:s19+$0x2830] =	vst v0  }
0x1d: {  	[tilespmem:s19+$0x2840] =	vst v0  }
0x1e: {  	[tilespmem:s19+$0x2850] =	vst v0  }
0x1f: {  	[tilespmem:s19+$0x2860] =	vst v0;
	s19 =	simm.s32 $0x0;
	s20 =	simm.s32 $0x200  }
.LBB2_4:
0x20: {  	p0 =	sne.s32 s20, $0xFE00;
	[tilespmem:s19+$0x6870] =	vst v1  }
0x21: {  	[tilespmem:s19+$0x6800] =	vst v1  }
0x22: {  	[tilespmem:s19+$0x6810] =	vst v1  }
.Ltmp1:
0x23: {  	[tilespmem:s19+$0x6820] =	vst v1;
	(pc) =	sbr.rel @p0 .LBB2_4-.Ltmp1, $4  }
0x24: {  	[tilespmem:s19+$0x6830] =	vst v1  }
0x25: {  	[tilespmem:s19+$0x6840] =	vst v1  }
0x26: {  	[tilespmem:s19+$0x6850] =	vst v1  }
0x27: {  	[tilespmem:s19+$0x6860] =	vst v1;
	s19 =	sshra.s32 s20, $0x2;
	s20 =	sadd.s32 $0x200, s20  }
0x28: {  	[tilespmem:s19+$0x6870] =	vst v1  }
0x29: {  	[tilespmem:s19+$0x6800] =	vst v1  }
0x2a: {  	[tilespmem:s19+$0x6810] =	vst v1  }
0x2b: {  	[tilespmem:s19+$0x6820] =	vst v1  }
0x2c: {  	[tilespmem:s19+$0x6830] =	vst v1  }
0x2d: {  	[tilespmem:s19+$0x6840] =	vst v1  }
0x2e: {  	[tilespmem:s19+$0x6850] =	vst v1  }
0x2f: {  	[tilespmem:s19+$0x6860] =	vst v1  }
0x30: {  	[spmem:s4] =	stream.linear.scatter [tilespmem:s12], [sflag:$0x2], $0x4000, $0x38;
	[tilespmem:$0x1E800] =	vst v63  }
0x31: {  	_ =	swait.ge [sflag:s13], $0x4000  }
0x32: {  	[sflag:s13] =	ssyncset.done $0x0  }
0x33: {  	[sflag:s13] =	ssyncadd.s32 $0xFFFFC000  }
0x34: {  	[spmem:s5] =	stream.linear.scatter [tilespmem:s12], [sflag:$0x2], $0x4000, $0x38;
	[tilespmem:$0x1E800] =	vst v63  }
0x35: {  	_ =	swait.ge [sflag:s13], $0x4000  }
0x36: {  	[sflag:s13] =	ssyncset.done $0x0  }
0x37: {  	[sflag:s13] =	ssyncadd.s32 $0xFFFFC000  }
0x38: {  	[spmem:s6] =	stream.linear.scatter [tilespmem:s12], [sflag:$0x2], $0x4000, $0x38;
	[tilespmem:$0x1E800] =	vst v63  }
0x39: {  	_ =	swait.ge [sflag:s13], $0x4000  }
0x3a: {  	[sflag:s13] =	ssyncset.done $0x0  }
0x3b: {  	[sflag:s13] =	ssyncadd.s32 $0xFFFFC000  }
0x3c: {  	[spmem:s7] =	stream.linear.scatter [tilespmem:s12], [sflag:$0x2], $0x4000, $0x38;
	[tilespmem:$0x1E800] =	vst v63  }
0x3d: {  	_ =	swait.ge [sflag:s13], $0x4000  }
0x3e: {  	[sflag:s13] =	ssyncset.done $0x0  }
0x3f: {  	[sflag:s13] =	ssyncadd.s32 $0xFFFFC000  }
0x40: {  	[spmem:s8] =	stream.linear.scatter [tilespmem:s12], [sflag:$0x2], $0x4000, $0x38;
	[tilespmem:$0x1E800] =	vst v63  }
0x41: {  	_ =	swait.ge [sflag:s13], $0x4000  }
0x42: {  	[sflag:s13] =	ssyncset.done $0x0  }
0x43: {  	s22 =	simm.s32 $0x0;
	[sflag:s13] =	ssyncadd.s32 $0xFFFFC000  }
0x44: {  	[tilespmem:s22], [sflag:$0x2] =	stream.linear.gather [hbm4b:s9+s22], $0x2800, $0x38;
	[tilespmem:$0x1E800] =	vst v63  }
0x45: {  	_ =	swait.ge [sflag:s13], $0x2800  }
0x46: {  	[sflag:s13] =	ssyncset.done $0x0  }
0x47: {  	[sflag:s13] =	ssyncadd.s32 $0xFFFFD800  }
0x48: {  	s23 =	simm.s32 $0x0;
	[bflag:$0x0] =	sbarrier.arrive $0xFFFF  }
0x49: {  	[spmem:s2] =	stream.indirect.scatter.add.f32 [tilespmem:s15], [sflag:$0x1], $0x80, s23, s14, $0xb8;
	[tilespmem:$0x1E800] =	vst v63  }
0x4a: {  	s24 =	simm.s32 $0x80  }
0x4b: {  	[spmem:s2] =	stream.indirect.scatter.add.f32 [tilespmem:s15], [sflag:$0x1], $0x80, s24, s14, $0xb8;
	[tilespmem:$0x1E800] =	vst v63  }
0x4c: {  	s25 =	simm.s32 $0x100  }
0x4d: {  	[spmem:s2] =	stream.indirect.scatter.add.f32 [tilespmem:s15], [sflag:$0x1], $0x80, s25, s14, $0xb8;
	[tilespmem:$0x1E800] =	vst v63  }
0x4e: {  	s26 =	simm.s32 $0x180  }
0x4f: {  	[spmem:s2] =	stream.indirect.scatter.add.f32 [tilespmem:s15], [sflag:$0x1], $0x80, s26, s14, $0xb8;
	[tilespmem:$0x1E800] =	vst v63  }
0x50: {  	s28 =	simm.s32 $0x200  }
0x51: {  	[spmem:s2] =	stream.indirect.scatter.add.f32 [tilespmem:s15], [sflag:$0x1], $0x80, s28, s14, $0xb8;
	[tilespmem:$0x1E800] =	vst v63  }
0x52: {  	s29 =	simm.s32 $0x280  }
0x53: {  	[spmem:s2] =	stream.indirect.scatter.add.f32 [tilespmem:s15], [sflag:$0x1], $0x80, s29, s14, $0xb8;
	[tilespmem:$0x1E800] =	vst v63  }
0x54: {  	s30 =	simm.s32 $0x300  }
0x55: {  	[spmem:s2] =	stream.indirect.scatter.add.f32 [tilespmem:s15], [sflag:$0x1], $0x80, s30, s14, $0xb8;
	[tilespmem:$0x1E800] =	vst v63  }
0x56: {  	s31 =	simm.s32 $0x380  }
0x57: {  	[spmem:s2] =	stream.indirect.scatter.add.f32 [tilespmem:s15], [sflag:$0x1], $0x80, s31, s14, $0xb8;
	[tilespmem:$0x1E800] =	vst v63  }
0x58: {  	_ =	swait.ge [sflag:s16], $0x4000  }
0x59: {  	[sflag:s16] =	ssyncset.done $0x0  }
0x5a: {  	[sflag:s16] =	ssyncadd.s32 $0xFFFFC000  }
0x5b: {  	_ =	swait.ge [sflag:s16], $0x4000  }
0x5c: {  	[sflag:s16] =	ssyncset.done $0x0  }
0x5d: {  	[sflag:s16] =	ssyncadd.s32 $0xFFFFC000  }
0x5e: {  	_ =	swait.ge [sflag:s16], $0x4000  }
0x5f: {  	[sflag:s16] =	ssyncset.done $0x0  }
0x60: {  	[sflag:s16] =	ssyncadd.s32 $0xFFFFC000  }
0x61: {  	_ =	swait.ge [sflag:s16], $0x4000  }
0x62: {  	[sflag:s16] =	ssyncset.done $0x0  }
0x63: {  	[sflag:s16] =	ssyncadd.s32 $0xFFFFC000  }
0x64: {  	_ =	swait.ge [sflag:s16], $0x4000  }
0x65: {  	[sflag:s16] =	ssyncset.done $0x0  }
0x66: {  	[sflag:s16] =	ssyncadd.s32 $0xFFFFC000  }
0x67: {  	_ =	swait.ge [sflag:s16], $0x4000  }
0x68: {  	[sflag:s16] =	ssyncset.done $0x0  }
0x69: {  	[sflag:s16] =	ssyncadd.s32 $0xFFFFC000  }
0x6a: {  	_ =	swait.ge [sflag:s16], $0x4000  }
0x6b: {  	[sflag:s16] =	ssyncset.done $0x0  }
0x6c: {  	[sflag:s16] =	ssyncadd.s32 $0xFFFFC000  }
0x6d: {  	_ =	swait.ge [sflag:s16], $0x4000  }
0x6e: {  	s19 =	simm.s32 $0x1000;
	s21 =	simm.s32 $0x2000;
	[sflag:s16] =	ssyncset.done $0x0  }
.LBB2_6:
0x6f: {  	s22 =	sshra.s32 s19, $0x2  }
0x70: {  	[sflag:s16] =	ssyncadd.s32 $0xFFFFC000;
	s19 =	smov.u32 s21;
	s20 =	sadd.s32 $0x1000, s21  }
0x71: {  	[spmem:s2] =	stream.indirect.scatter.add.f32 [tilespmem:s15], [sflag:$0x1], $0x80, s22, s14, $0xb8;
	[tilespmem:$0x1E800] =	vst v63  }
0x72: {  	p0 =	sne.s32 s21, $0x9000;
	s21 =	sadd.s32 $0x80, s22  }
0x73: {  	[spmem:s2] =	stream.indirect.scatter.add.f32 [tilespmem:s15], [sflag:$0x1], $0x80, s21, s14, $0xb8;
	[tilespmem:$0x1E800] =	vst v63  }
0x74: {  	s21 =	sadd.s32 $0x100, s22  }
0x75: {  	[spmem:s2] =	stream.indirect.scatter.add.f32 [tilespmem:s15], [sflag:$0x1], $0x80, s21, s14, $0xb8;
	[tilespmem:$0x1E800] =	vst v63  }
0x76: {  	s21 =	sadd.s32 $0x180, s22  }
0x77: {  	[spmem:s2] =	stream.indirect.scatter.add.f32 [tilespmem:s15], [sflag:$0x1], $0x80, s21, s14, $0xb8;
	[tilespmem:$0x1E800] =	vst v63  }
0x78: {  	s21 =	sadd.s32 $0x200, s22  }
0x79: {  	[spmem:s2] =	stream.indirect.scatter.add.f32 [tilespmem:s15], [sflag:$0x1], $0x80, s21, s14, $0xb8;
	[tilespmem:$0x1E800] =	vst v63  }
0x7a: {  	s21 =	sadd.s32 $0x280, s22  }
0x7b: {  	[spmem:s2] =	stream.indirect.scatter.add.f32 [tilespmem:s15], [sflag:$0x1], $0x80, s21, s14, $0xb8;
	[tilespmem:$0x1E800] =	vst v63  }
0x7c: {  	s21 =	sadd.s32 $0x300, s22  }
0x7d: {  	[spmem:s2] =	stream.indirect.scatter.add.f32 [tilespmem:s15], [sflag:$0x1], $0x80, s21, s14, $0xb8;
	[tilespmem:$0x1E800] =	vst v63  }
0x7e: {  	s21 =	sadd.s32 $0x380, s22  }
0x7f: {  	[spmem:s2] =	stream.indirect.scatter.add.f32 [tilespmem:s15], [sflag:$0x1], $0x80, s21, s14, $0xb8;
	[tilespmem:$0x1E800] =	vst v63  }
0x80: {  	_ =	swait.ge [sflag:s16], $0x4000  }
0x81: {  	[sflag:s16] =	ssyncset.done $0x0  }
0x82: {  	[sflag:s16] =	ssyncadd.s32 $0xFFFFC000  }
0x83: {  	_ =	swait.ge [sflag:s16], $0x4000  }
0x84: {  	[sflag:s16] =	ssyncset.done $0x0  }
0x85: {  	[sflag:s16] =	ssyncadd.s32 $0xFFFFC000  }
0x86: {  	_ =	swait.ge [sflag:s16], $0x4000  }
0x87: {  	[sflag:s16] =	ssyncset.done $0x0  }
0x88: {  	[sflag:s16] =	ssyncadd.s32 $0xFFFFC000  }
0x89: {  	_ =	swait.ge [sflag:s16], $0x4000  }
0x8a: {  	[sflag:s16] =	ssyncset.done $0x0  }
0x8b: {  	[sflag:s16] =	ssyncadd.s32 $0xFFFFC000  }
0x8c: {  	_ =	swait.ge [sflag:s16], $0x4000  }
0x8d: {  	[sflag:s16] =	ssyncset.done $0x0  }
0x8e: {  	[sflag:s16] =	ssyncadd.s32 $0xFFFFC000  }
0x8f: {  	_ =	swait.ge [sflag:s16], $0x4000  }
0x90: {  	[sflag:s16] =	ssyncset.done $0x0  }
0x91: {  	[sflag:s16] =	ssyncadd.s32 $0xFFFFC000  }
.Ltmp2:
0x92: {  	_ =	swait.ge [sflag:s16], $0x4000;
	(pc) =	sbr.rel @p0 .LBB2_6-.Ltmp2, $4  }
0x93: {  	[sflag:s16] =	ssyncset.done $0x0  }
0x94: {  	[sflag:s16] =	ssyncadd.s32 $0xFFFFC000  }
0x95: {  	_ =	swait.ge [sflag:s16], $0x4000  }
0x96: {  	s21 =	smov.u32 s20;
	[sflag:s16] =	ssyncset.done $0x0  }
0x97: {  	s19 =	sshra.s32 s19, $0x2;
	[sflag:s16] =	ssyncadd.s32 $0xFFFFC000  }
0x98: {  	[spmem:s2] =	stream.indirect.scatter.add.f32 [tilespmem:s15], [sflag:$0x1], $0x80, s19, s14, $0xb8;
	[tilespmem:$0x1E800] =	vst v63  }
0x99: {  	s20 =	sadd.s32 $0x80, s19  }
0x9a: {  	[spmem:s2] =	stream.indirect.scatter.add.f32 [tilespmem:s15], [sflag:$0x1], $0x80, s20, s14, $0xb8;
	[tilespmem:$0x1E800] =	vst v63  }
0x9b: {  	s26 =	sadd.s32 $0x100, s19  }
0x9c: {  	[spmem:s2] =	stream.indirect.scatter.add.f32 [tilespmem:s15], [sflag:$0x1], $0x80, s26, s14, $0xb8;
	[tilespmem:$0x1E800] =	vst v63  }
0x9d: {  	s28 =	sadd.s32 $0x180, s19  }
0x9e: {  	[spmem:s2] =	stream.indirect.scatter.add.f32 [tilespmem:s15], [sflag:$0x1], $0x80, s28, s14, $0xb8;
	[tilespmem:$0x1E800] =	vst v63  }
0x9f: {  	s29 =	sadd.s32 $0x200, s19  }
0xa0: {  	[spmem:s2] =	stream.indirect.scatter.add.f32 [tilespmem:s15], [sflag:$0x1], $0x80, s29, s14, $0xb8;
	[tilespmem:$0x1E800] =	vst v63  }
0xa1: {  	s30 =	sadd.s32 $0x280, s19  }
0xa2: {  	[spmem:s2] =	stream.indirect.scatter.add.f32 [tilespmem:s15], [sflag:$0x1], $0x80, s30, s14, $0xb8;
	[tilespmem:$0x1E800] =	vst v63  }
0xa3: {  	s31 =	sadd.s32 $0x300, s19  }
0xa4: {  	[spmem:s2] =	stream.indirect.scatter.add.f32 [tilespmem:s15], [sflag:$0x1], $0x80, s31, s14, $0xb8;
	[tilespmem:$0x1E800] =	vst v63  }
0xa5: {  	s19 =	sadd.s32 $0x380, s19  }
0xa6: {  	[spmem:s2] =	stream.indirect.scatter.add.f32 [tilespmem:s15], [sflag:$0x1], $0x80, s19, s14, $0xb8;
	[tilespmem:$0x1E800] =	vst v63  }
0xa7: {  	_ =	swait.ge [sflag:s16], $0x4000  }
0xa8: {  	[sflag:s16] =	ssyncset.done $0x0  }
0xa9: {  	[sflag:s16] =	ssyncadd.s32 $0xFFFFC000  }
0xaa: {  	_ =	swait.ge [sflag:s16], $0x4000  }
0xab: {  	[sflag:s16] =	ssyncset.done $0x0  }
0xac: {  	[sflag:s16] =	ssyncadd.s32 $0xFFFFC000  }
0xad: {  	_ =	swait.ge [sflag:s16], $0x4000  }
0xae: {  	[sflag:s16] =	ssyncset.done $0x0  }
0xaf: {  	[sflag:s16] =	ssyncadd.s32 $0xFFFFC000  }
0xb0: {  	_ =	swait.ge [sflag:s16], $0x4000  }
0xb1: {  	[sflag:s16] =	ssyncset.done $0x0  }
0xb2: {  	[sflag:s16] =	ssyncadd.s32 $0xFFFFC000  }
0xb3: {  	_ =	swait.ge [sflag:s16], $0x4000  }
0xb4: {  	[sflag:s16] =	ssyncset.done $0x0  }
0xb5: {  	[sflag:s16] =	ssyncadd.s32 $0xFFFFC000  }
0xb6: {  	_ =	swait.ge [sflag:s16], $0x4000  }
0xb7: {  	[sflag:s16] =	ssyncset.done $0x0  }
0xb8: {  	[sflag:s16] =	ssyncadd.s32 $0xFFFFC000  }
0xb9: {  	_ =	swait.ge [sflag:s16], $0x4000  }
0xba: {  	[sflag:s16] =	ssyncset.done $0x0  }
0xbb: {  	[sflag:s16] =	ssyncadd.s32 $0xFFFFC000  }
0xbc: {  	_ =	swait.ge [sflag:s16], $0x4000  }
0xbd: {  	s3 =	sadd.s32 $0x1, s3;
	[sflag:s16] =	ssyncset.done $0x0  }
0xbe: {  	p0 =	sne.s32 s3, s11;
	[sflag:s16] =	ssyncadd.s32 $0xFFFFC000  }
.Ltmp3:
0xbf: {  	[bflag:$0x0] =	sbarrier.arrive $0xFFFF;
	(pc) =	sbr.rel @p0 .LBB2_1-.Ltmp3, $4  }
0xc0: {  	[hbm:s10], [sflag:s17] =	dma.local [spmem:s18], $0x2800  }
0xc1: {  	_ =	swait.ge [sflag:s13], $0x2800  }
0xc2: {  	[sflag:s13] =	ssyncset.done $0x0  }
0xc3: {  	[sflag:s13] =	ssyncadd.s32 $0xFFFFD800  }
0xc4: {  	_ =	sfence.sel $0x180000  }
0xc5: {  	[bflag:$0x0] =	sbarrier.arrive $0xFFFF  }
0xc6: {  	p0 =	sne.s32 s0, $0x0;
	_ =	strace $0x90000047  }
0xc7: {  	s0 =	sadd.s32 @!p0 $0x100000, s1;
	[bflag:$0x2] =	sbarrier.arrive $0xFFFF  }
0xc8: {  	[sflag:s0] =	ssyncadd.tile.s32 @!p0 $0x1;
	_ =	shalt  }
.Lfunc_end2:
_tile_overlayer_lowered:
.L_overlay_start_2:
0xc9: {  	(tag) =	ssettag $0x2  }
0xca: {  	s0 =	rddreg [dreg:$0x0];
	s2 =	stileid.u32  }
0xcb: {  	s1 =	rddreg [dreg:$0x1];
	p0 =	sne.s32 s2, $0x0  }
0xcc: {  	s3 =	rddreg [dreg:$0x2];
	[bflag:$0x3] =	sbarrier.arrive $0xFFFF;
	s2 =	simm.s32 @!p0 $0x1C02  }
0xcd: {  	[timem:s3], [sflag:s2] =	dma.local @!p0 [hbm:s0], s1  }
0xce: {  	s0 =	simm.s32 @!p0 $0x2  }
0xcf: {  	_ =	swait.ge @!p0 [sflag:s0], s1  }
0xd0: {  	s1 =	ssub.s32 @!p0 $0x0, s1;
	[sflag:s0] =	ssyncset.done @!p0 $0x0  }
0xd1: {  	[sflag:s0] =	ssyncadd.s32 @!p0 s1  }
0xd2: {  	[bflag:$0x3] =	sbarrier.arrive $0xFFFF  }
0xd3: {  	_ =	shalt  }

// kernel: kernel.13.cloned.1.call-start
scs
__scs_entry_jumppad:
0x0: {  	(pc) =	sbr.rel $0x88, $3  }
0x1: {  	(tag) =	ssettag $0x0;
	lr =	simm.s32 $0x1  }
0x2: {  	[smem:$0x3F94] =	sst lr;
	_ =	strace $0xD0000000  }
0x3: {  	_ = 	snop  }
0x4: {  	_ = 	snop  }
0x5: {  	_ = 	snop  }
0x6: {  	_ = 	snop  }
0x7: {  	_ = 	snop  }
__scs_overlays_trampoline_lowered:
0x8: {  	[smem:$0x3FA3] =	sst s0  }
0x9: {  	[smem:$0x3FA4] =	sst s1  }
0xa: {  	[smem:$0x3FA5] =	sst s2  }
0xb: {  	[smem:$0x3FA6] =	sst s3  }
0xc: {  	[smem:$0x3FA7] =	sst s4  }
0xd: {  	[smem:$0x3FA8] =	sst s5  }
0xe: {  	[smem:$0x3FA9] =	sst s6  }
0xf: {  	[smem:$0x3FAA] =	sst s7  }
0x10: {  	[smem:$0x3FAB] =	sst s8  }
0x11: {  	[smem:$0x3FAC] =	sst s9;
	s0 =	simm.s32 @!p0 $0x0  }
0x12: {  	s1 =	sld [smem:$0x3F92];
	s0 =	simm.s32 @p0 $0x1  }
0x13: {  	[smem:$0x3FAD] =	sst s0;
	s0 =	simm.s32 @!p1 $0x0  }
0x14: {  	s2 =	sld [smem:$0x3F91];
	s0 =	simm.s32 @p1 $0x1  }
0x15: {  	[smem:$0x3FAE] =	sst s0;
	s0 =	simm.s32 @!p2 $0x0  }
0x16: {  	s3 =	sld [smem:$0x3FDB];
	s0 =	simm.s32 @p2 $0x1  }
0x17: {  	s4 =	simm.s32 $0x1BF5;
	[smem:$0x3FB0] =	sst s0  }
0x18: {  	s0 =	sld [smem:$0x3F93];
	_ =	swait.ge [sflag:s4], $0x0  }
0x19: {  	s7 =	sld [smem:$0x3F94]  }
0x1a: {  	s8 =	sadd.s32 $0xFFFFE003, lr  }
0x1b: {  	s9 =	sadd.s32 $0xFFFFFEF7, lr;
	s5 =	simm.s32 $0xFFFFFFFF;
	p2 =	slt.u32 s8, $0xFFFFF086  }
0x1c: {  	p1 =	slt.u32 s9, $0xF7A;
	s5 =	simm.s32 @!p2 $0x0  }
0x1d: {  	s5 =	simm.s32 @p1 $0x1;
	p0 =	seq.s32 s7, s2  }
0x1e: {  	s7 =	smul.u32 @!p0 $0xF7A, s2;
	p2 =	seq.s32 @!p0 s5, $0x0  }
0x1f: {  	s9 =	smul.u32 $0xF7A, s1;
	s8 =	simm.s32 @!p0 $0x1BF5;
	p2 =	por !p2, p0  }
0x20: {  	[sflag:s8] =	ssyncset.s32 @!p0 $0xFFFFF086;
	s6 =	sadd.s32 @!p0 s3, s7;
	s7 =	simm.s32 @!p0 $0x108  }
0x21: {  	s3 =	sadd.s32 s3, s9;
	s6 =	sadd.s32 @!p0 $0x88, s6;
	s7 =	simm.s32 @p2 $0x1082  }
0x22: {  	[simem:s7], [sflag:s8] =	dma.local @!p0 [hbm:s6], $0xF7A  }
0x23: {  	s9 =	sor.u32 $0xD0000000, s2;
	s6 =	simm.s32 $0x108;
	_ =	swait.ge @!p0 [sflag:s8], $0x0  }
0x24: {  	s3 =	sadd.s32 $0x88, s3;
	s6 =	simm.s32 @!p1 $0x1082;
	[sflag:s4] =	ssyncset.s32 $0xFFFFF086  }
0x25: {  	[simem:s6], [sflag:s4] =	dma.local [hbm:s3], $0xF7A  }
0x26: {  	[smem:$0x3F94] =	sst s1;
	(tag) =	ssettag s2;
	_ =	strace s9  }
0x27: {  	s1 =	sld [smem:$0x3FA4]  }
0x28: {  	s2 =	sld [smem:$0x3FA5]  }
0x29: {  	s4 =	sld [smem:$0x3FA7]  }
0x2a: {  	p0 =	seq.s32 s5, $0x0;
	s5 =	sld [smem:$0x3FA8]  }
0x2b: {  	s6 =	sld [smem:$0x3FA9]  }
0x2c: {  	s7 =	sld [smem:$0x3FAA]  }
0x2d: {  	s3 =	simm.s32 $0x108;
	s8 =	sld [smem:$0x3FAB]  }
0x2e: {  	s3 =	simm.s32 @!p0 $0x1082;
	s9 =	sld [smem:$0x3FAC]  }
0x2f: {  	lr =	sadd.s32 s0, s3;
	s0 =	sld [smem:$0x3FA3]  }
0x30: {  	s3 =	sld [smem:$0x3FA6]  }
0x31: {  	[smem:$0x3FAF] =	sst s10  }
0x32: {  	s10 =	sld [smem:$0x3FAD];
	_ =	sdelay $0x3  }
0x33: {  	p0 =	seq.s32 s10, $0x1;
	s10 =	sld [smem:$0x3FAF];
	_ =	sdelay $0x3  }
0x34: {  	[smem:$0x3FAF] =	sst s10  }
0x35: {  	s10 =	sld [smem:$0x3FAE];
	_ =	sdelay $0x3  }
0x36: {  	p1 =	seq.s32 s10, $0x1;
	s10 =	sld [smem:$0x3FAF];
	_ =	sdelay $0x3  }
0x37: {  	[smem:$0x3FAF] =	sst s10  }
0x38: {  	s10 =	sld [smem:$0x3FB0]  }
0x39: {  	_ = 	snop;
	(pc) =	sbr.ind lr, $3  }
0x3a: {  	_ = 	snop  }
0x3b: {  	_ = 	snop  }
0x3c: {  	p2 =	seq.s32 s10, $0x1;
	s10 =	sld [smem:$0x3FAF]  }
0x3d: {  	_ =	shalt  }
0x3e: {  	_ =	shalt  }
0x3f: {  	_ =	shalt  }
0x40: {  	_ =	shalt  }
0x41: {  	_ =	shalt  }
0x42: {  	_ =	shalt  }
0x43: {  	_ =	shalt  }
0x44: {  	_ =	shalt  }
0x45: {  	_ =	shalt  }
0x46: {  	_ =	shalt  }
0x47: {  	_ =	shalt  }
0x48: {  	_ =	shalt  }
0x49: {  	_ =	shalt  }
0x4a: {  	_ =	shalt  }
0x4b: {  	_ =	shalt  }
0x4c: {  	_ =	shalt  }
0x4d: {  	_ =	shalt  }
0x4e: {  	_ =	shalt  }
0x4f: {  	_ =	shalt  }
0x50: {  	_ =	shalt  }
0x51: {  	_ =	shalt  }
0x52: {  	_ =	shalt  }
0x53: {  	_ =	shalt  }
0x54: {  	_ =	shalt  }
0x55: {  	_ =	shalt  }
0x56: {  	_ =	shalt  }
0x57: {  	_ =	shalt  }
0x58: {  	_ =	shalt  }
0x59: {  	_ =	shalt  }
0x5a: {  	_ =	shalt  }
0x5b: {  	_ =	shalt  }
0x5c: {  	_ =	shalt  }
0x5d: {  	_ =	shalt  }
0x5e: {  	_ =	shalt  }
0x5f: {  	_ =	shalt  }
0x60: {  	_ =	shalt  }
0x61: {  	_ =	shalt  }
0x62: {  	_ =	shalt  }
0x63: {  	_ =	shalt  }
0x64: {  	_ =	shalt  }
0x65: {  	_ =	shalt  }
0x66: {  	_ =	shalt  }
0x67: {  	_ =	shalt  }
0x68: {  	_ =	shalt  }
0x69: {  	_ =	shalt  }
0x6a: {  	_ =	shalt  }
0x6b: {  	_ =	shalt  }
0x6c: {  	_ =	shalt  }
0x6d: {  	_ =	shalt  }
0x6e: {  	_ =	shalt  }
0x6f: {  	_ =	shalt  }
0x70: {  	_ =	shalt  }
0x71: {  	_ =	shalt  }
0x72: {  	_ =	shalt  }
0x73: {  	_ =	shalt  }
0x74: {  	_ =	shalt  }
0x75: {  	_ =	shalt  }
0x76: {  	_ =	shalt  }
0x77: {  	_ =	shalt  }
0x78: {  	_ =	shalt  }
0x79: {  	_ =	shalt  }
0x7a: {  	_ =	shalt  }
0x7b: {  	_ =	shalt  }
0x7c: {  	_ =	shalt  }
0x7d: {  	_ =	shalt  }
0x7e: {  	_ =	shalt  }
0x7f: {  	_ =	shalt  }
0x80: {  	_ =	shalt  }
0x81: {  	_ =	shalt  }
0x82: {  	_ =	shalt  }
0x83: {  	_ =	shalt  }
0x84: {  	_ =	shalt  }
0x85: {  	_ =	shalt  }
0x86: {  	_ =	shalt  }
0x87: {  	_ =	shalt  }
.Lfunc_end0:
.L_simem_size_0:
called_computation.1_lowered:
.L_overlay_start_0:
0x88: {  	s2 =	sld [smem:$0x3FD9]  }
0x89: {  	s3 =	sld [smem:$0x3FFE];
	_ =	sdelay $0x1  }
0x8a: {  	s1 =	srdreg.scid  }
0x8b: {  	s0 =	sand.u32 $0x1, s1  }
0x8c: {  	s16 =	sshll.u32 s0, $0xA;
	s2 =	sadd.s32 s3, s2  }
0x8d: {  	s2 =	sadd.s32 s2, s16  }
0x8e: {  	[smem:$0x3FBB] =	sst s2  }
0x8f: {  	_ = 	snop  }
0x90: {  	(tm) =	ssettm $0x1  }
0x91: {  	s17 =	sld [smem:$0x3FFB];
	_ =	sdelay $0x3  }
0x92: {  	_ =	strace s17  }
0x93: {  	s2 =	sld [smem:$0x3FFC];
	_ =	sdelay $0x3  }
0x94: {  	_ =	strace s2  }
0x95: {  	s2 =	sld [smem:$0x3FFD];
	_ =	sdelay $0x3  }
0x96: {  	_ =	strace s2  }
0x97: {  	_ =	strace $0x8FFFFFFF  }
0x98: {  	s18 =	sld [smem:$0x3FDB];
	_ =	sdelay $0x1  }
0x99: {  	s19 =	simm.s32 $_scs_section_size  }
0x9a: {  	s4 =	simm.s32 $_size__tile_overlayer_lowered;
	s5 =	simm.s32 $_tile_overlayer_lowered  }
0x9b: {  	s22 =	simm.s32 $0x1BFF;
	s21 =	sshll.u32 s5, $0x1;
	s2 =	sadd.s32 s19, s18  }
0x9c: {  	s6 =	simm.s32 $0x0;
	s20 =	sshll.u32 s4, $0x1;
	s4 =	sadd.s32 s21, s2  }
0x9d: {  	[timem:s6], [sflag:s22] =	dma.local [hbm:s4], s20  }
0x9e: {  	_ =	swait.ge [sflag:s22], s20  }
0x9f: {  	s3 =	ssub.s32 $0x0, s20;
	[sflag:s22] =	ssyncset.done $0x0  }
0xa0: {  	[sflag:s22] =	ssyncadd.s32 s3;
	_ =	sdelay $0x1  }
0xa1: {  	s23 =	simm.s32 $0x1B8B  }
0xa2: {  	_ =	swait.ge [sflag:s23], $0x1  }
0xa3: {  	[sflag:s23] =	ssyncset.done $0x0  }
0xa4: {  	s25 =	simm.s32 $0x1B8E;
	s24 =	sld [smem:$0x3FFE];
	[sflag:s23] =	ssyncadd.s32 $0xFFFFFFFF  }
0xa5: {  	s26 =	simm.s32 $execute0_lowered;
	[smem:$0x3FD2] =	sst s25  }
0xa6: {  	s4 =	sshll.u32 s26, $0x1;
	_ =	strace $0x80000049;
	[dreg:$0x1] =	wrdreg $0xFFFFFFFF  }
0xa7: {  	s28 =	simm.s32 $_size_execute0_lowered;
	s2 =	sadd.s32 s2, s4;
	[dreg:$0x0] =	wrdreg $0x0  }
0xa8: {  	s4 =	sshll.u32 s28, $0x1;
	[dreg:$0x2] =	wrdreg s2  }
0xa9: {  	[dreg:$0x3] =	wrdreg s4  }
0xaa: {  	[dreg:$0x4] =	wrdreg $0xC0  }
0xab: {  	_ =	task [dreg:s6], $0x5FFFF  }
0xac: {  	[dreg:$0x1] =	wrdreg $0xFFFFFFFF  }
0xad: {  	[dreg:$0x0] =	wrdreg $0x60  }
0xae: {  	[dreg:$0x2] =	wrdreg s24  }
0xaf: {  	[dreg:$0x3] =	wrdreg $0xA4000  }
0xb0: {  	[dreg:$0x4] =	wrdreg $0x9  }
0xb1: {  	_ =	task.clear_ibuf [dreg:s6], $0x5FFFF;
	_ =	strace $0x90000049  }
0xb2: {  	s29 =	simm.s32 $0x9;
	_ =	strace $0x8000004B  }
0xb3: {  	_ =	swait.ge [sflag:s29], $0x1  }
0xb4: {  	[sflag:s29] =	ssyncadd.s32 $0xFFFFFFFF  }
0xb5: {  	_ =	strace $0x9000004B  }
0xb6: {  	_ =	sfence  }
0xb7: {  	s30 =	sld [smem:$0x0];
	_ =	sdelay $0x2  }
0xb8: {  	s31 =	sshll.u32 s1, $0xD;
	s1 =	sshrl.u32 s1, $0x2  }
0xb9: {  	s3 =	sand.u32 $0x4000, s31;
	s1 =	sadd.s32 s1, s30  }
0xba: {  	s0 =	sor.u32 s3, s0;
	s1 =	sshll.u32 s1, $0x11  }
0xbb: {  	s0 =	sor.u32 s1, s0  }
0xbc: {  	s0 =	sadd.s32 $0x8F2B, s0  }
0xbd: {  	[sflag:s0] =	ssyncadd.remote.s32 $0x1  }
0xbe: {  	_ =	sfence.sel $0xFFFF  }
0xbf: {  	[dreg:$0x0] =	wrdreg $0xFFFFFFFF;
	(pc) =	sbr.abs _section_cstart, $3  }
0xc0: {  	[dreg:$0x1] =	wrdreg $0xFFFFFFFF  }
0xc1: {  	_ =	task.clear_ibuf [dreg:s6], $0x2FFFF;
	_ =	strace $0x9FFFFFFF  }
0xc2: {  	(tm) =	ssettm $0x7FFFFFFF  }
0xc3: {  	_ =	shalt  }
tec
execute0_lowered:
.L_overlay_start_1:
0x0: {  	(tag) =	ssettag $0x1  }
0x1: {  	s0 =	rddreg [dreg:$0x0]  }
0x2: {  	s1 =	rddreg [dreg:$0x1]  }
0x3: {  	s2 =	srdreg.scid;
	s3 =	simm.s32 $0x0;
	s11 =	stileid.u32  }
0x4: {  	s28 =	simm.s32 $0x5;
	s29 =	simm.s32 $0x200;
	s7 =	smul.u32 $0x14000, s11  }
0x5: {  	s30 =	simm.s32 $0x50;
	s31 =	simm.s32 $0x80;
	s8 =	smul.u32 $0x50000, s11  }
0x6: {  	s2 =	sand.u32 $0x1, s2;
	[smem:$0x7FF] =	sst s3;
	s15 =	smul.u32 $0x2800, s11  }
0x7: {  	s4 =	sadd.s32 $0xD800, s0;
	s5 =	sadd.s32 $0x5D800, s0;
	s6 =	smul.u32 $0x140000, s2  }
0x8: {  	_ =	strace $0x8000004A;
	s9 =	ssub.s32 $0x2, s2;
	s10 =	sshll.u32 s2, $0x4  }
0x9: {  	s2 =	smul.u32 $0x28000, s2;
	s20 =	sshrl.u32 s9, $0x1;
	s8 =	sshrl.u32 s8, $0x2  }
0xa: {  	s21 =	sor.u32 s11, s10;
	s11 =	simm.s32 $0x1;
	s22 =	sadd.s32 s8, s1  }
0xb: {  	s7 =	sadd.s32 s7, s6;
	s23 =	sadd.s32 $0x2800, s22;
	[dreg:$0x3] =	wrdreg s22  }
0xc: {  	s6 =	sadd.s32 $0x3800, s0;
	s24 =	sadd.s32 $0x5000, s22;
	[dreg:$0x4] =	wrdreg s23  }
0xd: {  	s9 =	ssub.s32 s9, s20;
	s25 =	sadd.s32 $0x7800, s22;
	[dreg:$0x5] =	wrdreg s24  }
0xe: {  	s12 =	smul.u32 $0x2800, s21;
	s26 =	sadd.s32 $0xA000, s22;
	[dreg:$0x6] =	wrdreg s25  }
0xf: {  	s2 =	sadd.s32 s15, s2;
	s10 =	sadd.s32 $0xC800, s22;
	[dreg:$0x7] =	wrdreg s26  }
0x10: {  	s15 =	simm.s32 $0x7C00;
	s13 =	sadd.s32 $0xF000, s22;
	[dreg:$0x8] =	wrdreg s10  }
0x11: {  	s7 =	sshrl.u32 s7, $0x3;
	s14 =	sadd.s32 $0x11800, s22;
	[dreg:$0x9] =	wrdreg s13  }
0x12: {  	s2 =	sor.u32 $0xF0, s2;
	s0 =	sadd.s32 s7, s0;
	[dreg:$0xa] =	wrdreg s14  }
0x13: {  	s8 =	sshrl.u32 s12, $0x3;
	s24 =	sshrl.u32 s2, $0x3;
	s25 =	smax.u32 s9, $0x1  }
0x14: {  	s2 =	simm.s32 $0x2C00;
	s9 =	simm.s32 $0x300;
	s10 =	simm.s32 $0x5400  }
0x15: {  	s13 =	simm.s32 $0x180;
	s16 =	sadd.s32 s5, s8;
	[dreg:$0x12] =	wrdreg s25  }
0x16: {  	s14 =	simm.s32 $0x380;
	s17 =	sadd.s32 s6, s8;
	[dreg:$0xb] =	wrdreg s16  }
0x17: {  	s18 =	sor.u32 $0xA, s8;
	s0 =	sadd.s32 $0x67800, s0;
	[dreg:$0xc] =	wrdreg s17  }
0x18: {  	s8 =	sor.u32 $0x14, s8;
	s26 =	sadd.s32 s24, s6;
	[dreg:$0x11] =	wrdreg s0  }
0x19: {  	s19 =	sadd.s32 s5, s18;
	s20 =	sadd.s32 s6, s18;
	[dreg:$0x13] =	wrdreg s26  }
0x1a: {  	s21 =	sadd.s32 s5, s8;
	s23 =	sadd.s32 s6, s8;
	[dreg:$0xd] =	wrdreg s19  }
0x1b: {  	s0 =	sadd.s32 s24, s5;
	s26 =	simm.s32 $0x400;
	[dreg:$0xe] =	wrdreg s20  }
0x1c: {  	s8 =	simm.s32 $0x100;
	s16 =	simm.s32 $0x2;
	[dreg:$0xf] =	wrdreg s21  }
0x1d: {  	s17 =	simm.s32 $0x3;
	s18 =	simm.s32 $0x4;
	[dreg:$0x10] =	wrdreg s23  }
0x1e: {  	v0 =	vimm.f32 $0.0e+00;
	[dreg:$0x14] =	wrdreg s0;
	s0 =	simm.s32 $0x280;
	s19 =	simm.s32 $0x0  }
.LBB2_1:
0x1f: {  	s20 =	simm.s32 $0x0;
	s21 =	simm.s32 $0x200  }
.LBB2_2:
0x20: {  	p0 =	sne.s32 s21, $0x9E00;
	[tilespmem:s20+$0x470] =	vst v0  }
0x21: {  	[tilespmem:s20+$0x400] =	vst v0  }
0x22: {  	[tilespmem:s20+$0x410] =	vst v0  }
.Ltmp0:
0x23: {  	[tilespmem:s20+$0x420] =	vst v0;
	(pc) =	sbr.rel @p0 .LBB2_2-.Ltmp0, $4  }
0x24: {  	[tilespmem:s20+$0x430] =	vst v0  }
0x25: {  	[tilespmem:s20+$0x440] =	vst v0  }
0x26: {  	[tilespmem:s20+$0x450] =	vst v0  }
0x27: {  	[tilespmem:s20+$0x460] =	vst v0;
	s20 =	sshra.s32 s21, $0x2;
	s21 =	sadd.s32 $0x200, s21  }
0x28: {  	[tilespmem:s20+$0x470] =	vst v0  }
0x29: {  	[tilespmem:s20+$0x400] =	vst v0  }
0x2a: {  	[tilespmem:s20+$0x410] =	vst v0  }
0x2b: {  	[tilespmem:s20+$0x420] =	vst v0  }
0x2c: {  	[tilespmem:s20+$0x430] =	vst v0  }
0x2d: {  	[tilespmem:s20+$0x440] =	vst v0  }
0x2e: {  	[tilespmem:s20+$0x450] =	vst v0  }
0x2f: {  	[tilespmem:s20+$0x460] =	vst v0  }
0x30: {  	[spmem:s22] =	stream.linear.scatter [tilespmem:s26], [sflag:$0x5], $0x2800, $0x38;
	[tilespmem:$0x1E400] =	vst v63  }
0x31: {  	_ =	swait.ge [sflag:s28], $0x2800  }
0x32: {  	[sflag:s28] =	ssyncset.done $0x0  }
0x33: {  	s7 =	rddreg [dreg:$0x4];
	[sflag:s28] =	ssyncadd.s32 $0xFFFFD800  }
0x34: {  	[spmem:s7] =	stream.linear.scatter [tilespmem:s26], [sflag:$0x5], $0x2800, $0x38;
	[tilespmem:$0x1E400] =	vst v63  }
0x35: {  	_ =	swait.ge [sflag:s28], $0x2800  }
0x36: {  	[sflag:s28] =	ssyncset.done $0x0  }
0x37: {  	s23 =	rddreg [dreg:$0x5];
	[sflag:s28] =	ssyncadd.s32 $0xFFFFD800  }
0x38: {  	[spmem:s23] =	stream.linear.scatter [tilespmem:s26], [sflag:$0x5], $0x2800, $0x38;
	[tilespmem:$0x1E400] =	vst v63  }
0x39: {  	_ =	swait.ge [sflag:s28], $0x2800  }
0x3a: {  	[sflag:s28] =	ssyncset.done $0x0  }
0x3b: {  	s24 =	rddreg [dreg:$0x6];
	[sflag:s28] =	ssyncadd.s32 $0xFFFFD800  }
0x3c: {  	[spmem:s24] =	stream.linear.scatter [tilespmem:s26], [sflag:$0x5], $0x2800, $0x38;
	[tilespmem:$0x1E400] =	vst v63  }
0x3d: {  	_ =	swait.ge [sflag:s28], $0x2800  }
0x3e: {  	[sflag:s28] =	ssyncset.done $0x0  }
0x3f: {  	s25 =	rddreg [dreg:$0x7];
	[sflag:s28] =	ssyncadd.s32 $0xFFFFD800  }
0x40: {  	[spmem:s25] =	stream.linear.scatter [tilespmem:s26], [sflag:$0x5], $0x2800, $0x38;
	[tilespmem:$0x1E400] =	vst v63  }
0x41: {  	_ =	swait.ge [sflag:s28], $0x2800  }
0x42: {  	[sflag:s28] =	ssyncset.done $0x0  }
0x43: {  	s20 =	rddreg [dreg:$0x8];
	[sflag:s28] =	ssyncadd.s32 $0xFFFFD800  }
0x44: {  	[spmem:s20] =	stream.linear.scatter [tilespmem:s26], [sflag:$0x5], $0x2800, $0x38;
	[tilespmem:$0x1E400] =	vst v63  }
0x45: {  	_ =	swait.ge [sflag:s28], $0x2800  }
0x46: {  	[sflag:s28] =	ssyncset.done $0x0  }
0x47: {  	s21 =	rddreg [dreg:$0x9];
	[sflag:s28] =	ssyncadd.s32 $0xFFFFD800  }
0x48: {  	[spmem:s21] =	stream.linear.scatter [tilespmem:s26], [sflag:$0x5], $0x2800, $0x38;
	[tilespmem:$0x1E400] =	vst v63  }
0x49: {  	_ =	swait.ge [sflag:s28], $0x2800  }
0x4a: {  	[sflag:s28] =	ssyncset.done $0x0  }
0x4b: {  	s22 =	rddreg [dreg:$0xa];
	[sflag:s28] =	ssyncadd.s32 $0xFFFFD800  }
0x4c: {  	[spmem:s22] =	stream.linear.scatter [tilespmem:s26], [sflag:$0x5], $0x2800, $0x38;
	[tilespmem:$0x1E400] =	vst v63  }
0x4d: {  	_ =	swait.ge [sflag:s28], $0x2800  }
0x4e: {  	[sflag:s28] =	ssyncset.done $0x0  }
0x4f: {  	[sflag:s28] =	ssyncadd.s32 $0xFFFFD800  }
0x50: {  	[bflag:$0x0] =	sbarrier.arrive $0xFFFF  }
0x51: {  	s23 =	rddreg [dreg:$0xb]  }
0x52: {  	[tilespmem:s3], [sflag:$0x5] =	stream.linear.gather [hbm4b:s23+s3], $0x50, $0x38;
	[tilespmem:$0x1E400] =	vst v63  }
0x53: {  	_ =	swait.ge [sflag:s28], $0x50  }
0x54: {  	[sflag:s28] =	ssyncset.done $0x0  }
0x55: {  	s24 =	rddreg [dreg:$0xc];
	[sflag:s28] =	ssyncadd.s32 $0xFFFFFFB0  }
0x56: {  	[tilespmem:s29], [sflag:$0x5] =	stream.linear.gather [hbm4b:s24+s3], $0x50, $0x38;
	[tilespmem:$0x1E400] =	vst v63  }
0x57: {  	_ =	swait.ge [sflag:s28], $0x50  }
0x58: {  	[sflag:s28] =	ssyncset.done $0x0  }
0x59: {  	[sflag:s28] =	ssyncadd.s32 $0xFFFFFFB0  }
0x5a: {  	[tilespmem:s26], [sflag:$0x1] =	stream.indirect.gather [hbm4b:s4+s30], $0x80, s3, s30, $0xb8;
	[tilespmem:$0x1E400] =	vst v63  }
0x5b: {  	s25 =	rddreg [dreg:$0xd]  }
0x5c: {  	[tilespmem:s31], [sflag:$0x5] =	stream.linear.gather [hbm4b:s25+s3], $0x50, $0x38;
	[tilespmem:$0x1E400] =	vst v63  }
0x5d: {  	_ =	swait.ge [sflag:s28], $0x50  }
0x5e: {  	[sflag:s28] =	ssyncset.done $0x0  }
0x5f: {  	s20 =	rddreg [dreg:$0xe];
	[sflag:s28] =	ssyncadd.s32 $0xFFFFFFB0  }
0x60: {  	[tilespmem:s0], [sflag:$0x5] =	stream.linear.gather [hbm4b:s20+s3], $0x50, $0x38;
	[tilespmem:$0x1E400] =	vst v63  }
0x61: {  	_ =	swait.ge [sflag:s28], $0x50  }
0x62: {  	[sflag:s28] =	ssyncset.done $0x0  }
0x63: {  	[sflag:s28] =	ssyncadd.s32 $0xFFFFFFB0  }
0x64: {  	[tilespmem:s2], [sflag:$0x2] =	stream.indirect.gather [hbm4b:s4+s30], $0x80, s31, s30, $0xb8;
	[tilespmem:$0x1E400] =	vst v63  }
0x65: {  	s21 =	rddreg [dreg:$0xf]  }
0x66: {  	[tilespmem:s8], [sflag:$0x5] =	stream.linear.gather [hbm4b:s21+s3], $0x50, $0x38;
	[tilespmem:$0x1E400] =	vst v63  }
0x67: {  	_ =	swait.ge [sflag:s28], $0x50  }
0x68: {  	[sflag:s28] =	ssyncset.done $0x0  }
0x69: {  	s22 =	rddreg [dreg:$0x10];
	[sflag:s28] =	ssyncadd.s32 $0xFFFFFFB0  }
0x6a: {  	[tilespmem:s9], [sflag:$0x5] =	stream.linear.gather [hbm4b:s22+s3], $0x50, $0x38;
	[tilespmem:$0x1E400] =	vst v63  }
0x6b: {  	_ =	swait.ge [sflag:s28], $0x50  }
0x6c: {  	[sflag:s28] =	ssyncset.done $0x0  }
0x6d: {  	[sflag:s28] =	ssyncadd.s32 $0xFFFFFFB0  }
0x6e: {  	[tilespmem:s10], [sflag:$0x3] =	stream.indirect.gather [hbm4b:s4+s30], $0x80, s8, s30, $0xb8;
	[tilespmem:$0x1E400] =	vst v63  }
0x6f: {  	_ =	swait.ge [sflag:s11], $0x2800  }
0x70: {  	[sflag:s11] =	ssyncset.done $0x0  }
0x71: {  	s22 =	rddreg [dreg:$0x14];
	[sflag:s11] =	ssyncadd.s32 $0xFFFFD800  }
0x72: {  	[tilespmem:s13], [sflag:$0x5] =	stream.linear.gather [hbm4b:s22+s3], $0x50, $0x38;
	[tilespmem:$0x1E400] =	vst v63  }
0x73: {  	_ =	swait.ge [sflag:s28], $0x50  }
0x74: {  	[sflag:s28] =	ssyncset.done $0x0  }
0x75: {  	s23 =	rddreg [dreg:$0x13];
	[sflag:s28] =	ssyncadd.s32 $0xFFFFFFB0  }
0x76: {  	[tilespmem:s14], [sflag:$0x5] =	stream.linear.gather [hbm4b:s23+s3], $0x50, $0x38;
	[tilespmem:$0x1E400] =	vst v63  }
0x77: {  	_ =	swait.ge [sflag:s28], $0x50  }
0x78: {  	[sflag:s28] =	ssyncset.done $0x0  }
0x79: {  	[sflag:s28] =	ssyncadd.s32 $0xFFFFFFB0  }
0x7a: {  	[tilespmem:s15], [sflag:$0x4] =	stream.indirect.gather [hbm4b:s4+s30], $0x80, s13, s30, $0xb8;
	[tilespmem:$0x1E400] =	vst v63  }
0x7b: {  	_ = 	snop  }
0x7c: {  	[spmem:s1] =	stream.indirect.scatter.add.f32 [tilespmem:s26], [sflag:$0x5], $0x80, s29, s30, $0xb8;
	[tilespmem:$0x1E400] =	vst v63  }
0x7d: {  	_ =	swait.ge [sflag:s28], $0x2800  }
0x7e: {  	p0 =	por $0x0, $0x0;
	s20 =	simm.s32 $0x140;
	[sflag:s28] =	ssyncset.done $0x0  }
0x7f: {  	s20 =	simm.s32 @p0 $0x0;
	[sflag:s28] =	ssyncadd.s32 $0xFFFFD800  }
0x80: {  	s20 =	sadd.s32 s12, s20;
	_ =	swait.ge [sflag:s16], $0x2800  }
0x81: {  	s20 =	sshrl.u32 s20, $0x3;
	[sflag:s16] =	ssyncset.done $0x0  }
0x82: {  	s21 =	sadd.s32 s5, s20;
	[sflag:s16] =	ssyncadd.s32 $0xFFFFD800  }
0x83: {  	[tilespmem:s3], [sflag:$0x5] =	stream.linear.gather [hbm4b:s21+s3], $0x50, $0x38;
	[tilespmem:$0x1E400] =	vst v63  }
0x84: {  	_ =	swait.ge [sflag:s28], $0x50  }
0x85: {  	[sflag:s28] =	ssyncset.done $0x0  }
0x86: {  	s20 =	sadd.s32 s6, s20;
	[sflag:s28] =	ssyncadd.s32 $0xFFFFFFB0  }
0x87: {  	[tilespmem:s29], [sflag:$0x5] =	stream.linear.gather [hbm4b:s20+s3], $0x50, $0x38;
	[tilespmem:$0x1E400] =	vst v63  }
0x88: {  	_ =	swait.ge [sflag:s28], $0x50  }
0x89: {  	[sflag:s28] =	ssyncset.done $0x0  }
0x8a: {  	[sflag:s28] =	ssyncadd.s32 $0xFFFFFFB0  }
0x8b: {  	[tilespmem:s26], [sflag:$0x1] =	stream.indirect.gather [hbm4b:s4+s30], $0x80, s3, s30, $0xb8;
	[tilespmem:$0x1E400] =	vst v63  }
0x8c: {  	_ = 	snop  }
0x8d: {  	[spmem:s1] =	stream.indirect.scatter.add.f32 [tilespmem:s2], [sflag:$0x5], $0x80, s0, s30, $0xb8;
	[tilespmem:$0x1E400] =	vst v63  }
0x8e: {  	_ =	swait.ge [sflag:s28], $0x2800  }
0x8f: {  	s20 =	simm.s32 $0x190;
	[sflag:s28] =	ssyncset.done $0x0  }
0x90: {  	s20 =	simm.s32 @p0 $0x0;
	[sflag:s28] =	ssyncadd.s32 $0xFFFFD800  }
0x91: {  	s20 =	sadd.s32 s12, s20;
	_ =	swait.ge [sflag:s17], $0x2800  }
0x92: {  	s20 =	sshrl.u32 s20, $0x3;
	[sflag:s17] =	ssyncset.done $0x0  }
0x93: {  	s24 =	sadd.s32 s5, s20;
	[sflag:s17] =	ssyncadd.s32 $0xFFFFD800  }
0x94: {  	[tilespmem:s31], [sflag:$0x5] =	stream.linear.gather [hbm4b:s24+s3], $0x50, $0x38;
	[tilespmem:$0x1E400] =	vst v63  }
0x95: {  	_ =	swait.ge [sflag:s28], $0x50  }
0x96: {  	[sflag:s28] =	ssyncset.done $0x0  }
0x97: {  	s20 =	sadd.s32 s6, s20;
	[sflag:s28] =	ssyncadd.s32 $0xFFFFFFB0  }
0x98: {  	[tilespmem:s0], [sflag:$0x5] =	stream.linear.gather [hbm4b:s20+s3], $0x50, $0x38;
	[tilespmem:$0x1E400] =	vst v63  }
0x99: {  	_ =	swait.ge [sflag:s28], $0x50  }
0x9a: {  	[sflag:s28] =	ssyncset.done $0x0  }
0x9b: {  	[sflag:s28] =	ssyncadd.s32 $0xFFFFFFB0  }
0x9c: {  	[tilespmem:s2], [sflag:$0x2] =	stream.indirect.gather [hbm4b:s4+s30], $0x80, s31, s30, $0xb8;
	[tilespmem:$0x1E400] =	vst v63  }
0x9d: {  	_ = 	snop  }
0x9e: {  	[spmem:s1] =	stream.indirect.scatter.add.f32 [tilespmem:s10], [sflag:$0x5], $0x80, s9, s30, $0xb8;
	[tilespmem:$0x1E400] =	vst v63  }
0x9f: {  	_ =	swait.ge [sflag:s28], $0x2800  }
0xa0: {  	s20 =	simm.s32 $0x1E0;
	[sflag:s28] =	ssyncset.done $0x0  }
0xa1: {  	s20 =	simm.s32 @p0 $0x0;
	[sflag:s28] =	ssyncadd.s32 $0xFFFFD800  }
0xa2: {  	s20 =	sadd.s32 s12, s20;
	_ =	swait.ge [sflag:s18], $0x2800  }
0xa3: {  	s20 =	sshrl.u32 s20, $0x3;
	[sflag:s18] =	ssyncset.done $0x0  }
0xa4: {  	s25 =	sadd.s32 s5, s20;
	[sflag:s18] =	ssyncadd.s32 $0xFFFFD800  }
0xa5: {  	[tilespmem:s8], [sflag:$0x5] =	stream.linear.gather [hbm4b:s25+s3], $0x50, $0x38;
	[tilespmem:$0x1E400] =	vst v63  }
0xa6: {  	_ =	swait.ge [sflag:s28], $0x50  }
0xa7: {  	[sflag:s28] =	ssyncset.done $0x0  }
0xa8: {  	s20 =	sadd.s32 s6, s20;
	[sflag:s28] =	ssyncadd.s32 $0xFFFFFFB0  }
0xa9: {  	[tilespmem:s9], [sflag:$0x5] =	stream.linear.gather [hbm4b:s20+s3], $0x50, $0x38;
	[tilespmem:$0x1E400] =	vst v63  }
0xaa: {  	_ =	swait.ge [sflag:s28], $0x50  }
0xab: {  	[sflag:s28] =	ssyncset.done $0x0  }
0xac: {  	[sflag:s28] =	ssyncadd.s32 $0xFFFFFFB0  }
0xad: {  	[tilespmem:s10], [sflag:$0x3] =	stream.indirect.gather [hbm4b:s4+s30], $0x80, s8, s30, $0xb8;
	[tilespmem:$0x1E400] =	vst v63  }
0xae: {  	_ = 	snop  }
0xaf: {  	[spmem:s1] =	stream.indirect.scatter.add.f32 [tilespmem:s15], [sflag:$0x5], $0x80, s14, s30, $0xb8;
	[tilespmem:$0x1E400] =	vst v63  }
0xb0: {  	s22 =	sadd.s32 $0x28, s22;
	_ =	swait.ge [sflag:s28], $0x2800  }
0xb1: {  	s21 =	sadd.s32 $0x28, s23;
	s20 =	simm.s32 $0x320;
	[sflag:s28] =	ssyncset.done $0x0  }
.LBB2_4:
0xb2: {  	p0 =	sne.s32 s20, $0x28A0  }
0xb3: {  	[sflag:s28] =	ssyncadd.s32 $0xFFFFD800;
	s23 =	smov.u32 s20;
	s20 =	sadd.s32 $0x140, s20  }
0xb4: {  	_ = 	snop  }
0xb5: {  	_ =	swait.ge [sflag:s11], $0x2800  }
0xb6: {  	[sflag:s11] =	ssyncset.done $0x0  }
0xb7: {  	[sflag:s11] =	ssyncadd.s32 $0xFFFFD800  }
0xb8: {  	[tilespmem:s13], [sflag:$0x5] =	stream.linear.gather [hbm4b:s22+s3], $0x50, $0x38;
	[tilespmem:$0x1E400] =	vst v63  }
0xb9: {  	_ =	swait.ge [sflag:s28], $0x50  }
0xba: {  	[sflag:s28] =	ssyncset.done $0x0  }
0xbb: {  	[sflag:s28] =	ssyncadd.s32 $0xFFFFFFB0  }
0xbc: {  	[tilespmem:s14], [sflag:$0x5] =	stream.linear.gather [hbm4b:s21+s3], $0x50, $0x38;
	[tilespmem:$0x1E400] =	vst v63  }
0xbd: {  	_ =	swait.ge [sflag:s28], $0x50  }
0xbe: {  	[sflag:s28] =	ssyncset.done $0x0  }
0xbf: {  	[sflag:s28] =	ssyncadd.s32 $0xFFFFFFB0  }
0xc0: {  	[tilespmem:s15], [sflag:$0x4] =	stream.indirect.gather [hbm4b:s4+s30], $0x80, s13, s30, $0xb8;
	[tilespmem:$0x1E400] =	vst v63  }
0xc1: {  	_ = 	snop  }
0xc2: {  	[spmem:s1] =	stream.indirect.scatter.add.f32 [tilespmem:s26], [sflag:$0x5], $0x80, s29, s30, $0xb8;
	[tilespmem:$0x1E400] =	vst v63  }
0xc3: {  	s24 =	sadd.s32 $0xFFFFFFB0, s23;
	_ =	swait.ge [sflag:s28], $0x2800  }
0xc4: {  	p1 =	seq.s32 s23, $0x28A0;
	s25 =	sadd.s32 $0xFFFFFF60, s23;
	[sflag:s28] =	ssyncset.done $0x0  }
0xc5: {  	s25 =	simm.s32 @p1 $0x0;
	s24 =	simm.s32 @p1 $0x0;
	[sflag:s28] =	ssyncadd.s32 $0xFFFFD800  }
0xc6: {  	s25 =	sadd.s32 s12, s25;
	s24 =	sadd.s32 s12, s24;
	_ =	swait.ge [sflag:s16], $0x2800  }
0xc7: {  	s23 =	simm.s32 @p1 $0x0;
	s25 =	sshrl.u32 s25, $0x3;
	[sflag:s16] =	ssyncset.done $0x0  }
0xc8: {  	s23 =	sadd.s32 s12, s23;
	s7 =	sadd.s32 s5, s25;
	[sflag:s16] =	ssyncadd.s32 $0xFFFFD800  }
0xc9: {  	[tilespmem:s3], [sflag:$0x5] =	stream.linear.gather [hbm4b:s7+s3], $0x50, $0x38;
	[tilespmem:$0x1E400] =	vst v63  }
0xca: {  	s23 =	sshrl.u32 s23, $0x3;
	_ =	swait.ge [sflag:s28], $0x50  }
0xcb: {  	[sflag:s28] =	ssyncset.done $0x0  }
0xcc: {  	s7 =	sadd.s32 s6, s25;
	[sflag:s28] =	ssyncadd.s32 $0xFFFFFFB0  }
0xcd: {  	[tilespmem:s29], [sflag:$0x5] =	stream.linear.gather [hbm4b:s7+s3], $0x50, $0x38;
	[tilespmem:$0x1E400] =	vst v63  }
0xce: {  	_ =	swait.ge [sflag:s28], $0x50  }
0xcf: {  	[sflag:s28] =	ssyncset.done $0x0  }
0xd0: {  	[sflag:s28] =	ssyncadd.s32 $0xFFFFFFB0  }
0xd1: {  	[tilespmem:s26], [sflag:$0x1] =	stream.indirect.gather [hbm4b:s4+s30], $0x80, s3, s30, $0xb8;
	[tilespmem:$0x1E400] =	vst v63  }
0xd2: {  	_ = 	snop  }
0xd3: {  	[spmem:s1] =	stream.indirect.scatter.add.f32 [tilespmem:s2], [sflag:$0x5], $0x80, s0, s30, $0xb8;
	[tilespmem:$0x1E400] =	vst v63  }
0xd4: {  	_ =	swait.ge [sflag:s28], $0x2800  }
0xd5: {  	[sflag:s28] =	ssyncset.done $0x0  }
0xd6: {  	[sflag:s28] =	ssyncadd.s32 $0xFFFFD800  }
0xd7: {  	_ =	swait.ge [sflag:s17], $0x2800  }
0xd8: {  	s7 =	sshrl.u32 s24, $0x3;
	[sflag:s17] =	ssyncset.done $0x0  }
0xd9: {  	s24 =	sadd.s32 s5, s7;
	[sflag:s17] =	ssyncadd.s32 $0xFFFFD800  }
0xda: {  	[tilespmem:s31], [sflag:$0x5] =	stream.linear.gather [hbm4b:s24+s3], $0x50, $0x38;
	[tilespmem:$0x1E400] =	vst v63  }
0xdb: {  	_ =	swait.ge [sflag:s28], $0x50  }
0xdc: {  	[sflag:s28] =	ssyncset.done $0x0  }
0xdd: {  	s7 =	sadd.s32 s6, s7;
	[sflag:s28] =	ssyncadd.s32 $0xFFFFFFB0  }
0xde: {  	[tilespmem:s0], [sflag:$0x5] =	stream.linear.gather [hbm4b:s7+s3], $0x50, $0x38;
	[tilespmem:$0x1E400] =	vst v63  }
0xdf: {  	_ =	swait.ge [sflag:s28], $0x50  }
0xe0: {  	[sflag:s28] =	ssyncset.done $0x0  }
0xe1: {  	[sflag:s28] =	ssyncadd.s32 $0xFFFFFFB0  }
0xe2: {  	[tilespmem:s2], [sflag:$0x2] =	stream.indirect.gather [hbm4b:s4+s30], $0x80, s31, s30, $0xb8;
	[tilespmem:$0x1E400] =	vst v63  }
0xe3: {  	_ = 	snop  }
0xe4: {  	[spmem:s1] =	stream.indirect.scatter.add.f32 [tilespmem:s10], [sflag:$0x5], $0x80, s9, s30, $0xb8;
	[tilespmem:$0x1E400] =	vst v63  }
0xe5: {  	_ =	swait.ge [sflag:s28], $0x2800  }
0xe6: {  	[sflag:s28] =	ssyncset.done $0x0  }
0xe7: {  	[sflag:s28] =	ssyncadd.s32 $0xFFFFD800  }
0xe8: {  	_ =	swait.ge [sflag:s18], $0x2800  }
0xe9: {  	[sflag:s18] =	ssyncset.done $0x0  }
0xea: {  	s7 =	sadd.s32 s5, s23;
	[sflag:s18] =	ssyncadd.s32 $0xFFFFD800  }
0xeb: {  	[tilespmem:s8], [sflag:$0x5] =	stream.linear.gather [hbm4b:s7+s3], $0x50, $0x38;
	[tilespmem:$0x1E400] =	vst v63  }
0xec: {  	_ =	swait.ge [sflag:s28], $0x50  }
0xed: {  	[sflag:s28] =	ssyncset.done $0x0  }
0xee: {  	s7 =	sadd.s32 s6, s23;
	[sflag:s28] =	ssyncadd.s32 $0xFFFFFFB0  }
0xef: {  	[tilespmem:s9], [sflag:$0x5] =	stream.linear.gather [hbm4b:s7+s3], $0x50, $0x38;
	[tilespmem:$0x1E400] =	vst v63  }
0xf0: {  	_ =	swait.ge [sflag:s28], $0x50  }
0xf1: {  	[sflag:s28] =	ssyncset.done $0x0  }
0xf2: {  	[sflag:s28] =	ssyncadd.s32 $0xFFFFFFB0  }
0xf3: {  	[tilespmem:s10], [sflag:$0x3] =	stream.indirect.gather [hbm4b:s4+s30], $0x80, s8, s30, $0xb8;
	[tilespmem:$0x1E400] =	vst v63  }
.Ltmp1:
0xf4: {  	_ = 	snop;
	(pc) =	sbr.rel @p0 .LBB2_4-.Ltmp1, $4  }
0xf5: {  	_ = 	snop  }
0xf6: {  	[spmem:s1] =	stream.indirect.scatter.add.f32 [tilespmem:s15], [sflag:$0x5], $0x80, s14, s30, $0xb8;
	[tilespmem:$0x1E400] =	vst v63  }
0xf7: {  	_ =	swait.ge [sflag:s28], $0x2800  }
0xf8: {  	s22 =	sadd.s32 $0x28, s22;
	s21 =	sadd.s32 $0x28, s21;
	[sflag:s28] =	ssyncset.done $0x0  }
0xf9: {  	[sflag:s28] =	ssyncadd.s32 $0xFFFFD800  }
0xfa: {  	_ =	swait.ge [sflag:s11], $0x2800  }
0xfb: {  	[sflag:s11] =	ssyncset.done $0x0  }
0xfc: {  	[sflag:s11] =	ssyncadd.s32 $0xFFFFD800  }
0xfd: {  	_ =	swait.ge [sflag:s16], $0x2800  }
0xfe: {  	[sflag:s16] =	ssyncset.done $0x0  }
0xff: {  	[sflag:s16] =	ssyncadd.s32 $0xFFFFD800  }
0x100: {  	_ =	swait.ge [sflag:s17], $0x2800  }
0x101: {  	[sflag:s17] =	ssyncset.done $0x0  }
0x102: {  	[sflag:s17] =	ssyncadd.s32 $0xFFFFD800  }
0x103: {  	s7 =	stileid.u32;
	[bflag:$0x0] =	sbarrier.arrive $0xFFFF  }
0x104: {  	s7 =	sshll.u32 s7, $0x6;
	s22 =	rddreg [dreg:$0x3]  }
0x105: {  	s7 =	sor.u32 $0x1C05, s7;
	s21 =	rddreg [dreg:$0x11];
	s20 =	sshrl.u32 s22, $0x3  }
0x106: {  	[hbm:s21], [sflag:s7] =	dma.local [spmem:s20], $0x2800  }
0x107: {  	_ =	swait.ge [sflag:s28], $0x2800  }
0x108: {  	s19 =	sadd.s32 $0x1, s19;
	s25 =	rddreg [dreg:$0x12]  }
0x109: {  	p0 =	sne.s32 s19, s25  }
.Ltmp2:
0x10a: {  	_ = 	snop;
	(pc) =	sbr.rel @p0 .LBB2_1-.Ltmp2, $3  }
0x10b: {  	_ =	sdelay $0x1  }
0x10c: {  	[sflag:s28] =	ssyncset.done $0x0  }
0x10d: {  	[sflag:s28] =	ssyncadd.s32 $0xFFFFD800  }
0x10e: {  	_ =	sfence.sel $0x180000  }
0x10f: {  	[bflag:$0x0] =	sbarrier.arrive $0xFFFF  }
0x110: {  	_ =	strace $0x9000004A  }
0x111: {  	s0 =	stileid.u32;
	[bflag:$0x2] =	sbarrier.arrive $0xFFFF  }
0x112: {  	p0 =	sne.s32 s0, $0x0;
	s0 =	rddreg [dreg:$0x2]  }
0x113: {  	s0 =	sadd.s32 @!p0 $0x100000, s0  }
0x114: {  	[sflag:s0] =	ssyncadd.tile.s32 @!p0 $0x1;
	_ =	shalt  }
.Lfunc_end2:
_tile_overlayer_lowered:
.L_overlay_start_2:
0x115: {  	(tag) =	ssettag $0x2  }
0x116: {  	s0 =	rddreg [dreg:$0x0];
	s2 =	stileid.u32  }
0x117: {  	s1 =	rddreg [dreg:$0x1];
	p0 =	sne.s32 s2, $0x0  }
0x118: {  	s3 =	rddreg [dreg:$0x2];
	[bflag:$0x3] =	sbarrier.arrive $0xFFFF;
	s2 =	simm.s32 @!p0 $0x1C05  }
0x119: {  	[timem:s3], [sflag:s2] =	dma.local @!p0 [hbm:s0], s1  }
0x11a: {  	s0 =	simm.s32 @!p0 $0x5  }
0x11b: {  	_ =	swait.ge @!p0 [sflag:s0], s1  }
0x11c: {  	s1 =	ssub.s32 @!p0 $0x0, s1;
	[sflag:s0] =	ssyncset.done @!p0 $0x0  }
0x11d: {  	[sflag:s0] =	ssyncadd.s32 @!p0 s1  }
0x11e: {  	[bflag:$0x3] =	sbarrier.arrive $0xFFFF  }
0x11f: {  	_ =	shalt  }

// kernel: kernel.16.cloned.1.call-start
scs
__scs_entry_jumppad:
0x0: {  	(pc) =	sbr.rel $0x88, $3  }
0x1: {  	(tag) =	ssettag $0x0;
	lr =	simm.s32 $0x1  }
0x2: {  	[smem:$0x3F94] =	sst lr;
	_ =	strace $0xD0000000  }
0x3: {  	_ = 	snop  }
0x4: {  	_ = 	snop  }
0x5: {  	_ = 	snop  }
0x6: {  	_ = 	snop  }
0x7: {  	_ = 	snop  }
__scs_overlays_trampoline_lowered:
0x8: {  	[smem:$0x3FA3] =	sst s0  }
0x9: {  	[smem:$0x3FA4] =	sst s1  }
0xa: {  	[smem:$0x3FA5] =	sst s2  }
0xb: {  	[smem:$0x3FA6] =	sst s3  }
0xc: {  	[smem:$0x3FA7] =	sst s4  }
0xd: {  	[smem:$0x3FA8] =	sst s5  }
0xe: {  	[smem:$0x3FA9] =	sst s6  }
0xf: {  	[smem:$0x3FAA] =	sst s7  }
0x10: {  	[smem:$0x3FAB] =	sst s8  }
0x11: {  	[smem:$0x3FAC] =	sst s9;
	s0 =	simm.s32 @!p0 $0x0  }
0x12: {  	s1 =	sld [smem:$0x3F92];
	s0 =	simm.s32 @p0 $0x1  }
0x13: {  	[smem:$0x3FAD] =	sst s0;
	s0 =	simm.s32 @!p1 $0x0  }
0x14: {  	s2 =	sld [smem:$0x3F91];
	s0 =	simm.s32 @p1 $0x1  }
0x15: {  	[smem:$0x3FAE] =	sst s0;
	s0 =	simm.s32 @!p2 $0x0  }
0x16: {  	s3 =	sld [smem:$0x3FDB];
	s0 =	simm.s32 @p2 $0x1  }
0x17: {  	s4 =	simm.s32 $0x1BF5;
	[smem:$0x3FB0] =	sst s0  }
0x18: {  	s0 =	sld [smem:$0x3F93];
	_ =	swait.ge [sflag:s4], $0x0  }
0x19: {  	s7 =	sld [smem:$0x3F94]  }
0x1a: {  	s8 =	sadd.s32 $0xFFFFE003, lr  }
0x1b: {  	s9 =	sadd.s32 $0xFFFFFEF7, lr;
	s5 =	simm.s32 $0xFFFFFFFF;
	p2 =	slt.u32 s8, $0xFFFFF086  }
0x1c: {  	p1 =	slt.u32 s9, $0xF7A;
	s5 =	simm.s32 @!p2 $0x0  }
0x1d: {  	s5 =	simm.s32 @p1 $0x1;
	p0 =	seq.s32 s7, s2  }
0x1e: {  	s7 =	smul.u32 @!p0 $0xF7A, s2;
	p2 =	seq.s32 @!p0 s5, $0x0  }
0x1f: {  	s9 =	smul.u32 $0xF7A, s1;
	s8 =	simm.s32 @!p0 $0x1BF5;
	p2 =	por !p2, p0  }
0x20: {  	[sflag:s8] =	ssyncset.s32 @!p0 $0xFFFFF086;
	s6 =	sadd.s32 @!p0 s3, s7;
	s7 =	simm.s32 @!p0 $0x108  }
0x21: {  	s3 =	sadd.s32 s3, s9;
	s6 =	sadd.s32 @!p0 $0x88, s6;
	s7 =	simm.s32 @p2 $0x1082  }
0x22: {  	[simem:s7], [sflag:s8] =	dma.local @!p0 [hbm:s6], $0xF7A  }
0x23: {  	s9 =	sor.u32 $0xD0000000, s2;
	s6 =	simm.s32 $0x108;
	_ =	swait.ge @!p0 [sflag:s8], $0x0  }
0x24: {  	s3 =	sadd.s32 $0x88, s3;
	s6 =	simm.s32 @!p1 $0x1082;
	[sflag:s4] =	ssyncset.s32 $0xFFFFF086  }
0x25: {  	[simem:s6], [sflag:s4] =	dma.local [hbm:s3], $0xF7A  }
0x26: {  	[smem:$0x3F94] =	sst s1;
	(tag) =	ssettag s2;
	_ =	strace s9  }
0x27: {  	s1 =	sld [smem:$0x3FA4]  }
0x28: {  	s2 =	sld [smem:$0x3FA5]  }
0x29: {  	s4 =	sld [smem:$0x3FA7]  }
0x2a: {  	p0 =	seq.s32 s5, $0x0;
	s5 =	sld [smem:$0x3FA8]  }
0x2b: {  	s6 =	sld [smem:$0x3FA9]  }
0x2c: {  	s7 =	sld [smem:$0x3FAA]  }
0x2d: {  	s3 =	simm.s32 $0x108;
	s8 =	sld [smem:$0x3FAB]  }
0x2e: {  	s3 =	simm.s32 @!p0 $0x1082;
	s9 =	sld [smem:$0x3FAC]  }
0x2f: {  	lr =	sadd.s32 s0, s3;
	s0 =	sld [smem:$0x3FA3]  }
0x30: {  	s3 =	sld [smem:$0x3FA6]  }
0x31: {  	[smem:$0x3FAF] =	sst s10  }
0x32: {  	s10 =	sld [smem:$0x3FAD];
	_ =	sdelay $0x3  }
0x33: {  	p0 =	seq.s32 s10, $0x1;
	s10 =	sld [smem:$0x3FAF];
	_ =	sdelay $0x3  }
0x34: {  	[smem:$0x3FAF] =	sst s10  }
0x35: {  	s10 =	sld [smem:$0x3FAE];
	_ =	sdelay $0x3  }
0x36: {  	p1 =	seq.s32 s10, $0x1;
	s10 =	sld [smem:$0x3FAF];
	_ =	sdelay $0x3  }
0x37: {  	[smem:$0x3FAF] =	sst s10  }
0x38: {  	s10 =	sld [smem:$0x3FB0]  }
0x39: {  	_ = 	snop;
	(pc) =	sbr.ind lr, $3  }
0x3a: {  	_ = 	snop  }
0x3b: {  	_ = 	snop  }
0x3c: {  	p2 =	seq.s32 s10, $0x1;
	s10 =	sld [smem:$0x3FAF]  }
0x3d: {  	_ =	shalt  }
0x3e: {  	_ =	shalt  }
0x3f: {  	_ =	shalt  }
0x40: {  	_ =	shalt  }
0x41: {  	_ =	shalt  }
0x42: {  	_ =	shalt  }
0x43: {  	_ =	shalt  }
0x44: {  	_ =	shalt  }
0x45: {  	_ =	shalt  }
0x46: {  	_ =	shalt  }
0x47: {  	_ =	shalt  }
0x48: {  	_ =	shalt  }
0x49: {  	_ =	shalt  }
0x4a: {  	_ =	shalt  }
0x4b: {  	_ =	shalt  }
0x4c: {  	_ =	shalt  }
0x4d: {  	_ =	shalt  }
0x4e: {  	_ =	shalt  }
0x4f: {  	_ =	shalt  }
0x50: {  	_ =	shalt  }
0x51: {  	_ =	shalt  }
0x52: {  	_ =	shalt  }
0x53: {  	_ =	shalt  }
0x54: {  	_ =	shalt  }
0x55: {  	_ =	shalt  }
0x56: {  	_ =	shalt  }
0x57: {  	_ =	shalt  }
0x58: {  	_ =	shalt  }
0x59: {  	_ =	shalt  }
0x5a: {  	_ =	shalt  }
0x5b: {  	_ =	shalt  }
0x5c: {  	_ =	shalt  }
0x5d: {  	_ =	shalt  }
0x5e: {  	_ =	shalt  }
0x5f: {  	_ =	shalt  }
0x60: {  	_ =	shalt  }
0x61: {  	_ =	shalt  }
0x62: {  	_ =	shalt  }
0x63: {  	_ =	shalt  }
0x64: {  	_ =	shalt  }
0x65: {  	_ =	shalt  }
0x66: {  	_ =	shalt  }
0x67: {  	_ =	shalt  }
0x68: {  	_ =	shalt  }
0x69: {  	_ =	shalt  }
0x6a: {  	_ =	shalt  }
0x6b: {  	_ =	shalt  }
0x6c: {  	_ =	shalt  }
0x6d: {  	_ =	shalt  }
0x6e: {  	_ =	shalt  }
0x6f: {  	_ =	shalt  }
0x70: {  	_ =	shalt  }
0x71: {  	_ =	shalt  }
0x72: {  	_ =	shalt  }
0x73: {  	_ =	shalt  }
0x74: {  	_ =	shalt  }
0x75: {  	_ =	shalt  }
0x76: {  	_ =	shalt  }
0x77: {  	_ =	shalt  }
0x78: {  	_ =	shalt  }
0x79: {  	_ =	shalt  }
0x7a: {  	_ =	shalt  }
0x7b: {  	_ =	shalt  }
0x7c: {  	_ =	shalt  }
0x7d: {  	_ =	shalt  }
0x7e: {  	_ =	shalt  }
0x7f: {  	_ =	shalt  }
0x80: {  	_ =	shalt  }
0x81: {  	_ =	shalt  }
0x82: {  	_ =	shalt  }
0x83: {  	_ =	shalt  }
0x84: {  	_ =	shalt  }
0x85: {  	_ =	shalt  }
0x86: {  	_ =	shalt  }
0x87: {  	_ =	shalt  }
.Lfunc_end0:
.L_simem_size_0:
called_computation.2_lowered:
.L_overlay_start_0:
0x88: {  	s2 =	sld [smem:$0x3FD9]  }
0x89: {  	s3 =	sld [smem:$0x3FFE];
	_ =	sdelay $0x1  }
0x8a: {  	s1 =	srdreg.scid  }
0x8b: {  	s0 =	sand.u32 $0x1, s1  }
0x8c: {  	s16 =	sshll.u32 s0, $0xA;
	s2 =	sadd.s32 s3, s2  }
0x8d: {  	s2 =	sadd.s32 s2, s16  }
0x8e: {  	[smem:$0x3FBB] =	sst s2  }
0x8f: {  	_ = 	snop  }
0x90: {  	(tm) =	ssettm $0x1  }
0x91: {  	s17 =	sld [smem:$0x3FFB];
	_ =	sdelay $0x3  }
0x92: {  	_ =	strace s17  }
0x93: {  	s2 =	sld [smem:$0x3FFC];
	_ =	sdelay $0x3  }
0x94: {  	_ =	strace s2  }
0x95: {  	s2 =	sld [smem:$0x3FFD];
	_ =	sdelay $0x3  }
0x96: {  	_ =	strace s2  }
0x97: {  	_ =	strace $0x8FFFFFFF  }
0x98: {  	s18 =	sld [smem:$0x3FDB];
	_ =	sdelay $0x1  }
0x99: {  	s19 =	simm.s32 $_scs_section_size  }
0x9a: {  	s4 =	simm.s32 $_size__tile_overlayer_lowered;
	s5 =	simm.s32 $_tile_overlayer_lowered  }
0x9b: {  	s22 =	simm.s32 $0x1BFF;
	s21 =	sshll.u32 s5, $0x1;
	s2 =	sadd.s32 s19, s18  }
0x9c: {  	s6 =	simm.s32 $0x0;
	s20 =	sshll.u32 s4, $0x1;
	s4 =	sadd.s32 s21, s2  }
0x9d: {  	[timem:s6], [sflag:s22] =	dma.local [hbm:s4], s20  }
0x9e: {  	_ =	swait.ge [sflag:s22], s20  }
0x9f: {  	s3 =	ssub.s32 $0x0, s20;
	[sflag:s22] =	ssyncset.done $0x0  }
0xa0: {  	[sflag:s22] =	ssyncadd.s32 s3;
	_ =	sdelay $0x1  }
0xa1: {  	s23 =	simm.s32 $0x1B8B  }
0xa2: {  	_ =	swait.ge [sflag:s23], $0x1  }
0xa3: {  	[sflag:s23] =	ssyncset.done $0x0  }
0xa4: {  	s25 =	simm.s32 $0x1B8E;
	s24 =	sld [smem:$0x3FFE];
	[sflag:s23] =	ssyncadd.s32 $0xFFFFFFFF  }
0xa5: {  	s26 =	simm.s32 $execute0_lowered;
	[smem:$0x3FD2] =	sst s25  }
0xa6: {  	s4 =	sshll.u32 s26, $0x1;
	_ =	strace $0x8000004C;
	[dreg:$0x1] =	wrdreg $0xFFFFFFFF  }
0xa7: {  	s28 =	simm.s32 $_size_execute0_lowered;
	s2 =	sadd.s32 s2, s4;
	[dreg:$0x0] =	wrdreg $0x0  }
0xa8: {  	s4 =	sshll.u32 s28, $0x1;
	[dreg:$0x2] =	wrdreg s2  }
0xa9: {  	[dreg:$0x3] =	wrdreg s4  }
0xaa: {  	[dreg:$0x4] =	wrdreg $0xC0  }
0xab: {  	_ =	task [dreg:s6], $0x5FFFF  }
0xac: {  	[dreg:$0x1] =	wrdreg $0xFFFFFFFF  }
0xad: {  	[dreg:$0x0] =	wrdreg $0x60  }
0xae: {  	[dreg:$0x2] =	wrdreg s24  }
0xaf: {  	[dreg:$0x3] =	wrdreg $0xA4000  }
0xb0: {  	[dreg:$0x4] =	wrdreg $0x9  }
0xb1: {  	_ =	task.clear_ibuf [dreg:s6], $0x5FFFF;
	_ =	strace $0x9000004C  }
0xb2: {  	s29 =	simm.s32 $0x9;
	_ =	strace $0x8000004E  }
0xb3: {  	_ =	swait.ge [sflag:s29], $0x1  }
0xb4: {  	[sflag:s29] =	ssyncadd.s32 $0xFFFFFFFF  }
0xb5: {  	_ =	strace $0x9000004E  }
0xb6: {  	_ =	sfence  }
0xb7: {  	s30 =	sld [smem:$0x0];
	_ =	sdelay $0x2  }
0xb8: {  	s31 =	sshll.u32 s1, $0xD;
	s1 =	sshrl.u32 s1, $0x2  }
0xb9: {  	s3 =	sand.u32 $0x4000, s31;
	s1 =	sadd.s32 s1, s30  }
0xba: {  	s0 =	sor.u32 s3, s0;
	s1 =	sshll.u32 s1, $0x11  }
0xbb: {  	s0 =	sor.u32 s1, s0  }
0xbc: {  	s0 =	sadd.s32 $0x8F2B, s0  }
0xbd: {  	[sflag:s0] =	ssyncadd.remote.s32 $0x1  }
0xbe: {  	_ =	sfence.sel $0xFFFF  }
0xbf: {  	[dreg:$0x0] =	wrdreg $0xFFFFFFFF;
	(pc) =	sbr.abs _section_cstart, $3  }
0xc0: {  	[dreg:$0x1] =	wrdreg $0xFFFFFFFF  }
0xc1: {  	_ =	task.clear_ibuf [dreg:s6], $0x2FFFF;
	_ =	strace $0x9FFFFFFF  }
0xc2: {  	(tm) =	ssettm $0x7FFFFFFF  }
0xc3: {  	_ =	shalt  }
tec
execute0_lowered:
.L_overlay_start_1:
0x0: {  	(tag) =	ssettag $0x1  }
0x1: {  	s0 =	rddreg [dreg:$0x0]  }
0x2: {  	s1 =	rddreg [dreg:$0x1]  }
0x3: {  	s2 =	srdreg.scid;
	s3 =	simm.s32 $0x0;
	s11 =	stileid.u32  }
0x4: {  	s28 =	simm.s32 $0x5;
	s29 =	simm.s32 $0x200;
	s7 =	smul.u32 $0x14000, s11  }
0x5: {  	s30 =	simm.s32 $0x50;
	s31 =	simm.s32 $0x80;
	s8 =	smul.u32 $0x50000, s11  }
0x6: {  	s2 =	sand.u32 $0x1, s2;
	[smem:$0x7FF] =	sst s3;
	s15 =	smul.u32 $0x2800, s11  }
0x7: {  	s4 =	sadd.s32 $0xD800, s0;
	s5 =	sadd.s32 $0x5D800, s0;
	s6 =	smul.u32 $0x140000, s2  }
0x8: {  	_ =	strace $0x8000004D;
	s9 =	ssub.s32 $0x2, s2;
	s10 =	sshll.u32 s2, $0x4  }
0x9: {  	s2 =	smul.u32 $0x28000, s2;
	s20 =	sshrl.u32 s9, $0x1;
	s8 =	sshrl.u32 s8, $0x2  }
0xa: {  	s21 =	sor.u32 s11, s10;
	s11 =	simm.s32 $0x1;
	s22 =	sadd.s32 s8, s1  }
0xb: {  	s7 =	sadd.s32 s7, s6;
	s23 =	sadd.s32 $0x2800, s22;
	[dreg:$0x3] =	wrdreg s22  }
0xc: {  	s6 =	sadd.s32 $0x3800, s0;
	s24 =	sadd.s32 $0x5000, s22;
	[dreg:$0x4] =	wrdreg s23  }
0xd: {  	s9 =	ssub.s32 s9, s20;
	s25 =	sadd.s32 $0x7800, s22;
	[dreg:$0x5] =	wrdreg s24  }
0xe: {  	s12 =	smul.u32 $0x2800, s21;
	s26 =	sadd.s32 $0xA000, s22;
	[dreg:$0x6] =	wrdreg s25  }
0xf: {  	s2 =	sadd.s32 s15, s2;
	s10 =	sadd.s32 $0xC800, s22;
	[dreg:$0x7] =	wrdreg s26  }
0x10: {  	s15 =	simm.s32 $0x7C00;
	s13 =	sadd.s32 $0xF000, s22;
	[dreg:$0x8] =	wrdreg s10  }
0x11: {  	s7 =	sshrl.u32 s7, $0x3;
	s14 =	sadd.s32 $0x11800, s22;
	[dreg:$0x9] =	wrdreg s13  }
0x12: {  	s2 =	sor.u32 $0xF0, s2;
	s0 =	sadd.s32 s7, s0;
	[dreg:$0xa] =	wrdreg s14  }
0x13: {  	s8 =	sshrl.u32 s12, $0x3;
	s24 =	sshrl.u32 s2, $0x3;
	s25 =	smax.u32 s9, $0x1  }
0x14: {  	s2 =	simm.s32 $0x2C00;
	s9 =	simm.s32 $0x300;
	s10 =	simm.s32 $0x5400  }
0x15: {  	s13 =	simm.s32 $0x180;
	s16 =	sadd.s32 s5, s8;
	[dreg:$0x12] =	wrdreg s25  }
0x16: {  	s14 =	simm.s32 $0x380;
	s17 =	sadd.s32 s6, s8;
	[dreg:$0xb] =	wrdreg s16  }
0x17: {  	s18 =	sor.u32 $0xA, s8;
	s0 =	sadd.s32 $0x67800, s0;
	[dreg:$0xc] =	wrdreg s17  }
0x18: {  	s8 =	sor.u32 $0x14, s8;
	s26 =	sadd.s32 s24, s6;
	[dreg:$0x11] =	wrdreg s0  }
0x19: {  	s19 =	sadd.s32 s5, s18;
	s20 =	sadd.s32 s6, s18;
	[dreg:$0x13] =	wrdreg s26  }
0x1a: {  	s21 =	sadd.s32 s5, s8;
	s23 =	sadd.s32 s6, s8;
	[dreg:$0xd] =	wrdreg s19  }
0x1b: {  	s0 =	sadd.s32 s24, s5;
	s26 =	simm.s32 $0x400;
	[dreg:$0xe] =	wrdreg s20  }
0x1c: {  	s8 =	simm.s32 $0x100;
	s16 =	simm.s32 $0x2;
	[dreg:$0xf] =	wrdreg s21  }
0x1d: {  	s17 =	simm.s32 $0x3;
	s18 =	simm.s32 $0x4;
	[dreg:$0x10] =	wrdreg s23  }
0x1e: {  	v0 =	vimm.f32 $0.0e+00;
	[dreg:$0x14] =	wrdreg s0;
	s0 =	simm.s32 $0x280;
	s19 =	simm.s32 $0x0  }
.LBB2_1:
0x1f: {  	s20 =	simm.s32 $0x0;
	s21 =	simm.s32 $0x200  }
.LBB2_2:
0x20: {  	p0 =	sne.s32 s21, $0x9E00;
	[tilespmem:s20+$0x470] =	vst v0  }
0x21: {  	[tilespmem:s20+$0x400] =	vst v0  }
0x22: {  	[tilespmem:s20+$0x410] =	vst v0  }
.Ltmp0:
0x23: {  	[tilespmem:s20+$0x420] =	vst v0;
	(pc) =	sbr.rel @p0 .LBB2_2-.Ltmp0, $4  }
0x24: {  	[tilespmem:s20+$0x430] =	vst v0  }
0x25: {  	[tilespmem:s20+$0x440] =	vst v0  }
0x26: {  	[tilespmem:s20+$0x450] =	vst v0  }
0x27: {  	[tilespmem:s20+$0x460] =	vst v0;
	s20 =	sshra.s32 s21, $0x2;
	s21 =	sadd.s32 $0x200, s21  }
0x28: {  	[tilespmem:s20+$0x470] =	vst v0  }
0x29: {  	[tilespmem:s20+$0x400] =	vst v0  }
0x2a: {  	[tilespmem:s20+$0x410] =	vst v0  }
0x2b: {  	[tilespmem:s20+$0x420] =	vst v0  }
0x2c: {  	[tilespmem:s20+$0x430] =	vst v0  }
0x2d: {  	[tilespmem:s20+$0x440] =	vst v0  }
0x2e: {  	[tilespmem:s20+$0x450] =	vst v0  }
0x2f: {  	[tilespmem:s20+$0x460] =	vst v0  }
0x30: {  	[spmem:s22] =	stream.linear.scatter [tilespmem:s26], [sflag:$0x5], $0x2800, $0x38;
	[tilespmem:$0x1E400] =	vst v63  }
0x31: {  	_ =	swait.ge [sflag:s28], $0x2800  }
0x32: {  	[sflag:s28] =	ssyncset.done $0x0  }
0x33: {  	s7 =	rddreg [dreg:$0x4];
	[sflag:s28] =	ssyncadd.s32 $0xFFFFD800  }
0x34: {  	[spmem:s7] =	stream.linear.scatter [tilespmem:s26], [sflag:$0x5], $0x2800, $0x38;
	[tilespmem:$0x1E400] =	vst v63  }
0x35: {  	_ =	swait.ge [sflag:s28], $0x2800  }
0x36: {  	[sflag:s28] =	ssyncset.done $0x0  }
0x37: {  	s23 =	rddreg [dreg:$0x5];
	[sflag:s28] =	ssyncadd.s32 $0xFFFFD800  }
0x38: {  	[spmem:s23] =	stream.linear.scatter [tilespmem:s26], [sflag:$0x5], $0x2800, $0x38;
	[tilespmem:$0x1E400] =	vst v63  }
0x39: {  	_ =	swait.ge [sflag:s28], $0x2800  }
0x3a: {  	[sflag:s28] =	ssyncset.done $0x0  }
0x3b: {  	s24 =	rddreg [dreg:$0x6];
	[sflag:s28] =	ssyncadd.s32 $0xFFFFD800  }
0x3c: {  	[spmem:s24] =	stream.linear.scatter [tilespmem:s26], [sflag:$0x5], $0x2800, $0x38;
	[tilespmem:$0x1E400] =	vst v63  }
0x3d: {  	_ =	swait.ge [sflag:s28], $0x2800  }
0x3e: {  	[sflag:s28] =	ssyncset.done $0x0  }
0x3f: {  	s25 =	rddreg [dreg:$0x7];
	[sflag:s28] =	ssyncadd.s32 $0xFFFFD800  }
0x40: {  	[spmem:s25] =	stream.linear.scatter [tilespmem:s26], [sflag:$0x5], $0x2800, $0x38;
	[tilespmem:$0x1E400] =	vst v63  }
0x41: {  	_ =	swait.ge [sflag:s28], $0x2800  }
0x42: {  	[sflag:s28] =	ssyncset.done $0x0  }
0x43: {  	s20 =	rddreg [dreg:$0x8];
	[sflag:s28] =	ssyncadd.s32 $0xFFFFD800  }
0x44: {  	[spmem:s20] =	stream.linear.scatter [tilespmem:s26], [sflag:$0x5], $0x2800, $0x38;
	[tilespmem:$0x1E400] =	vst v63  }
0x45: {  	_ =	swait.ge [sflag:s28], $0x2800  }
0x46: {  	[sflag:s28] =	ssyncset.done $0x0  }
0x47: {  	s21 =	rddreg [dreg:$0x9];
	[sflag:s28] =	ssyncadd.s32 $0xFFFFD800  }
0x48: {  	[spmem:s21] =	stream.linear.scatter [tilespmem:s26], [sflag:$0x5], $0x2800, $0x38;
	[tilespmem:$0x1E400] =	vst v63  }
0x49: {  	_ =	swait.ge [sflag:s28], $0x2800  }
0x4a: {  	[sflag:s28] =	ssyncset.done $0x0  }
0x4b: {  	s22 =	rddreg [dreg:$0xa];
	[sflag:s28] =	ssyncadd.s32 $0xFFFFD800  }
0x4c: {  	[spmem:s22] =	stream.linear.scatter [tilespmem:s26], [sflag:$0x5], $0x2800, $0x38;
	[tilespmem:$0x1E400] =	vst v63  }
0x4d: {  	_ =	swait.ge [sflag:s28], $0x2800  }
0x4e: {  	[sflag:s28] =	ssyncset.done $0x0  }
0x4f: {  	[sflag:s28] =	ssyncadd.s32 $0xFFFFD800  }
0x50: {  	[bflag:$0x0] =	sbarrier.arrive $0xFFFF  }
0x51: {  	s23 =	rddreg [dreg:$0xb]  }
0x52: {  	[tilespmem:s3], [sflag:$0x5] =	stream.linear.gather [hbm4b:s23+s3], $0x50, $0x38;
	[tilespmem:$0x1E400] =	vst v63  }
0x53: {  	_ =	swait.ge [sflag:s28], $0x50  }
0x54: {  	[sflag:s28] =	ssyncset.done $0x0  }
0x55: {  	s24 =	rddreg [dreg:$0xc];
	[sflag:s28] =	ssyncadd.s32 $0xFFFFFFB0  }
0x56: {  	[tilespmem:s29], [sflag:$0x5] =	stream.linear.gather [hbm4b:s24+s3], $0x50, $0x38;
	[tilespmem:$0x1E400] =	vst v63  }
0x57: {  	_ =	swait.ge [sflag:s28], $0x50  }
0x58: {  	[sflag:s28] =	ssyncset.done $0x0  }
0x59: {  	[sflag:s28] =	ssyncadd.s32 $0xFFFFFFB0  }
0x5a: {  	[tilespmem:s26], [sflag:$0x1] =	stream.indirect.gather [hbm4b:s4+s30], $0x80, s3, s30, $0xb8;
	[tilespmem:$0x1E400] =	vst v63  }
0x5b: {  	s25 =	rddreg [dreg:$0xd]  }
0x5c: {  	[tilespmem:s31], [sflag:$0x5] =	stream.linear.gather [hbm4b:s25+s3], $0x50, $0x38;
	[tilespmem:$0x1E400] =	vst v63  }
0x5d: {  	_ =	swait.ge [sflag:s28], $0x50  }
0x5e: {  	[sflag:s28] =	ssyncset.done $0x0  }
0x5f: {  	s20 =	rddreg [dreg:$0xe];
	[sflag:s28] =	ssyncadd.s32 $0xFFFFFFB0  }
0x60: {  	[tilespmem:s0], [sflag:$0x5] =	stream.linear.gather [hbm4b:s20+s3], $0x50, $0x38;
	[tilespmem:$0x1E400] =	vst v63  }
0x61: {  	_ =	swait.ge [sflag:s28], $0x50  }
0x62: {  	[sflag:s28] =	ssyncset.done $0x0  }
0x63: {  	[sflag:s28] =	ssyncadd.s32 $0xFFFFFFB0  }
0x64: {  	[tilespmem:s2], [sflag:$0x2] =	stream.indirect.gather [hbm4b:s4+s30], $0x80, s31, s30, $0xb8;
	[tilespmem:$0x1E400] =	vst v63  }
0x65: {  	s21 =	rddreg [dreg:$0xf]  }
0x66: {  	[tilespmem:s8], [sflag:$0x5] =	stream.linear.gather [hbm4b:s21+s3], $0x50, $0x38;
	[tilespmem:$0x1E400] =	vst v63  }
0x67: {  	_ =	swait.ge [sflag:s28], $0x50  }
0x68: {  	[sflag:s28] =	ssyncset.done $0x0  }
0x69: {  	s22 =	rddreg [dreg:$0x10];
	[sflag:s28] =	ssyncadd.s32 $0xFFFFFFB0  }
0x6a: {  	[tilespmem:s9], [sflag:$0x5] =	stream.linear.gather [hbm4b:s22+s3], $0x50, $0x38;
	[tilespmem:$0x1E400] =	vst v63  }
0x6b: {  	_ =	swait.ge [sflag:s28], $0x50  }
0x6c: {  	[sflag:s28] =	ssyncset.done $0x0  }
0x6d: {  	[sflag:s28] =	ssyncadd.s32 $0xFFFFFFB0  }
0x6e: {  	[tilespmem:s10], [sflag:$0x3] =	stream.indirect.gather [hbm4b:s4+s30], $0x80, s8, s30, $0xb8;
	[tilespmem:$0x1E400] =	vst v63  }
0x6f: {  	_ =	swait.ge [sflag:s11], $0x2800  }
0x70: {  	[sflag:s11] =	ssyncset.done $0x0  }
0x71: {  	s22 =	rddreg [dreg:$0x14];
	[sflag:s11] =	ssyncadd.s32 $0xFFFFD800  }
0x72: {  	[tilespmem:s13], [sflag:$0x5] =	stream.linear.gather [hbm4b:s22+s3], $0x50, $0x38;
	[tilespmem:$0x1E400] =	vst v63  }
0x73: {  	_ =	swait.ge [sflag:s28], $0x50  }
0x74: {  	[sflag:s28] =	ssyncset.done $0x0  }
0x75: {  	s23 =	rddreg [dreg:$0x13];
	[sflag:s28] =	ssyncadd.s32 $0xFFFFFFB0  }
0x76: {  	[tilespmem:s14], [sflag:$0x5] =	stream.linear.gather [hbm4b:s23+s3], $0x50, $0x38;
	[tilespmem:$0x1E400] =	vst v63  }
0x77: {  	_ =	swait.ge [sflag:s28], $0x50  }
0x78: {  	[sflag:s28] =	ssyncset.done $0x0  }
0x79: {  	[sflag:s28] =	ssyncadd.s32 $0xFFFFFFB0  }
0x7a: {  	[tilespmem:s15], [sflag:$0x4] =	stream.indirect.gather [hbm4b:s4+s30], $0x80, s13, s30, $0xb8;
	[tilespmem:$0x1E400] =	vst v63  }
0x7b: {  	_ = 	snop  }
0x7c: {  	[spmem:s1] =	stream.indirect.scatter.add.f32 [tilespmem:s26], [sflag:$0x5], $0x80, s29, s30, $0xb8;
	[tilespmem:$0x1E400] =	vst v63  }
0x7d: {  	_ =	swait.ge [sflag:s28], $0x2800  }
0x7e: {  	p0 =	por $0x0, $0x0;
	s20 =	simm.s32 $0x140;
	[sflag:s28] =	ssyncset.done $0x0  }
0x7f: {  	s20 =	simm.s32 @p0 $0x0;
	[sflag:s28] =	ssyncadd.s32 $0xFFFFD800  }
0x80: {  	s20 =	sadd.s32 s12, s20;
	_ =	swait.ge [sflag:s16], $0x2800  }
0x81: {  	s20 =	sshrl.u32 s20, $0x3;
	[sflag:s16] =	ssyncset.done $0x0  }
0x82: {  	s21 =	sadd.s32 s5, s20;
	[sflag:s16] =	ssyncadd.s32 $0xFFFFD800  }
0x83: {  	[tilespmem:s3], [sflag:$0x5] =	stream.linear.gather [hbm4b:s21+s3], $0x50, $0x38;
	[tilespmem:$0x1E400] =	vst v63  }
0x84: {  	_ =	swait.ge [sflag:s28], $0x50  }
0x85: {  	[sflag:s28] =	ssyncset.done $0x0  }
0x86: {  	s20 =	sadd.s32 s6, s20;
	[sflag:s28] =	ssyncadd.s32 $0xFFFFFFB0  }
0x87: {  	[tilespmem:s29], [sflag:$0x5] =	stream.linear.gather [hbm4b:s20+s3], $0x50, $0x38;
	[tilespmem:$0x1E400] =	vst v63  }
0x88: {  	_ =	swait.ge [sflag:s28], $0x50  }
0x89: {  	[sflag:s28] =	ssyncset.done $0x0  }
0x8a: {  	[sflag:s28] =	ssyncadd.s32 $0xFFFFFFB0  }
0x8b: {  	[tilespmem:s26], [sflag:$0x1] =	stream.indirect.gather [hbm4b:s4+s30], $0x80, s3, s30, $0xb8;
	[tilespmem:$0x1E400] =	vst v63  }
0x8c: {  	_ = 	snop  }
0x8d: {  	[spmem:s1] =	stream.indirect.scatter.add.f32 [tilespmem:s2], [sflag:$0x5], $0x80, s0, s30, $0xb8;
	[tilespmem:$0x1E400] =	vst v63  }
0x8e: {  	_ =	swait.ge [sflag:s28], $0x2800  }
0x8f: {  	s20 =	simm.s32 $0x190;
	[sflag:s28] =	ssyncset.done $0x0  }
0x90: {  	s20 =	simm.s32 @p0 $0x0;
	[sflag:s28] =	ssyncadd.s32 $0xFFFFD800  }
0x91: {  	s20 =	sadd.s32 s12, s20;
	_ =	swait.ge [sflag:s17], $0x2800  }
0x92: {  	s20 =	sshrl.u32 s20, $0x3;
	[sflag:s17] =	ssyncset.done $0x0  }
0x93: {  	s24 =	sadd.s32 s5, s20;
	[sflag:s17] =	ssyncadd.s32 $0xFFFFD800  }
0x94: {  	[tilespmem:s31], [sflag:$0x5] =	stream.linear.gather [hbm4b:s24+s3], $0x50, $0x38;
	[tilespmem:$0x1E400] =	vst v63  }
0x95: {  	_ =	swait.ge [sflag:s28], $0x50  }
0x96: {  	[sflag:s28] =	ssyncset.done $0x0  }
0x97: {  	s20 =	sadd.s32 s6, s20;
	[sflag:s28] =	ssyncadd.s32 $0xFFFFFFB0  }
0x98: {  	[tilespmem:s0], [sflag:$0x5] =	stream.linear.gather [hbm4b:s20+s3], $0x50, $0x38;
	[tilespmem:$0x1E400] =	vst v63  }
0x99: {  	_ =	swait.ge [sflag:s28], $0x50  }
0x9a: {  	[sflag:s28] =	ssyncset.done $0x0  }
0x9b: {  	[sflag:s28] =	ssyncadd.s32 $0xFFFFFFB0  }
0x9c: {  	[tilespmem:s2], [sflag:$0x2] =	stream.indirect.gather [hbm4b:s4+s30], $0x80, s31, s30, $0xb8;
	[tilespmem:$0x1E400] =	vst v63  }
0x9d: {  	_ = 	snop  }
0x9e: {  	[spmem:s1] =	stream.indirect.scatter.add.f32 [tilespmem:s10], [sflag:$0x5], $0x80, s9, s30, $0xb8;
	[tilespmem:$0x1E400] =	vst v63  }
0x9f: {  	_ =	swait.ge [sflag:s28], $0x2800  }
0xa0: {  	s20 =	simm.s32 $0x1E0;
	[sflag:s28] =	ssyncset.done $0x0  }
0xa1: {  	s20 =	simm.s32 @p0 $0x0;
	[sflag:s28] =	ssyncadd.s32 $0xFFFFD800  }
0xa2: {  	s20 =	sadd.s32 s12, s20;
	_ =	swait.ge [sflag:s18], $0x2800  }
0xa3: {  	s20 =	sshrl.u32 s20, $0x3;
	[sflag:s18] =	ssyncset.done $0x0  }
0xa4: {  	s25 =	sadd.s32 s5, s20;
	[sflag:s18] =	ssyncadd.s32 $0xFFFFD800  }
0xa5: {  	[tilespmem:s8], [sflag:$0x5] =	stream.linear.gather [hbm4b:s25+s3], $0x50, $0x38;
	[tilespmem:$0x1E400] =	vst v63  }
0xa6: {  	_ =	swait.ge [sflag:s28], $0x50  }
0xa7: {  	[sflag:s28] =	ssyncset.done $0x0  }
0xa8: {  	s20 =	sadd.s32 s6, s20;
	[sflag:s28] =	ssyncadd.s32 $0xFFFFFFB0  }
0xa9: {  	[tilespmem:s9], [sflag:$0x5] =	stream.linear.gather [hbm4b:s20+s3], $0x50, $0x38;
	[tilespmem:$0x1E400] =	vst v63  }
0xaa: {  	_ =	swait.ge [sflag:s28], $0x50  }
0xab: {  	[sflag:s28] =	ssyncset.done $0x0  }
0xac: {  	[sflag:s28] =	ssyncadd.s32 $0xFFFFFFB0  }
0xad: {  	[tilespmem:s10], [sflag:$0x3] =	stream.indirect.gather [hbm4b:s4+s30], $0x80, s8, s30, $0xb8;
	[tilespmem:$0x1E400] =	vst v63  }
0xae: {  	_ = 	snop  }
0xaf: {  	[spmem:s1] =	stream.indirect.scatter.add.f32 [tilespmem:s15], [sflag:$0x5], $0x80, s14, s30, $0xb8;
	[tilespmem:$0x1E400] =	vst v63  }
0xb0: {  	s22 =	sadd.s32 $0x28, s22;
	_ =	swait.ge [sflag:s28], $0x2800  }
0xb1: {  	s21 =	sadd.s32 $0x28, s23;
	s20 =	simm.s32 $0x320;
	[sflag:s28] =	ssyncset.done $0x0  }
.LBB2_4:
0xb2: {  	p0 =	sne.s32 s20, $0x28A0  }
0xb3: {  	[sflag:s28] =	ssyncadd.s32 $0xFFFFD800;
	s23 =	smov.u32 s20;
	s20 =	sadd.s32 $0x140, s20  }
0xb4: {  	_ = 	snop  }
0xb5: {  	_ =	swait.ge [sflag:s11], $0x2800  }
0xb6: {  	[sflag:s11] =	ssyncset.done $0x0  }
0xb7: {  	[sflag:s11] =	ssyncadd.s32 $0xFFFFD800  }
0xb8: {  	[tilespmem:s13], [sflag:$0x5] =	stream.linear.gather [hbm4b:s22+s3], $0x50, $0x38;
	[tilespmem:$0x1E400] =	vst v63  }
0xb9: {  	_ =	swait.ge [sflag:s28], $0x50  }
0xba: {  	[sflag:s28] =	ssyncset.done $0x0  }
0xbb: {  	[sflag:s28] =	ssyncadd.s32 $0xFFFFFFB0  }
0xbc: {  	[tilespmem:s14], [sflag:$0x5] =	stream.linear.gather [hbm4b:s21+s3], $0x50, $0x38;
	[tilespmem:$0x1E400] =	vst v63  }
0xbd: {  	_ =	swait.ge [sflag:s28], $0x50  }
0xbe: {  	[sflag:s28] =	ssyncset.done $0x0  }
0xbf: {  	[sflag:s28] =	ssyncadd.s32 $0xFFFFFFB0  }
0xc0: {  	[tilespmem:s15], [sflag:$0x4] =	stream.indirect.gather [hbm4b:s4+s30], $0x80, s13, s30, $0xb8;
	[tilespmem:$0x1E400] =	vst v63  }
0xc1: {  	_ = 	snop  }
0xc2: {  	[spmem:s1] =	stream.indirect.scatter.add.f32 [tilespmem:s26], [sflag:$0x5], $0x80, s29, s30, $0xb8;
	[tilespmem:$0x1E400] =	vst v63  }
0xc3: {  	s24 =	sadd.s32 $0xFFFFFFB0, s23;
	_ =	swait.ge [sflag:s28], $0x2800  }
0xc4: {  	p1 =	seq.s32 s23, $0x28A0;
	s25 =	sadd.s32 $0xFFFFFF60, s23;
	[sflag:s28] =	ssyncset.done $0x0  }
0xc5: {  	s25 =	simm.s32 @p1 $0x0;
	s24 =	simm.s32 @p1 $0x0;
	[sflag:s28] =	ssyncadd.s32 $0xFFFFD800  }
0xc6: {  	s25 =	sadd.s32 s12, s25;
	s24 =	sadd.s32 s12, s24;
	_ =	swait.ge [sflag:s16], $0x2800  }
0xc7: {  	s23 =	simm.s32 @p1 $0x0;
	s25 =	sshrl.u32 s25, $0x3;
	[sflag:s16] =	ssyncset.done $0x0  }
0xc8: {  	s23 =	sadd.s32 s12, s23;
	s7 =	sadd.s32 s5, s25;
	[sflag:s16] =	ssyncadd.s32 $0xFFFFD800  }
0xc9: {  	[tilespmem:s3], [sflag:$0x5] =	stream.linear.gather [hbm4b:s7+s3], $0x50, $0x38;
	[tilespmem:$0x1E400] =	vst v63  }
0xca: {  	s23 =	sshrl.u32 s23, $0x3;
	_ =	swait.ge [sflag:s28], $0x50  }
0xcb: {  	[sflag:s28] =	ssyncset.done $0x0  }
0xcc: {  	s7 =	sadd.s32 s6, s25;
	[sflag:s28] =	ssyncadd.s32 $0xFFFFFFB0  }
0xcd: {  	[tilespmem:s29], [sflag:$0x5] =	stream.linear.gather [hbm4b:s7+s3], $0x50, $0x38;
	[tilespmem:$0x1E400] =	vst v63  }
0xce: {  	_ =	swait.ge [sflag:s28], $0x50  }
0xcf: {  	[sflag:s28] =	ssyncset.done $0x0  }
0xd0: {  	[sflag:s28] =	ssyncadd.s32 $0xFFFFFFB0  }
0xd1: {  	[tilespmem:s26], [sflag:$0x1] =	stream.indirect.gather [hbm4b:s4+s30], $0x80, s3, s30, $0xb8;
	[tilespmem:$0x1E400] =	vst v63  }
0xd2: {  	_ = 	snop  }
0xd3: {  	[spmem:s1] =	stream.indirect.scatter.add.f32 [tilespmem:s2], [sflag:$0x5], $0x80, s0, s30, $0xb8;
	[tilespmem:$0x1E400] =	vst v63  }
0xd4: {  	_ =	swait.ge [sflag:s28], $0x2800  }
0xd5: {  	[sflag:s28] =	ssyncset.done $0x0  }
0xd6: {  	[sflag:s28] =	ssyncadd.s32 $0xFFFFD800  }
0xd7: {  	_ =	swait.ge [sflag:s17], $0x2800  }
0xd8: {  	s7 =	sshrl.u32 s24, $0x3;
	[sflag:s17] =	ssyncset.done $0x0  }
0xd9: {  	s24 =	sadd.s32 s5, s7;
	[sflag:s17] =	ssyncadd.s32 $0xFFFFD800  }
0xda: {  	[tilespmem:s31], [sflag:$0x5] =	stream.linear.gather [hbm4b:s24+s3], $0x50, $0x38;
	[tilespmem:$0x1E400] =	vst v63  }
0xdb: {  	_ =	swait.ge [sflag:s28], $0x50  }
0xdc: {  	[sflag:s28] =	ssyncset.done $0x0  }
0xdd: {  	s7 =	sadd.s32 s6, s7;
	[sflag:s28] =	ssyncadd.s32 $0xFFFFFFB0  }
0xde: {  	[tilespmem:s0], [sflag:$0x5] =	stream.linear.gather [hbm4b:s7+s3], $0x50, $0x38;
	[tilespmem:$0x1E400] =	vst v63  }
0xdf: {  	_ =	swait.ge [sflag:s28], $0x50  }
0xe0: {  	[sflag:s28] =	ssyncset.done $0x0  }
0xe1: {  	[sflag:s28] =	ssyncadd.s32 $0xFFFFFFB0  }
0xe2: {  	[tilespmem:s2], [sflag:$0x2] =	stream.indirect.gather [hbm4b:s4+s30], $0x80, s31, s30, $0xb8;
	[tilespmem:$0x1E400] =	vst v63  }
0xe3: {  	_ = 	snop  }
0xe4: {  	[spmem:s1] =	stream.indirect.scatter.add.f32 [tilespmem:s10], [sflag:$0x5], $0x80, s9, s30, $0xb8;
	[tilespmem:$0x1E400] =	vst v63  }
0xe5: {  	_ =	swait.ge [sflag:s28], $0x2800  }
0xe6: {  	[sflag:s28] =	ssyncset.done $0x0  }
0xe7: {  	[sflag:s28] =	ssyncadd.s32 $0xFFFFD800  }
0xe8: {  	_ =	swait.ge [sflag:s18], $0x2800  }
0xe9: {  	[sflag:s18] =	ssyncset.done $0x0  }
0xea: {  	s7 =	sadd.s32 s5, s23;
	[sflag:s18] =	ssyncadd.s32 $0xFFFFD800  }
0xeb: {  	[tilespmem:s8], [sflag:$0x5] =	stream.linear.gather [hbm4b:s7+s3], $0x50, $0x38;
	[tilespmem:$0x1E400] =	vst v63  }
0xec: {  	_ =	swait.ge [sflag:s28], $0x50  }
0xed: {  	[sflag:s28] =	ssyncset.done $0x0  }
0xee: {  	s7 =	sadd.s32 s6, s23;
	[sflag:s28] =	ssyncadd.s32 $0xFFFFFFB0  }
0xef: {  	[tilespmem:s9], [sflag:$0x5] =	stream.linear.gather [hbm4b:s7+s3], $0x50, $0x38;
	[tilespmem:$0x1E400] =	vst v63  }
0xf0: {  	_ =	swait.ge [sflag:s28], $0x50  }
0xf1: {  	[sflag:s28] =	ssyncset.done $0x0  }
0xf2: {  	[sflag:s28] =	ssyncadd.s32 $0xFFFFFFB0  }
0xf3: {  	[tilespmem:s10], [sflag:$0x3] =	stream.indirect.gather [hbm4b:s4+s30], $0x80, s8, s30, $0xb8;
	[tilespmem:$0x1E400] =	vst v63  }
.Ltmp1:
0xf4: {  	_ = 	snop;
	(pc) =	sbr.rel @p0 .LBB2_4-.Ltmp1, $4  }
0xf5: {  	_ = 	snop  }
0xf6: {  	[spmem:s1] =	stream.indirect.scatter.add.f32 [tilespmem:s15], [sflag:$0x5], $0x80, s14, s30, $0xb8;
	[tilespmem:$0x1E400] =	vst v63  }
0xf7: {  	_ =	swait.ge [sflag:s28], $0x2800  }
0xf8: {  	s22 =	sadd.s32 $0x28, s22;
	s21 =	sadd.s32 $0x28, s21;
	[sflag:s28] =	ssyncset.done $0x0  }
0xf9: {  	[sflag:s28] =	ssyncadd.s32 $0xFFFFD800  }
0xfa: {  	_ =	swait.ge [sflag:s11], $0x2800  }
0xfb: {  	[sflag:s11] =	ssyncset.done $0x0  }
0xfc: {  	[sflag:s11] =	ssyncadd.s32 $0xFFFFD800  }
0xfd: {  	_ =	swait.ge [sflag:s16], $0x2800  }
0xfe: {  	[sflag:s16] =	ssyncset.done $0x0  }
0xff: {  	[sflag:s16] =	ssyncadd.s32 $0xFFFFD800  }
0x100: {  	_ =	swait.ge [sflag:s17], $0x2800  }
0x101: {  	[sflag:s17] =	ssyncset.done $0x0  }
0x102: {  	[sflag:s17] =	ssyncadd.s32 $0xFFFFD800  }
0x103: {  	s7 =	stileid.u32;
	[bflag:$0x0] =	sbarrier.arrive $0xFFFF  }
0x104: {  	s7 =	sshll.u32 s7, $0x6;
	s22 =	rddreg [dreg:$0x3]  }
0x105: {  	s7 =	sor.u32 $0x1C05, s7;
	s21 =	rddreg [dreg:$0x11];
	s20 =	sshrl.u32 s22, $0x3  }
0x106: {  	[hbm:s21], [sflag:s7] =	dma.local [spmem:s20], $0x2800  }
0x107: {  	_ =	swait.ge [sflag:s28], $0x2800  }
0x108: {  	s19 =	sadd.s32 $0x1, s19;
	s25 =	rddreg [dreg:$0x12]  }
0x109: {  	p0 =	sne.s32 s19, s25  }
.Ltmp2:
0x10a: {  	_ = 	snop;
	(pc) =	sbr.rel @p0 .LBB2_1-.Ltmp2, $3  }
0x10b: {  	_ =	sdelay $0x1  }
0x10c: {  	[sflag:s28] =	ssyncset.done $0x0  }
0x10d: {  	[sflag:s28] =	ssyncadd.s32 $0xFFFFD800  }
0x10e: {  	_ =	sfence.sel $0x180000  }
0x10f: {  	[bflag:$0x0] =	sbarrier.arrive $0xFFFF  }
0x110: {  	_ =	strace $0x9000004D  }
0x111: {  	s0 =	stileid.u32;
	[bflag:$0x2] =	sbarrier.arrive $0xFFFF  }
0x112: {  	p0 =	sne.s32 s0, $0x0;
	s0 =	rddreg [dreg:$0x2]  }
0x113: {  	s0 =	sadd.s32 @!p0 $0x100000, s0  }
0x114: {  	[sflag:s0] =	ssyncadd.tile.s32 @!p0 $0x1;
	_ =	shalt  }
.Lfunc_end2:
_tile_overlayer_lowered:
.L_overlay_start_2:
0x115: {  	(tag) =	ssettag $0x2  }
0x116: {  	s0 =	rddreg [dreg:$0x0];
	s2 =	stileid.u32  }
0x117: {  	s1 =	rddreg [dreg:$0x1];
	p0 =	sne.s32 s2, $0x0  }
0x118: {  	s3 =	rddreg [dreg:$0x2];
	[bflag:$0x3] =	sbarrier.arrive $0xFFFF;
	s2 =	simm.s32 @!p0 $0x1C05  }
0x119: {  	[timem:s3], [sflag:s2] =	dma.local @!p0 [hbm:s0], s1  }
0x11a: {  	s0 =	simm.s32 @!p0 $0x5  }
0x11b: {  	_ =	swait.ge @!p0 [sflag:s0], s1  }
0x11c: {  	s1 =	ssub.s32 @!p0 $0x0, s1;
	[sflag:s0] =	ssyncset.done @!p0 $0x0  }
0x11d: {  	[sflag:s0] =	ssyncadd.s32 @!p0 s1  }
0x11e: {  	[bflag:$0x3] =	sbarrier.arrive $0xFFFF  }
0x11f: {  	_ =	shalt  }

// kernel: kernel.19.cloned.1.call-start
scs
__scs_entry_jumppad:
0x0: {  	(pc) =	sbr.rel $0x88, $3  }
0x1: {  	(tag) =	ssettag $0x0;
	lr =	simm.s32 $0x1  }
0x2: {  	[smem:$0x3F94] =	sst lr;
	_ =	strace $0xD0000000  }
0x3: {  	_ = 	snop  }
0x4: {  	_ = 	snop  }
0x5: {  	_ = 	snop  }
0x6: {  	_ = 	snop  }
0x7: {  	_ = 	snop  }
__scs_overlays_trampoline_lowered:
0x8: {  	[smem:$0x3FA3] =	sst s0  }
0x9: {  	[smem:$0x3FA4] =	sst s1  }
0xa: {  	[smem:$0x3FA5] =	sst s2  }
0xb: {  	[smem:$0x3FA6] =	sst s3  }
0xc: {  	[smem:$0x3FA7] =	sst s4  }
0xd: {  	[smem:$0x3FA8] =	sst s5  }
0xe: {  	[smem:$0x3FA9] =	sst s6  }
0xf: {  	[smem:$0x3FAA] =	sst s7  }
0x10: {  	[smem:$0x3FAB] =	sst s8  }
0x11: {  	[smem:$0x3FAC] =	sst s9;
	s0 =	simm.s32 @!p0 $0x0  }
0x12: {  	s1 =	sld [smem:$0x3F92];
	s0 =	simm.s32 @p0 $0x1  }
0x13: {  	[smem:$0x3FAD] =	sst s0;
	s0 =	simm.s32 @!p1 $0x0  }
0x14: {  	s2 =	sld [smem:$0x3F91];
	s0 =	simm.s32 @p1 $0x1  }
0x15: {  	[smem:$0x3FAE] =	sst s0;
	s0 =	simm.s32 @!p2 $0x0  }
0x16: {  	s3 =	sld [smem:$0x3FDB];
	s0 =	simm.s32 @p2 $0x1  }
0x17: {  	s4 =	simm.s32 $0x1BF5;
	[smem:$0x3FB0] =	sst s0  }
0x18: {  	s0 =	sld [smem:$0x3F93];
	_ =	swait.ge [sflag:s4], $0x0  }
0x19: {  	s7 =	sld [smem:$0x3F94]  }
0x1a: {  	s8 =	sadd.s32 $0xFFFFE003, lr  }
0x1b: {  	s9 =	sadd.s32 $0xFFFFFEF7, lr;
	s5 =	simm.s32 $0xFFFFFFFF;
	p2 =	slt.u32 s8, $0xFFFFF086  }
0x1c: {  	p1 =	slt.u32 s9, $0xF7A;
	s5 =	simm.s32 @!p2 $0x0  }
0x1d: {  	s5 =	simm.s32 @p1 $0x1;
	p0 =	seq.s32 s7, s2  }
0x1e: {  	s7 =	smul.u32 @!p0 $0xF7A, s2;
	p2 =	seq.s32 @!p0 s5, $0x0  }
0x1f: {  	s9 =	smul.u32 $0xF7A, s1;
	s8 =	simm.s32 @!p0 $0x1BF5;
	p2 =	por !p2, p0  }
0x20: {  	[sflag:s8] =	ssyncset.s32 @!p0 $0xFFFFF086;
	s6 =	sadd.s32 @!p0 s3, s7;
	s7 =	simm.s32 @!p0 $0x108  }
0x21: {  	s3 =	sadd.s32 s3, s9;
	s6 =	sadd.s32 @!p0 $0x88, s6;
	s7 =	simm.s32 @p2 $0x1082  }
0x22: {  	[simem:s7], [sflag:s8] =	dma.local @!p0 [hbm:s6], $0xF7A  }
0x23: {  	s9 =	sor.u32 $0xD0000000, s2;
	s6 =	simm.s32 $0x108;
	_ =	swait.ge @!p0 [sflag:s8], $0x0  }
0x24: {  	s3 =	sadd.s32 $0x88, s3;
	s6 =	simm.s32 @!p1 $0x1082;
	[sflag:s4] =	ssyncset.s32 $0xFFFFF086  }
0x25: {  	[simem:s6], [sflag:s4] =	dma.local [hbm:s3], $0xF7A  }
0x26: {  	[smem:$0x3F94] =	sst s1;
	(tag) =	ssettag s2;
	_ =	strace s9  }
0x27: {  	s1 =	sld [smem:$0x3FA4]  }
0x28: {  	s2 =	sld [smem:$0x3FA5]  }
0x29: {  	s4 =	sld [smem:$0x3FA7]  }
0x2a: {  	p0 =	seq.s32 s5, $0x0;
	s5 =	sld [smem:$0x3FA8]  }
0x2b: {  	s6 =	sld [smem:$0x3FA9]  }
0x2c: {  	s7 =	sld [smem:$0x3FAA]  }
0x2d: {  	s3 =	simm.s32 $0x108;
	s8 =	sld [smem:$0x3FAB]  }
0x2e: {  	s3 =	simm.s32 @!p0 $0x1082;
	s9 =	sld [smem:$0x3FAC]  }
0x2f: {  	lr =	sadd.s32 s0, s3;
	s0 =	sld [smem:$0x3FA3]  }
0x30: {  	s3 =	sld [smem:$0x3FA6]  }
0x31: {  	[smem:$0x3FAF] =	sst s10  }
0x32: {  	s10 =	sld [smem:$0x3FAD];
	_ =	sdelay $0x3  }
0x33: {  	p0 =	seq.s32 s10, $0x1;
	s10 =	sld [smem:$0x3FAF];
	_ =	sdelay $0x3  }
0x34: {  	[smem:$0x3FAF] =	sst s10  }
0x35: {  	s10 =	sld [smem:$0x3FAE];
	_ =	sdelay $0x3  }
0x36: {  	p1 =	seq.s32 s10, $0x1;
	s10 =	sld [smem:$0x3FAF];
	_ =	sdelay $0x3  }
0x37: {  	[smem:$0x3FAF] =	sst s10  }
0x38: {  	s10 =	sld [smem:$0x3FB0]  }
0x39: {  	_ = 	snop;
	(pc) =	sbr.ind lr, $3  }
0x3a: {  	_ = 	snop  }
0x3b: {  	_ = 	snop  }
0x3c: {  	p2 =	seq.s32 s10, $0x1;
	s10 =	sld [smem:$0x3FAF]  }
0x3d: {  	_ =	shalt  }
0x3e: {  	_ =	shalt  }
0x3f: {  	_ =	shalt  }
0x40: {  	_ =	shalt  }
0x41: {  	_ =	shalt  }
0x42: {  	_ =	shalt  }
0x43: {  	_ =	shalt  }
0x44: {  	_ =	shalt  }
0x45: {  	_ =	shalt  }
0x46: {  	_ =	shalt  }
0x47: {  	_ =	shalt  }
0x48: {  	_ =	shalt  }
0x49: {  	_ =	shalt  }
0x4a: {  	_ =	shalt  }
0x4b: {  	_ =	shalt  }
0x4c: {  	_ =	shalt  }
0x4d: {  	_ =	shalt  }
0x4e: {  	_ =	shalt  }
0x4f: {  	_ =	shalt  }
0x50: {  	_ =	shalt  }
0x51: {  	_ =	shalt  }
0x52: {  	_ =	shalt  }
0x53: {  	_ =	shalt  }
0x54: {  	_ =	shalt  }
0x55: {  	_ =	shalt  }
0x56: {  	_ =	shalt  }
0x57: {  	_ =	shalt  }
0x58: {  	_ =	shalt  }
0x59: {  	_ =	shalt  }
0x5a: {  	_ =	shalt  }
0x5b: {  	_ =	shalt  }
0x5c: {  	_ =	shalt  }
0x5d: {  	_ =	shalt  }
0x5e: {  	_ =	shalt  }
0x5f: {  	_ =	shalt  }
0x60: {  	_ =	shalt  }
0x61: {  	_ =	shalt  }
0x62: {  	_ =	shalt  }
0x63: {  	_ =	shalt  }
0x64: {  	_ =	shalt  }
0x65: {  	_ =	shalt  }
0x66: {  	_ =	shalt  }
0x67: {  	_ =	shalt  }
0x68: {  	_ =	shalt  }
0x69: {  	_ =	shalt  }
0x6a: {  	_ =	shalt  }
0x6b: {  	_ =	shalt  }
0x6c: {  	_ =	shalt  }
0x6d: {  	_ =	shalt  }
0x6e: {  	_ =	shalt  }
0x6f: {  	_ =	shalt  }
0x70: {  	_ =	shalt  }
0x71: {  	_ =	shalt  }
0x72: {  	_ =	shalt  }
0x73: {  	_ =	shalt  }
0x74: {  	_ =	shalt  }
0x75: {  	_ =	shalt  }
0x76: {  	_ =	shalt  }
0x77: {  	_ =	shalt  }
0x78: {  	_ =	shalt  }
0x79: {  	_ =	shalt  }
0x7a: {  	_ =	shalt  }
0x7b: {  	_ =	shalt  }
0x7c: {  	_ =	shalt  }
0x7d: {  	_ =	shalt  }
0x7e: {  	_ =	shalt  }
0x7f: {  	_ =	shalt  }
0x80: {  	_ =	shalt  }
0x81: {  	_ =	shalt  }
0x82: {  	_ =	shalt  }
0x83: {  	_ =	shalt  }
0x84: {  	_ =	shalt  }
0x85: {  	_ =	shalt  }
0x86: {  	_ =	shalt  }
0x87: {  	_ =	shalt  }
.Lfunc_end0:
.L_simem_size_0:
called_computation.3_lowered:
.L_overlay_start_0:
0x88: {  	s2 =	sld [smem:$0x3FD9]  }
0x89: {  	s3 =	sld [smem:$0x3FFE];
	_ =	sdelay $0x1  }
0x8a: {  	s1 =	srdreg.scid  }
0x8b: {  	s0 =	sand.u32 $0x1, s1  }
0x8c: {  	s16 =	sshll.u32 s0, $0xA;
	s2 =	sadd.s32 s3, s2  }
0x8d: {  	s2 =	sadd.s32 s2, s16  }
0x8e: {  	[smem:$0x3FBB] =	sst s2  }
0x8f: {  	_ = 	snop  }
0x90: {  	(tm) =	ssettm $0x1  }
0x91: {  	s17 =	sld [smem:$0x3FFB];
	_ =	sdelay $0x3  }
0x92: {  	_ =	strace s17  }
0x93: {  	s2 =	sld [smem:$0x3FFC];
	_ =	sdelay $0x3  }
0x94: {  	_ =	strace s2  }
0x95: {  	s2 =	sld [smem:$0x3FFD];
	_ =	sdelay $0x3  }
0x96: {  	_ =	strace s2  }
0x97: {  	_ =	strace $0x8FFFFFFF  }
0x98: {  	s18 =	sld [smem:$0x3FDB];
	_ =	sdelay $0x1  }
0x99: {  	s19 =	simm.s32 $_scs_section_size  }
0x9a: {  	s4 =	simm.s32 $_size__tile_overlayer_lowered;
	s5 =	simm.s32 $_tile_overlayer_lowered  }
0x9b: {  	s22 =	simm.s32 $0x1BFF;
	s21 =	sshll.u32 s5, $0x1;
	s2 =	sadd.s32 s19, s18  }
0x9c: {  	s6 =	simm.s32 $0x0;
	s20 =	sshll.u32 s4, $0x1;
	s4 =	sadd.s32 s21, s2  }
0x9d: {  	[timem:s6], [sflag:s22] =	dma.local [hbm:s4], s20  }
0x9e: {  	_ =	swait.ge [sflag:s22], s20  }
0x9f: {  	s3 =	ssub.s32 $0x0, s20;
	[sflag:s22] =	ssyncset.done $0x0  }
0xa0: {  	[sflag:s22] =	ssyncadd.s32 s3;
	_ =	sdelay $0x1  }
0xa1: {  	s23 =	simm.s32 $0x1B8B  }
0xa2: {  	_ =	swait.ge [sflag:s23], $0x1  }
0xa3: {  	[sflag:s23] =	ssyncset.done $0x0  }
0xa4: {  	s25 =	simm.s32 $0x1B8E;
	s24 =	sld [smem:$0x3FFE];
	[sflag:s23] =	ssyncadd.s32 $0xFFFFFFFF  }
0xa5: {  	s26 =	simm.s32 $execute0_lowered;
	[smem:$0x3FD2] =	sst s25  }
0xa6: {  	s4 =	sshll.u32 s26, $0x1;
	_ =	strace $0x8000004F;
	[dreg:$0x1] =	wrdreg $0xFFFFFFFF  }
0xa7: {  	s28 =	simm.s32 $_size_execute0_lowered;
	s2 =	sadd.s32 s2, s4;
	[dreg:$0x0] =	wrdreg $0x0  }
0xa8: {  	s4 =	sshll.u32 s28, $0x1;
	[dreg:$0x2] =	wrdreg s2  }
0xa9: {  	[dreg:$0x3] =	wrdreg s4  }
0xaa: {  	[dreg:$0x4] =	wrdreg $0xC0  }
0xab: {  	_ =	task [dreg:s6], $0x5FFFF  }
0xac: {  	[dreg:$0x1] =	wrdreg $0xFFFFFFFF  }
0xad: {  	[dreg:$0x0] =	wrdreg $0x60  }
0xae: {  	[dreg:$0x2] =	wrdreg s24  }
0xaf: {  	[dreg:$0x3] =	wrdreg $0xA4000  }
0xb0: {  	[dreg:$0x4] =	wrdreg $0x9  }
0xb1: {  	_ =	task.clear_ibuf [dreg:s6], $0x5FFFF;
	_ =	strace $0x9000004F  }
0xb2: {  	s29 =	simm.s32 $0x9;
	_ =	strace $0x80000051  }
0xb3: {  	_ =	swait.ge [sflag:s29], $0x1  }
0xb4: {  	[sflag:s29] =	ssyncadd.s32 $0xFFFFFFFF  }
0xb5: {  	_ =	strace $0x90000051  }
0xb6: {  	_ =	sfence  }
0xb7: {  	s30 =	sld [smem:$0x0];
	_ =	sdelay $0x2  }
0xb8: {  	s31 =	sshll.u32 s1, $0xD;
	s1 =	sshrl.u32 s1, $0x2  }
0xb9: {  	s3 =	sand.u32 $0x4000, s31;
	s1 =	sadd.s32 s1, s30  }
0xba: {  	s0 =	sor.u32 s3, s0;
	s1 =	sshll.u32 s1, $0x11  }
0xbb: {  	s0 =	sor.u32 s1, s0  }
0xbc: {  	s0 =	sadd.s32 $0x8F2B, s0  }
0xbd: {  	[sflag:s0] =	ssyncadd.remote.s32 $0x1  }
0xbe: {  	_ =	sfence.sel $0xFFFF  }
0xbf: {  	[dreg:$0x0] =	wrdreg $0xFFFFFFFF;
	(pc) =	sbr.abs _section_cstart, $3  }
0xc0: {  	[dreg:$0x1] =	wrdreg $0xFFFFFFFF  }
0xc1: {  	_ =	task.clear_ibuf [dreg:s6], $0x2FFFF;
	_ =	strace $0x9FFFFFFF  }
0xc2: {  	(tm) =	ssettm $0x7FFFFFFF  }
0xc3: {  	_ =	shalt  }
tec
execute0_lowered:
.L_overlay_start_1:
0x0: {  	(tag) =	ssettag $0x1  }
0x1: {  	s0 =	rddreg [dreg:$0x0]  }
0x2: {  	s1 =	rddreg [dreg:$0x1]  }
0x3: {  	s2 =	srdreg.scid;
	s3 =	simm.s32 $0x0;
	s11 =	stileid.u32  }
0x4: {  	s28 =	simm.s32 $0x5;
	s29 =	simm.s32 $0x200;
	s7 =	smul.u32 $0x14000, s11  }
0x5: {  	s30 =	simm.s32 $0x50;
	s31 =	simm.s32 $0x80;
	s8 =	smul.u32 $0x50000, s11  }
0x6: {  	s2 =	sand.u32 $0x1, s2;
	[smem:$0x7FF] =	sst s3;
	s15 =	smul.u32 $0x2800, s11  }
0x7: {  	s4 =	sadd.s32 $0xD800, s0;
	s5 =	sadd.s32 $0x5D800, s0;
	s6 =	smul.u32 $0x140000, s2  }
0x8: {  	_ =	strace $0x80000050;
	s9 =	ssub.s32 $0x2, s2;
	s10 =	sshll.u32 s2, $0x4  }
0x9: {  	s2 =	smul.u32 $0x28000, s2;
	s20 =	sshrl.u32 s9, $0x1;
	s8 =	sshrl.u32 s8, $0x2  }
0xa: {  	s21 =	sor.u32 s11, s10;
	s11 =	simm.s32 $0x1;
	s22 =	sadd.s32 s8, s1  }
0xb: {  	s7 =	sadd.s32 s7, s6;
	s23 =	sadd.s32 $0x2800, s22;
	[dreg:$0x3] =	wrdreg s22  }
0xc: {  	s6 =	sadd.s32 $0x3800, s0;
	s24 =	sadd.s32 $0x5000, s22;
	[dreg:$0x4] =	wrdreg s23  }
0xd: {  	s9 =	ssub.s32 s9, s20;
	s25 =	sadd.s32 $0x7800, s22;
	[dreg:$0x5] =	wrdreg s24  }
0xe: {  	s12 =	smul.u32 $0x2800, s21;
	s26 =	sadd.s32 $0xA000, s22;
	[dreg:$0x6] =	wrdreg s25  }
0xf: {  	s2 =	sadd.s32 s15, s2;
	s10 =	sadd.s32 $0xC800, s22;
	[dreg:$0x7] =	wrdreg s26  }
0x10: {  	s15 =	simm.s32 $0x7C00;
	s13 =	sadd.s32 $0xF000, s22;
	[dreg:$0x8] =	wrdreg s10  }
0x11: {  	s7 =	sshrl.u32 s7, $0x3;
	s14 =	sadd.s32 $0x11800, s22;
	[dreg:$0x9] =	wrdreg s13  }
0x12: {  	s2 =	sor.u32 $0xF0, s2;
	s0 =	sadd.s32 s7, s0;
	[dreg:$0xa] =	wrdreg s14  }
0x13: {  	s8 =	sshrl.u32 s12, $0x3;
	s24 =	sshrl.u32 s2, $0x3;
	s25 =	smax.u32 s9, $0x1  }
0x14: {  	s2 =	simm.s32 $0x2C00;
	s9 =	simm.s32 $0x300;
	s10 =	simm.s32 $0x5400  }
0x15: {  	s13 =	simm.s32 $0x180;
	s16 =	sadd.s32 s5, s8;
	[dreg:$0x12] =	wrdreg s25  }
0x16: {  	s14 =	simm.s32 $0x380;
	s17 =	sadd.s32 s6, s8;
	[dreg:$0xb] =	wrdreg s16  }
0x17: {  	s18 =	sor.u32 $0xA, s8;
	s0 =	sadd.s32 $0x67800, s0;
	[dreg:$0xc] =	wrdreg s17  }
0x18: {  	s8 =	sor.u32 $0x14, s8;
	s26 =	sadd.s32 s24, s6;
	[dreg:$0x11] =	wrdreg s0  }
0x19: {  	s19 =	sadd.s32 s5, s18;
	s20 =	sadd.s32 s6, s18;
	[dreg:$0x13] =	wrdreg s26  }
0x1a: {  	s21 =	sadd.s32 s5, s8;
	s23 =	sadd.s32 s6, s8;
	[dreg:$0xd] =	wrdreg s19  }
0x1b: {  	s0 =	sadd.s32 s24, s5;
	s26 =	simm.s32 $0x400;
	[dreg:$0xe] =	wrdreg s20  }
0x1c: {  	s8 =	simm.s32 $0x100;
	s16 =	simm.s32 $0x2;
	[dreg:$0xf] =	wrdreg s21  }
0x1d: {  	s17 =	simm.s32 $0x3;
	s18 =	simm.s32 $0x4;
	[dreg:$0x10] =	wrdreg s23  }
0x1e: {  	v0 =	vimm.f32 $0.0e+00;
	[dreg:$0x14] =	wrdreg s0;
	s0 =	simm.s32 $0x280;
	s19 =	simm.s32 $0x0  }
.LBB2_1:
0x1f: {  	s20 =	simm.s32 $0x0;
	s21 =	simm.s32 $0x200  }
.LBB2_2:
0x20: {  	p0 =	sne.s32 s21, $0x9E00;
	[tilespmem:s20+$0x470] =	vst v0  }
0x21: {  	[tilespmem:s20+$0x400] =	vst v0  }
0x22: {  	[tilespmem:s20+$0x410] =	vst v0  }
.Ltmp0:
0x23: {  	[tilespmem:s20+$0x420] =	vst v0;
	(pc) =	sbr.rel @p0 .LBB2_2-.Ltmp0, $4  }
0x24: {  	[tilespmem:s20+$0x430] =	vst v0  }
0x25: {  	[tilespmem:s20+$0x440] =	vst v0  }
0x26: {  	[tilespmem:s20+$0x450] =	vst v0  }
0x27: {  	[tilespmem:s20+$0x460] =	vst v0;
	s20 =	sshra.s32 s21, $0x2;
	s21 =	sadd.s32 $0x200, s21  }
0x28: {  	[tilespmem:s20+$0x470] =	vst v0  }
0x29: {  	[tilespmem:s20+$0x400] =	vst v0  }
0x2a: {  	[tilespmem:s20+$0x410] =	vst v0  }
0x2b: {  	[tilespmem:s20+$0x420] =	vst v0  }
0x2c: {  	[tilespmem:s20+$0x430] =	vst v0  }
0x2d: {  	[tilespmem:s20+$0x440] =	vst v0  }
0x2e: {  	[tilespmem:s20+$0x450] =	vst v0  }
0x2f: {  	[tilespmem:s20+$0x460] =	vst v0  }
0x30: {  	[spmem:s22] =	stream.linear.scatter [tilespmem:s26], [sflag:$0x5], $0x2800, $0x38;
	[tilespmem:$0x1E400] =	vst v63  }
0x31: {  	_ =	swait.ge [sflag:s28], $0x2800  }
0x32: {  	[sflag:s28] =	ssyncset.done $0x0  }
0x33: {  	s7 =	rddreg [dreg:$0x4];
	[sflag:s28] =	ssyncadd.s32 $0xFFFFD800  }
0x34: {  	[spmem:s7] =	stream.linear.scatter [tilespmem:s26], [sflag:$0x5], $0x2800, $0x38;
	[tilespmem:$0x1E400] =	vst v63  }
0x35: {  	_ =	swait.ge [sflag:s28], $0x2800  }
0x36: {  	[sflag:s28] =	ssyncset.done $0x0  }
0x37: {  	s23 =	rddreg [dreg:$0x5];
	[sflag:s28] =	ssyncadd.s32 $0xFFFFD800  }
0x38: {  	[spmem:s23] =	stream.linear.scatter [tilespmem:s26], [sflag:$0x5], $0x2800, $0x38;
	[tilespmem:$0x1E400] =	vst v63  }
0x39: {  	_ =	swait.ge [sflag:s28], $0x2800  }
0x3a: {  	[sflag:s28] =	ssyncset.done $0x0  }
0x3b: {  	s24 =	rddreg [dreg:$0x6];
	[sflag:s28] =	ssyncadd.s32 $0xFFFFD800  }
0x3c: {  	[spmem:s24] =	stream.linear.scatter [tilespmem:s26], [sflag:$0x5], $0x2800, $0x38;
	[tilespmem:$0x1E400] =	vst v63  }
0x3d: {  	_ =	swait.ge [sflag:s28], $0x2800  }
0x3e: {  	[sflag:s28] =	ssyncset.done $0x0  }
0x3f: {  	s25 =	rddreg [dreg:$0x7];
	[sflag:s28] =	ssyncadd.s32 $0xFFFFD800  }
0x40: {  	[spmem:s25] =	stream.linear.scatter [tilespmem:s26], [sflag:$0x5], $0x2800, $0x38;
	[tilespmem:$0x1E400] =	vst v63  }
0x41: {  	_ =	swait.ge [sflag:s28], $0x2800  }
0x42: {  	[sflag:s28] =	ssyncset.done $0x0  }
0x43: {  	s20 =	rddreg [dreg:$0x8];
	[sflag:s28] =	ssyncadd.s32 $0xFFFFD800  }
0x44: {  	[spmem:s20] =	stream.linear.scatter [tilespmem:s26], [sflag:$0x5], $0x2800, $0x38;
	[tilespmem:$0x1E400] =	vst v63  }
0x45: {  	_ =	swait.ge [sflag:s28], $0x2800  }
0x46: {  	[sflag:s28] =	ssyncset.done $0x0  }
0x47: {  	s21 =	rddreg [dreg:$0x9];
	[sflag:s28] =	ssyncadd.s32 $0xFFFFD800  }
0x48: {  	[spmem:s21] =	stream.linear.scatter [tilespmem:s26], [sflag:$0x5], $0x2800, $0x38;
	[tilespmem:$0x1E400] =	vst v63  }
0x49: {  	_ =	swait.ge [sflag:s28], $0x2800  }
0x4a: {  	[sflag:s28] =	ssyncset.done $0x0  }
0x4b: {  	s22 =	rddreg [dreg:$0xa];
	[sflag:s28] =	ssyncadd.s32 $0xFFFFD800  }
0x4c: {  	[spmem:s22] =	stream.linear.scatter [tilespmem:s26], [sflag:$0x5], $0x2800, $0x38;
	[tilespmem:$0x1E400] =	vst v63  }
0x4d: {  	_ =	swait.ge [sflag:s28], $0x2800  }
0x4e: {  	[sflag:s28] =	ssyncset.done $0x0  }
0x4f: {  	[sflag:s28] =	ssyncadd.s32 $0xFFFFD800  }
0x50: {  	[bflag:$0x0] =	sbarrier.arrive $0xFFFF  }
0x51: {  	s23 =	rddreg [dreg:$0xb]  }
0x52: {  	[tilespmem:s3], [sflag:$0x5] =	stream.linear.gather [hbm4b:s23+s3], $0x50, $0x38;
	[tilespmem:$0x1E400] =	vst v63  }
0x53: {  	_ =	swait.ge [sflag:s28], $0x50  }
0x54: {  	[sflag:s28] =	ssyncset.done $0x0  }
0x55: {  	s24 =	rddreg [dreg:$0xc];
	[sflag:s28] =	ssyncadd.s32 $0xFFFFFFB0  }
0x56: {  	[tilespmem:s29], [sflag:$0x5] =	stream.linear.gather [hbm4b:s24+s3], $0x50, $0x38;
	[tilespmem:$0x1E400] =	vst v63  }
0x57: {  	_ =	swait.ge [sflag:s28], $0x50  }
0x58: {  	[sflag:s28] =	ssyncset.done $0x0  }
0x59: {  	[sflag:s28] =	ssyncadd.s32 $0xFFFFFFB0  }
0x5a: {  	[tilespmem:s26], [sflag:$0x1] =	stream.indirect.gather [hbm4b:s4+s30], $0x80, s3, s30, $0xb8;
	[tilespmem:$0x1E400] =	vst v63  }
0x5b: {  	s25 =	rddreg [dreg:$0xd]  }
0x5c: {  	[tilespmem:s31], [sflag:$0x5] =	stream.linear.gather [hbm4b:s25+s3], $0x50, $0x38;
	[tilespmem:$0x1E400] =	vst v63  }
0x5d: {  	_ =	swait.ge [sflag:s28], $0x50  }
0x5e: {  	[sflag:s28] =	ssyncset.done $0x0  }
0x5f: {  	s20 =	rddreg [dreg:$0xe];
	[sflag:s28] =	ssyncadd.s32 $0xFFFFFFB0  }
0x60: {  	[tilespmem:s0], [sflag:$0x5] =	stream.linear.gather [hbm4b:s20+s3], $0x50, $0x38;
	[tilespmem:$0x1E400] =	vst v63  }
0x61: {  	_ =	swait.ge [sflag:s28], $0x50  }
0x62: {  	[sflag:s28] =	ssyncset.done $0x0  }
0x63: {  	[sflag:s28] =	ssyncadd.s32 $0xFFFFFFB0  }
0x64: {  	[tilespmem:s2], [sflag:$0x2] =	stream.indirect.gather [hbm4b:s4+s30], $0x80, s31, s30, $0xb8;
	[tilespmem:$0x1E400] =	vst v63  }
0x65: {  	s21 =	rddreg [dreg:$0xf]  }
0x66: {  	[tilespmem:s8], [sflag:$0x5] =	stream.linear.gather [hbm4b:s21+s3], $0x50, $0x38;
	[tilespmem:$0x1E400] =	vst v63  }
0x67: {  	_ =	swait.ge [sflag:s28], $0x50  }
0x68: {  	[sflag:s28] =	ssyncset.done $0x0  }
0x69: {  	s22 =	rddreg [dreg:$0x10];
	[sflag:s28] =	ssyncadd.s32 $0xFFFFFFB0  }
0x6a: {  	[tilespmem:s9], [sflag:$0x5] =	stream.linear.gather [hbm4b:s22+s3], $0x50, $0x38;
	[tilespmem:$0x1E400] =	vst v63  }
0x6b: {  	_ =	swait.ge [sflag:s28], $0x50  }
0x6c: {  	[sflag:s28] =	ssyncset.done $0x0  }
0x6d: {  	[sflag:s28] =	ssyncadd.s32 $0xFFFFFFB0  }
0x6e: {  	[tilespmem:s10], [sflag:$0x3] =	stream.indirect.gather [hbm4b:s4+s30], $0x80, s8, s30, $0xb8;
	[tilespmem:$0x1E400] =	vst v63  }
0x6f: {  	_ =	swait.ge [sflag:s11], $0x2800  }
0x70: {  	[sflag:s11] =	ssyncset.done $0x0  }
0x71: {  	s22 =	rddreg [dreg:$0x14];
	[sflag:s11] =	ssyncadd.s32 $0xFFFFD800  }
0x72: {  	[tilespmem:s13], [sflag:$0x5] =	stream.linear.gather [hbm4b:s22+s3], $0x50, $0x38;
	[tilespmem:$0x1E400] =	vst v63  }
0x73: {  	_ =	swait.ge [sflag:s28], $0x50  }
0x74: {  	[sflag:s28] =	ssyncset.done $0x0  }
0x75: {  	s23 =	rddreg [dreg:$0x13];
	[sflag:s28] =	ssyncadd.s32 $0xFFFFFFB0  }
0x76: {  	[tilespmem:s14], [sflag:$0x5] =	stream.linear.gather [hbm4b:s23+s3], $0x50, $0x38;
	[tilespmem:$0x1E400] =	vst v63  }
0x77: {  	_ =	swait.ge [sflag:s28], $0x50  }
0x78: {  	[sflag:s28] =	ssyncset.done $0x0  }
0x79: {  	[sflag:s28] =	ssyncadd.s32 $0xFFFFFFB0  }
0x7a: {  	[tilespmem:s15], [sflag:$0x4] =	stream.indirect.gather [hbm4b:s4+s30], $0x80, s13, s30, $0xb8;
	[tilespmem:$0x1E400] =	vst v63  }
0x7b: {  	_ = 	snop  }
0x7c: {  	[spmem:s1] =	stream.indirect.scatter.add.f32 [tilespmem:s26], [sflag:$0x5], $0x80, s29, s30, $0xb8;
	[tilespmem:$0x1E400] =	vst v63  }
0x7d: {  	_ =	swait.ge [sflag:s28], $0x2800  }
0x7e: {  	p0 =	por $0x0, $0x0;
	s20 =	simm.s32 $0x140;
	[sflag:s28] =	ssyncset.done $0x0  }
0x7f: {  	s20 =	simm.s32 @p0 $0x0;
	[sflag:s28] =	ssyncadd.s32 $0xFFFFD800  }
0x80: {  	s20 =	sadd.s32 s12, s20;
	_ =	swait.ge [sflag:s16], $0x2800  }
0x81: {  	s20 =	sshrl.u32 s20, $0x3;
	[sflag:s16] =	ssyncset.done $0x0  }
0x82: {  	s21 =	sadd.s32 s5, s20;
	[sflag:s16] =	ssyncadd.s32 $0xFFFFD800  }
0x83: {  	[tilespmem:s3], [sflag:$0x5] =	stream.linear.gather [hbm4b:s21+s3], $0x50, $0x38;
	[tilespmem:$0x1E400] =	vst v63  }
0x84: {  	_ =	swait.ge [sflag:s28], $0x50  }
0x85: {  	[sflag:s28] =	ssyncset.done $0x0  }
0x86: {  	s20 =	sadd.s32 s6, s20;
	[sflag:s28] =	ssyncadd.s32 $0xFFFFFFB0  }
0x87: {  	[tilespmem:s29], [sflag:$0x5] =	stream.linear.gather [hbm4b:s20+s3], $0x50, $0x38;
	[tilespmem:$0x1E400] =	vst v63  }
0x88: {  	_ =	swait.ge [sflag:s28], $0x50  }
0x89: {  	[sflag:s28] =	ssyncset.done $0x0  }
0x8a: {  	[sflag:s28] =	ssyncadd.s32 $0xFFFFFFB0  }
0x8b: {  	[tilespmem:s26], [sflag:$0x1] =	stream.indirect.gather [hbm4b:s4+s30], $0x80, s3, s30, $0xb8;
	[tilespmem:$0x1E400] =	vst v63  }
0x8c: {  	_ = 	snop  }
0x8d: {  	[spmem:s1] =	stream.indirect.scatter.add.f32 [tilespmem:s2], [sflag:$0x5], $0x80, s0, s30, $0xb8;
	[tilespmem:$0x1E400] =	vst v63  }
0x8e: {  	_ =	swait.ge [sflag:s28], $0x2800  }
0x8f: {  	s20 =	simm.s32 $0x190;
	[sflag:s28] =	ssyncset.done $0x0  }
0x90: {  	s20 =	simm.s32 @p0 $0x0;
	[sflag:s28] =	ssyncadd.s32 $0xFFFFD800  }
0x91: {  	s20 =	sadd.s32 s12, s20;
	_ =	swait.ge [sflag:s17], $0x2800  }
0x92: {  	s20 =	sshrl.u32 s20, $0x3;
	[sflag:s17] =	ssyncset.done $0x0  }
0x93: {  	s24 =	sadd.s32 s5, s20;
	[sflag:s17] =	ssyncadd.s32 $0xFFFFD800  }
0x94: {  	[tilespmem:s31], [sflag:$0x5] =	stream.linear.gather [hbm4b:s24+s3], $0x50, $0x38;
	[tilespmem:$0x1E400] =	vst v63  }
0x95: {  	_ =	swait.ge [sflag:s28], $0x50  }
0x96: {  	[sflag:s28] =	ssyncset.done $0x0  }
0x97: {  	s20 =	sadd.s32 s6, s20;
	[sflag:s28] =	ssyncadd.s32 $0xFFFFFFB0  }
0x98: {  	[tilespmem:s0], [sflag:$0x5] =	stream.linear.gather [hbm4b:s20+s3], $0x50, $0x38;
	[tilespmem:$0x1E400] =	vst v63  }
0x99: {  	_ =	swait.ge [sflag:s28], $0x50  }
0x9a: {  	[sflag:s28] =	ssyncset.done $0x0  }
0x9b: {  	[sflag:s28] =	ssyncadd.s32 $0xFFFFFFB0  }
0x9c: {  	[tilespmem:s2], [sflag:$0x2] =	stream.indirect.gather [hbm4b:s4+s30], $0x80, s31, s30, $0xb8;
	[tilespmem:$0x1E400] =	vst v63  }
0x9d: {  	_ = 	snop  }
0x9e: {  	[spmem:s1] =	stream.indirect.scatter.add.f32 [tilespmem:s10], [sflag:$0x5], $0x80, s9, s30, $0xb8;
	[tilespmem:$0x1E400] =	vst v63  }
0x9f: {  	_ =	swait.ge [sflag:s28], $0x2800  }
0xa0: {  	s20 =	simm.s32 $0x1E0;
	[sflag:s28] =	ssyncset.done $0x0  }
0xa1: {  	s20 =	simm.s32 @p0 $0x0;
	[sflag:s28] =	ssyncadd.s32 $0xFFFFD800  }
0xa2: {  	s20 =	sadd.s32 s12, s20;
	_ =	swait.ge [sflag:s18], $0x2800  }
0xa3: {  	s20 =	sshrl.u32 s20, $0x3;
	[sflag:s18] =	ssyncset.done $0x0  }
0xa4: {  	s25 =	sadd.s32 s5, s20;
	[sflag:s18] =	ssyncadd.s32 $0xFFFFD800  }
0xa5: {  	[tilespmem:s8], [sflag:$0x5] =	stream.linear.gather [hbm4b:s25+s3], $0x50, $0x38;
	[tilespmem:$0x1E400] =	vst v63  }
0xa6: {  	_ =	swait.ge [sflag:s28], $0x50  }
0xa7: {  	[sflag:s28] =	ssyncset.done $0x0  }
0xa8: {  	s20 =	sadd.s32 s6, s20;
	[sflag:s28] =	ssyncadd.s32 $0xFFFFFFB0  }
0xa9: {  	[tilespmem:s9], [sflag:$0x5] =	stream.linear.gather [hbm4b:s20+s3], $0x50, $0x38;
	[tilespmem:$0x1E400] =	vst v63  }
0xaa: {  	_ =	swait.ge [sflag:s28], $0x50  }
0xab: {  	[sflag:s28] =	ssyncset.done $0x0  }
0xac: {  	[sflag:s28] =	ssyncadd.s32 $0xFFFFFFB0  }
0xad: {  	[tilespmem:s10], [sflag:$0x3] =	stream.indirect.gather [hbm4b:s4+s30], $0x80, s8, s30, $0xb8;
	[tilespmem:$0x1E400] =	vst v63  }
0xae: {  	_ = 	snop  }
0xaf: {  	[spmem:s1] =	stream.indirect.scatter.add.f32 [tilespmem:s15], [sflag:$0x5], $0x80, s14, s30, $0xb8;
	[tilespmem:$0x1E400] =	vst v63  }
0xb0: {  	s22 =	sadd.s32 $0x28, s22;
	_ =	swait.ge [sflag:s28], $0x2800  }
0xb1: {  	s21 =	sadd.s32 $0x28, s23;
	s20 =	simm.s32 $0x320;
	[sflag:s28] =	ssyncset.done $0x0  }
.LBB2_4:
0xb2: {  	p0 =	sne.s32 s20, $0x28A0  }
0xb3: {  	[sflag:s28] =	ssyncadd.s32 $0xFFFFD800;
	s23 =	smov.u32 s20;
	s20 =	sadd.s32 $0x140, s20  }
0xb4: {  	_ = 	snop  }
0xb5: {  	_ =	swait.ge [sflag:s11], $0x2800  }
0xb6: {  	[sflag:s11] =	ssyncset.done $0x0  }
0xb7: {  	[sflag:s11] =	ssyncadd.s32 $0xFFFFD800  }
0xb8: {  	[tilespmem:s13], [sflag:$0x5] =	stream.linear.gather [hbm4b:s22+s3], $0x50, $0x38;
	[tilespmem:$0x1E400] =	vst v63  }
0xb9: {  	_ =	swait.ge [sflag:s28], $0x50  }
0xba: {  	[sflag:s28] =	ssyncset.done $0x0  }
0xbb: {  	[sflag:s28] =	ssyncadd.s32 $0xFFFFFFB0  }
0xbc: {  	[tilespmem:s14], [sflag:$0x5] =	stream.linear.gather [hbm4b:s21+s3], $0x50, $0x38;
	[tilespmem:$0x1E400] =	vst v63  }
0xbd: {  	_ =	swait.ge [sflag:s28], $0x50  }
0xbe: {  	[sflag:s28] =	ssyncset.done $0x0  }
0xbf: {  	[sflag:s28] =	ssyncadd.s32 $0xFFFFFFB0  }
0xc0: {  	[tilespmem:s15], [sflag:$0x4] =	stream.indirect.gather [hbm4b:s4+s30], $0x80, s13, s30, $0xb8;
	[tilespmem:$0x1E400] =	vst v63  }
0xc1: {  	_ = 	snop  }
0xc2: {  	[spmem:s1] =	stream.indirect.scatter.add.f32 [tilespmem:s26], [sflag:$0x5], $0x80, s29, s30, $0xb8;
	[tilespmem:$0x1E400] =	vst v63  }
0xc3: {  	s24 =	sadd.s32 $0xFFFFFFB0, s23;
	_ =	swait.ge [sflag:s28], $0x2800  }
0xc4: {  	p1 =	seq.s32 s23, $0x28A0;
	s25 =	sadd.s32 $0xFFFFFF60, s23;
	[sflag:s28] =	ssyncset.done $0x0  }
0xc5: {  	s25 =	simm.s32 @p1 $0x0;
	s24 =	simm.s32 @p1 $0x0;
	[sflag:s28] =	ssyncadd.s32 $0xFFFFD800  }
0xc6: {  	s25 =	sadd.s32 s12, s25;
	s24 =	sadd.s32 s12, s24;
	_ =	swait.ge [sflag:s16], $0x2800  }
0xc7: {  	s23 =	simm.s32 @p1 $0x0;
	s25 =	sshrl.u32 s25, $0x3;
	[sflag:s16] =	ssyncset.done $0x0  }
0xc8: {  	s23 =	sadd.s32 s12, s23;
	s7 =	sadd.s32 s5, s25;
	[sflag:s16] =	ssyncadd.s32 $0xFFFFD800  }
0xc9: {  	[tilespmem:s3], [sflag:$0x5] =	stream.linear.gather [hbm4b:s7+s3], $0x50, $0x38;
	[tilespmem:$0x1E400] =	vst v63  }
0xca: {  	s23 =	sshrl.u32 s23, $0x3;
	_ =	swait.ge [sflag:s28], $0x50  }
0xcb: {  	[sflag:s28] =	ssyncset.done $0x0  }
0xcc: {  	s7 =	sadd.s32 s6, s25;
	[sflag:s28] =	ssyncadd.s32 $0xFFFFFFB0  }
0xcd: {  	[tilespmem:s29], [sflag:$0x5] =	stream.linear.gather [hbm4b:s7+s3], $0x50, $0x38;
	[tilespmem:$0x1E400] =	vst v63  }
0xce: {  	_ =	swait.ge [sflag:s28], $0x50  }
0xcf: {  	[sflag:s28] =	ssyncset.done $0x0  }
0xd0: {  	[sflag:s28] =	ssyncadd.s32 $0xFFFFFFB0  }
0xd1: {  	[tilespmem:s26], [sflag:$0x1] =	stream.indirect.gather [hbm4b:s4+s30], $0x80, s3, s30, $0xb8;
	[tilespmem:$0x1E400] =	vst v63  }
0xd2: {  	_ = 	snop  }
0xd3: {  	[spmem:s1] =	stream.indirect.scatter.add.f32 [tilespmem:s2], [sflag:$0x5], $0x80, s0, s30, $0xb8;
	[tilespmem:$0x1E400] =	vst v63  }
0xd4: {  	_ =	swait.ge [sflag:s28], $0x2800  }
0xd5: {  	[sflag:s28] =	ssyncset.done $0x0  }
0xd6: {  	[sflag:s28] =	ssyncadd.s32 $0xFFFFD800  }
0xd7: {  	_ =	swait.ge [sflag:s17], $0x2800  }
0xd8: {  	s7 =	sshrl.u32 s24, $0x3;
	[sflag:s17] =	ssyncset.done $0x0  }
0xd9: {  	s24 =	sadd.s32 s5, s7;
	[sflag:s17] =	ssyncadd.s32 $0xFFFFD800  }
0xda: {  	[tilespmem:s31], [sflag:$0x5] =	stream.linear.gather [hbm4b:s24+s3], $0x50, $0x38;
	[tilespmem:$0x1E400] =	vst v63  }
0xdb: {  	_ =	swait.ge [sflag:s28], $0x50  }
0xdc: {  	[sflag:s28] =	ssyncset.done $0x0  }
0xdd: {  	s7 =	sadd.s32 s6, s7;
	[sflag:s28] =	ssyncadd.s32 $0xFFFFFFB0  }
0xde: {  	[tilespmem:s0], [sflag:$0x5] =	stream.linear.gather [hbm4b:s7+s3], $0x50, $0x38;
	[tilespmem:$0x1E400] =	vst v63  }
0xdf: {  	_ =	swait.ge [sflag:s28], $0x50  }
0xe0: {  	[sflag:s28] =	ssyncset.done $0x0  }
0xe1: {  	[sflag:s28] =	ssyncadd.s32 $0xFFFFFFB0  }
0xe2: {  	[tilespmem:s2], [sflag:$0x2] =	stream.indirect.gather [hbm4b:s4+s30], $0x80, s31, s30, $0xb8;
	[tilespmem:$0x1E400] =	vst v63  }
0xe3: {  	_ = 	snop  }
0xe4: {  	[spmem:s1] =	stream.indirect.scatter.add.f32 [tilespmem:s10], [sflag:$0x5], $0x80, s9, s30, $0xb8;
	[tilespmem:$0x1E400] =	vst v63  }
0xe5: {  	_ =	swait.ge [sflag:s28], $0x2800  }
0xe6: {  	[sflag:s28] =	ssyncset.done $0x0  }
0xe7: {  	[sflag:s28] =	ssyncadd.s32 $0xFFFFD800  }
0xe8: {  	_ =	swait.ge [sflag:s18], $0x2800  }
0xe9: {  	[sflag:s18] =	ssyncset.done $0x0  }
0xea: {  	s7 =	sadd.s32 s5, s23;
	[sflag:s18] =	ssyncadd.s32 $0xFFFFD800  }
0xeb: {  	[tilespmem:s8], [sflag:$0x5] =	stream.linear.gather [hbm4b:s7+s3], $0x50, $0x38;
	[tilespmem:$0x1E400] =	vst v63  }
0xec: {  	_ =	swait.ge [sflag:s28], $0x50  }
0xed: {  	[sflag:s28] =	ssyncset.done $0x0  }
0xee: {  	s7 =	sadd.s32 s6, s23;
	[sflag:s28] =	ssyncadd.s32 $0xFFFFFFB0  }
0xef: {  	[tilespmem:s9], [sflag:$0x5] =	stream.linear.gather [hbm4b:s7+s3], $0x50, $0x38;
	[tilespmem:$0x1E400] =	vst v63  }
0xf0: {  	_ =	swait.ge [sflag:s28], $0x50  }
0xf1: {  	[sflag:s28] =	ssyncset.done $0x0  }
0xf2: {  	[sflag:s28] =	ssyncadd.s32 $0xFFFFFFB0  }
0xf3: {  	[tilespmem:s10], [sflag:$0x3] =	stream.indirect.gather [hbm4b:s4+s30], $0x80, s8, s30, $0xb8;
	[tilespmem:$0x1E400] =	vst v63  }
.Ltmp1:
0xf4: {  	_ = 	snop;
	(pc) =	sbr.rel @p0 .LBB2_4-.Ltmp1, $4  }
0xf5: {  	_ = 	snop  }
0xf6: {  	[spmem:s1] =	stream.indirect.scatter.add.f32 [tilespmem:s15], [sflag:$0x5], $0x80, s14, s30, $0xb8;
	[tilespmem:$0x1E400] =	vst v63  }
0xf7: {  	_ =	swait.ge [sflag:s28], $0x2800  }
0xf8: {  	s22 =	sadd.s32 $0x28, s22;
	s21 =	sadd.s32 $0x28, s21;
	[sflag:s28] =	ssyncset.done $0x0  }
0xf9: {  	[sflag:s28] =	ssyncadd.s32 $0xFFFFD800  }
0xfa: {  	_ =	swait.ge [sflag:s11], $0x2800  }
0xfb: {  	[sflag:s11] =	ssyncset.done $0x0  }
0xfc: {  	[sflag:s11] =	ssyncadd.s32 $0xFFFFD800  }
0xfd: {  	_ =	swait.ge [sflag:s16], $0x2800  }
0xfe: {  	[sflag:s16] =	ssyncset.done $0x0  }
0xff: {  	[sflag:s16] =	ssyncadd.s32 $0xFFFFD800  }
0x100: {  	_ =	swait.ge [sflag:s17], $0x2800  }
0x101: {  	[sflag:s17] =	ssyncset.done $0x0  }
0x102: {  	[sflag:s17] =	ssyncadd.s32 $0xFFFFD800  }
0x103: {  	s7 =	stileid.u32;
	[bflag:$0x0] =	sbarrier.arrive $0xFFFF  }
0x104: {  	s7 =	sshll.u32 s7, $0x6;
	s22 =	rddreg [dreg:$0x3]  }
0x105: {  	s7 =	sor.u32 $0x1C05, s7;
	s21 =	rddreg [dreg:$0x11];
	s20 =	sshrl.u32 s22, $0x3  }
0x106: {  	[hbm:s21], [sflag:s7] =	dma.local [spmem:s20], $0x2800  }
0x107: {  	_ =	swait.ge [sflag:s28], $0x2800  }
0x108: {  	s19 =	sadd.s32 $0x1, s19;
	s25 =	rddreg [dreg:$0x12]  }
0x109: {  	p0 =	sne.s32 s19, s25  }
.Ltmp2:
0x10a: {  	_ = 	snop;
	(pc) =	sbr.rel @p0 .LBB2_1-.Ltmp2, $3  }
0x10b: {  	_ =	sdelay $0x1  }
0x10c: {  	[sflag:s28] =	ssyncset.done $0x0  }
0x10d: {  	[sflag:s28] =	ssyncadd.s32 $0xFFFFD800  }
0x10e: {  	_ =	sfence.sel $0x180000  }
0x10f: {  	[bflag:$0x0] =	sbarrier.arrive $0xFFFF  }
0x110: {  	_ =	strace $0x90000050  }
0x111: {  	s0 =	stileid.u32;
	[bflag:$0x2] =	sbarrier.arrive $0xFFFF  }
0x112: {  	p0 =	sne.s32 s0, $0x0;
	s0 =	rddreg [dreg:$0x2]  }
0x113: {  	s0 =	sadd.s32 @!p0 $0x100000, s0  }
0x114: {  	[sflag:s0] =	ssyncadd.tile.s32 @!p0 $0x1;
	_ =	shalt  }
.Lfunc_end2:
_tile_overlayer_lowered:
.L_overlay_start_2:
0x115: {  	(tag) =	ssettag $0x2  }
0x116: {  	s0 =	rddreg [dreg:$0x0];
	s2 =	stileid.u32  }
0x117: {  	s1 =	rddreg [dreg:$0x1];
	p0 =	sne.s32 s2, $0x0  }
0x118: {  	s3 =	rddreg [dreg:$0x2];
	[bflag:$0x3] =	sbarrier.arrive $0xFFFF;
	s2 =	simm.s32 @!p0 $0x1C05  }
0x119: {  	[timem:s3], [sflag:s2] =	dma.local @!p0 [hbm:s0], s1  }
0x11a: {  	s0 =	simm.s32 @!p0 $0x5  }
0x11b: {  	_ =	swait.ge @!p0 [sflag:s0], s1  }
0x11c: {  	s1 =	ssub.s32 @!p0 $0x0, s1;
	[sflag:s0] =	ssyncset.done @!p0 $0x0  }
0x11d: {  	[sflag:s0] =	ssyncadd.s32 @!p0 s1  }
0x11e: {  	[bflag:$0x3] =	sbarrier.arrive $0xFFFF  }
0x11f: {  	_ =	shalt  }

</sc_bundles>
